<compile_context>
chip_gen: v7x
topology: tpu7x:2x2x1
jax: 0.10.2.dev20260603
libtpu: 0.0.44.dev20260713+nightly
codegen_flags: <defaults>
</compile_context>

<pallas_src>
import functools

import jax
import jax.numpy as jnp
from jax import lax
from jax.experimental import pallas as pl
from jax.experimental.pallas import tpu as pltpu
from jax.experimental.pallas import tpu_sc as plsc

D = 128
G = 256
NC, NS, LANES = 2, 16, 16
NW = NC * NS
CHUNK = 128
ATOM_SIZES = (119, 9, 11, 12, 9, 5, 8, 2, 2)
TCAT_ROWS = 256
ROWS_BLK = 1280


NB = 2


def _make_segsum(acc_rows, n_chunks, table_rows):
    assert n_chunks % (2 * NB) == 0 and n_chunks >= 2 * NB
    rpt = acc_rows // NS
    mesh = plsc.VectorSubcoreMesh(core_axis_name="c", subcore_axis_name="s")

    @functools.partial(
        pl.kernel, mesh=mesh,
        out_type=jax.ShapeDtypeStruct((NC, acc_rows, D), jnp.float32),
        scratch_types=(
            [pltpu.VMEM((2, CHUNK), jnp.int32)] * (2 * NB)
            + [pltpu.VMEM((CHUNK, D), jnp.float32)] * NB
            + [pltpu.VMEM_SHARED((acc_rows, D), jnp.float32)]
            + [pltpu.SemaphoreType.DMA] * (4 * NB)
        ),
    )
    def k(table_hbm, idx_hbm, zeros_hbm, out_hbm, *rest):
        ibufs = rest[:2 * NB]
        bufs = rest[2 * NB:3 * NB]
        acc = rest[3 * NB]
        sem_i = rest[3 * NB + 1:3 * NB + 1 + 2 * NB]
        sem_g = rest[3 * NB + 1 + 2 * NB:3 * NB + 1 + 3 * NB]
        sem_s = rest[3 * NB + 1 + 3 * NB:]
        cid = lax.axis_index("c")
        sid = lax.axis_index("s")
        wid = cid * NS + sid

        def idx_start(c, ib):
            pltpu.async_copy(idx_hbm.at[wid, c], ibufs[ib], sem_i[ib])

        def idx_wait(c, ib):
            pltpu.make_async_copy(
                idx_hbm.at[wid, c], ibufs[ib], sem_i[ib]).wait()

        def gat_start(c, ib, b):
            pltpu.async_copy(table_hbm.at[ibufs[ib].at[0]], bufs[b],
                             sem_g[b])

        def gat_wait(c, ib, b):
            pltpu.make_async_copy(table_hbm.at[ibufs[ib].at[0]], bufs[b],
                                  sem_g[b]).wait()

        def sca_start(c, ib, b):
            pltpu.async_copy(bufs[b], acc.at[ibufs[ib].at[1]], sem_s[b],
                             add=True)

        def sca_wait(c, ib, b):
            pltpu.make_async_copy(bufs[b], acc.at[ibufs[ib].at[1]],
                                  sem_s[b]).wait()

        for b in range(NB):
            idx_start(b, b)
        idx_wait(0, 0)
        gat_start(0, 0, 0)
        pltpu.sync_copy(zeros_hbm, acc.at[pl.ds(sid * rpt, rpt)])
        plsc.subcore_barrier()

        @pl.loop(0, n_chunks // (2 * NB))
        def _(i):
            for bb in range(2 * NB):
                j = i * (2 * NB) + bb
                b = bb % NB
                gat_wait(j, bb, b)
                sca_start(j, bb, b)
                ib_n = (bb + NB) % (2 * NB)

                @pl.when(j + NB < n_chunks)
                def _():
                    idx_start(j + NB, ib_n)

                bb1 = (bb + 1) % (2 * NB)
                b1 = (bb + 1) % NB
                ib_p = (bb + 1 - NB) % (2 * NB)

                @pl.when(j + 1 < n_chunks)
                def _():
                    idx_wait(j + 1, bb1)

                    @pl.when(j + 1 >= NB)
                    def _():
                        sca_wait(j + 1 - NB, ib_p, b1)
                    gat_start(j + 1, bb1, b1)

        for b in range(NB):
            c = n_chunks - NB + b
            sca_wait(c, c % (2 * NB), b)
        plsc.subcore_barrier()
        pltpu.sync_copy(acc.at[pl.ds(sid * rpt, rpt)],
                        out_hbm.at[cid, pl.ds(sid * rpt, rpt)])

    return k


def _make_hist(acc_rows, n_chunks):
    rpt = acc_rows // NS
    KH = 4
    assert n_chunks % KH == 0
    mesh = plsc.VectorSubcoreMesh(core_axis_name="c", subcore_axis_name="s")

    @functools.partial(
        pl.kernel, mesh=mesh,
        out_type=jax.ShapeDtypeStruct((NC, acc_rows, LANES), jnp.float32),
        scratch_types=(
            [pltpu.VMEM((n_chunks, CHUNK), jnp.int32),
             pltpu.VMEM((CHUNK, LANES), jnp.float32),
             pltpu.VMEM_SHARED((acc_rows, LANES), jnp.float32)]
            + [pltpu.SemaphoreType.DMA] * (KH + 1)
        ),
    )
    def k(idx_hbm, ones_hbm, zeros_hbm, out_hbm, idxv, ones_v, acc, *sems):
        sem_x = sems[KH]
        cid = lax.axis_index("c")
        sid = lax.axis_index("s")
        wid = cid * NS + sid

        def sca_wait(c, b):
            pltpu.make_async_copy(ones_v, acc.at[idxv.at[c]],
                                  sems[b]).wait()

        pltpu.async_copy(idx_hbm.at[wid], idxv, sem_x)
        pltpu.sync_copy(ones_hbm, ones_v)
        pltpu.sync_copy(zeros_hbm, acc.at[pl.ds(sid * rpt, rpt)])
        pltpu.make_async_copy(idx_hbm.at[wid], idxv, sem_x).wait()
        plsc.subcore_barrier()

        @pl.loop(0, n_chunks // KH)
        def _(i):
            for b in range(KH):
                j = i * KH + b

                @pl.when(j >= KH)
                def _():
                    sca_wait(j - KH, b)
                pltpu.async_copy(ones_v, acc.at[idxv.at[j]], sems[b],
                                 add=True)

        for b in range(KH):
            sca_wait(n_chunks - KH + b, b)
        plsc.subcore_barrier()
        pltpu.sync_copy(acc.at[pl.ds(sid * rpt, rpt)],
                        out_hbm.at[cid, pl.ds(sid * rpt, rpt)])

    return k


def _segsum_call(table, idx, zeros, acc_rows):
    n_chunks = idx.shape[1]
    return _make_segsum(acc_rows, n_chunks, table.shape[0])(
        table, idx, zeros)


def _hist_call(idx, ones, zeros, acc_rows):
    return _make_hist(acc_rows, idx.shape[1])(idx, ones, zeros)


def _dis_from(td):
    deg = td[0, :, 0:1] + td[1, :, 0:1] + 1.0
    return lax.rsqrt(deg)


def _enc_body(x_ref, tcat_ref, o_ref):
    xv = x_ref[...]
    iota = lax.broadcasted_iota(jnp.int32, (ROWS_BLK, TCAT_ROWS), 1)
    m = jnp.zeros((ROWS_BLK, TCAT_ROWS), jnp.float32)
    off = 0
    for i, s in enumerate(ATOM_SIZES):
        m = m + (iota == (xv[:, i:i + 1] + off)).astype(jnp.float32)
        off += s
    o_ref[...] = jnp.dot(m, tcat_ref[...], preferred_element_type=jnp.float32)


def _scale_body(h_ref, td_ref, o_ref):
    o_ref[...] = h_ref[...] * _dis_from(td_ref[...])


def _layer_body(t_ref, g_ref, td_ref, w_ref, b_ref, o_ref, *, last):
    t = t_ref[...]
    g = g_ref[...]
    dis = _dis_from(td_ref[...])
    u = (t[0] + t[1] + g) * dis
    v = jnp.dot(u, w_ref[...], preferred_element_type=jnp.float32) + b_ref[...]
    if last:
        o_ref[...] = v
    else:
        o_ref[...] = jnp.maximum(v, 0.0) * dis


def _final_body(h_ref, batch_ref, w_ref, b_ref, lg_ref, lb_ref, o_ref):
    npad = h_ref.shape[0]
    oh = (lax.broadcasted_iota(jnp.int32, (G, npad), 0)
          == batch_ref[...]).astype(jnp.float32)
    s = jnp.dot(oh, h_ref[...], preferred_element_type=jnp.float32)
    cnt = jnp.sum(oh, axis=1, keepdims=True)
    pooled = s / jnp.maximum(cnt, 1.0)
    z = jnp.dot(pooled, w_ref[...], preferred_element_type=jnp.float32)
    z = z + b_ref[...]
    mu = jnp.mean(z, axis=-1, keepdims=True)
    var = jnp.mean((z - mu) ** 2, axis=-1, keepdims=True)
    o_ref[...] = (z - mu) * lax.rsqrt(var + 1e-5) * lg_ref[...] + lb_ref[...]


def kernel(x, edge_attr, edge_index, batch, atom_embs, bond_embs, Ws, bs,
           fc_W, fc_b, ln_g, ln_b):
    n = x.shape[0]
    e = edge_index.shape[1]
    npad = -(-n // ROWS_BLK) * ROWS_BLK
    nblk = npad // ROWS_BLK
    pad_rows = npad - n

    src = edge_index[0].astype(jnp.int32)
    dst = edge_index[1].astype(jnp.int32)
    e2 = -(-e // NW) * NW
    if e2 > e:
        gp = (jnp.arange(e2 - e, dtype=jnp.int32) % pad_rows) + n
        src = jnp.concatenate([src, gp])
        dst = jnp.concatenate([dst, gp])
    per_w = e2 // NW
    ec = -(-(-(-per_w // CHUNK)) // (2 * NB)) * (2 * NB)
    cw = ec * CHUNK
    padw = (jnp.arange(cw - per_w, dtype=jnp.int32) % pad_rows) + n
    padw2 = jnp.broadcast_to(padw, (NW, cw - per_w))
    src_e = jnp.concatenate([src.reshape(NW, per_w), padw2], axis=1)
    dst_e = jnp.concatenate([dst.reshape(NW, per_w), padw2], axis=1)
    idx_e = jnp.stack([src_e.reshape(NW, ec, CHUNK),
                       dst_e.reshape(NW, ec, CHUNK)], axis=2)

    bpad = jnp.pad(batch.astype(jnp.int32), (0, npad - n),
                   constant_values=G).reshape(1, npad)

    zer_n = jnp.zeros((npad // NS, D), jnp.float32)
    zer_nh = jnp.zeros((npad // NS, LANES), jnp.float32)
    ones_h = jnp.ones((CHUNK, LANES), jnp.float32)

    xp = jnp.pad(x.astype(jnp.int32), ((0, npad - n), (0, 16 - x.shape[1])))
    tcat = jnp.concatenate(atom_embs, axis=0)
    tcat = jnp.pad(tcat, ((0, TCAT_ROWS - tcat.shape[0]), (0, 0)))

    td = _hist_call(dst_e.reshape(NW, ec, CHUNK), ones_h, zer_nh, npad)

    h0 = pl.pallas_call(
        _enc_body,
        grid=(nblk,),
        in_specs=[
            pl.BlockSpec((ROWS_BLK, 16), lambda i: (i, 0)),
            pl.BlockSpec((TCAT_ROWS, D), lambda i: (0, 0)),
        ],
        out_specs=pl.BlockSpec((ROWS_BLK, D), lambda i: (i, 0)),
        out_shape=jax.ShapeDtypeStruct((npad, D), jnp.float32),
    )(xp, tcat)

    g = pl.pallas_call(
        _scale_body,
        grid=(nblk,),
        in_specs=[
            pl.BlockSpec((ROWS_BLK, D), lambda i: (i, 0)),
            pl.BlockSpec((2, ROWS_BLK, LANES), lambda i: (0, i, 0)),
        ],
        out_specs=pl.BlockSpec((ROWS_BLK, D), lambda i: (i, 0)),
        out_shape=jax.ShapeDtypeStruct((npad, D), jnp.float32),
    )(h0, td)

    for l in range(len(Ws)):
        t = _segsum_call(g, idx_e, zer_n, npad)
        g = pl.pallas_call(
            functools.partial(_layer_body, last=(l == len(Ws) - 1)),
            grid=(nblk,),
            in_specs=[
                pl.BlockSpec((2, ROWS_BLK, D), lambda i: (0, i, 0)),
                pl.BlockSpec((ROWS_BLK, D), lambda i: (i, 0)),
                pl.BlockSpec((2, ROWS_BLK, LANES), lambda i: (0, i, 0)),
                pl.BlockSpec((D, D), lambda i: (0, 0)),
                pl.BlockSpec((1, D), lambda i: (0, 0)),
            ],
            out_specs=pl.BlockSpec((ROWS_BLK, D), lambda i: (i, 0)),
            out_shape=jax.ShapeDtypeStruct((npad, D), jnp.float32),
        )(t, g, td, Ws[l], bs[l].reshape(1, D))

    z = pl.pallas_call(
        _final_body,
        grid=(1,),
        in_specs=[
            pl.BlockSpec((npad, D), lambda i: (0, 0)),
            pl.BlockSpec((1, npad), lambda i: (0, 0)),
            pl.BlockSpec((D, D), lambda i: (0, 0)),
            pl.BlockSpec((1, D), lambda i: (0, 0)),
            pl.BlockSpec((1, D), lambda i: (0, 0)),
            pl.BlockSpec((1, D), lambda i: (0, 0)),
        ],
        out_specs=pl.BlockSpec((G, D), lambda i: (0, 0)),
        out_shape=jax.ShapeDtypeStruct((G, D), jnp.float32),
    )(g, bpad, fc_W, fc_b.reshape(1, D), ln_g.reshape(1, D), ln_b.reshape(1, D))
    return z

# --- scband reference (transcript-rebuilt; emitter-appended) ---
"""Pipeline reference for scband-mol-gnnlayers-17721035063994 (READ-ONLY COPY).

The authoritative reference and input builder live on the scoring server;
editing this copy changes nothing except your own understanding.
"""

import jax, jax.numpy as jnp
import numpy as np

N = 10000
E = 320000
D = 128
G = 256
NUM_LAYERS = 4
ATOM_SIZES = [119, 9, 11, 12, 9, 5, 8, 2, 2]  # PyG smiles x_map vocab sizes
BOND_SIZES = [22, 6, 2]                        # PyG smiles e_map vocab sizes


def setup_inputs(seed: int = 0) -> dict:
    key = jax.random.key(seed)
    ks = jax.random.split(key, 40)
    x = jax.random.randint(ks[0], (N, 9), 0, 2)
    edge_attr = jax.random.randint(ks[1], (E, 3), 0, 2)
    edge_index = jax.random.randint(ks[2], (2, E), 0, N)
    batch = jnp.sort(jax.random.randint(ks[3], (N,), 0, G))
    atom_embs = [jax.random.normal(ks[4 + i], (s, D), dtype=jnp.float32) * 0.1 for i, s in enumerate(ATOM_SIZES)]
    bond_embs = [jax.random.normal(ks[13 + i], (s, D), dtype=jnp.float32) * 0.1 for i, s in enumerate(BOND_SIZES)]
    Ws = [jax.random.normal(ks[16 + i], (D, D), dtype=jnp.float32) * (1.0 / np.sqrt(D)) for i in range(NUM_LAYERS)]
    bs = [jnp.zeros((D,), dtype=jnp.float32) for _ in range(NUM_LAYERS)]
    fc_W = jax.random.normal(ks[24], (D, D), dtype=jnp.float32) * (1.0 / np.sqrt(D))
    fc_b = jnp.zeros((D,), dtype=jnp.float32)
    ln_g = jnp.ones((D,), dtype=jnp.float32)
    ln_b = jnp.zeros((D,), dtype=jnp.float32)
    return {"x": x, "edge_attr": edge_attr, "edge_index": edge_index, "batch": batch,
            "atom_embs": atom_embs, "bond_embs": bond_embs, "Ws": Ws, "bs": bs,
            "fc_W": fc_W, "fc_b": fc_b, "ln_g": ln_g, "ln_b": ln_b}


def gcn_conv(h, W, b, src, dst, n):
    # GCNConv: D^{-1/2} (A + I) D^{-1/2} X W + b
    h = h @ W
    loops = jnp.arange(n)
    src2 = jnp.concatenate([src, loops])
    dst2 = jnp.concatenate([dst, loops])
    deg = jax.ops.segment_sum(jnp.ones_like(src2, dtype=h.dtype), dst2, num_segments=n)
    dis = jnp.where(deg > 0, 1.0 / jnp.sqrt(jnp.where(deg > 0, deg, 1.0)), 0.0)
    norm = dis[src2] * dis[dst2]
    out = jax.ops.segment_sum(norm[:, None] * h[src2], dst2, num_segments=n)
    return out + b


def reference(x, edge_attr, edge_index, batch, atom_embs, bond_embs, Ws, bs, fc_W, fc_b, ln_g, ln_b):
    # AtomEncoder: sum of per-feature embedding lookups
    h = jnp.zeros((x.shape[0], D), dtype=jnp.float32)
    for i in range(len(atom_embs)):
        h = h + atom_embs[i][x[:, i]]
    # BondEncoder: computed in forward (unused by GCN variant, matching the torch module)
    ea = jnp.zeros((edge_attr.shape[0], D), dtype=jnp.float32)
    for i in range(len(bond_embs)):
        ea = ea + bond_embs[i][edge_attr[:, i]]
    src, dst = edge_index[0], edge_index[1]
    # GCN stack: conv -> relu (dropout=identity in eval) between layers, last layer linear
    for l in range(NUM_LAYERS):
        h = gcn_conv(h, Ws[l], bs[l], src, dst, h.shape[0])
        if l < NUM_LAYERS - 1:
            h = jax.nn.relu(h)
    # global_mean_pool over molecule ids
    s = jax.ops.segment_sum(h, batch, num_segments=G)
    cnt = jax.ops.segment_sum(jnp.ones((h.shape[0],), h.dtype), batch, num_segments=G)
    pooled = s / jnp.maximum(cnt, 1.0)[:, None]
    # FullConnected: Linear -> LayerNorm (dropout=identity in eval)
    z = pooled @ fc_W + fc_b
    mu = jnp.mean(z, axis=-1, keepdims=True)
    var = jnp.var(z, axis=-1, keepdims=True)
    z = (z - mu) / jnp.sqrt(var + 1e-5) * ln_g + ln_b
    return z

if __name__ == "__main__":
    import jax
    _d = setup_inputs()
    print(jax.jit(kernel)(*tuple(_d.values())))

</pallas_src>

<mosaic_0001>
#map = affine_map<(d0, d1) -> (0, 0, 0)>
#map1 = affine_map<(d0, d1) -> (0, 0)>
module attributes {stable_mosaic.version = 14 : i64} {
  func.func @k(%arg0: i32, %arg1: i32, %arg2: memref<32x80x128xi32, #tpu.memory_space<hbm>>, %arg3: memref<128x16xf32, #tpu.memory_space<hbm>>, %arg4: memref<640x16xf32, #tpu.memory_space<hbm>>, %arg5: memref<2x10240x16xf32, #tpu.memory_space<hbm>>, %arg6: memref<80x128xi32, #tpu.memory_space<vmem>>, %arg7: memref<128x16xf32, #tpu.memory_space<vmem>>, %arg8: memref<10240x16xf32, #tpu.memory_space<vmem_shared>>, %arg9: memref<!tpu.dma_semaphore, #tpu.memory_space<semaphore_mem>>, %arg10: memref<!tpu.dma_semaphore, #tpu.memory_space<semaphore_mem>>, %arg11: memref<!tpu.dma_semaphore, #tpu.memory_space<semaphore_mem>>, %arg12: memref<!tpu.dma_semaphore, #tpu.memory_space<semaphore_mem>>, %arg13: memref<!tpu.dma_semaphore, #tpu.memory_space<semaphore_mem>>) attributes {dimension_semantics = [#tpu.dimension_semantics<core_parallel>, #tpu.dimension_semantics<subcore_parallel>], iteration_bounds = array<i64: 2, 16>, scalar_prefetch = 0 : i64, scratch_operands = 8 : i64, tpu.core_type = #tpu.core_type<sc_vector_subcore>, window_params = [{transform_indices = #map}, {transform_indices = #map1}, {transform_indices = #map1}, {transform_indices = #map}]} {
    %mul3A = arith.constant 16 : i32
    %mul3A_0 = arith.muli %arg0, %mul3A : i32
    %add3A = arith.addi %mul3A_0, %arg1 : i32
    %dma_start3A = arith.constant 0 : i32
    %dma_start3A_1 = arith.constant 0 : i32
    %dma_start3A_2 = tpu.memref_slice %arg2[%add3A, %dma_start3A, %dma_start3A_1] : memref<32x80x128xi32, #tpu.memory_space<hbm>> -> memref<1x80x128xi32, #tpu.memory_space<hbm>>
    %dma_start3A_3 = tpu.memref_squeeze %dma_start3A_2 : memref<1x80x128xi32, #tpu.memory_space<hbm>> -> memref<80x128xi32, #tpu.memory_space<hbm>>
    %dma_start3A_4 = arith.constant 0 : i32
    %dma_start3A_5 = arith.constant 0 : i32
    %dma_start3A_6 = tpu.memref_slice %arg2[%add3A, %dma_start3A_4, %dma_start3A_5] : memref<32x80x128xi32, #tpu.memory_space<hbm>> -> memref<1x80x128xi32, #tpu.memory_space<hbm>>
    %dma_start3A_7 = tpu.memref_squeeze %dma_start3A_6 : memref<1x80x128xi32, #tpu.memory_space<hbm>> -> memref<80x128xi32, #tpu.memory_space<hbm>>
    tpu.enqueue_dma source(%dma_start3A_7 : memref<80x128xi32, #tpu.memory_space<hbm>>) target(%arg6 : memref<80x128xi32, #tpu.memory_space<vmem>>) target_semaphore(%arg13 : memref<!tpu.dma_semaphore, #tpu.memory_space<semaphore_mem>>)
    "tpu.region"() ({
      %run_scoped3A = tpu.sem_alloc : memref<!tpu.dma_semaphore, #tpu.memory_space<semaphore_mem>>
      tpu.enqueue_dma source(%arg3 : memref<128x16xf32, #tpu.memory_space<hbm>>) target(%arg7 : memref<128x16xf32, #tpu.memory_space<vmem>>) target_semaphore(%run_scoped3A : memref<!tpu.dma_semaphore, #tpu.memory_space<semaphore_mem>>)
      tpu.wait_dma2 semaphore(%run_scoped3A : memref<!tpu.dma_semaphore, #tpu.memory_space<semaphore_mem>>) src(%arg3 : memref<128x16xf32, #tpu.memory_space<hbm>>) dst(%arg7 : memref<128x16xf32, #tpu.memory_space<vmem>>)
      tpu.yield
    }) : () -> ()
    %mul3A_8 = arith.constant 640 : i32
    %mul3A_9 = arith.muli %arg1, %mul3A_8 : i32
    "tpu.region"() ({
      %run_scoped3A = tpu.sem_alloc : memref<!tpu.dma_semaphore, #tpu.memory_space<semaphore_mem>>
      %dma_start3A_54 = arith.constant 0 : i32
      %dma_start3A_55 = tpu.memref_slice %arg8[%mul3A_9, %dma_start3A_54] : memref<10240x16xf32, #tpu.memory_space<vmem_shared>> -> memref<640x16xf32, #tpu.memory_space<vmem_shared>>
      tpu.enqueue_dma source(%arg4 : memref<640x16xf32, #tpu.memory_space<hbm>>) target(%dma_start3A_55 : memref<640x16xf32, #tpu.memory_space<vmem_shared>>) target_semaphore(%run_scoped3A : memref<!tpu.dma_semaphore, #tpu.memory_space<semaphore_mem>>)
      %dma_wait3A_56 = arith.constant 0 : i32
      %dma_wait3A_57 = tpu.memref_slice %arg8[%mul3A_9, %dma_wait3A_56] : memref<10240x16xf32, #tpu.memory_space<vmem_shared>> -> memref<640x16xf32, #tpu.memory_space<vmem_shared>>
      tpu.wait_dma2 semaphore(%run_scoped3A : memref<!tpu.dma_semaphore, #tpu.memory_space<semaphore_mem>>) src(%arg4 : memref<640x16xf32, #tpu.memory_space<hbm>>) dst(%dma_wait3A_57 : memref<640x16xf32, #tpu.memory_space<vmem_shared>>)
      tpu.yield
    }) : () -> ()
    %dma_wait3A = arith.constant 0 : i32
    %dma_wait3A_10 = arith.constant 0 : i32
    %dma_wait3A_11 = tpu.memref_slice %arg2[%add3A, %dma_wait3A, %dma_wait3A_10] : memref<32x80x128xi32, #tpu.memory_space<hbm>> -> memref<1x80x128xi32, #tpu.memory_space<hbm>>
    %dma_wait3A_12 = tpu.memref_squeeze %dma_wait3A_11 : memref<1x80x128xi32, #tpu.memory_space<hbm>> -> memref<80x128xi32, #tpu.memory_space<hbm>>
    %dma_wait3A_13 = arith.constant 0 : i32
    %dma_wait3A_14 = arith.constant 0 : i32
    %dma_wait3A_15 = tpu.memref_slice %arg2[%add3A, %dma_wait3A_13, %dma_wait3A_14] : memref<32x80x128xi32, #tpu.memory_space<hbm>> -> memref<1x80x128xi32, #tpu.memory_space<hbm>>
    %dma_wait3A_16 = tpu.memref_squeeze %dma_wait3A_15 : memref<1x80x128xi32, #tpu.memory_space<hbm>> -> memref<80x128xi32, #tpu.memory_space<hbm>>
    tpu.wait_dma2 semaphore(%arg13 : memref<!tpu.dma_semaphore, #tpu.memory_space<semaphore_mem>>) src(%dma_wait3A_16 : memref<80x128xi32, #tpu.memory_space<hbm>>) dst(%arg6 : memref<80x128xi32, #tpu.memory_space<vmem>>)
    %barrier3A = arith.constant 0 : index
    tpu.barrier barrier_id(%barrier3A)
    %scan3A = arith.constant 0 : i32
    %scan3A_17 = arith.constant 20 : i32
    %scan3A_18 = arith.addi %scan3A, %scan3A_17 : i32
    %scan3A_19 = arith.constant 1 : i32
    scf.for %scan3A_54 = %scan3A to %scan3A_18 step %scan3A_19  : i32 {
      %mul3A_55 = arith.constant 1 : i32
      %mul3A_56 = arith.muli %scan3A_54, %mul3A_55 : i32
      %add3A_57 = arith.constant 0 : i32
      %add3A_58 = arith.addi %add3A_57, %mul3A_56 : i32
      %mul3A_59 = arith.constant 4 : i32
      %mul3A_60 = arith.muli %add3A_58, %mul3A_59 : i32
      %add3A_61 = arith.constant 0 : i32
      %add3A_62 = arith.addi %mul3A_60, %add3A_61 : i32
      %ge3A = arith.constant 4 : i32
      %ge3A_63 = arith.cmpi sge, %add3A_62, %ge3A : i32
      %convert_element_type3A = arith.extui %ge3A_63 : i1 to i32
      %cond3A = arith.constant 0 : i32
      %cond3A_64 = arith.cmpi ne, %convert_element_type3A, %cond3A : i32
      scf.if %cond3A_64 {
        %sub3A = arith.constant 4 : i32
        %sub3A_116 = arith.subi %add3A_62, %sub3A : i32
        %dma_wait3A_117 = arith.constant 0 : i32
        %dma_wait3A_118 = tpu.memref_slice %arg6[%sub3A_116, %dma_wait3A_117] : memref<80x128xi32, #tpu.memory_space<vmem>> -> memref<1x128xi32, #tpu.memory_space<vmem>>
        %dma_wait3A_119 = tpu.memref_squeeze %dma_wait3A_118 : memref<1x128xi32, #tpu.memory_space<vmem>> -> memref<128xi32, #tpu.memory_space<vmem>>
        %dma_wait3A_120 = arith.constant 0 : i32
        %dma_wait3A_121 = arith.constant 0 : i32
        %dma_wait3A_122 = tpu.memref_slice %arg8[%dma_wait3A_120, %dma_wait3A_121] : memref<10240x16xf32, #tpu.memory_space<vmem_shared>> -> memref<10240x16xf32, #tpu.memory_space<vmem_shared>>
        tpu.wait_indirect_dma semaphore(%arg9 : memref<!tpu.dma_semaphore, #tpu.memory_space<semaphore_mem>>) src(%arg7 : memref<128x16xf32, #tpu.memory_space<vmem>>) dst(%dma_wait3A_122 : memref<10240x16xf32, #tpu.memory_space<vmem_shared>>)
      } else {
      }
      %dma_start3A_65 = arith.constant 0 : i32
      %dma_start3A_66 = tpu.memref_slice %arg6[%add3A_62, %dma_start3A_65] : memref<80x128xi32, #tpu.memory_space<vmem>> -> memref<1x128xi32, #tpu.memory_space<vmem>>
      %dma_start3A_67 = tpu.memref_squeeze %dma_start3A_66 : memref<1x128xi32, #tpu.memory_space<vmem>> -> memref<128xi32, #tpu.memory_space<vmem>>
      %dma_start3A_68 = arith.constant 0 : i32
      %dma_start3A_69 = arith.constant 0 : i32
      %dma_start3A_70 = tpu.memref_slice %arg8[%dma_start3A_68, %dma_start3A_69] : memref<10240x16xf32, #tpu.memory_space<vmem_shared>> -> memref<10240x16xf32, #tpu.memory_space<vmem_shared>>
      tpu.enqueue_indirect_dma source(%arg7 : memref<128x16xf32, #tpu.memory_space<vmem>>) target(%dma_start3A_70 : memref<10240x16xf32, #tpu.memory_space<vmem_shared>>) offsets(%dma_start3A_67 : memref<128xi32, #tpu.memory_space<vmem>>) semaphore(%arg9 : memref<!tpu.dma_semaphore, #tpu.memory_space<semaphore_mem>>) {add = true}
      %mul3A_71 = arith.constant 4 : i32
      %mul3A_72 = arith.muli %add3A_58, %mul3A_71 : i32
      %add3A_73 = arith.constant 1 : i32
      %add3A_74 = arith.addi %mul3A_72, %add3A_73 : i32
      %ge3A_75 = arith.constant 4 : i32
      %ge3A_76 = arith.cmpi sge, %add3A_74, %ge3A_75 : i32
      %convert_element_type3A_77 = arith.extui %ge3A_76 : i1 to i32
      %cond3A_78 = arith.constant 0 : i32
      %cond3A_79 = arith.cmpi ne, %convert_element_type3A_77, %cond3A_78 : i32
      scf.if %cond3A_79 {
        %sub3A = arith.constant 4 : i32
        %sub3A_116 = arith.subi %add3A_74, %sub3A : i32
        %dma_wait3A_117 = arith.constant 0 : i32
        %dma_wait3A_118 = tpu.memref_slice %arg6[%sub3A_116, %dma_wait3A_117] : memref<80x128xi32, #tpu.memory_space<vmem>> -> memref<1x128xi32, #tpu.memory_space<vmem>>
        %dma_wait3A_119 = tpu.memref_squeeze %dma_wait3A_118 : memref<1x128xi32, #tpu.memory_space<vmem>> -> memref<128xi32, #tpu.memory_space<vmem>>
        %dma_wait3A_120 = arith.constant 0 : i32
        %dma_wait3A_121 = arith.constant 0 : i32
        %dma_wait3A_122 = tpu.memref_slice %arg8[%dma_wait3A_120, %dma_wait3A_121] : memref<10240x16xf32, #tpu.memory_space<vmem_shared>> -> memref<10240x16xf32, #tpu.memory_space<vmem_shared>>
        tpu.wait_indirect_dma semaphore(%arg10 : memref<!tpu.dma_semaphore, #tpu.memory_space<semaphore_mem>>) src(%arg7 : memref<128x16xf32, #tpu.memory_space<vmem>>) dst(%dma_wait3A_122 : memref<10240x16xf32, #tpu.memory_space<vmem_shared>>)
      } else {
      }
      %dma_start3A_80 = arith.constant 0 : i32
      %dma_start3A_81 = tpu.memref_slice %arg6[%add3A_74, %dma_start3A_80] : memref<80x128xi32, #tpu.memory_space<vmem>> -> memref<1x128xi32, #tpu.memory_space<vmem>>
      %dma_start3A_82 = tpu.memref_squeeze %dma_start3A_81 : memref<1x128xi32, #tpu.memory_space<vmem>> -> memref<128xi32, #tpu.memory_space<vmem>>
      %dma_start3A_83 = arith.constant 0 : i32
      %dma_start3A_84 = arith.constant 0 : i32
      %dma_start3A_85 = tpu.memref_slice %arg8[%dma_start3A_83, %dma_start3A_84] : memref<10240x16xf32, #tpu.memory_space<vmem_shared>> -> memref<10240x16xf32, #tpu.memory_space<vmem_shared>>
      tpu.enqueue_indirect_dma source(%arg7 : memref<128x16xf32, #tpu.memory_space<vmem>>) target(%dma_start3A_85 : memref<10240x16xf32, #tpu.memory_space<vmem_shared>>) offsets(%dma_start3A_82 : memref<128xi32, #tpu.memory_space<vmem>>) semaphore(%arg10 : memref<!tpu.dma_semaphore, #tpu.memory_space<semaphore_mem>>) {add = true}
      %mul3A_86 = arith.constant 4 : i32
      %mul3A_87 = arith.muli %add3A_58, %mul3A_86 : i32
      %add3A_88 = arith.constant 2 : i32
      %add3A_89 = arith.addi %mul3A_87, %add3A_88 : i32
      %ge3A_90 = arith.constant 4 : i32
      %ge3A_91 = arith.cmpi sge, %add3A_89, %ge3A_90 : i32
      %convert_element_type3A_92 = arith.extui %ge3A_91 : i1 to i32
      %cond3A_93 = arith.constant 0 : i32
      %cond3A_94 = arith.cmpi ne, %convert_element_type3A_92, %cond3A_93 : i32
      scf.if %cond3A_94 {
        %sub3A = arith.constant 4 : i32
        %sub3A_116 = arith.subi %add3A_89, %sub3A : i32
        %dma_wait3A_117 = arith.constant 0 : i32
        %dma_wait3A_118 = tpu.memref_slice %arg6[%sub3A_116, %dma_wait3A_117] : memref<80x128xi32, #tpu.memory_space<vmem>> -> memref<1x128xi32, #tpu.memory_space<vmem>>
        %dma_wait3A_119 = tpu.memref_squeeze %dma_wait3A_118 : memref<1x128xi32, #tpu.memory_space<vmem>> -> memref<128xi32, #tpu.memory_space<vmem>>
        %dma_wait3A_120 = arith.constant 0 : i32
        %dma_wait3A_121 = arith.constant 0 : i32
        %dma_wait3A_122 = tpu.memref_slice %arg8[%dma_wait3A_120, %dma_wait3A_121] : memref<10240x16xf32, #tpu.memory_space<vmem_shared>> -> memref<10240x16xf32, #tpu.memory_space<vmem_shared>>
        tpu.wait_indirect_dma semaphore(%arg11 : memref<!tpu.dma_semaphore, #tpu.memory_space<semaphore_mem>>) src(%arg7 : memref<128x16xf32, #tpu.memory_space<vmem>>) dst(%dma_wait3A_122 : memref<10240x16xf32, #tpu.memory_space<vmem_shared>>)
      } else {
      }
      %dma_start3A_95 = arith.constant 0 : i32
      %dma_start3A_96 = tpu.memref_slice %arg6[%add3A_89, %dma_start3A_95] : memref<80x128xi32, #tpu.memory_space<vmem>> -> memref<1x128xi32, #tpu.memory_space<vmem>>
      %dma_start3A_97 = tpu.memref_squeeze %dma_start3A_96 : memref<1x128xi32, #tpu.memory_space<vmem>> -> memref<128xi32, #tpu.memory_space<vmem>>
      %dma_start3A_98 = arith.constant 0 : i32
      %dma_start3A_99 = arith.constant 0 : i32
      %dma_start3A_100 = tpu.memref_slice %arg8[%dma_start3A_98, %dma_start3A_99] : memref<10240x16xf32, #tpu.memory_space<vmem_shared>> -> memref<10240x16xf32, #tpu.memory_space<vmem_shared>>
      tpu.enqueue_indirect_dma source(%arg7 : memref<128x16xf32, #tpu.memory_space<vmem>>) target(%dma_start3A_100 : memref<10240x16xf32, #tpu.memory_space<vmem_shared>>) offsets(%dma_start3A_97 : memref<128xi32, #tpu.memory_space<vmem>>) semaphore(%arg11 : memref<!tpu.dma_semaphore, #tpu.memory_space<semaphore_mem>>) {add = true}
      %mul3A_101 = arith.constant 4 : i32
      %mul3A_102 = arith.muli %add3A_58, %mul3A_101 : i32
      %add3A_103 = arith.constant 3 : i32
      %add3A_104 = arith.addi %mul3A_102, %add3A_103 : i32
      %ge3A_105 = arith.constant 4 : i32
      %ge3A_106 = arith.cmpi sge, %add3A_104, %ge3A_105 : i32
      %convert_element_type3A_107 = arith.extui %ge3A_106 : i1 to i32
      %cond3A_108 = arith.constant 0 : i32
      %cond3A_109 = arith.cmpi ne, %convert_element_type3A_107, %cond3A_108 : i32
      scf.if %cond3A_109 {
        %sub3A = arith.constant 4 : i32
        %sub3A_116 = arith.subi %add3A_104, %sub3A : i32
        %dma_wait3A_117 = arith.constant 0 : i32
        %dma_wait3A_118 = tpu.memref_slice %arg6[%sub3A_116, %dma_wait3A_117] : memref<80x128xi32, #tpu.memory_space<vmem>> -> memref<1x128xi32, #tpu.memory_space<vmem>>
        %dma_wait3A_119 = tpu.memref_squeeze %dma_wait3A_118 : memref<1x128xi32, #tpu.memory_space<vmem>> -> memref<128xi32, #tpu.memory_space<vmem>>
        %dma_wait3A_120 = arith.constant 0 : i32
        %dma_wait3A_121 = arith.constant 0 : i32
        %dma_wait3A_122 = tpu.memref_slice %arg8[%dma_wait3A_120, %dma_wait3A_121] : memref<10240x16xf32, #tpu.memory_space<vmem_shared>> -> memref<10240x16xf32, #tpu.memory_space<vmem_shared>>
        tpu.wait_indirect_dma semaphore(%arg12 : memref<!tpu.dma_semaphore, #tpu.memory_space<semaphore_mem>>) src(%arg7 : memref<128x16xf32, #tpu.memory_space<vmem>>) dst(%dma_wait3A_122 : memref<10240x16xf32, #tpu.memory_space<vmem_shared>>)
      } else {
      }
      %dma_start3A_110 = arith.constant 0 : i32
      %dma_start3A_111 = tpu.memref_slice %arg6[%add3A_104, %dma_start3A_110] : memref<80x128xi32, #tpu.memory_space<vmem>> -> memref<1x128xi32, #tpu.memory_space<vmem>>
      %dma_start3A_112 = tpu.memref_squeeze %dma_start3A_111 : memref<1x128xi32, #tpu.memory_space<vmem>> -> memref<128xi32, #tpu.memory_space<vmem>>
      %dma_start3A_113 = arith.constant 0 : i32
      %dma_start3A_114 = arith.constant 0 : i32
      %dma_start3A_115 = tpu.memref_slice %arg8[%dma_start3A_113, %dma_start3A_114] : memref<10240x16xf32, #tpu.memory_space<vmem_shared>> -> memref<10240x16xf32, #tpu.memory_space<vmem_shared>>
      tpu.enqueue_indirect_dma source(%arg7 : memref<128x16xf32, #tpu.memory_space<vmem>>) target(%dma_start3A_115 : memref<10240x16xf32, #tpu.memory_space<vmem_shared>>) offsets(%dma_start3A_112 : memref<128xi32, #tpu.memory_space<vmem>>) semaphore(%arg12 : memref<!tpu.dma_semaphore, #tpu.memory_space<semaphore_mem>>) {add = true}
    }
    %scan3A_20 = arith.constant 20 : i32
    %dma_wait3A_21 = arith.constant 76 : i32
    %dma_wait3A_22 = arith.constant 0 : i32
    %dma_wait3A_23 = tpu.memref_slice %arg6[%dma_wait3A_21, %dma_wait3A_22] : memref<80x128xi32, #tpu.memory_space<vmem>> -> memref<1x128xi32, #tpu.memory_space<vmem>>
    %dma_wait3A_24 = tpu.memref_squeeze %dma_wait3A_23 : memref<1x128xi32, #tpu.memory_space<vmem>> -> memref<128xi32, #tpu.memory_space<vmem>>
    %dma_wait3A_25 = arith.constant 0 : i32
    %dma_wait3A_26 = arith.constant 0 : i32
    %dma_wait3A_27 = tpu.memref_slice %arg8[%dma_wait3A_25, %dma_wait3A_26] : memref<10240x16xf32, #tpu.memory_space<vmem_shared>> -> memref<10240x16xf32, #tpu.memory_space<vmem_shared>>
    tpu.wait_indirect_dma semaphore(%arg9 : memref<!tpu.dma_semaphore, #tpu.memory_space<semaphore_mem>>) src(%arg7 : memref<128x16xf32, #tpu.memory_space<vmem>>) dst(%dma_wait3A_27 : memref<10240x16xf32, #tpu.memory_space<vmem_shared>>)
    %dma_wait3A_28 = arith.constant 77 : i32
    %dma_wait3A_29 = arith.constant 0 : i32
    %dma_wait3A_30 = tpu.memref_slice %arg6[%dma_wait3A_28, %dma_wait3A_29] : memref<80x128xi32, #tpu.memory_space<vmem>> -> memref<1x128xi32, #tpu.memory_space<vmem>>
    %dma_wait3A_31 = tpu.memref_squeeze %dma_wait3A_30 : memref<1x128xi32, #tpu.memory_space<vmem>> -> memref<128xi32, #tpu.memory_space<vmem>>
    %dma_wait3A_32 = arith.constant 0 : i32
    %dma_wait3A_33 = arith.constant 0 : i32
    %dma_wait3A_34 = tpu.memref_slice %arg8[%dma_wait3A_32, %dma_wait3A_33] : memref<10240x16xf32, #tpu.memory_space<vmem_shared>> -> memref<10240x16xf32, #tpu.memory_space<vmem_shared>>
    tpu.wait_indirect_dma semaphore(%arg10 : memref<!tpu.dma_semaphore, #tpu.memory_space<semaphore_mem>>) src(%arg7 : memref<128x16xf32, #tpu.memory_space<vmem>>) dst(%dma_wait3A_34 : memref<10240x16xf32, #tpu.memory_space<vmem_shared>>)
    %dma_wait3A_35 = arith.constant 78 : i32
    %dma_wait3A_36 = arith.constant 0 : i32
    %dma_wait3A_37 = tpu.memref_slice %arg6[%dma_wait3A_35, %dma_wait3A_36] : memref<80x128xi32, #tpu.memory_space<vmem>> -> memref<1x128xi32, #tpu.memory_space<vmem>>
    %dma_wait3A_38 = tpu.memref_squeeze %dma_wait3A_37 : memref<1x128xi32, #tpu.memory_space<vmem>> -> memref<128xi32, #tpu.memory_space<vmem>>
    %dma_wait3A_39 = arith.constant 0 : i32
    %dma_wait3A_40 = arith.constant 0 : i32
    %dma_wait3A_41 = tpu.memref_slice %arg8[%dma_wait3A_39, %dma_wait3A_40] : memref<10240x16xf32, #tpu.memory_space<vmem_shared>> -> memref<10240x16xf32, #tpu.memory_space<vmem_shared>>
    tpu.wait_indirect_dma semaphore(%arg11 : memref<!tpu.dma_semaphore, #tpu.memory_space<semaphore_mem>>) src(%arg7 : memref<128x16xf32, #tpu.memory_space<vmem>>) dst(%dma_wait3A_41 : memref<10240x16xf32, #tpu.memory_space<vmem_shared>>)
    %dma_wait3A_42 = arith.constant 79 : i32
    %dma_wait3A_43 = arith.constant 0 : i32
    %dma_wait3A_44 = tpu.memref_slice %arg6[%dma_wait3A_42, %dma_wait3A_43] : memref<80x128xi32, #tpu.memory_space<vmem>> -> memref<1x128xi32, #tpu.memory_space<vmem>>
    %dma_wait3A_45 = tpu.memref_squeeze %dma_wait3A_44 : memref<1x128xi32, #tpu.memory_space<vmem>> -> memref<128xi32, #tpu.memory_space<vmem>>
    %dma_wait3A_46 = arith.constant 0 : i32
    %dma_wait3A_47 = arith.constant 0 : i32
    %dma_wait3A_48 = tpu.memref_slice %arg8[%dma_wait3A_46, %dma_wait3A_47] : memref<10240x16xf32, #tpu.memory_space<vmem_shared>> -> memref<10240x16xf32, #tpu.memory_space<vmem_shared>>
    tpu.wait_indirect_dma semaphore(%arg12 : memref<!tpu.dma_semaphore, #tpu.memory_space<semaphore_mem>>) src(%arg7 : memref<128x16xf32, #tpu.memory_space<vmem>>) dst(%dma_wait3A_48 : memref<10240x16xf32, #tpu.memory_space<vmem_shared>>)
    %barrier3A_49 = arith.constant 0 : index
    tpu.barrier barrier_id(%barrier3A_49)
    %mul3A_50 = arith.constant 640 : i32
    %mul3A_51 = arith.muli %arg1, %mul3A_50 : i32
    %mul3A_52 = arith.constant 640 : i32
    %mul3A_53 = arith.muli %arg1, %mul3A_52 : i32
    "tpu.region"() ({
      %run_scoped3A = tpu.sem_alloc : memref<!tpu.dma_semaphore, #tpu.memory_space<semaphore_mem>>
      %dma_start3A_54 = arith.constant 0 : i32
      %dma_start3A_55 = tpu.memref_slice %arg5[%arg0, %mul3A_53, %dma_start3A_54] : memref<2x10240x16xf32, #tpu.memory_space<hbm>> -> memref<1x640x16xf32, #tpu.memory_space<hbm>>
      %dma_start3A_56 = tpu.memref_squeeze %dma_start3A_55 : memref<1x640x16xf32, #tpu.memory_space<hbm>> -> memref<640x16xf32, #tpu.memory_space<hbm>>
      %dma_start3A_57 = arith.constant 0 : i32
      %dma_start3A_58 = tpu.memref_slice %arg8[%mul3A_51, %dma_start3A_57] : memref<10240x16xf32, #tpu.memory_space<vmem_shared>> -> memref<640x16xf32, #tpu.memory_space<vmem_shared>>
      tpu.enqueue_dma source(%dma_start3A_58 : memref<640x16xf32, #tpu.memory_space<vmem_shared>>) target(%dma_start3A_56 : memref<640x16xf32, #tpu.memory_space<hbm>>) target_semaphore(%run_scoped3A : memref<!tpu.dma_semaphore, #tpu.memory_space<semaphore_mem>>)
      %dma_wait3A_59 = arith.constant 0 : i32
      %dma_wait3A_60 = tpu.memref_slice %arg5[%arg0, %mul3A_53, %dma_wait3A_59] : memref<2x10240x16xf32, #tpu.memory_space<hbm>> -> memref<1x640x16xf32, #tpu.memory_space<hbm>>
      %dma_wait3A_61 = tpu.memref_squeeze %dma_wait3A_60 : memref<1x640x16xf32, #tpu.memory_space<hbm>> -> memref<640x16xf32, #tpu.memory_space<hbm>>
      %dma_wait3A_62 = arith.constant 0 : i32
      %dma_wait3A_63 = tpu.memref_slice %arg8[%mul3A_51, %dma_wait3A_62] : memref<10240x16xf32, #tpu.memory_space<vmem_shared>> -> memref<640x16xf32, #tpu.memory_space<vmem_shared>>
      tpu.wait_dma2 semaphore(%run_scoped3A : memref<!tpu.dma_semaphore, #tpu.memory_space<semaphore_mem>>) src(%dma_wait3A_63 : memref<640x16xf32, #tpu.memory_space<vmem_shared>>) dst(%dma_wait3A_61 : memref<640x16xf32, #tpu.memory_space<hbm>>)
      tpu.yield
    }) : () -> ()
    return
  }
}

#map = affine_map<(d0, d1) -> (0, 0)>
#map1 = affine_map<(d0, d1) -> (0, 0, 0, 0)>
#map2 = affine_map<(d0, d1) -> (0, 0, 0)>
module attributes {stable_mosaic.version = 14 : i64} {
  func.func @k(%arg0: i32, %arg1: i32, %arg2: memref<10240x128xf32, #tpu.memory_space<hbm>>, %arg3: memref<32x80x2x128xi32, #tpu.memory_space<hbm>>, %arg4: memref<640x128xf32, #tpu.memory_space<hbm>>, %arg5: memref<2x10240x128xf32, #tpu.memory_space<hbm>>, %arg6: memref<2x128xi32, #tpu.memory_space<vmem>>, %arg7: memref<2x128xi32, #tpu.memory_space<vmem>>, %arg8: memref<2x128xi32, #tpu.memory_space<vmem>>, %arg9: memref<2x128xi32, #tpu.memory_space<vmem>>, %arg10: memref<128x128xf32, #tpu.memory_space<vmem>>, %arg11: memref<128x128xf32, #tpu.memory_space<vmem>>, %arg12: memref<10240x128xf32, #tpu.memory_space<vmem_shared>>, %arg13: memref<!tpu.dma_semaphore, #tpu.memory_space<semaphore_mem>>, %arg14: memref<!tpu.dma_semaphore, #tpu.memory_space<semaphore_mem>>, %arg15: memref<!tpu.dma_semaphore, #tpu.memory_space<semaphore_mem>>, %arg16: memref<!tpu.dma_semaphore, #tpu.memory_space<semaphore_mem>>, %arg17: memref<!tpu.dma_semaphore, #tpu.memory_space<semaphore_mem>>, %arg18: memref<!tpu.dma_semaphore, #tpu.memory_space<semaphore_mem>>, %arg19: memref<!tpu.dma_semaphore, #tpu.memory_space<semaphore_mem>>, %arg20: memref<!tpu.dma_semaphore, #tpu.memory_space<semaphore_mem>>) attributes {dimension_semantics = [#tpu.dimension_semantics<core_parallel>, #tpu.dimension_semantics<subcore_parallel>], iteration_bounds = array<i64: 2, 16>, scalar_prefetch = 0 : i64, scratch_operands = 15 : i64, tpu.core_type = #tpu.core_type<sc_vector_subcore>, window_params = [{transform_indices = #map}, {transform_indices = #map1}, {transform_indices = #map}, {transform_indices = #map2}]} {
    %mul3A = arith.constant 16 : i32
    %mul3A_0 = arith.muli %arg0, %mul3A : i32
    %add3A = arith.addi %mul3A_0, %arg1 : i32
    %dma_start3A = arith.constant 0 : i32
    %dma_start3A_1 = arith.constant 0 : i32
    %dma_start3A_2 = arith.constant 0 : i32
    %dma_start3A_3 = tpu.memref_slice %arg3[%add3A, %dma_start3A, %dma_start3A_1, %dma_start3A_2] : memref<32x80x2x128xi32, #tpu.memory_space<hbm>> -> memref<1x1x2x128xi32, #tpu.memory_space<hbm>>
    %dma_start3A_4 = tpu.memref_squeeze %dma_start3A_3 : memref<1x1x2x128xi32, #tpu.memory_space<hbm>> -> memref<2x128xi32, #tpu.memory_space<hbm>>
    %dma_start3A_5 = arith.constant 0 : i32
    %dma_start3A_6 = arith.constant 0 : i32
    %dma_start3A_7 = tpu.memref_slice %arg3[%add3A, %dma_start3A, %dma_start3A_5, %dma_start3A_6] : memref<32x80x2x128xi32, #tpu.memory_space<hbm>> -> memref<1x1x2x128xi32, #tpu.memory_space<hbm>>
    %dma_start3A_8 = tpu.memref_squeeze %dma_start3A_7 : memref<1x1x2x128xi32, #tpu.memory_space<hbm>> -> memref<2x128xi32, #tpu.memory_space<hbm>>
    tpu.enqueue_dma source(%dma_start3A_8 : memref<2x128xi32, #tpu.memory_space<hbm>>) target(%arg6 : memref<2x128xi32, #tpu.memory_space<vmem>>) target_semaphore(%arg13 : memref<!tpu.dma_semaphore, #tpu.memory_space<semaphore_mem>>)
    %dma_start3A_9 = arith.constant 1 : i32
    %dma_start3A_10 = arith.constant 0 : i32
    %dma_start3A_11 = arith.constant 0 : i32
    %dma_start3A_12 = tpu.memref_slice %arg3[%add3A, %dma_start3A_9, %dma_start3A_10, %dma_start3A_11] : memref<32x80x2x128xi32, #tpu.memory_space<hbm>> -> memref<1x1x2x128xi32, #tpu.memory_space<hbm>>
    %dma_start3A_13 = tpu.memref_squeeze %dma_start3A_12 : memref<1x1x2x128xi32, #tpu.memory_space<hbm>> -> memref<2x128xi32, #tpu.memory_space<hbm>>
    %dma_start3A_14 = arith.constant 0 : i32
    %dma_start3A_15 = arith.constant 0 : i32
    %dma_start3A_16 = tpu.memref_slice %arg3[%add3A, %dma_start3A_9, %dma_start3A_14, %dma_start3A_15] : memref<32x80x2x128xi32, #tpu.memory_space<hbm>> -> memref<1x1x2x128xi32, #tpu.memory_space<hbm>>
    %dma_start3A_17 = tpu.memref_squeeze %dma_start3A_16 : memref<1x1x2x128xi32, #tpu.memory_space<hbm>> -> memref<2x128xi32, #tpu.memory_space<hbm>>
    tpu.enqueue_dma source(%dma_start3A_17 : memref<2x128xi32, #tpu.memory_space<hbm>>) target(%arg7 : memref<2x128xi32, #tpu.memory_space<vmem>>) target_semaphore(%arg14 : memref<!tpu.dma_semaphore, #tpu.memory_space<semaphore_mem>>)
    %dma_wait3A = arith.constant 0 : i32
    %dma_wait3A_18 = arith.constant 0 : i32
    %dma_wait3A_19 = arith.constant 0 : i32
    %dma_wait3A_20 = tpu.memref_slice %arg3[%add3A, %dma_wait3A, %dma_wait3A_18, %dma_wait3A_19] : memref<32x80x2x128xi32, #tpu.memory_space<hbm>> -> memref<1x1x2x128xi32, #tpu.memory_space<hbm>>
    %dma_wait3A_21 = tpu.memref_squeeze %dma_wait3A_20 : memref<1x1x2x128xi32, #tpu.memory_space<hbm>> -> memref<2x128xi32, #tpu.memory_space<hbm>>
    %dma_wait3A_22 = arith.constant 0 : i32
    %dma_wait3A_23 = arith.constant 0 : i32
    %dma_wait3A_24 = tpu.memref_slice %arg3[%add3A, %dma_wait3A, %dma_wait3A_22, %dma_wait3A_23] : memref<32x80x2x128xi32, #tpu.memory_space<hbm>> -> memref<1x1x2x128xi32, #tpu.memory_space<hbm>>
    %dma_wait3A_25 = tpu.memref_squeeze %dma_wait3A_24 : memref<1x1x2x128xi32, #tpu.memory_space<hbm>> -> memref<2x128xi32, #tpu.memory_space<hbm>>
    tpu.wait_dma2 semaphore(%arg13 : memref<!tpu.dma_semaphore, #tpu.memory_space<semaphore_mem>>) src(%dma_wait3A_25 : memref<2x128xi32, #tpu.memory_space<hbm>>) dst(%arg6 : memref<2x128xi32, #tpu.memory_space<vmem>>)
    %dma_start3A_26 = arith.constant 0 : i32
    %dma_start3A_27 = arith.constant 0 : i32
    %dma_start3A_28 = tpu.memref_slice %arg6[%dma_start3A_26, %dma_start3A_27] : memref<2x128xi32, #tpu.memory_space<vmem>> -> memref<1x128xi32, #tpu.memory_space<vmem>>
    %dma_start3A_29 = tpu.memref_squeeze %dma_start3A_28 : memref<1x128xi32, #tpu.memory_space<vmem>> -> memref<128xi32, #tpu.memory_space<vmem>>
    %dma_start3A_30 = arith.constant 0 : i32
    %dma_start3A_31 = arith.constant 0 : i32
    %dma_start3A_32 = tpu.memref_slice %arg2[%dma_start3A_30, %dma_start3A_31] : memref<10240x128xf32, #tpu.memory_space<hbm>> -> memref<10240x128xf32, #tpu.memory_space<hbm>>
    tpu.enqueue_indirect_dma source(%dma_start3A_32 : memref<10240x128xf32, #tpu.memory_space<hbm>>) target(%arg10 : memref<128x128xf32, #tpu.memory_space<vmem>>) offsets(%dma_start3A_29 : memref<128xi32, #tpu.memory_space<vmem>>) semaphore(%arg17 : memref<!tpu.dma_semaphore, #tpu.memory_space<semaphore_mem>>)
    %mul3A_33 = arith.constant 640 : i32
    %mul3A_34 = arith.muli %arg1, %mul3A_33 : i32
    "tpu.region"() ({
      %run_scoped3A = tpu.sem_alloc : memref<!tpu.dma_semaphore, #tpu.memory_space<semaphore_mem>>
      %dma_start3A_58 = arith.constant 0 : i32
      %dma_start3A_59 = tpu.memref_slice %arg12[%mul3A_34, %dma_start3A_58] : memref<10240x128xf32, #tpu.memory_space<vmem_shared>> -> memref<640x128xf32, #tpu.memory_space<vmem_shared>>
      tpu.enqueue_dma source(%arg4 : memref<640x128xf32, #tpu.memory_space<hbm>>) target(%dma_start3A_59 : memref<640x128xf32, #tpu.memory_space<vmem_shared>>) target_semaphore(%run_scoped3A : memref<!tpu.dma_semaphore, #tpu.memory_space<semaphore_mem>>)
      %dma_wait3A_60 = arith.constant 0 : i32
      %dma_wait3A_61 = tpu.memref_slice %arg12[%mul3A_34, %dma_wait3A_60] : memref<10240x128xf32, #tpu.memory_space<vmem_shared>> -> memref<640x128xf32, #tpu.memory_space<vmem_shared>>
      tpu.wait_dma2 semaphore(%run_scoped3A : memref<!tpu.dma_semaphore, #tpu.memory_space<semaphore_mem>>) src(%arg4 : memref<640x128xf32, #tpu.memory_space<hbm>>) dst(%dma_wait3A_61 : memref<640x128xf32, #tpu.memory_space<vmem_shared>>)
      tpu.yield
    }) : () -> ()
    %barrier3A = arith.constant 0 : index
    tpu.barrier barrier_id(%barrier3A)
    %scan3A = arith.constant 0 : i32
    %scan3A_35 = arith.constant 20 : i32
    %scan3A_36 = arith.addi %scan3A, %scan3A_35 : i32
    %scan3A_37 = arith.constant 1 : i32
    scf.for %scan3A_58 = %scan3A to %scan3A_36 step %scan3A_37  : i32 {
      %mul3A_59 = arith.constant 1 : i32
      %mul3A_60 = arith.muli %scan3A_58, %mul3A_59 : i32
      %add3A_61 = arith.constant 0 : i32
      %add3A_62 = arith.addi %add3A_61, %mul3A_60 : i32
      %mul3A_63 = arith.constant 4 : i32
      %mul3A_64 = arith.muli %add3A_62, %mul3A_63 : i32
      %add3A_65 = arith.constant 0 : i32
      %add3A_66 = arith.addi %mul3A_64, %add3A_65 : i32
      %dma_wait3A_67 = arith.constant 0 : i32
      %dma_wait3A_68 = arith.constant 0 : i32
      %dma_wait3A_69 = tpu.memref_slice %arg6[%dma_wait3A_67, %dma_wait3A_68] : memref<2x128xi32, #tpu.memory_space<vmem>> -> memref<1x128xi32, #tpu.memory_space<vmem>>
      %dma_wait3A_70 = tpu.memref_squeeze %dma_wait3A_69 : memref<1x128xi32, #tpu.memory_space<vmem>> -> memref<128xi32, #tpu.memory_space<vmem>>
      %dma_wait3A_71 = arith.constant 0 : i32
      %dma_wait3A_72 = arith.constant 0 : i32
      %dma_wait3A_73 = tpu.memref_slice %arg2[%dma_wait3A_71, %dma_wait3A_72] : memref<10240x128xf32, #tpu.memory_space<hbm>> -> memref<10240x128xf32, #tpu.memory_space<hbm>>
      tpu.wait_indirect_dma semaphore(%arg17 : memref<!tpu.dma_semaphore, #tpu.memory_space<semaphore_mem>>) src(%dma_wait3A_73 : memref<10240x128xf32, #tpu.memory_space<hbm>>) dst(%arg10 : memref<128x128xf32, #tpu.memory_space<vmem>>)
      %dma_start3A_74 = arith.constant 1 : i32
      %dma_start3A_75 = arith.constant 0 : i32
      %dma_start3A_76 = tpu.memref_slice %arg6[%dma_start3A_74, %dma_start3A_75] : memref<2x128xi32, #tpu.memory_space<vmem>> -> memref<1x128xi32, #tpu.memory_space<vmem>>
      %dma_start3A_77 = tpu.memref_squeeze %dma_start3A_76 : memref<1x128xi32, #tpu.memory_space<vmem>> -> memref<128xi32, #tpu.memory_space<vmem>>
      %dma_start3A_78 = arith.constant 0 : i32
      %dma_start3A_79 = arith.constant 0 : i32
      %dma_start3A_80 = tpu.memref_slice %arg12[%dma_start3A_78, %dma_start3A_79] : memref<10240x128xf32, #tpu.memory_space<vmem_shared>> -> memref<10240x128xf32, #tpu.memory_space<vmem_shared>>
      tpu.enqueue_indirect_dma source(%arg10 : memref<128x128xf32, #tpu.memory_space<vmem>>) target(%dma_start3A_80 : memref<10240x128xf32, #tpu.memory_space<vmem_shared>>) offsets(%dma_start3A_77 : memref<128xi32, #tpu.memory_space<vmem>>) semaphore(%arg19 : memref<!tpu.dma_semaphore, #tpu.memory_space<semaphore_mem>>) {add = true}
      %add3A_81 = arith.constant 2 : i32
      %add3A_82 = arith.addi %add3A_66, %add3A_81 : i32
      %lt3A = arith.constant 80 : i32
      %lt3A_83 = arith.cmpi slt, %add3A_82, %lt3A : i32
      %convert_element_type3A = arith.extui %lt3A_83 : i1 to i32
      %cond3A = arith.constant 0 : i32
      %cond3A_84 = arith.cmpi ne, %convert_element_type3A, %cond3A : i32
      scf.if %cond3A_84 {
        %add3A_188 = arith.constant 2 : i32
        %add3A_189 = arith.addi %add3A_66, %add3A_188 : i32
        %dma_start3A_190 = arith.constant 0 : i32
        %dma_start3A_191 = arith.constant 0 : i32
        %dma_start3A_192 = tpu.memref_slice %arg3[%add3A, %add3A_189, %dma_start3A_190, %dma_start3A_191] : memref<32x80x2x128xi32, #tpu.memory_space<hbm>> -> memref<1x1x2x128xi32, #tpu.memory_space<hbm>>
        %dma_start3A_193 = tpu.memref_squeeze %dma_start3A_192 : memref<1x1x2x128xi32, #tpu.memory_space<hbm>> -> memref<2x128xi32, #tpu.memory_space<hbm>>
        %dma_start3A_194 = arith.constant 0 : i32
        %dma_start3A_195 = arith.constant 0 : i32
        %dma_start3A_196 = tpu.memref_slice %arg3[%add3A, %add3A_189, %dma_start3A_194, %dma_start3A_195] : memref<32x80x2x128xi32, #tpu.memory_space<hbm>> -> memref<1x1x2x128xi32, #tpu.memory_space<hbm>>
        %dma_start3A_197 = tpu.memref_squeeze %dma_start3A_196 : memref<1x1x2x128xi32, #tpu.memory_space<hbm>> -> memref<2x128xi32, #tpu.memory_space<hbm>>
        tpu.enqueue_dma source(%dma_start3A_197 : memref<2x128xi32, #tpu.memory_space<hbm>>) target(%arg8 : memref<2x128xi32, #tpu.memory_space<vmem>>) target_semaphore(%arg15 : memref<!tpu.dma_semaphore, #tpu.memory_space<semaphore_mem>>)
      } else {
      }
      %add3A_85 = arith.constant 1 : i32
      %add3A_86 = arith.addi %add3A_66, %add3A_85 : i32
      %lt3A_87 = arith.constant 80 : i32
      %lt3A_88 = arith.cmpi slt, %add3A_86, %lt3A_87 : i32
      %convert_element_type3A_89 = arith.extui %lt3A_88 : i1 to i32
      %cond3A_90 = arith.constant 0 : i32
      %cond3A_91 = arith.cmpi ne, %convert_element_type3A_89, %cond3A_90 : i32
      scf.if %cond3A_91 {
        %add3A_188 = arith.constant 1 : i32
        %add3A_189 = arith.addi %add3A_66, %add3A_188 : i32
        %dma_wait3A_190 = arith.constant 0 : i32
        %dma_wait3A_191 = arith.constant 0 : i32
        %dma_wait3A_192 = tpu.memref_slice %arg3[%add3A, %add3A_189, %dma_wait3A_190, %dma_wait3A_191] : memref<32x80x2x128xi32, #tpu.memory_space<hbm>> -> memref<1x1x2x128xi32, #tpu.memory_space<hbm>>
        %dma_wait3A_193 = tpu.memref_squeeze %dma_wait3A_192 : memref<1x1x2x128xi32, #tpu.memory_space<hbm>> -> memref<2x128xi32, #tpu.memory_space<hbm>>
        %dma_wait3A_194 = arith.constant 0 : i32
        %dma_wait3A_195 = arith.constant 0 : i32
        %dma_wait3A_196 = tpu.memref_slice %arg3[%add3A, %add3A_189, %dma_wait3A_194, %dma_wait3A_195] : memref<32x80x2x128xi32, #tpu.memory_space<hbm>> -> memref<1x1x2x128xi32, #tpu.memory_space<hbm>>
        %dma_wait3A_197 = tpu.memref_squeeze %dma_wait3A_196 : memref<1x1x2x128xi32, #tpu.memory_space<hbm>> -> memref<2x128xi32, #tpu.memory_space<hbm>>
        tpu.wait_dma2 semaphore(%arg14 : memref<!tpu.dma_semaphore, #tpu.memory_space<semaphore_mem>>) src(%dma_wait3A_197 : memref<2x128xi32, #tpu.memory_space<hbm>>) dst(%arg7 : memref<2x128xi32, #tpu.memory_space<vmem>>)
        %add3A_198 = arith.constant 1 : i32
        %add3A_199 = arith.addi %add3A_66, %add3A_198 : i32
        %ge3A = arith.constant 2 : i32
        %ge3A_200 = arith.cmpi sge, %add3A_199, %ge3A : i32
        %convert_element_type3A_201 = arith.extui %ge3A_200 : i1 to i32
        %cond3A_202 = arith.constant 0 : i32
        %cond3A_203 = arith.cmpi ne, %convert_element_type3A_201, %cond3A_202 : i32
        scf.if %cond3A_203 {
          %add3A_213 = arith.constant 1 : i32
          %add3A_214 = arith.addi %add3A_66, %add3A_213 : i32
          %sub3A = arith.constant 2 : i32
          %sub3A_215 = arith.subi %add3A_214, %sub3A : i32
          %dma_wait3A_216 = arith.constant 1 : i32
          %dma_wait3A_217 = arith.constant 0 : i32
          %dma_wait3A_218 = tpu.memref_slice %arg9[%dma_wait3A_216, %dma_wait3A_217] : memref<2x128xi32, #tpu.memory_space<vmem>> -> memref<1x128xi32, #tpu.memory_space<vmem>>
          %dma_wait3A_219 = tpu.memref_squeeze %dma_wait3A_218 : memref<1x128xi32, #tpu.memory_space<vmem>> -> memref<128xi32, #tpu.memory_space<vmem>>
          %dma_wait3A_220 = arith.constant 0 : i32
          %dma_wait3A_221 = arith.constant 0 : i32
          %dma_wait3A_222 = tpu.memref_slice %arg12[%dma_wait3A_220, %dma_wait3A_221] : memref<10240x128xf32, #tpu.memory_space<vmem_shared>> -> memref<10240x128xf32, #tpu.memory_space<vmem_shared>>
          tpu.wait_indirect_dma semaphore(%arg20 : memref<!tpu.dma_semaphore, #tpu.memory_space<semaphore_mem>>) src(%arg11 : memref<128x128xf32, #tpu.memory_space<vmem>>) dst(%dma_wait3A_222 : memref<10240x128xf32, #tpu.memory_space<vmem_shared>>)
        } else {
        }
        %add3A_204 = arith.constant 1 : i32
        %add3A_205 = arith.addi %add3A_66, %add3A_204 : i32
        %dma_start3A_206 = arith.constant 0 : i32
        %dma_start3A_207 = arith.constant 0 : i32
        %dma_start3A_208 = tpu.memref_slice %arg7[%dma_start3A_206, %dma_start3A_207] : memref<2x128xi32, #tpu.memory_space<vmem>> -> memref<1x128xi32, #tpu.memory_space<vmem>>
        %dma_start3A_209 = tpu.memref_squeeze %dma_start3A_208 : memref<1x128xi32, #tpu.memory_space<vmem>> -> memref<128xi32, #tpu.memory_space<vmem>>
        %dma_start3A_210 = arith.constant 0 : i32
        %dma_start3A_211 = arith.constant 0 : i32
        %dma_start3A_212 = tpu.memref_slice %arg2[%dma_start3A_210, %dma_start3A_211] : memref<10240x128xf32, #tpu.memory_space<hbm>> -> memref<10240x128xf32, #tpu.memory_space<hbm>>
        tpu.enqueue_indirect_dma source(%dma_start3A_212 : memref<10240x128xf32, #tpu.memory_space<hbm>>) target(%arg11 : memref<128x128xf32, #tpu.memory_space<vmem>>) offsets(%dma_start3A_209 : memref<128xi32, #tpu.memory_space<vmem>>) semaphore(%arg18 : memref<!tpu.dma_semaphore, #tpu.memory_space<semaphore_mem>>)
      } else {
      }
      %mul3A_92 = arith.constant 4 : i32
      %mul3A_93 = arith.muli %add3A_62, %mul3A_92 : i32
      %add3A_94 = arith.constant 1 : i32
      %add3A_95 = arith.addi %mul3A_93, %add3A_94 : i32
      %dma_wait3A_96 = arith.constant 0 : i32
      %dma_wait3A_97 = arith.constant 0 : i32
      %dma_wait3A_98 = tpu.memref_slice %arg7[%dma_wait3A_96, %dma_wait3A_97] : memref<2x128xi32, #tpu.memory_space<vmem>> -> memref<1x128xi32, #tpu.memory_space<vmem>>
      %dma_wait3A_99 = tpu.memref_squeeze %dma_wait3A_98 : memref<1x128xi32, #tpu.memory_space<vmem>> -> memref<128xi32, #tpu.memory_space<vmem>>
      %dma_wait3A_100 = arith.constant 0 : i32
      %dma_wait3A_101 = arith.constant 0 : i32
      %dma_wait3A_102 = tpu.memref_slice %arg2[%dma_wait3A_100, %dma_wait3A_101] : memref<10240x128xf32, #tpu.memory_space<hbm>> -> memref<10240x128xf32, #tpu.memory_space<hbm>>
      tpu.wait_indirect_dma semaphore(%arg18 : memref<!tpu.dma_semaphore, #tpu.memory_space<semaphore_mem>>) src(%dma_wait3A_102 : memref<10240x128xf32, #tpu.memory_space<hbm>>) dst(%arg11 : memref<128x128xf32, #tpu.memory_space<vmem>>)
      %dma_start3A_103 = arith.constant 1 : i32
      %dma_start3A_104 = arith.constant 0 : i32
      %dma_start3A_105 = tpu.memref_slice %arg7[%dma_start3A_103, %dma_start3A_104] : memref<2x128xi32, #tpu.memory_space<vmem>> -> memref<1x128xi32, #tpu.memory_space<vmem>>
      %dma_start3A_106 = tpu.memref_squeeze %dma_start3A_105 : memref<1x128xi32, #tpu.memory_space<vmem>> -> memref<128xi32, #tpu.memory_space<vmem>>
      %dma_start3A_107 = arith.constant 0 : i32
      %dma_start3A_108 = arith.constant 0 : i32
      %dma_start3A_109 = tpu.memref_slice %arg12[%dma_start3A_107, %dma_start3A_108] : memref<10240x128xf32, #tpu.memory_space<vmem_shared>> -> memref<10240x128xf32, #tpu.memory_space<vmem_shared>>
      tpu.enqueue_indirect_dma source(%arg11 : memref<128x128xf32, #tpu.memory_space<vmem>>) target(%dma_start3A_109 : memref<10240x128xf32, #tpu.memory_space<vmem_shared>>) offsets(%dma_start3A_106 : memref<128xi32, #tpu.memory_space<vmem>>) semaphore(%arg20 : memref<!tpu.dma_semaphore, #tpu.memory_space<semaphore_mem>>) {add = true}
      %add3A_110 = arith.constant 2 : i32
      %add3A_111 = arith.addi %add3A_95, %add3A_110 : i32
      %lt3A_112 = arith.constant 80 : i32
      %lt3A_113 = arith.cmpi slt, %add3A_111, %lt3A_112 : i32
      %convert_element_type3A_114 = arith.extui %lt3A_113 : i1 to i32
      %cond3A_115 = arith.constant 0 : i32
      %cond3A_116 = arith.cmpi ne, %convert_element_type3A_114, %cond3A_115 : i32
      scf.if %cond3A_116 {
        %add3A_188 = arith.constant 2 : i32
        %add3A_189 = arith.addi %add3A_95, %add3A_188 : i32
        %dma_start3A_190 = arith.constant 0 : i32
        %dma_start3A_191 = arith.constant 0 : i32
        %dma_start3A_192 = tpu.memref_slice %arg3[%add3A, %add3A_189, %dma_start3A_190, %dma_start3A_191] : memref<32x80x2x128xi32, #tpu.memory_space<hbm>> -> memref<1x1x2x128xi32, #tpu.memory_space<hbm>>
        %dma_start3A_193 = tpu.memref_squeeze %dma_start3A_192 : memref<1x1x2x128xi32, #tpu.memory_space<hbm>> -> memref<2x128xi32, #tpu.memory_space<hbm>>
        %dma_start3A_194 = arith.constant 0 : i32
        %dma_start3A_195 = arith.constant 0 : i32
        %dma_start3A_196 = tpu.memref_slice %arg3[%add3A, %add3A_189, %dma_start3A_194, %dma_start3A_195] : memref<32x80x2x128xi32, #tpu.memory_space<hbm>> -> memref<1x1x2x128xi32, #tpu.memory_space<hbm>>
        %dma_start3A_197 = tpu.memref_squeeze %dma_start3A_196 : memref<1x1x2x128xi32, #tpu.memory_space<hbm>> -> memref<2x128xi32, #tpu.memory_space<hbm>>
        tpu.enqueue_dma source(%dma_start3A_197 : memref<2x128xi32, #tpu.memory_space<hbm>>) target(%arg9 : memref<2x128xi32, #tpu.memory_space<vmem>>) target_semaphore(%arg16 : memref<!tpu.dma_semaphore, #tpu.memory_space<semaphore_mem>>)
      } else {
      }
      %add3A_117 = arith.constant 1 : i32
      %add3A_118 = arith.addi %add3A_95, %add3A_117 : i32
      %lt3A_119 = arith.constant 80 : i32
      %lt3A_120 = arith.cmpi slt, %add3A_118, %lt3A_119 : i32
      %convert_element_type3A_121 = arith.extui %lt3A_120 : i1 to i32
      %cond3A_122 = arith.constant 0 : i32
      %cond3A_123 = arith.cmpi ne, %convert_element_type3A_121, %cond3A_122 : i32
      scf.if %cond3A_123 {
        %add3A_188 = arith.constant 1 : i32
        %add3A_189 = arith.addi %add3A_95, %add3A_188 : i32
        %dma_wait3A_190 = arith.constant 0 : i32
        %dma_wait3A_191 = arith.constant 0 : i32
        %dma_wait3A_192 = tpu.memref_slice %arg3[%add3A, %add3A_189, %dma_wait3A_190, %dma_wait3A_191] : memref<32x80x2x128xi32, #tpu.memory_space<hbm>> -> memref<1x1x2x128xi32, #tpu.memory_space<hbm>>
        %dma_wait3A_193 = tpu.memref_squeeze %dma_wait3A_192 : memref<1x1x2x128xi32, #tpu.memory_space<hbm>> -> memref<2x128xi32, #tpu.memory_space<hbm>>
        %dma_wait3A_194 = arith.constant 0 : i32
        %dma_wait3A_195 = arith.constant 0 : i32
        %dma_wait3A_196 = tpu.memref_slice %arg3[%add3A, %add3A_189, %dma_wait3A_194, %dma_wait3A_195] : memref<32x80x2x128xi32, #tpu.memory_space<hbm>> -> memref<1x1x2x128xi32, #tpu.memory_space<hbm>>
        %dma_wait3A_197 = tpu.memref_squeeze %dma_wait3A_196 : memref<1x1x2x128xi32, #tpu.memory_space<hbm>> -> memref<2x128xi32, #tpu.memory_space<hbm>>
        tpu.wait_dma2 semaphore(%arg15 : memref<!tpu.dma_semaphore, #tpu.memory_space<semaphore_mem>>) src(%dma_wait3A_197 : memref<2x128xi32, #tpu.memory_space<hbm>>) dst(%arg8 : memref<2x128xi32, #tpu.memory_space<vmem>>)
        %add3A_198 = arith.constant 1 : i32
        %add3A_199 = arith.addi %add3A_95, %add3A_198 : i32
        %ge3A = arith.constant 2 : i32
        %ge3A_200 = arith.cmpi sge, %add3A_199, %ge3A : i32
        %convert_element_type3A_201 = arith.extui %ge3A_200 : i1 to i32
        %cond3A_202 = arith.constant 0 : i32
        %cond3A_203 = arith.cmpi ne, %convert_element_type3A_201, %cond3A_202 : i32
        scf.if %cond3A_203 {
          %add3A_213 = arith.constant 1 : i32
          %add3A_214 = arith.addi %add3A_95, %add3A_213 : i32
          %sub3A = arith.constant 2 : i32
          %sub3A_215 = arith.subi %add3A_214, %sub3A : i32
          %dma_wait3A_216 = arith.constant 1 : i32
          %dma_wait3A_217 = arith.constant 0 : i32
          %dma_wait3A_218 = tpu.memref_slice %arg6[%dma_wait3A_216, %dma_wait3A_217] : memref<2x128xi32, #tpu.memory_space<vmem>> -> memref<1x128xi32, #tpu.memory_space<vmem>>
          %dma_wait3A_219 = tpu.memref_squeeze %dma_wait3A_218 : memref<1x128xi32, #tpu.memory_space<vmem>> -> memref<128xi32, #tpu.memory_space<vmem>>
          %dma_wait3A_220 = arith.constant 0 : i32
          %dma_wait3A_221 = arith.constant 0 : i32
          %dma_wait3A_222 = tpu.memref_slice %arg12[%dma_wait3A_220, %dma_wait3A_221] : memref<10240x128xf32, #tpu.memory_space<vmem_shared>> -> memref<10240x128xf32, #tpu.memory_space<vmem_shared>>
          tpu.wait_indirect_dma semaphore(%arg19 : memref<!tpu.dma_semaphore, #tpu.memory_space<semaphore_mem>>) src(%arg10 : memref<128x128xf32, #tpu.memory_space<vmem>>) dst(%dma_wait3A_222 : memref<10240x128xf32, #tpu.memory_space<vmem_shared>>)
        } else {
        }
        %add3A_204 = arith.constant 1 : i32
        %add3A_205 = arith.addi %add3A_95, %add3A_204 : i32
        %dma_start3A_206 = arith.constant 0 : i32
        %dma_start3A_207 = arith.constant 0 : i32
        %dma_start3A_208 = tpu.memref_slice %arg8[%dma_start3A_206, %dma_start3A_207] : memref<2x128xi32, #tpu.memory_space<vmem>> -> memref<1x128xi32, #tpu.memory_space<vmem>>
        %dma_start3A_209 = tpu.memref_squeeze %dma_start3A_208 : memref<1x128xi32, #tpu.memory_space<vmem>> -> memref<128xi32, #tpu.memory_space<vmem>>
        %dma_start3A_210 = arith.constant 0 : i32
        %dma_start3A_211 = arith.constant 0 : i32
        %dma_start3A_212 = tpu.memref_slice %arg2[%dma_start3A_210, %dma_start3A_211] : memref<10240x128xf32, #tpu.memory_space<hbm>> -> memref<10240x128xf32, #tpu.memory_space<hbm>>
        tpu.enqueue_indirect_dma source(%dma_start3A_212 : memref<10240x128xf32, #tpu.memory_space<hbm>>) target(%arg10 : memref<128x128xf32, #tpu.memory_space<vmem>>) offsets(%dma_start3A_209 : memref<128xi32, #tpu.memory_space<vmem>>) semaphore(%arg17 : memref<!tpu.dma_semaphore, #tpu.memory_space<semaphore_mem>>)
      } else {
      }
      %mul3A_124 = arith.constant 4 : i32
      %mul3A_125 = arith.muli %add3A_62, %mul3A_124 : i32
      %add3A_126 = arith.constant 2 : i32
      %add3A_127 = arith.addi %mul3A_125, %add3A_126 : i32
      %dma_wait3A_128 = arith.constant 0 : i32
      %dma_wait3A_129 = arith.constant 0 : i32
      %dma_wait3A_130 = tpu.memref_slice %arg8[%dma_wait3A_128, %dma_wait3A_129] : memref<2x128xi32, #tpu.memory_space<vmem>> -> memref<1x128xi32, #tpu.memory_space<vmem>>
      %dma_wait3A_131 = tpu.memref_squeeze %dma_wait3A_130 : memref<1x128xi32, #tpu.memory_space<vmem>> -> memref<128xi32, #tpu.memory_space<vmem>>
      %dma_wait3A_132 = arith.constant 0 : i32
      %dma_wait3A_133 = arith.constant 0 : i32
      %dma_wait3A_134 = tpu.memref_slice %arg2[%dma_wait3A_132, %dma_wait3A_133] : memref<10240x128xf32, #tpu.memory_space<hbm>> -> memref<10240x128xf32, #tpu.memory_space<hbm>>
      tpu.wait_indirect_dma semaphore(%arg17 : memref<!tpu.dma_semaphore, #tpu.memory_space<semaphore_mem>>) src(%dma_wait3A_134 : memref<10240x128xf32, #tpu.memory_space<hbm>>) dst(%arg10 : memref<128x128xf32, #tpu.memory_space<vmem>>)
      %dma_start3A_135 = arith.constant 1 : i32
      %dma_start3A_136 = arith.constant 0 : i32
      %dma_start3A_137 = tpu.memref_slice %arg8[%dma_start3A_135, %dma_start3A_136] : memref<2x128xi32, #tpu.memory_space<vmem>> -> memref<1x128xi32, #tpu.memory_space<vmem>>
      %dma_start3A_138 = tpu.memref_squeeze %dma_start3A_137 : memref<1x128xi32, #tpu.memory_space<vmem>> -> memref<128xi32, #tpu.memory_space<vmem>>
      %dma_start3A_139 = arith.constant 0 : i32
      %dma_start3A_140 = arith.constant 0 : i32
      %dma_start3A_141 = tpu.memref_slice %arg12[%dma_start3A_139, %dma_start3A_140] : memref<10240x128xf32, #tpu.memory_space<vmem_shared>> -> memref<10240x128xf32, #tpu.memory_space<vmem_shared>>
      tpu.enqueue_indirect_dma source(%arg10 : memref<128x128xf32, #tpu.memory_space<vmem>>) target(%dma_start3A_141 : memref<10240x128xf32, #tpu.memory_space<vmem_shared>>) offsets(%dma_start3A_138 : memref<128xi32, #tpu.memory_space<vmem>>) semaphore(%arg19 : memref<!tpu.dma_semaphore, #tpu.memory_space<semaphore_mem>>) {add = true}
      %add3A_142 = arith.constant 2 : i32
      %add3A_143 = arith.addi %add3A_127, %add3A_142 : i32
      %lt3A_144 = arith.constant 80 : i32
      %lt3A_145 = arith.cmpi slt, %add3A_143, %lt3A_144 : i32
      %convert_element_type3A_146 = arith.extui %lt3A_145 : i1 to i32
      %cond3A_147 = arith.constant 0 : i32
      %cond3A_148 = arith.cmpi ne, %convert_element_type3A_146, %cond3A_147 : i32
      scf.if %cond3A_148 {
        %add3A_188 = arith.constant 2 : i32
        %add3A_189 = arith.addi %add3A_127, %add3A_188 : i32
        %dma_start3A_190 = arith.constant 0 : i32
        %dma_start3A_191 = arith.constant 0 : i32
        %dma_start3A_192 = tpu.memref_slice %arg3[%add3A, %add3A_189, %dma_start3A_190, %dma_start3A_191] : memref<32x80x2x128xi32, #tpu.memory_space<hbm>> -> memref<1x1x2x128xi32, #tpu.memory_space<hbm>>
        %dma_start3A_193 = tpu.memref_squeeze %dma_start3A_192 : memref<1x1x2x128xi32, #tpu.memory_space<hbm>> -> memref<2x128xi32, #tpu.memory_space<hbm>>
        %dma_start3A_194 = arith.constant 0 : i32
        %dma_start3A_195 = arith.constant 0 : i32
        %dma_start3A_196 = tpu.memref_slice %arg3[%add3A, %add3A_189, %dma_start3A_194, %dma_start3A_195] : memref<32x80x2x128xi32, #tpu.memory_space<hbm>> -> memref<1x1x2x128xi32, #tpu.memory_space<hbm>>
        %dma_start3A_197 = tpu.memref_squeeze %dma_start3A_196 : memref<1x1x2x128xi32, #tpu.memory_space<hbm>> -> memref<2x128xi32, #tpu.memory_space<hbm>>
        tpu.enqueue_dma source(%dma_start3A_197 : memref<2x128xi32, #tpu.memory_space<hbm>>) target(%arg6 : memref<2x128xi32, #tpu.memory_space<vmem>>) target_semaphore(%arg13 : memref<!tpu.dma_semaphore, #tpu.memory_space<semaphore_mem>>)
      } else {
      }
      %add3A_149 = arith.constant 1 : i32
      %add3A_150 = arith.addi %add3A_127, %add3A_149 : i32
      %lt3A_151 = arith.constant 80 : i32
      %lt3A_152 = arith.cmpi slt, %add3A_150, %lt3A_151 : i32
      %convert_element_type3A_153 = arith.extui %lt3A_152 : i1 to i32
      %cond3A_154 = arith.constant 0 : i32
      %cond3A_155 = arith.cmpi ne, %convert_element_type3A_153, %cond3A_154 : i32
      scf.if %cond3A_155 {
        %add3A_188 = arith.constant 1 : i32
        %add3A_189 = arith.addi %add3A_127, %add3A_188 : i32
        %dma_wait3A_190 = arith.constant 0 : i32
        %dma_wait3A_191 = arith.constant 0 : i32
        %dma_wait3A_192 = tpu.memref_slice %arg3[%add3A, %add3A_189, %dma_wait3A_190, %dma_wait3A_191] : memref<32x80x2x128xi32, #tpu.memory_space<hbm>> -> memref<1x1x2x128xi32, #tpu.memory_space<hbm>>
        %dma_wait3A_193 = tpu.memref_squeeze %dma_wait3A_192 : memref<1x1x2x128xi32, #tpu.memory_space<hbm>> -> memref<2x128xi32, #tpu.memory_space<hbm>>
        %dma_wait3A_194 = arith.constant 0 : i32
        %dma_wait3A_195 = arith.constant 0 : i32
        %dma_wait3A_196 = tpu.memref_slice %arg3[%add3A, %add3A_189, %dma_wait3A_194, %dma_wait3A_195] : memref<32x80x2x128xi32, #tpu.memory_space<hbm>> -> memref<1x1x2x128xi32, #tpu.memory_space<hbm>>
        %dma_wait3A_197 = tpu.memref_squeeze %dma_wait3A_196 : memref<1x1x2x128xi32, #tpu.memory_space<hbm>> -> memref<2x128xi32, #tpu.memory_space<hbm>>
        tpu.wait_dma2 semaphore(%arg16 : memref<!tpu.dma_semaphore, #tpu.memory_space<semaphore_mem>>) src(%dma_wait3A_197 : memref<2x128xi32, #tpu.memory_space<hbm>>) dst(%arg9 : memref<2x128xi32, #tpu.memory_space<vmem>>)
        %add3A_198 = arith.constant 1 : i32
        %add3A_199 = arith.addi %add3A_127, %add3A_198 : i32
        %ge3A = arith.constant 2 : i32
        %ge3A_200 = arith.cmpi sge, %add3A_199, %ge3A : i32
        %convert_element_type3A_201 = arith.extui %ge3A_200 : i1 to i32
        %cond3A_202 = arith.constant 0 : i32
        %cond3A_203 = arith.cmpi ne, %convert_element_type3A_201, %cond3A_202 : i32
        scf.if %cond3A_203 {
          %add3A_213 = arith.constant 1 : i32
          %add3A_214 = arith.addi %add3A_127, %add3A_213 : i32
          %sub3A = arith.constant 2 : i32
          %sub3A_215 = arith.subi %add3A_214, %sub3A : i32
          %dma_wait3A_216 = arith.constant 1 : i32
          %dma_wait3A_217 = arith.constant 0 : i32
          %dma_wait3A_218 = tpu.memref_slice %arg7[%dma_wait3A_216, %dma_wait3A_217] : memref<2x128xi32, #tpu.memory_space<vmem>> -> memref<1x128xi32, #tpu.memory_space<vmem>>
          %dma_wait3A_219 = tpu.memref_squeeze %dma_wait3A_218 : memref<1x128xi32, #tpu.memory_space<vmem>> -> memref<128xi32, #tpu.memory_space<vmem>>
          %dma_wait3A_220 = arith.constant 0 : i32
          %dma_wait3A_221 = arith.constant 0 : i32
          %dma_wait3A_222 = tpu.memref_slice %arg12[%dma_wait3A_220, %dma_wait3A_221] : memref<10240x128xf32, #tpu.memory_space<vmem_shared>> -> memref<10240x128xf32, #tpu.memory_space<vmem_shared>>
          tpu.wait_indirect_dma semaphore(%arg20 : memref<!tpu.dma_semaphore, #tpu.memory_space<semaphore_mem>>) src(%arg11 : memref<128x128xf32, #tpu.memory_space<vmem>>) dst(%dma_wait3A_222 : memref<10240x128xf32, #tpu.memory_space<vmem_shared>>)
        } else {
        }
        %add3A_204 = arith.constant 1 : i32
        %add3A_205 = arith.addi %add3A_127, %add3A_204 : i32
        %dma_start3A_206 = arith.constant 0 : i32
        %dma_start3A_207 = arith.constant 0 : i32
        %dma_start3A_208 = tpu.memref_slice %arg9[%dma_start3A_206, %dma_start3A_207] : memref<2x128xi32, #tpu.memory_space<vmem>> -> memref<1x128xi32, #tpu.memory_space<vmem>>
        %dma_start3A_209 = tpu.memref_squeeze %dma_start3A_208 : memref<1x128xi32, #tpu.memory_space<vmem>> -> memref<128xi32, #tpu.memory_space<vmem>>
        %dma_start3A_210 = arith.constant 0 : i32
        %dma_start3A_211 = arith.constant 0 : i32
        %dma_start3A_212 = tpu.memref_slice %arg2[%dma_start3A_210, %dma_start3A_211] : memref<10240x128xf32, #tpu.memory_space<hbm>> -> memref<10240x128xf32, #tpu.memory_space<hbm>>
        tpu.enqueue_indirect_dma source(%dma_start3A_212 : memref<10240x128xf32, #tpu.memory_space<hbm>>) target(%arg11 : memref<128x128xf32, #tpu.memory_space<vmem>>) offsets(%dma_start3A_209 : memref<128xi32, #tpu.memory_space<vmem>>) semaphore(%arg18 : memref<!tpu.dma_semaphore, #tpu.memory_space<semaphore_mem>>)
      } else {
      }
      %mul3A_156 = arith.constant 4 : i32
      %mul3A_157 = arith.muli %add3A_62, %mul3A_156 : i32
      %add3A_158 = arith.constant 3 : i32
      %add3A_159 = arith.addi %mul3A_157, %add3A_158 : i32
      %dma_wait3A_160 = arith.constant 0 : i32
      %dma_wait3A_161 = arith.constant 0 : i32
      %dma_wait3A_162 = tpu.memref_slice %arg9[%dma_wait3A_160, %dma_wait3A_161] : memref<2x128xi32, #tpu.memory_space<vmem>> -> memref<1x128xi32, #tpu.memory_space<vmem>>
      %dma_wait3A_163 = tpu.memref_squeeze %dma_wait3A_162 : memref<1x128xi32, #tpu.memory_space<vmem>> -> memref<128xi32, #tpu.memory_space<vmem>>
      %dma_wait3A_164 = arith.constant 0 : i32
      %dma_wait3A_165 = arith.constant 0 : i32
      %dma_wait3A_166 = tpu.memref_slice %arg2[%dma_wait3A_164, %dma_wait3A_165] : memref<10240x128xf32, #tpu.memory_space<hbm>> -> memref<10240x128xf32, #tpu.memory_space<hbm>>
      tpu.wait_indirect_dma semaphore(%arg18 : memref<!tpu.dma_semaphore, #tpu.memory_space<semaphore_mem>>) src(%dma_wait3A_166 : memref<10240x128xf32, #tpu.memory_space<hbm>>) dst(%arg11 : memref<128x128xf32, #tpu.memory_space<vmem>>)
      %dma_start3A_167 = arith.constant 1 : i32
      %dma_start3A_168 = arith.constant 0 : i32
      %dma_start3A_169 = tpu.memref_slice %arg9[%dma_start3A_167, %dma_start3A_168] : memref<2x128xi32, #tpu.memory_space<vmem>> -> memref<1x128xi32, #tpu.memory_space<vmem>>
      %dma_start3A_170 = tpu.memref_squeeze %dma_start3A_169 : memref<1x128xi32, #tpu.memory_space<vmem>> -> memref<128xi32, #tpu.memory_space<vmem>>
      %dma_start3A_171 = arith.constant 0 : i32
      %dma_start3A_172 = arith.constant 0 : i32
      %dma_start3A_173 = tpu.memref_slice %arg12[%dma_start3A_171, %dma_start3A_172] : memref<10240x128xf32, #tpu.memory_space<vmem_shared>> -> memref<10240x128xf32, #tpu.memory_space<vmem_shared>>
      tpu.enqueue_indirect_dma source(%arg11 : memref<128x128xf32, #tpu.memory_space<vmem>>) target(%dma_start3A_173 : memref<10240x128xf32, #tpu.memory_space<vmem_shared>>) offsets(%dma_start3A_170 : memref<128xi32, #tpu.memory_space<vmem>>) semaphore(%arg20 : memref<!tpu.dma_semaphore, #tpu.memory_space<semaphore_mem>>) {add = true}
      %add3A_174 = arith.constant 2 : i32
      %add3A_175 = arith.addi %add3A_159, %add3A_174 : i32
      %lt3A_176 = arith.constant 80 : i32
      %lt3A_177 = arith.cmpi slt, %add3A_175, %lt3A_176 : i32
      %convert_element_type3A_178 = arith.extui %lt3A_177 : i1 to i32
      %cond3A_179 = arith.constant 0 : i32
      %cond3A_180 = arith.cmpi ne, %convert_element_type3A_178, %cond3A_179 : i32
      scf.if %cond3A_180 {
        %add3A_188 = arith.constant 2 : i32
        %add3A_189 = arith.addi %add3A_159, %add3A_188 : i32
        %dma_start3A_190 = arith.constant 0 : i32
        %dma_start3A_191 = arith.constant 0 : i32
        %dma_start3A_192 = tpu.memref_slice %arg3[%add3A, %add3A_189, %dma_start3A_190, %dma_start3A_191] : memref<32x80x2x128xi32, #tpu.memory_space<hbm>> -> memref<1x1x2x128xi32, #tpu.memory_space<hbm>>
        %dma_start3A_193 = tpu.memref_squeeze %dma_start3A_192 : memref<1x1x2x128xi32, #tpu.memory_space<hbm>> -> memref<2x128xi32, #tpu.memory_space<hbm>>
        %dma_start3A_194 = arith.constant 0 : i32
        %dma_start3A_195 = arith.constant 0 : i32
        %dma_start3A_196 = tpu.memref_slice %arg3[%add3A, %add3A_189, %dma_start3A_194, %dma_start3A_195] : memref<32x80x2x128xi32, #tpu.memory_space<hbm>> -> memref<1x1x2x128xi32, #tpu.memory_space<hbm>>
        %dma_start3A_197 = tpu.memref_squeeze %dma_start3A_196 : memref<1x1x2x128xi32, #tpu.memory_space<hbm>> -> memref<2x128xi32, #tpu.memory_space<hbm>>
        tpu.enqueue_dma source(%dma_start3A_197 : memref<2x128xi32, #tpu.memory_space<hbm>>) target(%arg7 : memref<2x128xi32, #tpu.memory_space<vmem>>) target_semaphore(%arg14 : memref<!tpu.dma_semaphore, #tpu.memory_space<semaphore_mem>>)
      } else {
      }
      %add3A_181 = arith.constant 1 : i32
      %add3A_182 = arith.addi %add3A_159, %add3A_181 : i32
      %lt3A_183 = arith.constant 80 : i32
      %lt3A_184 = arith.cmpi slt, %add3A_182, %lt3A_183 : i32
      %convert_element_type3A_185 = arith.extui %lt3A_184 : i1 to i32
      %cond3A_186 = arith.constant 0 : i32
      %cond3A_187 = arith.cmpi ne, %convert_element_type3A_185, %cond3A_186 : i32
      scf.if %cond3A_187 {
        %add3A_188 = arith.constant 1 : i32
        %add3A_189 = arith.addi %add3A_159, %add3A_188 : i32
        %dma_wait3A_190 = arith.constant 0 : i32
        %dma_wait3A_191 = arith.constant 0 : i32
        %dma_wait3A_192 = tpu.memref_slice %arg3[%add3A, %add3A_189, %dma_wait3A_190, %dma_wait3A_191] : memref<32x80x2x128xi32, #tpu.memory_space<hbm>> -> memref<1x1x2x128xi32, #tpu.memory_space<hbm>>
        %dma_wait3A_193 = tpu.memref_squeeze %dma_wait3A_192 : memref<1x1x2x128xi32, #tpu.memory_space<hbm>> -> memref<2x128xi32, #tpu.memory_space<hbm>>
        %dma_wait3A_194 = arith.constant 0 : i32
        %dma_wait3A_195 = arith.constant 0 : i32
        %dma_wait3A_196 = tpu.memref_slice %arg3[%add3A, %add3A_189, %dma_wait3A_194, %dma_wait3A_195] : memref<32x80x2x128xi32, #tpu.memory_space<hbm>> -> memref<1x1x2x128xi32, #tpu.memory_space<hbm>>
        %dma_wait3A_197 = tpu.memref_squeeze %dma_wait3A_196 : memref<1x1x2x128xi32, #tpu.memory_space<hbm>> -> memref<2x128xi32, #tpu.memory_space<hbm>>
        tpu.wait_dma2 semaphore(%arg13 : memref<!tpu.dma_semaphore, #tpu.memory_space<semaphore_mem>>) src(%dma_wait3A_197 : memref<2x128xi32, #tpu.memory_space<hbm>>) dst(%arg6 : memref<2x128xi32, #tpu.memory_space<vmem>>)
        %add3A_198 = arith.constant 1 : i32
        %add3A_199 = arith.addi %add3A_159, %add3A_198 : i32
        %ge3A = arith.constant 2 : i32
        %ge3A_200 = arith.cmpi sge, %add3A_199, %ge3A : i32
        %convert_element_type3A_201 = arith.extui %ge3A_200 : i1 to i32
        %cond3A_202 = arith.constant 0 : i32
        %cond3A_203 = arith.cmpi ne, %convert_element_type3A_201, %cond3A_202 : i32
        scf.if %cond3A_203 {
          %add3A_213 = arith.constant 1 : i32
          %add3A_214 = arith.addi %add3A_159, %add3A_213 : i32
          %sub3A = arith.constant 2 : i32
          %sub3A_215 = arith.subi %add3A_214, %sub3A : i32
          %dma_wait3A_216 = arith.constant 1 : i32
          %dma_wait3A_217 = arith.constant 0 : i32
          %dma_wait3A_218 = tpu.memref_slice %arg8[%dma_wait3A_216, %dma_wait3A_217] : memref<2x128xi32, #tpu.memory_space<vmem>> -> memref<1x128xi32, #tpu.memory_space<vmem>>
          %dma_wait3A_219 = tpu.memref_squeeze %dma_wait3A_218 : memref<1x128xi32, #tpu.memory_space<vmem>> -> memref<128xi32, #tpu.memory_space<vmem>>
          %dma_wait3A_220 = arith.constant 0 : i32
          %dma_wait3A_221 = arith.constant 0 : i32
          %dma_wait3A_222 = tpu.memref_slice %arg12[%dma_wait3A_220, %dma_wait3A_221] : memref<10240x128xf32, #tpu.memory_space<vmem_shared>> -> memref<10240x128xf32, #tpu.memory_space<vmem_shared>>
          tpu.wait_indirect_dma semaphore(%arg19 : memref<!tpu.dma_semaphore, #tpu.memory_space<semaphore_mem>>) src(%arg10 : memref<128x128xf32, #tpu.memory_space<vmem>>) dst(%dma_wait3A_222 : memref<10240x128xf32, #tpu.memory_space<vmem_shared>>)
        } else {
        }
        %add3A_204 = arith.constant 1 : i32
        %add3A_205 = arith.addi %add3A_159, %add3A_204 : i32
        %dma_start3A_206 = arith.constant 0 : i32
        %dma_start3A_207 = arith.constant 0 : i32
        %dma_start3A_208 = tpu.memref_slice %arg6[%dma_start3A_206, %dma_start3A_207] : memref<2x128xi32, #tpu.memory_space<vmem>> -> memref<1x128xi32, #tpu.memory_space<vmem>>
        %dma_start3A_209 = tpu.memref_squeeze %dma_start3A_208 : memref<1x128xi32, #tpu.memory_space<vmem>> -> memref<128xi32, #tpu.memory_space<vmem>>
        %dma_start3A_210 = arith.constant 0 : i32
        %dma_start3A_211 = arith.constant 0 : i32
        %dma_start3A_212 = tpu.memref_slice %arg2[%dma_start3A_210, %dma_start3A_211] : memref<10240x128xf32, #tpu.memory_space<hbm>> -> memref<10240x128xf32, #tpu.memory_space<hbm>>
        tpu.enqueue_indirect_dma source(%dma_start3A_212 : memref<10240x128xf32, #tpu.memory_space<hbm>>) target(%arg10 : memref<128x128xf32, #tpu.memory_space<vmem>>) offsets(%dma_start3A_209 : memref<128xi32, #tpu.memory_space<vmem>>) semaphore(%arg17 : memref<!tpu.dma_semaphore, #tpu.memory_space<semaphore_mem>>)
      } else {
      }
    }
    %scan3A_38 = arith.constant 20 : i32
    %dma_wait3A_39 = arith.constant 1 : i32
    %dma_wait3A_40 = arith.constant 0 : i32
    %dma_wait3A_41 = tpu.memref_slice %arg8[%dma_wait3A_39, %dma_wait3A_40] : memref<2x128xi32, #tpu.memory_space<vmem>> -> memref<1x128xi32, #tpu.memory_space<vmem>>
    %dma_wait3A_42 = tpu.memref_squeeze %dma_wait3A_41 : memref<1x128xi32, #tpu.memory_space<vmem>> -> memref<128xi32, #tpu.memory_space<vmem>>
    %dma_wait3A_43 = arith.constant 0 : i32
    %dma_wait3A_44 = arith.constant 0 : i32
    %dma_wait3A_45 = tpu.memref_slice %arg12[%dma_wait3A_43, %dma_wait3A_44] : memref<10240x128xf32, #tpu.memory_space<vmem_shared>> -> memref<10240x128xf32, #tpu.memory_space<vmem_shared>>
    tpu.wait_indirect_dma semaphore(%arg19 : memref<!tpu.dma_semaphore, #tpu.memory_space<semaphore_mem>>) src(%arg10 : memref<128x128xf32, #tpu.memory_space<vmem>>) dst(%dma_wait3A_45 : memref<10240x128xf32, #tpu.memory_space<vmem_shared>>)
    %dma_wait3A_46 = arith.constant 1 : i32
    %dma_wait3A_47 = arith.constant 0 : i32
    %dma_wait3A_48 = tpu.memref_slice %arg9[%dma_wait3A_46, %dma_wait3A_47] : memref<2x128xi32, #tpu.memory_space<vmem>> -> memref<1x128xi32, #tpu.memory_space<vmem>>
    %dma_wait3A_49 = tpu.memref_squeeze %dma_wait3A_48 : memref<1x128xi32, #tpu.memory_space<vmem>> -> memref<128xi32, #tpu.memory_space<vmem>>
    %dma_wait3A_50 = arith.constant 0 : i32
    %dma_wait3A_51 = arith.constant 0 : i32
    %dma_wait3A_52 = tpu.memref_slice %arg12[%dma_wait3A_50, %dma_wait3A_51] : memref<10240x128xf32, #tpu.memory_space<vmem_shared>> -> memref<10240x128xf32, #tpu.memory_space<vmem_shared>>
    tpu.wait_indirect_dma semaphore(%arg20 : memref<!tpu.dma_semaphore, #tpu.memory_space<semaphore_mem>>) src(%arg11 : memref<128x128xf32, #tpu.memory_space<vmem>>) dst(%dma_wait3A_52 : memref<10240x128xf32, #tpu.memory_space<vmem_shared>>)
    %barrier3A_53 = arith.constant 0 : index
    tpu.barrier barrier_id(%barrier3A_53)
    %mul3A_54 = arith.constant 640 : i32
    %mul3A_55 = arith.muli %arg1, %mul3A_54 : i32
    %mul3A_56 = arith.constant 640 : i32
    %mul3A_57 = arith.muli %arg1, %mul3A_56 : i32
    "tpu.region"() ({
      %run_scoped3A = tpu.sem_alloc : memref<!tpu.dma_semaphore, #tpu.memory_space<semaphore_mem>>
      %dma_start3A_58 = arith.constant 0 : i32
      %dma_start3A_59 = tpu.memref_slice %arg5[%arg0, %mul3A_57, %dma_start3A_58] : memref<2x10240x128xf32, #tpu.memory_space<hbm>> -> memref<1x640x128xf32, #tpu.memory_space<hbm>>
      %dma_start3A_60 = tpu.memref_squeeze %dma_start3A_59 : memref<1x640x128xf32, #tpu.memory_space<hbm>> -> memref<640x128xf32, #tpu.memory_space<hbm>>
      %dma_start3A_61 = arith.constant 0 : i32
      %dma_start3A_62 = tpu.memref_slice %arg12[%mul3A_55, %dma_start3A_61] : memref<10240x128xf32, #tpu.memory_space<vmem_shared>> -> memref<640x128xf32, #tpu.memory_space<vmem_shared>>
      tpu.enqueue_dma source(%dma_start3A_62 : memref<640x128xf32, #tpu.memory_space<vmem_shared>>) target(%dma_start3A_60 : memref<640x128xf32, #tpu.memory_space<hbm>>) target_semaphore(%run_scoped3A : memref<!tpu.dma_semaphore, #tpu.memory_space<semaphore_mem>>)
      %dma_wait3A_63 = arith.constant 0 : i32
      %dma_wait3A_64 = tpu.memref_slice %arg5[%arg0, %mul3A_57, %dma_wait3A_63] : memref<2x10240x128xf32, #tpu.memory_space<hbm>> -> memref<1x640x128xf32, #tpu.memory_space<hbm>>
      %dma_wait3A_65 = tpu.memref_squeeze %dma_wait3A_64 : memref<1x640x128xf32, #tpu.memory_space<hbm>> -> memref<640x128xf32, #tpu.memory_space<hbm>>
      %dma_wait3A_66 = arith.constant 0 : i32
      %dma_wait3A_67 = tpu.memref_slice %arg12[%mul3A_55, %dma_wait3A_66] : memref<10240x128xf32, #tpu.memory_space<vmem_shared>> -> memref<640x128xf32, #tpu.memory_space<vmem_shared>>
      tpu.wait_dma2 semaphore(%run_scoped3A : memref<!tpu.dma_semaphore, #tpu.memory_space<semaphore_mem>>) src(%dma_wait3A_67 : memref<640x128xf32, #tpu.memory_space<vmem_shared>>) dst(%dma_wait3A_65 : memref<640x128xf32, #tpu.memory_space<hbm>>)
      tpu.yield
    }) : () -> ()
    return
  }
}

#map = affine_map<(d0, d1) -> (0, 0)>
#map1 = affine_map<(d0, d1) -> (0, 0, 0, 0)>
#map2 = affine_map<(d0, d1) -> (0, 0, 0)>
module attributes {stable_mosaic.version = 14 : i64} {
  func.func @k(%arg0: i32, %arg1: i32, %arg2: memref<10240x128xf32, #tpu.memory_space<hbm>>, %arg3: memref<32x80x2x128xi32, #tpu.memory_space<hbm>>, %arg4: memref<640x128xf32, #tpu.memory_space<hbm>>, %arg5: memref<2x10240x128xf32, #tpu.memory_space<hbm>>, %arg6: memref<2x128xi32, #tpu.memory_space<vmem>>, %arg7: memref<2x128xi32, #tpu.memory_space<vmem>>, %arg8: memref<2x128xi32, #tpu.memory_space<vmem>>, %arg9: memref<2x128xi32, #tpu.memory_space<vmem>>, %arg10: memref<128x128xf32, #tpu.memory_space<vmem>>, %arg11: memref<128x128xf32, #tpu.memory_space<vmem>>, %arg12: memref<10240x128xf32, #tpu.memory_space<vmem_shared>>, %arg13: memref<!tpu.dma_semaphore, #tpu.memory_space<semaphore_mem>>, %arg14: memref<!tpu.dma_semaphore, #tpu.memory_space<semaphore_mem>>, %arg15: memref<!tpu.dma_semaphore, #tpu.memory_space<semaphore_mem>>, %arg16: memref<!tpu.dma_semaphore, #tpu.memory_space<semaphore_mem>>, %arg17: memref<!tpu.dma_semaphore, #tpu.memory_space<semaphore_mem>>, %arg18: memref<!tpu.dma_semaphore, #tpu.memory_space<semaphore_mem>>, %arg19: memref<!tpu.dma_semaphore, #tpu.memory_space<semaphore_mem>>, %arg20: memref<!tpu.dma_semaphore, #tpu.memory_space<semaphore_mem>>) attributes {dimension_semantics = [#tpu.dimension_semantics<core_parallel>, #tpu.dimension_semantics<subcore_parallel>], iteration_bounds = array<i64: 2, 16>, scalar_prefetch = 0 : i64, scratch_operands = 15 : i64, tpu.core_type = #tpu.core_type<sc_vector_subcore>, window_params = [{transform_indices = #map}, {transform_indices = #map1}, {transform_indices = #map}, {transform_indices = #map2}]} {
    %mul3A = arith.constant 16 : i32
    %mul3A_0 = arith.muli %arg0, %mul3A : i32
    %add3A = arith.addi %mul3A_0, %arg1 : i32
    %dma_start3A = arith.constant 0 : i32
    %dma_start3A_1 = arith.constant 0 : i32
    %dma_start3A_2 = arith.constant 0 : i32
    %dma_start3A_3 = tpu.memref_slice %arg3[%add3A, %dma_start3A, %dma_start3A_1, %dma_start3A_2] : memref<32x80x2x128xi32, #tpu.memory_space<hbm>> -> memref<1x1x2x128xi32, #tpu.memory_space<hbm>>
    %dma_start3A_4 = tpu.memref_squeeze %dma_start3A_3 : memref<1x1x2x128xi32, #tpu.memory_space<hbm>> -> memref<2x128xi32, #tpu.memory_space<hbm>>
    %dma_start3A_5 = arith.constant 0 : i32
    %dma_start3A_6 = arith.constant 0 : i32
    %dma_start3A_7 = tpu.memref_slice %arg3[%add3A, %dma_start3A, %dma_start3A_5, %dma_start3A_6] : memref<32x80x2x128xi32, #tpu.memory_space<hbm>> -> memref<1x1x2x128xi32, #tpu.memory_space<hbm>>
    %dma_start3A_8 = tpu.memref_squeeze %dma_start3A_7 : memref<1x1x2x128xi32, #tpu.memory_space<hbm>> -> memref<2x128xi32, #tpu.memory_space<hbm>>
    tpu.enqueue_dma source(%dma_start3A_8 : memref<2x128xi32, #tpu.memory_space<hbm>>) target(%arg6 : memref<2x128xi32, #tpu.memory_space<vmem>>) target_semaphore(%arg13 : memref<!tpu.dma_semaphore, #tpu.memory_space<semaphore_mem>>)
    %dma_start3A_9 = arith.constant 1 : i32
    %dma_start3A_10 = arith.constant 0 : i32
    %dma_start3A_11 = arith.constant 0 : i32
    %dma_start3A_12 = tpu.memref_slice %arg3[%add3A, %dma_start3A_9, %dma_start3A_10, %dma_start3A_11] : memref<32x80x2x128xi32, #tpu.memory_space<hbm>> -> memref<1x1x2x128xi32, #tpu.memory_space<hbm>>
    %dma_start3A_13 = tpu.memref_squeeze %dma_start3A_12 : memref<1x1x2x128xi32, #tpu.memory_space<hbm>> -> memref<2x128xi32, #tpu.memory_space<hbm>>
    %dma_start3A_14 = arith.constant 0 : i32
    %dma_start3A_15 = arith.constant 0 : i32
    %dma_start3A_16 = tpu.memref_slice %arg3[%add3A, %dma_start3A_9, %dma_start3A_14, %dma_start3A_15] : memref<32x80x2x128xi32, #tpu.memory_space<hbm>> -> memref<1x1x2x128xi32, #tpu.memory_space<hbm>>
    %dma_start3A_17 = tpu.memref_squeeze %dma_start3A_16 : memref<1x1x2x128xi32, #tpu.memory_space<hbm>> -> memref<2x128xi32, #tpu.memory_space<hbm>>
    tpu.enqueue_dma source(%dma_start3A_17 : memref<2x128xi32, #tpu.memory_space<hbm>>) target(%arg7 : memref<2x128xi32, #tpu.memory_space<vmem>>) target_semaphore(%arg14 : memref<!tpu.dma_semaphore, #tpu.memory_space<semaphore_mem>>)
    %dma_wait3A = arith.constant 0 : i32
    %dma_wait3A_18 = arith.constant 0 : i32
    %dma_wait3A_19 = arith.constant 0 : i32
    %dma_wait3A_20 = tpu.memref_slice %arg3[%add3A, %dma_wait3A, %dma_wait3A_18, %dma_wait3A_19] : memref<32x80x2x128xi32, #tpu.memory_space<hbm>> -> memref<1x1x2x128xi32, #tpu.memory_space<hbm>>
    %dma_wait3A_21 = tpu.memref_squeeze %dma_wait3A_20 : memref<1x1x2x128xi32, #tpu.memory_space<hbm>> -> memref<2x128xi32, #tpu.memory_space<hbm>>
    %dma_wait3A_22 = arith.constant 0 : i32
    %dma_wait3A_23 = arith.constant 0 : i32
    %dma_wait3A_24 = tpu.memref_slice %arg3[%add3A, %dma_wait3A, %dma_wait3A_22, %dma_wait3A_23] : memref<32x80x2x128xi32, #tpu.memory_space<hbm>> -> memref<1x1x2x128xi32, #tpu.memory_space<hbm>>
    %dma_wait3A_25 = tpu.memref_squeeze %dma_wait3A_24 : memref<1x1x2x128xi32, #tpu.memory_space<hbm>> -> memref<2x128xi32, #tpu.memory_space<hbm>>
    tpu.wait_dma2 semaphore(%arg13 : memref<!tpu.dma_semaphore, #tpu.memory_space<semaphore_mem>>) src(%dma_wait3A_25 : memref<2x128xi32, #tpu.memory_space<hbm>>) dst(%arg6 : memref<2x128xi32, #tpu.memory_space<vmem>>)
    %dma_start3A_26 = arith.constant 0 : i32
    %dma_start3A_27 = arith.constant 0 : i32
    %dma_start3A_28 = tpu.memref_slice %arg6[%dma_start3A_26, %dma_start3A_27] : memref<2x128xi32, #tpu.memory_space<vmem>> -> memref<1x128xi32, #tpu.memory_space<vmem>>
    %dma_start3A_29 = tpu.memref_squeeze %dma_start3A_28 : memref<1x128xi32, #tpu.memory_space<vmem>> -> memref<128xi32, #tpu.memory_space<vmem>>
    %dma_start3A_30 = arith.constant 0 : i32
    %dma_start3A_31 = arith.constant 0 : i32
    %dma_start3A_32 = tpu.memref_slice %arg2[%dma_start3A_30, %dma_start3A_31] : memref<10240x128xf32, #tpu.memory_space<hbm>> -> memref<10240x128xf32, #tpu.memory_space<hbm>>
    tpu.enqueue_indirect_dma source(%dma_start3A_32 : memref<10240x128xf32, #tpu.memory_space<hbm>>) target(%arg10 : memref<128x128xf32, #tpu.memory_space<vmem>>) offsets(%dma_start3A_29 : memref<128xi32, #tpu.memory_space<vmem>>) semaphore(%arg17 : memref<!tpu.dma_semaphore, #tpu.memory_space<semaphore_mem>>)
    %mul3A_33 = arith.constant 640 : i32
    %mul3A_34 = arith.muli %arg1, %mul3A_33 : i32
    "tpu.region"() ({
      %run_scoped3A = tpu.sem_alloc : memref<!tpu.dma_semaphore, #tpu.memory_space<semaphore_mem>>
      %dma_start3A_58 = arith.constant 0 : i32
      %dma_start3A_59 = tpu.memref_slice %arg12[%mul3A_34, %dma_start3A_58] : memref<10240x128xf32, #tpu.memory_space<vmem_shared>> -> memref<640x128xf32, #tpu.memory_space<vmem_shared>>
      tpu.enqueue_dma source(%arg4 : memref<640x128xf32, #tpu.memory_space<hbm>>) target(%dma_start3A_59 : memref<640x128xf32, #tpu.memory_space<vmem_shared>>) target_semaphore(%run_scoped3A : memref<!tpu.dma_semaphore, #tpu.memory_space<semaphore_mem>>)
      %dma_wait3A_60 = arith.constant 0 : i32
      %dma_wait3A_61 = tpu.memref_slice %arg12[%mul3A_34, %dma_wait3A_60] : memref<10240x128xf32, #tpu.memory_space<vmem_shared>> -> memref<640x128xf32, #tpu.memory_space<vmem_shared>>
      tpu.wait_dma2 semaphore(%run_scoped3A : memref<!tpu.dma_semaphore, #tpu.memory_space<semaphore_mem>>) src(%arg4 : memref<640x128xf32, #tpu.memory_space<hbm>>) dst(%dma_wait3A_61 : memref<640x128xf32, #tpu.memory_space<vmem_shared>>)
      tpu.yield
    }) : () -> ()
    %barrier3A = arith.constant 0 : index
    tpu.barrier barrier_id(%barrier3A)
    %scan3A = arith.constant 0 : i32
    %scan3A_35 = arith.constant 20 : i32
    %scan3A_36 = arith.addi %scan3A, %scan3A_35 : i32
    %scan3A_37 = arith.constant 1 : i32
    scf.for %scan3A_58 = %scan3A to %scan3A_36 step %scan3A_37  : i32 {
      %mul3A_59 = arith.constant 1 : i32
      %mul3A_60 = arith.muli %scan3A_58, %mul3A_59 : i32
      %add3A_61 = arith.constant 0 : i32
      %add3A_62 = arith.addi %add3A_61, %mul3A_60 : i32
      %mul3A_63 = arith.constant 4 : i32
      %mul3A_64 = arith.muli %add3A_62, %mul3A_63 : i32
      %add3A_65 = arith.constant 0 : i32
      %add3A_66 = arith.addi %mul3A_64, %add3A_65 : i32
      %dma_wait3A_67 = arith.constant 0 : i32
      %dma_wait3A_68 = arith.constant 0 : i32
      %dma_wait3A_69 = tpu.memref_slice %arg6[%dma_wait3A_67, %dma_wait3A_68] : memref<2x128xi32, #tpu.memory_space<vmem>> -> memref<1x128xi32, #tpu.memory_space<vmem>>
      %dma_wait3A_70 = tpu.memref_squeeze %dma_wait3A_69 : memref<1x128xi32, #tpu.memory_space<vmem>> -> memref<128xi32, #tpu.memory_space<vmem>>
      %dma_wait3A_71 = arith.constant 0 : i32
      %dma_wait3A_72 = arith.constant 0 : i32
      %dma_wait3A_73 = tpu.memref_slice %arg2[%dma_wait3A_71, %dma_wait3A_72] : memref<10240x128xf32, #tpu.memory_space<hbm>> -> memref<10240x128xf32, #tpu.memory_space<hbm>>
      tpu.wait_indirect_dma semaphore(%arg17 : memref<!tpu.dma_semaphore, #tpu.memory_space<semaphore_mem>>) src(%dma_wait3A_73 : memref<10240x128xf32, #tpu.memory_space<hbm>>) dst(%arg10 : memref<128x128xf32, #tpu.memory_space<vmem>>)
      %dma_start3A_74 = arith.constant 1 : i32
      %dma_start3A_75 = arith.constant 0 : i32
      %dma_start3A_76 = tpu.memref_slice %arg6[%dma_start3A_74, %dma_start3A_75] : memref<2x128xi32, #tpu.memory_space<vmem>> -> memref<1x128xi32, #tpu.memory_space<vmem>>
      %dma_start3A_77 = tpu.memref_squeeze %dma_start3A_76 : memref<1x128xi32, #tpu.memory_space<vmem>> -> memref<128xi32, #tpu.memory_space<vmem>>
      %dma_start3A_78 = arith.constant 0 : i32
      %dma_start3A_79 = arith.constant 0 : i32
      %dma_start3A_80 = tpu.memref_slice %arg12[%dma_start3A_78, %dma_start3A_79] : memref<10240x128xf32, #tpu.memory_space<vmem_shared>> -> memref<10240x128xf32, #tpu.memory_space<vmem_shared>>
      tpu.enqueue_indirect_dma source(%arg10 : memref<128x128xf32, #tpu.memory_space<vmem>>) target(%dma_start3A_80 : memref<10240x128xf32, #tpu.memory_space<vmem_shared>>) offsets(%dma_start3A_77 : memref<128xi32, #tpu.memory_space<vmem>>) semaphore(%arg19 : memref<!tpu.dma_semaphore, #tpu.memory_space<semaphore_mem>>) {add = true}
      %add3A_81 = arith.constant 2 : i32
      %add3A_82 = arith.addi %add3A_66, %add3A_81 : i32
      %lt3A = arith.constant 80 : i32
      %lt3A_83 = arith.cmpi slt, %add3A_82, %lt3A : i32
      %convert_element_type3A = arith.extui %lt3A_83 : i1 to i32
      %cond3A = arith.constant 0 : i32
      %cond3A_84 = arith.cmpi ne, %convert_element_type3A, %cond3A : i32
      scf.if %cond3A_84 {
        %add3A_188 = arith.constant 2 : i32
        %add3A_189 = arith.addi %add3A_66, %add3A_188 : i32
        %dma_start3A_190 = arith.constant 0 : i32
        %dma_start3A_191 = arith.constant 0 : i32
        %dma_start3A_192 = tpu.memref_slice %arg3[%add3A, %add3A_189, %dma_start3A_190, %dma_start3A_191] : memref<32x80x2x128xi32, #tpu.memory_space<hbm>> -> memref<1x1x2x128xi32, #tpu.memory_space<hbm>>
        %dma_start3A_193 = tpu.memref_squeeze %dma_start3A_192 : memref<1x1x2x128xi32, #tpu.memory_space<hbm>> -> memref<2x128xi32, #tpu.memory_space<hbm>>
        %dma_start3A_194 = arith.constant 0 : i32
        %dma_start3A_195 = arith.constant 0 : i32
        %dma_start3A_196 = tpu.memref_slice %arg3[%add3A, %add3A_189, %dma_start3A_194, %dma_start3A_195] : memref<32x80x2x128xi32, #tpu.memory_space<hbm>> -> memref<1x1x2x128xi32, #tpu.memory_space<hbm>>
        %dma_start3A_197 = tpu.memref_squeeze %dma_start3A_196 : memref<1x1x2x128xi32, #tpu.memory_space<hbm>> -> memref<2x128xi32, #tpu.memory_space<hbm>>
        tpu.enqueue_dma source(%dma_start3A_197 : memref<2x128xi32, #tpu.memory_space<hbm>>) target(%arg8 : memref<2x128xi32, #tpu.memory_space<vmem>>) target_semaphore(%arg15 : memref<!tpu.dma_semaphore, #tpu.memory_space<semaphore_mem>>)
      } else {
      }
      %add3A_85 = arith.constant 1 : i32
      %add3A_86 = arith.addi %add3A_66, %add3A_85 : i32
      %lt3A_87 = arith.constant 80 : i32
      %lt3A_88 = arith.cmpi slt, %add3A_86, %lt3A_87 : i32
      %convert_element_type3A_89 = arith.extui %lt3A_88 : i1 to i32
      %cond3A_90 = arith.constant 0 : i32
      %cond3A_91 = arith.cmpi ne, %convert_element_type3A_89, %cond3A_90 : i32
      scf.if %cond3A_91 {
        %add3A_188 = arith.constant 1 : i32
        %add3A_189 = arith.addi %add3A_66, %add3A_188 : i32
        %dma_wait3A_190 = arith.constant 0 : i32
        %dma_wait3A_191 = arith.constant 0 : i32
        %dma_wait3A_192 = tpu.memref_slice %arg3[%add3A, %add3A_189, %dma_wait3A_190, %dma_wait3A_191] : memref<32x80x2x128xi32, #tpu.memory_space<hbm>> -> memref<1x1x2x128xi32, #tpu.memory_space<hbm>>
        %dma_wait3A_193 = tpu.memref_squeeze %dma_wait3A_192 : memref<1x1x2x128xi32, #tpu.memory_space<hbm>> -> memref<2x128xi32, #tpu.memory_space<hbm>>
        %dma_wait3A_194 = arith.constant 0 : i32
        %dma_wait3A_195 = arith.constant 0 : i32
        %dma_wait3A_196 = tpu.memref_slice %arg3[%add3A, %add3A_189, %dma_wait3A_194, %dma_wait3A_195] : memref<32x80x2x128xi32, #tpu.memory_space<hbm>> -> memref<1x1x2x128xi32, #tpu.memory_space<hbm>>
        %dma_wait3A_197 = tpu.memref_squeeze %dma_wait3A_196 : memref<1x1x2x128xi32, #tpu.memory_space<hbm>> -> memref<2x128xi32, #tpu.memory_space<hbm>>
        tpu.wait_dma2 semaphore(%arg14 : memref<!tpu.dma_semaphore, #tpu.memory_space<semaphore_mem>>) src(%dma_wait3A_197 : memref<2x128xi32, #tpu.memory_space<hbm>>) dst(%arg7 : memref<2x128xi32, #tpu.memory_space<vmem>>)
        %add3A_198 = arith.constant 1 : i32
        %add3A_199 = arith.addi %add3A_66, %add3A_198 : i32
        %ge3A = arith.constant 2 : i32
        %ge3A_200 = arith.cmpi sge, %add3A_199, %ge3A : i32
        %convert_element_type3A_201 = arith.extui %ge3A_200 : i1 to i32
        %cond3A_202 = arith.constant 0 : i32
        %cond3A_203 = arith.cmpi ne, %convert_element_type3A_201, %cond3A_202 : i32
        scf.if %cond3A_203 {
          %add3A_213 = arith.constant 1 : i32
          %add3A_214 = arith.addi %add3A_66, %add3A_213 : i32
          %sub3A = arith.constant 2 : i32
          %sub3A_215 = arith.subi %add3A_214, %sub3A : i32
          %dma_wait3A_216 = arith.constant 1 : i32
          %dma_wait3A_217 = arith.constant 0 : i32
          %dma_wait3A_218 = tpu.memref_slice %arg9[%dma_wait3A_216, %dma_wait3A_217] : memref<2x128xi32, #tpu.memory_space<vmem>> -> memref<1x128xi32, #tpu.memory_space<vmem>>
          %dma_wait3A_219 = tpu.memref_squeeze %dma_wait3A_218 : memref<1x128xi32, #tpu.memory_space<vmem>> -> memref<128xi32, #tpu.memory_space<vmem>>
          %dma_wait3A_220 = arith.constant 0 : i32
          %dma_wait3A_221 = arith.constant 0 : i32
          %dma_wait3A_222 = tpu.memref_slice %arg12[%dma_wait3A_220, %dma_wait3A_221] : memref<10240x128xf32, #tpu.memory_space<vmem_shared>> -> memref<10240x128xf32, #tpu.memory_space<vmem_shared>>
          tpu.wait_indirect_dma semaphore(%arg20 : memref<!tpu.dma_semaphore, #tpu.memory_space<semaphore_mem>>) src(%arg11 : memref<128x128xf32, #tpu.memory_space<vmem>>) dst(%dma_wait3A_222 : memref<10240x128xf32, #tpu.memory_space<vmem_shared>>)
        } else {
        }
        %add3A_204 = arith.constant 1 : i32
        %add3A_205 = arith.addi %add3A_66, %add3A_204 : i32
        %dma_start3A_206 = arith.constant 0 : i32
        %dma_start3A_207 = arith.constant 0 : i32
        %dma_start3A_208 = tpu.memref_slice %arg7[%dma_start3A_206, %dma_start3A_207] : memref<2x128xi32, #tpu.memory_space<vmem>> -> memref<1x128xi32, #tpu.memory_space<vmem>>
        %dma_start3A_209 = tpu.memref_squeeze %dma_start3A_208 : memref<1x128xi32, #tpu.memory_space<vmem>> -> memref<128xi32, #tpu.memory_space<vmem>>
        %dma_start3A_210 = arith.constant 0 : i32
        %dma_start3A_211 = arith.constant 0 : i32
        %dma_start3A_212 = tpu.memref_slice %arg2[%dma_start3A_210, %dma_start3A_211] : memref<10240x128xf32, #tpu.memory_space<hbm>> -> memref<10240x128xf32, #tpu.memory_space<hbm>>
        tpu.enqueue_indirect_dma source(%dma_start3A_212 : memref<10240x128xf32, #tpu.memory_space<hbm>>) target(%arg11 : memref<128x128xf32, #tpu.memory_space<vmem>>) offsets(%dma_start3A_209 : memref<128xi32, #tpu.memory_space<vmem>>) semaphore(%arg18 : memref<!tpu.dma_semaphore, #tpu.memory_space<semaphore_mem>>)
      } else {
      }
      %mul3A_92 = arith.constant 4 : i32
      %mul3A_93 = arith.muli %add3A_62, %mul3A_92 : i32
      %add3A_94 = arith.constant 1 : i32
      %add3A_95 = arith.addi %mul3A_93, %add3A_94 : i32
      %dma_wait3A_96 = arith.constant 0 : i32
      %dma_wait3A_97 = arith.constant 0 : i32
      %dma_wait3A_98 = tpu.memref_slice %arg7[%dma_wait3A_96, %dma_wait3A_97] : memref<2x128xi32, #tpu.memory_space<vmem>> -> memref<1x128xi32, #tpu.memory_space<vmem>>
      %dma_wait3A_99 = tpu.memref_squeeze %dma_wait3A_98 : memref<1x128xi32, #tpu.memory_space<vmem>> -> memref<128xi32, #tpu.memory_space<vmem>>
      %dma_wait3A_100 = arith.constant 0 : i32
      %dma_wait3A_101 = arith.constant 0 : i32
      %dma_wait3A_102 = tpu.memref_slice %arg2[%dma_wait3A_100, %dma_wait3A_101] : memref<10240x128xf32, #tpu.memory_space<hbm>> -> memref<10240x128xf32, #tpu.memory_space<hbm>>
      tpu.wait_indirect_dma semaphore(%arg18 : memref<!tpu.dma_semaphore, #tpu.memory_space<semaphore_mem>>) src(%dma_wait3A_102 : memref<10240x128xf32, #tpu.memory_space<hbm>>) dst(%arg11 : memref<128x128xf32, #tpu.memory_space<vmem>>)
      %dma_start3A_103 = arith.constant 1 : i32
      %dma_start3A_104 = arith.constant 0 : i32
      %dma_start3A_105 = tpu.memref_slice %arg7[%dma_start3A_103, %dma_start3A_104] : memref<2x128xi32, #tpu.memory_space<vmem>> -> memref<1x128xi32, #tpu.memory_space<vmem>>
      %dma_start3A_106 = tpu.memref_squeeze %dma_start3A_105 : memref<1x128xi32, #tpu.memory_space<vmem>> -> memref<128xi32, #tpu.memory_space<vmem>>
      %dma_start3A_107 = arith.constant 0 : i32
      %dma_start3A_108 = arith.constant 0 : i32
      %dma_start3A_109 = tpu.memref_slice %arg12[%dma_start3A_107, %dma_start3A_108] : memref<10240x128xf32, #tpu.memory_space<vmem_shared>> -> memref<10240x128xf32, #tpu.memory_space<vmem_shared>>
      tpu.enqueue_indirect_dma source(%arg11 : memref<128x128xf32, #tpu.memory_space<vmem>>) target(%dma_start3A_109 : memref<10240x128xf32, #tpu.memory_space<vmem_shared>>) offsets(%dma_start3A_106 : memref<128xi32, #tpu.memory_space<vmem>>) semaphore(%arg20 : memref<!tpu.dma_semaphore, #tpu.memory_space<semaphore_mem>>) {add = true}
      %add3A_110 = arith.constant 2 : i32
      %add3A_111 = arith.addi %add3A_95, %add3A_110 : i32
      %lt3A_112 = arith.constant 80 : i32
      %lt3A_113 = arith.cmpi slt, %add3A_111, %lt3A_112 : i32
      %convert_element_type3A_114 = arith.extui %lt3A_113 : i1 to i32
      %cond3A_115 = arith.constant 0 : i32
      %cond3A_116 = arith.cmpi ne, %convert_element_type3A_114, %cond3A_115 : i32
      scf.if %cond3A_116 {
        %add3A_188 = arith.constant 2 : i32
        %add3A_189 = arith.addi %add3A_95, %add3A_188 : i32
        %dma_start3A_190 = arith.constant 0 : i32
        %dma_start3A_191 = arith.constant 0 : i32
        %dma_start3A_192 = tpu.memref_slice %arg3[%add3A, %add3A_189, %dma_start3A_190, %dma_start3A_191] : memref<32x80x2x128xi32, #tpu.memory_space<hbm>> -> memref<1x1x2x128xi32, #tpu.memory_space<hbm>>
        %dma_start3A_193 = tpu.memref_squeeze %dma_start3A_192 : memref<1x1x2x128xi32, #tpu.memory_space<hbm>> -> memref<2x128xi32, #tpu.memory_space<hbm>>
        %dma_start3A_194 = arith.constant 0 : i32
        %dma_start3A_195 = arith.constant 0 : i32
        %dma_start3A_196 = tpu.memref_slice %arg3[%add3A, %add3A_189, %dma_start3A_194, %dma_start3A_195] : memref<32x80x2x128xi32, #tpu.memory_space<hbm>> -> memref<1x1x2x128xi32, #tpu.memory_space<hbm>>
        %dma_start3A_197 = tpu.memref_squeeze %dma_start3A_196 : memref<1x1x2x128xi32, #tpu.memory_space<hbm>> -> memref<2x128xi32, #tpu.memory_space<hbm>>
        tpu.enqueue_dma source(%dma_start3A_197 : memref<2x128xi32, #tpu.memory_space<hbm>>) target(%arg9 : memref<2x128xi32, #tpu.memory_space<vmem>>) target_semaphore(%arg16 : memref<!tpu.dma_semaphore, #tpu.memory_space<semaphore_mem>>)
      } else {
      }
      %add3A_117 = arith.constant 1 : i32
      %add3A_118 = arith.addi %add3A_95, %add3A_117 : i32
      %lt3A_119 = arith.constant 80 : i32
      %lt3A_120 = arith.cmpi slt, %add3A_118, %lt3A_119 : i32
      %convert_element_type3A_121 = arith.extui %lt3A_120 : i1 to i32
      %cond3A_122 = arith.constant 0 : i32
      %cond3A_123 = arith.cmpi ne, %convert_element_type3A_121, %cond3A_122 : i32
      scf.if %cond3A_123 {
        %add3A_188 = arith.constant 1 : i32
        %add3A_189 = arith.addi %add3A_95, %add3A_188 : i32
        %dma_wait3A_190 = arith.constant 0 : i32
        %dma_wait3A_191 = arith.constant 0 : i32
        %dma_wait3A_192 = tpu.memref_slice %arg3[%add3A, %add3A_189, %dma_wait3A_190, %dma_wait3A_191] : memref<32x80x2x128xi32, #tpu.memory_space<hbm>> -> memref<1x1x2x128xi32, #tpu.memory_space<hbm>>
        %dma_wait3A_193 = tpu.memref_squeeze %dma_wait3A_192 : memref<1x1x2x128xi32, #tpu.memory_space<hbm>> -> memref<2x128xi32, #tpu.memory_space<hbm>>
        %dma_wait3A_194 = arith.constant 0 : i32
        %dma_wait3A_195 = arith.constant 0 : i32
        %dma_wait3A_196 = tpu.memref_slice %arg3[%add3A, %add3A_189, %dma_wait3A_194, %dma_wait3A_195] : memref<32x80x2x128xi32, #tpu.memory_space<hbm>> -> memref<1x1x2x128xi32, #tpu.memory_space<hbm>>
        %dma_wait3A_197 = tpu.memref_squeeze %dma_wait3A_196 : memref<1x1x2x128xi32, #tpu.memory_space<hbm>> -> memref<2x128xi32, #tpu.memory_space<hbm>>
        tpu.wait_dma2 semaphore(%arg15 : memref<!tpu.dma_semaphore, #tpu.memory_space<semaphore_mem>>) src(%dma_wait3A_197 : memref<2x128xi32, #tpu.memory_space<hbm>>) dst(%arg8 : memref<2x128xi32, #tpu.memory_space<vmem>>)
        %add3A_198 = arith.constant 1 : i32
        %add3A_199 = arith.addi %add3A_95, %add3A_198 : i32
        %ge3A = arith.constant 2 : i32
        %ge3A_200 = arith.cmpi sge, %add3A_199, %ge3A : i32
        %convert_element_type3A_201 = arith.extui %ge3A_200 : i1 to i32
        %cond3A_202 = arith.constant 0 : i32
        %cond3A_203 = arith.cmpi ne, %convert_element_type3A_201, %cond3A_202 : i32
        scf.if %cond3A_203 {
          %add3A_213 = arith.constant 1 : i32
          %add3A_214 = arith.addi %add3A_95, %add3A_213 : i32
          %sub3A = arith.constant 2 : i32
          %sub3A_215 = arith.subi %add3A_214, %sub3A : i32
          %dma_wait3A_216 = arith.constant 1 : i32
          %dma_wait3A_217 = arith.constant 0 : i32
          %dma_wait3A_218 = tpu.memref_slice %arg6[%dma_wait3A_216, %dma_wait3A_217] : memref<2x128xi32, #tpu.memory_space<vmem>> -> memref<1x128xi32, #tpu.memory_space<vmem>>
          %dma_wait3A_219 = tpu.memref_squeeze %dma_wait3A_218 : memref<1x128xi32, #tpu.memory_space<vmem>> -> memref<128xi32, #tpu.memory_space<vmem>>
          %dma_wait3A_220 = arith.constant 0 : i32
          %dma_wait3A_221 = arith.constant 0 : i32
          %dma_wait3A_222 = tpu.memref_slice %arg12[%dma_wait3A_220, %dma_wait3A_221] : memref<10240x128xf32, #tpu.memory_space<vmem_shared>> -> memref<10240x128xf32, #tpu.memory_space<vmem_shared>>
          tpu.wait_indirect_dma semaphore(%arg19 : memref<!tpu.dma_semaphore, #tpu.memory_space<semaphore_mem>>) src(%arg10 : memref<128x128xf32, #tpu.memory_space<vmem>>) dst(%dma_wait3A_222 : memref<10240x128xf32, #tpu.memory_space<vmem_shared>>)
        } else {
        }
        %add3A_204 = arith.constant 1 : i32
        %add3A_205 = arith.addi %add3A_95, %add3A_204 : i32
        %dma_start3A_206 = arith.constant 0 : i32
        %dma_start3A_207 = arith.constant 0 : i32
        %dma_start3A_208 = tpu.memref_slice %arg8[%dma_start3A_206, %dma_start3A_207] : memref<2x128xi32, #tpu.memory_space<vmem>> -> memref<1x128xi32, #tpu.memory_space<vmem>>
        %dma_start3A_209 = tpu.memref_squeeze %dma_start3A_208 : memref<1x128xi32, #tpu.memory_space<vmem>> -> memref<128xi32, #tpu.memory_space<vmem>>
        %dma_start3A_210 = arith.constant 0 : i32
        %dma_start3A_211 = arith.constant 0 : i32
        %dma_start3A_212 = tpu.memref_slice %arg2[%dma_start3A_210, %dma_start3A_211] : memref<10240x128xf32, #tpu.memory_space<hbm>> -> memref<10240x128xf32, #tpu.memory_space<hbm>>
        tpu.enqueue_indirect_dma source(%dma_start3A_212 : memref<10240x128xf32, #tpu.memory_space<hbm>>) target(%arg10 : memref<128x128xf32, #tpu.memory_space<vmem>>) offsets(%dma_start3A_209 : memref<128xi32, #tpu.memory_space<vmem>>) semaphore(%arg17 : memref<!tpu.dma_semaphore, #tpu.memory_space<semaphore_mem>>)
      } else {
      }
      %mul3A_124 = arith.constant 4 : i32
      %mul3A_125 = arith.muli %add3A_62, %mul3A_124 : i32
      %add3A_126 = arith.constant 2 : i32
      %add3A_127 = arith.addi %mul3A_125, %add3A_126 : i32
      %dma_wait3A_128 = arith.constant 0 : i32
      %dma_wait3A_129 = arith.constant 0 : i32
      %dma_wait3A_130 = tpu.memref_slice %arg8[%dma_wait3A_128, %dma_wait3A_129] : memref<2x128xi32, #tpu.memory_space<vmem>> -> memref<1x128xi32, #tpu.memory_space<vmem>>
      %dma_wait3A_131 = tpu.memref_squeeze %dma_wait3A_130 : memref<1x128xi32, #tpu.memory_space<vmem>> -> memref<128xi32, #tpu.memory_space<vmem>>
      %dma_wait3A_132 = arith.constant 0 : i32
      %dma_wait3A_133 = arith.constant 0 : i32
      %dma_wait3A_134 = tpu.memref_slice %arg2[%dma_wait3A_132, %dma_wait3A_133] : memref<10240x128xf32, #tpu.memory_space<hbm>> -> memref<10240x128xf32, #tpu.memory_space<hbm>>
      tpu.wait_indirect_dma semaphore(%arg17 : memref<!tpu.dma_semaphore, #tpu.memory_space<semaphore_mem>>) src(%dma_wait3A_134 : memref<10240x128xf32, #tpu.memory_space<hbm>>) dst(%arg10 : memref<128x128xf32, #tpu.memory_space<vmem>>)
      %dma_start3A_135 = arith.constant 1 : i32
      %dma_start3A_136 = arith.constant 0 : i32
      %dma_start3A_137 = tpu.memref_slice %arg8[%dma_start3A_135, %dma_start3A_136] : memref<2x128xi32, #tpu.memory_space<vmem>> -> memref<1x128xi32, #tpu.memory_space<vmem>>
      %dma_start3A_138 = tpu.memref_squeeze %dma_start3A_137 : memref<1x128xi32, #tpu.memory_space<vmem>> -> memref<128xi32, #tpu.memory_space<vmem>>
      %dma_start3A_139 = arith.constant 0 : i32
      %dma_start3A_140 = arith.constant 0 : i32
      %dma_start3A_141 = tpu.memref_slice %arg12[%dma_start3A_139, %dma_start3A_140] : memref<10240x128xf32, #tpu.memory_space<vmem_shared>> -> memref<10240x128xf32, #tpu.memory_space<vmem_shared>>
      tpu.enqueue_indirect_dma source(%arg10 : memref<128x128xf32, #tpu.memory_space<vmem>>) target(%dma_start3A_141 : memref<10240x128xf32, #tpu.memory_space<vmem_shared>>) offsets(%dma_start3A_138 : memref<128xi32, #tpu.memory_space<vmem>>) semaphore(%arg19 : memref<!tpu.dma_semaphore, #tpu.memory_space<semaphore_mem>>) {add = true}
      %add3A_142 = arith.constant 2 : i32
      %add3A_143 = arith.addi %add3A_127, %add3A_142 : i32
      %lt3A_144 = arith.constant 80 : i32
      %lt3A_145 = arith.cmpi slt, %add3A_143, %lt3A_144 : i32
      %convert_element_type3A_146 = arith.extui %lt3A_145 : i1 to i32
      %cond3A_147 = arith.constant 0 : i32
      %cond3A_148 = arith.cmpi ne, %convert_element_type3A_146, %cond3A_147 : i32
      scf.if %cond3A_148 {
        %add3A_188 = arith.constant 2 : i32
        %add3A_189 = arith.addi %add3A_127, %add3A_188 : i32
        %dma_start3A_190 = arith.constant 0 : i32
        %dma_start3A_191 = arith.constant 0 : i32
        %dma_start3A_192 = tpu.memref_slice %arg3[%add3A, %add3A_189, %dma_start3A_190, %dma_start3A_191] : memref<32x80x2x128xi32, #tpu.memory_space<hbm>> -> memref<1x1x2x128xi32, #tpu.memory_space<hbm>>
        %dma_start3A_193 = tpu.memref_squeeze %dma_start3A_192 : memref<1x1x2x128xi32, #tpu.memory_space<hbm>> -> memref<2x128xi32, #tpu.memory_space<hbm>>
        %dma_start3A_194 = arith.constant 0 : i32
        %dma_start3A_195 = arith.constant 0 : i32
        %dma_start3A_196 = tpu.memref_slice %arg3[%add3A, %add3A_189, %dma_start3A_194, %dma_start3A_195] : memref<32x80x2x128xi32, #tpu.memory_space<hbm>> -> memref<1x1x2x128xi32, #tpu.memory_space<hbm>>
        %dma_start3A_197 = tpu.memref_squeeze %dma_start3A_196 : memref<1x1x2x128xi32, #tpu.memory_space<hbm>> -> memref<2x128xi32, #tpu.memory_space<hbm>>
        tpu.enqueue_dma source(%dma_start3A_197 : memref<2x128xi32, #tpu.memory_space<hbm>>) target(%arg6 : memref<2x128xi32, #tpu.memory_space<vmem>>) target_semaphore(%arg13 : memref<!tpu.dma_semaphore, #tpu.memory_space<semaphore_mem>>)
      } else {
      }
      %add3A_149 = arith.constant 1 : i32
      %add3A_150 = arith.addi %add3A_127, %add3A_149 : i32
      %lt3A_151 = arith.constant 80 : i32
      %lt3A_152 = arith.cmpi slt, %add3A_150, %lt3A_151 : i32
      %convert_element_type3A_153 = arith.extui %lt3A_152 : i1 to i32
      %cond3A_154 = arith.constant 0 : i32
      %cond3A_155 = arith.cmpi ne, %convert_element_type3A_153, %cond3A_154 : i32
      scf.if %cond3A_155 {
        %add3A_188 = arith.constant 1 : i32
        %add3A_189 = arith.addi %add3A_127, %add3A_188 : i32
        %dma_wait3A_190 = arith.constant 0 : i32
        %dma_wait3A_191 = arith.constant 0 : i32
        %dma_wait3A_192 = tpu.memref_slice %arg3[%add3A, %add3A_189, %dma_wait3A_190, %dma_wait3A_191] : memref<32x80x2x128xi32, #tpu.memory_space<hbm>> -> memref<1x1x2x128xi32, #tpu.memory_space<hbm>>
        %dma_wait3A_193 = tpu.memref_squeeze %dma_wait3A_192 : memref<1x1x2x128xi32, #tpu.memory_space<hbm>> -> memref<2x128xi32, #tpu.memory_space<hbm>>
        %dma_wait3A_194 = arith.constant 0 : i32
        %dma_wait3A_195 = arith.constant 0 : i32
        %dma_wait3A_196 = tpu.memref_slice %arg3[%add3A, %add3A_189, %dma_wait3A_194, %dma_wait3A_195] : memref<32x80x2x128xi32, #tpu.memory_space<hbm>> -> memref<1x1x2x128xi32, #tpu.memory_space<hbm>>
        %dma_wait3A_197 = tpu.memref_squeeze %dma_wait3A_196 : memref<1x1x2x128xi32, #tpu.memory_space<hbm>> -> memref<2x128xi32, #tpu.memory_space<hbm>>
        tpu.wait_dma2 semaphore(%arg16 : memref<!tpu.dma_semaphore, #tpu.memory_space<semaphore_mem>>) src(%dma_wait3A_197 : memref<2x128xi32, #tpu.memory_space<hbm>>) dst(%arg9 : memref<2x128xi32, #tpu.memory_space<vmem>>)
        %add3A_198 = arith.constant 1 : i32
        %add3A_199 = arith.addi %add3A_127, %add3A_198 : i32
        %ge3A = arith.constant 2 : i32
        %ge3A_200 = arith.cmpi sge, %add3A_199, %ge3A : i32
        %convert_element_type3A_201 = arith.extui %ge3A_200 : i1 to i32
        %cond3A_202 = arith.constant 0 : i32
        %cond3A_203 = arith.cmpi ne, %convert_element_type3A_201, %cond3A_202 : i32
        scf.if %cond3A_203 {
          %add3A_213 = arith.constant 1 : i32
          %add3A_214 = arith.addi %add3A_127, %add3A_213 : i32
          %sub3A = arith.constant 2 : i32
          %sub3A_215 = arith.subi %add3A_214, %sub3A : i32
          %dma_wait3A_216 = arith.constant 1 : i32
          %dma_wait3A_217 = arith.constant 0 : i32
          %dma_wait3A_218 = tpu.memref_slice %arg7[%dma_wait3A_216, %dma_wait3A_217] : memref<2x128xi32, #tpu.memory_space<vmem>> -> memref<1x128xi32, #tpu.memory_space<vmem>>
          %dma_wait3A_219 = tpu.memref_squeeze %dma_wait3A_218 : memref<1x128xi32, #tpu.memory_space<vmem>> -> memref<128xi32, #tpu.memory_space<vmem>>
          %dma_wait3A_220 = arith.constant 0 : i32
          %dma_wait3A_221 = arith.constant 0 : i32
          %dma_wait3A_222 = tpu.memref_slice %arg12[%dma_wait3A_220, %dma_wait3A_221] : memref<10240x128xf32, #tpu.memory_space<vmem_shared>> -> memref<10240x128xf32, #tpu.memory_space<vmem_shared>>
          tpu.wait_indirect_dma semaphore(%arg20 : memref<!tpu.dma_semaphore, #tpu.memory_space<semaphore_mem>>) src(%arg11 : memref<128x128xf32, #tpu.memory_space<vmem>>) dst(%dma_wait3A_222 : memref<10240x128xf32, #tpu.memory_space<vmem_shared>>)
        } else {
        }
        %add3A_204 = arith.constant 1 : i32
        %add3A_205 = arith.addi %add3A_127, %add3A_204 : i32
        %dma_start3A_206 = arith.constant 0 : i32
        %dma_start3A_207 = arith.constant 0 : i32
        %dma_start3A_208 = tpu.memref_slice %arg9[%dma_start3A_206, %dma_start3A_207] : memref<2x128xi32, #tpu.memory_space<vmem>> -> memref<1x128xi32, #tpu.memory_space<vmem>>
        %dma_start3A_209 = tpu.memref_squeeze %dma_start3A_208 : memref<1x128xi32, #tpu.memory_space<vmem>> -> memref<128xi32, #tpu.memory_space<vmem>>
        %dma_start3A_210 = arith.constant 0 : i32
        %dma_start3A_211 = arith.constant 0 : i32
        %dma_start3A_212 = tpu.memref_slice %arg2[%dma_start3A_210, %dma_start3A_211] : memref<10240x128xf32, #tpu.memory_space<hbm>> -> memref<10240x128xf32, #tpu.memory_space<hbm>>
        tpu.enqueue_indirect_dma source(%dma_start3A_212 : memref<10240x128xf32, #tpu.memory_space<hbm>>) target(%arg11 : memref<128x128xf32, #tpu.memory_space<vmem>>) offsets(%dma_start3A_209 : memref<128xi32, #tpu.memory_space<vmem>>) semaphore(%arg18 : memref<!tpu.dma_semaphore, #tpu.memory_space<semaphore_mem>>)
      } else {
      }
      %mul3A_156 = arith.constant 4 : i32
      %mul3A_157 = arith.muli %add3A_62, %mul3A_156 : i32
      %add3A_158 = arith.constant 3 : i32
      %add3A_159 = arith.addi %mul3A_157, %add3A_158 : i32
      %dma_wait3A_160 = arith.constant 0 : i32
      %dma_wait3A_161 = arith.constant 0 : i32
      %dma_wait3A_162 = tpu.memref_slice %arg9[%dma_wait3A_160, %dma_wait3A_161] : memref<2x128xi32, #tpu.memory_space<vmem>> -> memref<1x128xi32, #tpu.memory_space<vmem>>
      %dma_wait3A_163 = tpu.memref_squeeze %dma_wait3A_162 : memref<1x128xi32, #tpu.memory_space<vmem>> -> memref<128xi32, #tpu.memory_space<vmem>>
      %dma_wait3A_164 = arith.constant 0 : i32
      %dma_wait3A_165 = arith.constant 0 : i32
      %dma_wait3A_166 = tpu.memref_slice %arg2[%dma_wait3A_164, %dma_wait3A_165] : memref<10240x128xf32, #tpu.memory_space<hbm>> -> memref<10240x128xf32, #tpu.memory_space<hbm>>
      tpu.wait_indirect_dma semaphore(%arg18 : memref<!tpu.dma_semaphore, #tpu.memory_space<semaphore_mem>>) src(%dma_wait3A_166 : memref<10240x128xf32, #tpu.memory_space<hbm>>) dst(%arg11 : memref<128x128xf32, #tpu.memory_space<vmem>>)
      %dma_start3A_167 = arith.constant 1 : i32
      %dma_start3A_168 = arith.constant 0 : i32
      %dma_start3A_169 = tpu.memref_slice %arg9[%dma_start3A_167, %dma_start3A_168] : memref<2x128xi32, #tpu.memory_space<vmem>> -> memref<1x128xi32, #tpu.memory_space<vmem>>
      %dma_start3A_170 = tpu.memref_squeeze %dma_start3A_169 : memref<1x128xi32, #tpu.memory_space<vmem>> -> memref<128xi32, #tpu.memory_space<vmem>>
      %dma_start3A_171 = arith.constant 0 : i32
      %dma_start3A_172 = arith.constant 0 : i32
      %dma_start3A_173 = tpu.memref_slice %arg12[%dma_start3A_171, %dma_start3A_172] : memref<10240x128xf32, #tpu.memory_space<vmem_shared>> -> memref<10240x128xf32, #tpu.memory_space<vmem_shared>>
      tpu.enqueue_indirect_dma source(%arg11 : memref<128x128xf32, #tpu.memory_space<vmem>>) target(%dma_start3A_173 : memref<10240x128xf32, #tpu.memory_space<vmem_shared>>) offsets(%dma_start3A_170 : memref<128xi32, #tpu.memory_space<vmem>>) semaphore(%arg20 : memref<!tpu.dma_semaphore, #tpu.memory_space<semaphore_mem>>) {add = true}
      %add3A_174 = arith.constant 2 : i32
      %add3A_175 = arith.addi %add3A_159, %add3A_174 : i32
      %lt3A_176 = arith.constant 80 : i32
      %lt3A_177 = arith.cmpi slt, %add3A_175, %lt3A_176 : i32
      %convert_element_type3A_178 = arith.extui %lt3A_177 : i1 to i32
      %cond3A_179 = arith.constant 0 : i32
      %cond3A_180 = arith.cmpi ne, %convert_element_type3A_178, %cond3A_179 : i32
      scf.if %cond3A_180 {
        %add3A_188 = arith.constant 2 : i32
        %add3A_189 = arith.addi %add3A_159, %add3A_188 : i32
        %dma_start3A_190 = arith.constant 0 : i32
        %dma_start3A_191 = arith.constant 0 : i32
        %dma_start3A_192 = tpu.memref_slice %arg3[%add3A, %add3A_189, %dma_start3A_190, %dma_start3A_191] : memref<32x80x2x128xi32, #tpu.memory_space<hbm>> -> memref<1x1x2x128xi32, #tpu.memory_space<hbm>>
        %dma_start3A_193 = tpu.memref_squeeze %dma_start3A_192 : memref<1x1x2x128xi32, #tpu.memory_space<hbm>> -> memref<2x128xi32, #tpu.memory_space<hbm>>
        %dma_start3A_194 = arith.constant 0 : i32
        %dma_start3A_195 = arith.constant 0 : i32
        %dma_start3A_196 = tpu.memref_slice %arg3[%add3A, %add3A_189, %dma_start3A_194, %dma_start3A_195] : memref<32x80x2x128xi32, #tpu.memory_space<hbm>> -> memref<1x1x2x128xi32, #tpu.memory_space<hbm>>
        %dma_start3A_197 = tpu.memref_squeeze %dma_start3A_196 : memref<1x1x2x128xi32, #tpu.memory_space<hbm>> -> memref<2x128xi32, #tpu.memory_space<hbm>>
        tpu.enqueue_dma source(%dma_start3A_197 : memref<2x128xi32, #tpu.memory_space<hbm>>) target(%arg7 : memref<2x128xi32, #tpu.memory_space<vmem>>) target_semaphore(%arg14 : memref<!tpu.dma_semaphore, #tpu.memory_space<semaphore_mem>>)
      } else {
      }
      %add3A_181 = arith.constant 1 : i32
      %add3A_182 = arith.addi %add3A_159, %add3A_181 : i32
      %lt3A_183 = arith.constant 80 : i32
      %lt3A_184 = arith.cmpi slt, %add3A_182, %lt3A_183 : i32
      %convert_element_type3A_185 = arith.extui %lt3A_184 : i1 to i32
      %cond3A_186 = arith.constant 0 : i32
      %cond3A_187 = arith.cmpi ne, %convert_element_type3A_185, %cond3A_186 : i32
      scf.if %cond3A_187 {
        %add3A_188 = arith.constant 1 : i32
        %add3A_189 = arith.addi %add3A_159, %add3A_188 : i32
        %dma_wait3A_190 = arith.constant 0 : i32
        %dma_wait3A_191 = arith.constant 0 : i32
        %dma_wait3A_192 = tpu.memref_slice %arg3[%add3A, %add3A_189, %dma_wait3A_190, %dma_wait3A_191] : memref<32x80x2x128xi32, #tpu.memory_space<hbm>> -> memref<1x1x2x128xi32, #tpu.memory_space<hbm>>
        %dma_wait3A_193 = tpu.memref_squeeze %dma_wait3A_192 : memref<1x1x2x128xi32, #tpu.memory_space<hbm>> -> memref<2x128xi32, #tpu.memory_space<hbm>>
        %dma_wait3A_194 = arith.constant 0 : i32
        %dma_wait3A_195 = arith.constant 0 : i32
        %dma_wait3A_196 = tpu.memref_slice %arg3[%add3A, %add3A_189, %dma_wait3A_194, %dma_wait3A_195] : memref<32x80x2x128xi32, #tpu.memory_space<hbm>> -> memref<1x1x2x128xi32, #tpu.memory_space<hbm>>
        %dma_wait3A_197 = tpu.memref_squeeze %dma_wait3A_196 : memref<1x1x2x128xi32, #tpu.memory_space<hbm>> -> memref<2x128xi32, #tpu.memory_space<hbm>>
        tpu.wait_dma2 semaphore(%arg13 : memref<!tpu.dma_semaphore, #tpu.memory_space<semaphore_mem>>) src(%dma_wait3A_197 : memref<2x128xi32, #tpu.memory_space<hbm>>) dst(%arg6 : memref<2x128xi32, #tpu.memory_space<vmem>>)
        %add3A_198 = arith.constant 1 : i32
        %add3A_199 = arith.addi %add3A_159, %add3A_198 : i32
        %ge3A = arith.constant 2 : i32
        %ge3A_200 = arith.cmpi sge, %add3A_199, %ge3A : i32
        %convert_element_type3A_201 = arith.extui %ge3A_200 : i1 to i32
        %cond3A_202 = arith.constant 0 : i32
        %cond3A_203 = arith.cmpi ne, %convert_element_type3A_201, %cond3A_202 : i32
        scf.if %cond3A_203 {
          %add3A_213 = arith.constant 1 : i32
          %add3A_214 = arith.addi %add3A_159, %add3A_213 : i32
          %sub3A = arith.constant 2 : i32
          %sub3A_215 = arith.subi %add3A_214, %sub3A : i32
          %dma_wait3A_216 = arith.constant 1 : i32
          %dma_wait3A_217 = arith.constant 0 : i32
          %dma_wait3A_218 = tpu.memref_slice %arg8[%dma_wait3A_216, %dma_wait3A_217] : memref<2x128xi32, #tpu.memory_space<vmem>> -> memref<1x128xi32, #tpu.memory_space<vmem>>
          %dma_wait3A_219 = tpu.memref_squeeze %dma_wait3A_218 : memref<1x128xi32, #tpu.memory_space<vmem>> -> memref<128xi32, #tpu.memory_space<vmem>>
          %dma_wait3A_220 = arith.constant 0 : i32
          %dma_wait3A_221 = arith.constant 0 : i32
          %dma_wait3A_222 = tpu.memref_slice %arg12[%dma_wait3A_220, %dma_wait3A_221] : memref<10240x128xf32, #tpu.memory_space<vmem_shared>> -> memref<10240x128xf32, #tpu.memory_space<vmem_shared>>
          tpu.wait_indirect_dma semaphore(%arg19 : memref<!tpu.dma_semaphore, #tpu.memory_space<semaphore_mem>>) src(%arg10 : memref<128x128xf32, #tpu.memory_space<vmem>>) dst(%dma_wait3A_222 : memref<10240x128xf32, #tpu.memory_space<vmem_shared>>)
        } else {
        }
        %add3A_204 = arith.constant 1 : i32
        %add3A_205 = arith.addi %add3A_159, %add3A_204 : i32
        %dma_start3A_206 = arith.constant 0 : i32
        %dma_start3A_207 = arith.constant 0 : i32
        %dma_start3A_208 = tpu.memref_slice %arg6[%dma_start3A_206, %dma_start3A_207] : memref<2x128xi32, #tpu.memory_space<vmem>> -> memref<1x128xi32, #tpu.memory_space<vmem>>
        %dma_start3A_209 = tpu.memref_squeeze %dma_start3A_208 : memref<1x128xi32, #tpu.memory_space<vmem>> -> memref<128xi32, #tpu.memory_space<vmem>>
        %dma_start3A_210 = arith.constant 0 : i32
        %dma_start3A_211 = arith.constant 0 : i32
        %dma_start3A_212 = tpu.memref_slice %arg2[%dma_start3A_210, %dma_start3A_211] : memref<10240x128xf32, #tpu.memory_space<hbm>> -> memref<10240x128xf32, #tpu.memory_space<hbm>>
        tpu.enqueue_indirect_dma source(%dma_start3A_212 : memref<10240x128xf32, #tpu.memory_space<hbm>>) target(%arg10 : memref<128x128xf32, #tpu.memory_space<vmem>>) offsets(%dma_start3A_209 : memref<128xi32, #tpu.memory_space<vmem>>) semaphore(%arg17 : memref<!tpu.dma_semaphore, #tpu.memory_space<semaphore_mem>>)
      } else {
      }
    }
    %scan3A_38 = arith.constant 20 : i32
    %dma_wait3A_39 = arith.constant 1 : i32
    %dma_wait3A_40 = arith.constant 0 : i32
    %dma_wait3A_41 = tpu.memref_slice %arg8[%dma_wait3A_39, %dma_wait3A_40] : memref<2x128xi32, #tpu.memory_space<vmem>> -> memref<1x128xi32, #tpu.memory_space<vmem>>
    %dma_wait3A_42 = tpu.memref_squeeze %dma_wait3A_41 : memref<1x128xi32, #tpu.memory_space<vmem>> -> memref<128xi32, #tpu.memory_space<vmem>>
    %dma_wait3A_43 = arith.constant 0 : i32
    %dma_wait3A_44 = arith.constant 0 : i32
    %dma_wait3A_45 = tpu.memref_slice %arg12[%dma_wait3A_43, %dma_wait3A_44] : memref<10240x128xf32, #tpu.memory_space<vmem_shared>> -> memref<10240x128xf32, #tpu.memory_space<vmem_shared>>
    tpu.wait_indirect_dma semaphore(%arg19 : memref<!tpu.dma_semaphore, #tpu.memory_space<semaphore_mem>>) src(%arg10 : memref<128x128xf32, #tpu.memory_space<vmem>>) dst(%dma_wait3A_45 : memref<10240x128xf32, #tpu.memory_space<vmem_shared>>)
    %dma_wait3A_46 = arith.constant 1 : i32
    %dma_wait3A_47 = arith.constant 0 : i32
    %dma_wait3A_48 = tpu.memref_slice %arg9[%dma_wait3A_46, %dma_wait3A_47] : memref<2x128xi32, #tpu.memory_space<vmem>> -> memref<1x128xi32, #tpu.memory_space<vmem>>
    %dma_wait3A_49 = tpu.memref_squeeze %dma_wait3A_48 : memref<1x128xi32, #tpu.memory_space<vmem>> -> memref<128xi32, #tpu.memory_space<vmem>>
    %dma_wait3A_50 = arith.constant 0 : i32
    %dma_wait3A_51 = arith.constant 0 : i32
    %dma_wait3A_52 = tpu.memref_slice %arg12[%dma_wait3A_50, %dma_wait3A_51] : memref<10240x128xf32, #tpu.memory_space<vmem_shared>> -> memref<10240x128xf32, #tpu.memory_space<vmem_shared>>
    tpu.wait_indirect_dma semaphore(%arg20 : memref<!tpu.dma_semaphore, #tpu.memory_space<semaphore_mem>>) src(%arg11 : memref<128x128xf32, #tpu.memory_space<vmem>>) dst(%dma_wait3A_52 : memref<10240x128xf32, #tpu.memory_space<vmem_shared>>)
    %barrier3A_53 = arith.constant 0 : index
    tpu.barrier barrier_id(%barrier3A_53)
    %mul3A_54 = arith.constant 640 : i32
    %mul3A_55 = arith.muli %arg1, %mul3A_54 : i32
    %mul3A_56 = arith.constant 640 : i32
    %mul3A_57 = arith.muli %arg1, %mul3A_56 : i32
    "tpu.region"() ({
      %run_scoped3A = tpu.sem_alloc : memref<!tpu.dma_semaphore, #tpu.memory_space<semaphore_mem>>
      %dma_start3A_58 = arith.constant 0 : i32
      %dma_start3A_59 = tpu.memref_slice %arg5[%arg0, %mul3A_57, %dma_start3A_58] : memref<2x10240x128xf32, #tpu.memory_space<hbm>> -> memref<1x640x128xf32, #tpu.memory_space<hbm>>
      %dma_start3A_60 = tpu.memref_squeeze %dma_start3A_59 : memref<1x640x128xf32, #tpu.memory_space<hbm>> -> memref<640x128xf32, #tpu.memory_space<hbm>>
      %dma_start3A_61 = arith.constant 0 : i32
      %dma_start3A_62 = tpu.memref_slice %arg12[%mul3A_55, %dma_start3A_61] : memref<10240x128xf32, #tpu.memory_space<vmem_shared>> -> memref<640x128xf32, #tpu.memory_space<vmem_shared>>
      tpu.enqueue_dma source(%dma_start3A_62 : memref<640x128xf32, #tpu.memory_space<vmem_shared>>) target(%dma_start3A_60 : memref<640x128xf32, #tpu.memory_space<hbm>>) target_semaphore(%run_scoped3A : memref<!tpu.dma_semaphore, #tpu.memory_space<semaphore_mem>>)
      %dma_wait3A_63 = arith.constant 0 : i32
      %dma_wait3A_64 = tpu.memref_slice %arg5[%arg0, %mul3A_57, %dma_wait3A_63] : memref<2x10240x128xf32, #tpu.memory_space<hbm>> -> memref<1x640x128xf32, #tpu.memory_space<hbm>>
      %dma_wait3A_65 = tpu.memref_squeeze %dma_wait3A_64 : memref<1x640x128xf32, #tpu.memory_space<hbm>> -> memref<640x128xf32, #tpu.memory_space<hbm>>
      %dma_wait3A_66 = arith.constant 0 : i32
      %dma_wait3A_67 = tpu.memref_slice %arg12[%mul3A_55, %dma_wait3A_66] : memref<10240x128xf32, #tpu.memory_space<vmem_shared>> -> memref<640x128xf32, #tpu.memory_space<vmem_shared>>
      tpu.wait_dma2 semaphore(%run_scoped3A : memref<!tpu.dma_semaphore, #tpu.memory_space<semaphore_mem>>) src(%dma_wait3A_67 : memref<640x128xf32, #tpu.memory_space<vmem_shared>>) dst(%dma_wait3A_65 : memref<640x128xf32, #tpu.memory_space<hbm>>)
      tpu.yield
    }) : () -> ()
    return
  }
}

#map = affine_map<(d0, d1) -> (0, 0)>
#map1 = affine_map<(d0, d1) -> (0, 0, 0, 0)>
#map2 = affine_map<(d0, d1) -> (0, 0, 0)>
module attributes {stable_mosaic.version = 14 : i64} {
  func.func @k(%arg0: i32, %arg1: i32, %arg2: memref<10240x128xf32, #tpu.memory_space<hbm>>, %arg3: memref<32x80x2x128xi32, #tpu.memory_space<hbm>>, %arg4: memref<640x128xf32, #tpu.memory_space<hbm>>, %arg5: memref<2x10240x128xf32, #tpu.memory_space<hbm>>, %arg6: memref<2x128xi32, #tpu.memory_space<vmem>>, %arg7: memref<2x128xi32, #tpu.memory_space<vmem>>, %arg8: memref<2x128xi32, #tpu.memory_space<vmem>>, %arg9: memref<2x128xi32, #tpu.memory_space<vmem>>, %arg10: memref<128x128xf32, #tpu.memory_space<vmem>>, %arg11: memref<128x128xf32, #tpu.memory_space<vmem>>, %arg12: memref<10240x128xf32, #tpu.memory_space<vmem_shared>>, %arg13: memref<!tpu.dma_semaphore, #tpu.memory_space<semaphore_mem>>, %arg14: memref<!tpu.dma_semaphore, #tpu.memory_space<semaphore_mem>>, %arg15: memref<!tpu.dma_semaphore, #tpu.memory_space<semaphore_mem>>, %arg16: memref<!tpu.dma_semaphore, #tpu.memory_space<semaphore_mem>>, %arg17: memref<!tpu.dma_semaphore, #tpu.memory_space<semaphore_mem>>, %arg18: memref<!tpu.dma_semaphore, #tpu.memory_space<semaphore_mem>>, %arg19: memref<!tpu.dma_semaphore, #tpu.memory_space<semaphore_mem>>, %arg20: memref<!tpu.dma_semaphore, #tpu.memory_space<semaphore_mem>>) attributes {dimension_semantics = [#tpu.dimension_semantics<core_parallel>, #tpu.dimension_semantics<subcore_parallel>], iteration_bounds = array<i64: 2, 16>, scalar_prefetch = 0 : i64, scratch_operands = 15 : i64, tpu.core_type = #tpu.core_type<sc_vector_subcore>, window_params = [{transform_indices = #map}, {transform_indices = #map1}, {transform_indices = #map}, {transform_indices = #map2}]} {
    %mul3A = arith.constant 16 : i32
    %mul3A_0 = arith.muli %arg0, %mul3A : i32
    %add3A = arith.addi %mul3A_0, %arg1 : i32
    %dma_start3A = arith.constant 0 : i32
    %dma_start3A_1 = arith.constant 0 : i32
    %dma_start3A_2 = arith.constant 0 : i32
    %dma_start3A_3 = tpu.memref_slice %arg3[%add3A, %dma_start3A, %dma_start3A_1, %dma_start3A_2] : memref<32x80x2x128xi32, #tpu.memory_space<hbm>> -> memref<1x1x2x128xi32, #tpu.memory_space<hbm>>
    %dma_start3A_4 = tpu.memref_squeeze %dma_start3A_3 : memref<1x1x2x128xi32, #tpu.memory_space<hbm>> -> memref<2x128xi32, #tpu.memory_space<hbm>>
    %dma_start3A_5 = arith.constant 0 : i32
    %dma_start3A_6 = arith.constant 0 : i32
    %dma_start3A_7 = tpu.memref_slice %arg3[%add3A, %dma_start3A, %dma_start3A_5, %dma_start3A_6] : memref<32x80x2x128xi32, #tpu.memory_space<hbm>> -> memref<1x1x2x128xi32, #tpu.memory_space<hbm>>
    %dma_start3A_8 = tpu.memref_squeeze %dma_start3A_7 : memref<1x1x2x128xi32, #tpu.memory_space<hbm>> -> memref<2x128xi32, #tpu.memory_space<hbm>>
    tpu.enqueue_dma source(%dma_start3A_8 : memref<2x128xi32, #tpu.memory_space<hbm>>) target(%arg6 : memref<2x128xi32, #tpu.memory_space<vmem>>) target_semaphore(%arg13 : memref<!tpu.dma_semaphore, #tpu.memory_space<semaphore_mem>>)
    %dma_start3A_9 = arith.constant 1 : i32
    %dma_start3A_10 = arith.constant 0 : i32
    %dma_start3A_11 = arith.constant 0 : i32
    %dma_start3A_12 = tpu.memref_slice %arg3[%add3A, %dma_start3A_9, %dma_start3A_10, %dma_start3A_11] : memref<32x80x2x128xi32, #tpu.memory_space<hbm>> -> memref<1x1x2x128xi32, #tpu.memory_space<hbm>>
    %dma_start3A_13 = tpu.memref_squeeze %dma_start3A_12 : memref<1x1x2x128xi32, #tpu.memory_space<hbm>> -> memref<2x128xi32, #tpu.memory_space<hbm>>
    %dma_start3A_14 = arith.constant 0 : i32
    %dma_start3A_15 = arith.constant 0 : i32
    %dma_start3A_16 = tpu.memref_slice %arg3[%add3A, %dma_start3A_9, %dma_start3A_14, %dma_start3A_15] : memref<32x80x2x128xi32, #tpu.memory_space<hbm>> -> memref<1x1x2x128xi32, #tpu.memory_space<hbm>>
    %dma_start3A_17 = tpu.memref_squeeze %dma_start3A_16 : memref<1x1x2x128xi32, #tpu.memory_space<hbm>> -> memref<2x128xi32, #tpu.memory_space<hbm>>
    tpu.enqueue_dma source(%dma_start3A_17 : memref<2x128xi32, #tpu.memory_space<hbm>>) target(%arg7 : memref<2x128xi32, #tpu.memory_space<vmem>>) target_semaphore(%arg14 : memref<!tpu.dma_semaphore, #tpu.memory_space<semaphore_mem>>)
    %dma_wait3A = arith.constant 0 : i32
    %dma_wait3A_18 = arith.constant 0 : i32
    %dma_wait3A_19 = arith.constant 0 : i32
    %dma_wait3A_20 = tpu.memref_slice %arg3[%add3A, %dma_wait3A, %dma_wait3A_18, %dma_wait3A_19] : memref<32x80x2x128xi32, #tpu.memory_space<hbm>> -> memref<1x1x2x128xi32, #tpu.memory_space<hbm>>
    %dma_wait3A_21 = tpu.memref_squeeze %dma_wait3A_20 : memref<1x1x2x128xi32, #tpu.memory_space<hbm>> -> memref<2x128xi32, #tpu.memory_space<hbm>>
    %dma_wait3A_22 = arith.constant 0 : i32
    %dma_wait3A_23 = arith.constant 0 : i32
    %dma_wait3A_24 = tpu.memref_slice %arg3[%add3A, %dma_wait3A, %dma_wait3A_22, %dma_wait3A_23] : memref<32x80x2x128xi32, #tpu.memory_space<hbm>> -> memref<1x1x2x128xi32, #tpu.memory_space<hbm>>
    %dma_wait3A_25 = tpu.memref_squeeze %dma_wait3A_24 : memref<1x1x2x128xi32, #tpu.memory_space<hbm>> -> memref<2x128xi32, #tpu.memory_space<hbm>>
    tpu.wait_dma2 semaphore(%arg13 : memref<!tpu.dma_semaphore, #tpu.memory_space<semaphore_mem>>) src(%dma_wait3A_25 : memref<2x128xi32, #tpu.memory_space<hbm>>) dst(%arg6 : memref<2x128xi32, #tpu.memory_space<vmem>>)
    %dma_start3A_26 = arith.constant 0 : i32
    %dma_start3A_27 = arith.constant 0 : i32
    %dma_start3A_28 = tpu.memref_slice %arg6[%dma_start3A_26, %dma_start3A_27] : memref<2x128xi32, #tpu.memory_space<vmem>> -> memref<1x128xi32, #tpu.memory_space<vmem>>
    %dma_start3A_29 = tpu.memref_squeeze %dma_start3A_28 : memref<1x128xi32, #tpu.memory_space<vmem>> -> memref<128xi32, #tpu.memory_space<vmem>>
    %dma_start3A_30 = arith.constant 0 : i32
    %dma_start3A_31 = arith.constant 0 : i32
    %dma_start3A_32 = tpu.memref_slice %arg2[%dma_start3A_30, %dma_start3A_31] : memref<10240x128xf32, #tpu.memory_space<hbm>> -> memref<10240x128xf32, #tpu.memory_space<hbm>>
    tpu.enqueue_indirect_dma source(%dma_start3A_32 : memref<10240x128xf32, #tpu.memory_space<hbm>>) target(%arg10 : memref<128x128xf32, #tpu.memory_space<vmem>>) offsets(%dma_start3A_29 : memref<128xi32, #tpu.memory_space<vmem>>) semaphore(%arg17 : memref<!tpu.dma_semaphore, #tpu.memory_space<semaphore_mem>>)
    %mul3A_33 = arith.constant 640 : i32
    %mul3A_34 = arith.muli %arg1, %mul3A_33 : i32
    "tpu.region"() ({
      %run_scoped3A = tpu.sem_alloc : memref<!tpu.dma_semaphore, #tpu.memory_space<semaphore_mem>>
      %dma_start3A_58 = arith.constant 0 : i32
      %dma_start3A_59 = tpu.memref_slice %arg12[%mul3A_34, %dma_start3A_58] : memref<10240x128xf32, #tpu.memory_space<vmem_shared>> -> memref<640x128xf32, #tpu.memory_space<vmem_shared>>
      tpu.enqueue_dma source(%arg4 : memref<640x128xf32, #tpu.memory_space<hbm>>) target(%dma_start3A_59 : memref<640x128xf32, #tpu.memory_space<vmem_shared>>) target_semaphore(%run_scoped3A : memref<!tpu.dma_semaphore, #tpu.memory_space<semaphore_mem>>)
      %dma_wait3A_60 = arith.constant 0 : i32
      %dma_wait3A_61 = tpu.memref_slice %arg12[%mul3A_34, %dma_wait3A_60] : memref<10240x128xf32, #tpu.memory_space<vmem_shared>> -> memref<640x128xf32, #tpu.memory_space<vmem_shared>>
      tpu.wait_dma2 semaphore(%run_scoped3A : memref<!tpu.dma_semaphore, #tpu.memory_space<semaphore_mem>>) src(%arg4 : memref<640x128xf32, #tpu.memory_space<hbm>>) dst(%dma_wait3A_61 : memref<640x128xf32, #tpu.memory_space<vmem_shared>>)
      tpu.yield
    }) : () -> ()
    %barrier3A = arith.constant 0 : index
    tpu.barrier barrier_id(%barrier3A)
    %scan3A = arith.constant 0 : i32
    %scan3A_35 = arith.constant 20 : i32
    %scan3A_36 = arith.addi %scan3A, %scan3A_35 : i32
    %scan3A_37 = arith.constant 1 : i32
    scf.for %scan3A_58 = %scan3A to %scan3A_36 step %scan3A_37  : i32 {
      %mul3A_59 = arith.constant 1 : i32
      %mul3A_60 = arith.muli %scan3A_58, %mul3A_59 : i32
      %add3A_61 = arith.constant 0 : i32
      %add3A_62 = arith.addi %add3A_61, %mul3A_60 : i32
      %mul3A_63 = arith.constant 4 : i32
      %mul3A_64 = arith.muli %add3A_62, %mul3A_63 : i32
      %add3A_65 = arith.constant 0 : i32
      %add3A_66 = arith.addi %mul3A_64, %add3A_65 : i32
      %dma_wait3A_67 = arith.constant 0 : i32
      %dma_wait3A_68 = arith.constant 0 : i32
      %dma_wait3A_69 = tpu.memref_slice %arg6[%dma_wait3A_67, %dma_wait3A_68] : memref<2x128xi32, #tpu.memory_space<vmem>> -> memref<1x128xi32, #tpu.memory_space<vmem>>
      %dma_wait3A_70 = tpu.memref_squeeze %dma_wait3A_69 : memref<1x128xi32, #tpu.memory_space<vmem>> -> memref<128xi32, #tpu.memory_space<vmem>>
      %dma_wait3A_71 = arith.constant 0 : i32
      %dma_wait3A_72 = arith.constant 0 : i32
      %dma_wait3A_73 = tpu.memref_slice %arg2[%dma_wait3A_71, %dma_wait3A_72] : memref<10240x128xf32, #tpu.memory_space<hbm>> -> memref<10240x128xf32, #tpu.memory_space<hbm>>
      tpu.wait_indirect_dma semaphore(%arg17 : memref<!tpu.dma_semaphore, #tpu.memory_space<semaphore_mem>>) src(%dma_wait3A_73 : memref<10240x128xf32, #tpu.memory_space<hbm>>) dst(%arg10 : memref<128x128xf32, #tpu.memory_space<vmem>>)
      %dma_start3A_74 = arith.constant 1 : i32
      %dma_start3A_75 = arith.constant 0 : i32
      %dma_start3A_76 = tpu.memref_slice %arg6[%dma_start3A_74, %dma_start3A_75] : memref<2x128xi32, #tpu.memory_space<vmem>> -> memref<1x128xi32, #tpu.memory_space<vmem>>
      %dma_start3A_77 = tpu.memref_squeeze %dma_start3A_76 : memref<1x128xi32, #tpu.memory_space<vmem>> -> memref<128xi32, #tpu.memory_space<vmem>>
      %dma_start3A_78 = arith.constant 0 : i32
      %dma_start3A_79 = arith.constant 0 : i32
      %dma_start3A_80 = tpu.memref_slice %arg12[%dma_start3A_78, %dma_start3A_79] : memref<10240x128xf32, #tpu.memory_space<vmem_shared>> -> memref<10240x128xf32, #tpu.memory_space<vmem_shared>>
      tpu.enqueue_indirect_dma source(%arg10 : memref<128x128xf32, #tpu.memory_space<vmem>>) target(%dma_start3A_80 : memref<10240x128xf32, #tpu.memory_space<vmem_shared>>) offsets(%dma_start3A_77 : memref<128xi32, #tpu.memory_space<vmem>>) semaphore(%arg19 : memref<!tpu.dma_semaphore, #tpu.memory_space<semaphore_mem>>) {add = true}
      %add3A_81 = arith.constant 2 : i32
      %add3A_82 = arith.addi %add3A_66, %add3A_81 : i32
      %lt3A = arith.constant 80 : i32
      %lt3A_83 = arith.cmpi slt, %add3A_82, %lt3A : i32
      %convert_element_type3A = arith.extui %lt3A_83 : i1 to i32
      %cond3A = arith.constant 0 : i32
      %cond3A_84 = arith.cmpi ne, %convert_element_type3A, %cond3A : i32
      scf.if %cond3A_84 {
        %add3A_188 = arith.constant 2 : i32
        %add3A_189 = arith.addi %add3A_66, %add3A_188 : i32
        %dma_start3A_190 = arith.constant 0 : i32
        %dma_start3A_191 = arith.constant 0 : i32
        %dma_start3A_192 = tpu.memref_slice %arg3[%add3A, %add3A_189, %dma_start3A_190, %dma_start3A_191] : memref<32x80x2x128xi32, #tpu.memory_space<hbm>> -> memref<1x1x2x128xi32, #tpu.memory_space<hbm>>
        %dma_start3A_193 = tpu.memref_squeeze %dma_start3A_192 : memref<1x1x2x128xi32, #tpu.memory_space<hbm>> -> memref<2x128xi32, #tpu.memory_space<hbm>>
        %dma_start3A_194 = arith.constant 0 : i32
        %dma_start3A_195 = arith.constant 0 : i32
        %dma_start3A_196 = tpu.memref_slice %arg3[%add3A, %add3A_189, %dma_start3A_194, %dma_start3A_195] : memref<32x80x2x128xi32, #tpu.memory_space<hbm>> -> memref<1x1x2x128xi32, #tpu.memory_space<hbm>>
        %dma_start3A_197 = tpu.memref_squeeze %dma_start3A_196 : memref<1x1x2x128xi32, #tpu.memory_space<hbm>> -> memref<2x128xi32, #tpu.memory_space<hbm>>
        tpu.enqueue_dma source(%dma_start3A_197 : memref<2x128xi32, #tpu.memory_space<hbm>>) target(%arg8 : memref<2x128xi32, #tpu.memory_space<vmem>>) target_semaphore(%arg15 : memref<!tpu.dma_semaphore, #tpu.memory_space<semaphore_mem>>)
      } else {
      }
      %add3A_85 = arith.constant 1 : i32
      %add3A_86 = arith.addi %add3A_66, %add3A_85 : i32
      %lt3A_87 = arith.constant 80 : i32
      %lt3A_88 = arith.cmpi slt, %add3A_86, %lt3A_87 : i32
      %convert_element_type3A_89 = arith.extui %lt3A_88 : i1 to i32
      %cond3A_90 = arith.constant 0 : i32
      %cond3A_91 = arith.cmpi ne, %convert_element_type3A_89, %cond3A_90 : i32
      scf.if %cond3A_91 {
        %add3A_188 = arith.constant 1 : i32
        %add3A_189 = arith.addi %add3A_66, %add3A_188 : i32
        %dma_wait3A_190 = arith.constant 0 : i32
        %dma_wait3A_191 = arith.constant 0 : i32
        %dma_wait3A_192 = tpu.memref_slice %arg3[%add3A, %add3A_189, %dma_wait3A_190, %dma_wait3A_191] : memref<32x80x2x128xi32, #tpu.memory_space<hbm>> -> memref<1x1x2x128xi32, #tpu.memory_space<hbm>>
        %dma_wait3A_193 = tpu.memref_squeeze %dma_wait3A_192 : memref<1x1x2x128xi32, #tpu.memory_space<hbm>> -> memref<2x128xi32, #tpu.memory_space<hbm>>
        %dma_wait3A_194 = arith.constant 0 : i32
        %dma_wait3A_195 = arith.constant 0 : i32
        %dma_wait3A_196 = tpu.memref_slice %arg3[%add3A, %add3A_189, %dma_wait3A_194, %dma_wait3A_195] : memref<32x80x2x128xi32, #tpu.memory_space<hbm>> -> memref<1x1x2x128xi32, #tpu.memory_space<hbm>>
        %dma_wait3A_197 = tpu.memref_squeeze %dma_wait3A_196 : memref<1x1x2x128xi32, #tpu.memory_space<hbm>> -> memref<2x128xi32, #tpu.memory_space<hbm>>
        tpu.wait_dma2 semaphore(%arg14 : memref<!tpu.dma_semaphore, #tpu.memory_space<semaphore_mem>>) src(%dma_wait3A_197 : memref<2x128xi32, #tpu.memory_space<hbm>>) dst(%arg7 : memref<2x128xi32, #tpu.memory_space<vmem>>)
        %add3A_198 = arith.constant 1 : i32
        %add3A_199 = arith.addi %add3A_66, %add3A_198 : i32
        %ge3A = arith.constant 2 : i32
        %ge3A_200 = arith.cmpi sge, %add3A_199, %ge3A : i32
        %convert_element_type3A_201 = arith.extui %ge3A_200 : i1 to i32
        %cond3A_202 = arith.constant 0 : i32
        %cond3A_203 = arith.cmpi ne, %convert_element_type3A_201, %cond3A_202 : i32
        scf.if %cond3A_203 {
          %add3A_213 = arith.constant 1 : i32
          %add3A_214 = arith.addi %add3A_66, %add3A_213 : i32
          %sub3A = arith.constant 2 : i32
          %sub3A_215 = arith.subi %add3A_214, %sub3A : i32
          %dma_wait3A_216 = arith.constant 1 : i32
          %dma_wait3A_217 = arith.constant 0 : i32
          %dma_wait3A_218 = tpu.memref_slice %arg9[%dma_wait3A_216, %dma_wait3A_217] : memref<2x128xi32, #tpu.memory_space<vmem>> -> memref<1x128xi32, #tpu.memory_space<vmem>>
          %dma_wait3A_219 = tpu.memref_squeeze %dma_wait3A_218 : memref<1x128xi32, #tpu.memory_space<vmem>> -> memref<128xi32, #tpu.memory_space<vmem>>
          %dma_wait3A_220 = arith.constant 0 : i32
          %dma_wait3A_221 = arith.constant 0 : i32
          %dma_wait3A_222 = tpu.memref_slice %arg12[%dma_wait3A_220, %dma_wait3A_221] : memref<10240x128xf32, #tpu.memory_space<vmem_shared>> -> memref<10240x128xf32, #tpu.memory_space<vmem_shared>>
          tpu.wait_indirect_dma semaphore(%arg20 : memref<!tpu.dma_semaphore, #tpu.memory_space<semaphore_mem>>) src(%arg11 : memref<128x128xf32, #tpu.memory_space<vmem>>) dst(%dma_wait3A_222 : memref<10240x128xf32, #tpu.memory_space<vmem_shared>>)
        } else {
        }
        %add3A_204 = arith.constant 1 : i32
        %add3A_205 = arith.addi %add3A_66, %add3A_204 : i32
        %dma_start3A_206 = arith.constant 0 : i32
        %dma_start3A_207 = arith.constant 0 : i32
        %dma_start3A_208 = tpu.memref_slice %arg7[%dma_start3A_206, %dma_start3A_207] : memref<2x128xi32, #tpu.memory_space<vmem>> -> memref<1x128xi32, #tpu.memory_space<vmem>>
        %dma_start3A_209 = tpu.memref_squeeze %dma_start3A_208 : memref<1x128xi32, #tpu.memory_space<vmem>> -> memref<128xi32, #tpu.memory_space<vmem>>
        %dma_start3A_210 = arith.constant 0 : i32
        %dma_start3A_211 = arith.constant 0 : i32
        %dma_start3A_212 = tpu.memref_slice %arg2[%dma_start3A_210, %dma_start3A_211] : memref<10240x128xf32, #tpu.memory_space<hbm>> -> memref<10240x128xf32, #tpu.memory_space<hbm>>
        tpu.enqueue_indirect_dma source(%dma_start3A_212 : memref<10240x128xf32, #tpu.memory_space<hbm>>) target(%arg11 : memref<128x128xf32, #tpu.memory_space<vmem>>) offsets(%dma_start3A_209 : memref<128xi32, #tpu.memory_space<vmem>>) semaphore(%arg18 : memref<!tpu.dma_semaphore, #tpu.memory_space<semaphore_mem>>)
      } else {
      }
      %mul3A_92 = arith.constant 4 : i32
      %mul3A_93 = arith.muli %add3A_62, %mul3A_92 : i32
      %add3A_94 = arith.constant 1 : i32
      %add3A_95 = arith.addi %mul3A_93, %add3A_94 : i32
      %dma_wait3A_96 = arith.constant 0 : i32
      %dma_wait3A_97 = arith.constant 0 : i32
      %dma_wait3A_98 = tpu.memref_slice %arg7[%dma_wait3A_96, %dma_wait3A_97] : memref<2x128xi32, #tpu.memory_space<vmem>> -> memref<1x128xi32, #tpu.memory_space<vmem>>
      %dma_wait3A_99 = tpu.memref_squeeze %dma_wait3A_98 : memref<1x128xi32, #tpu.memory_space<vmem>> -> memref<128xi32, #tpu.memory_space<vmem>>
      %dma_wait3A_100 = arith.constant 0 : i32
      %dma_wait3A_101 = arith.constant 0 : i32
      %dma_wait3A_102 = tpu.memref_slice %arg2[%dma_wait3A_100, %dma_wait3A_101] : memref<10240x128xf32, #tpu.memory_space<hbm>> -> memref<10240x128xf32, #tpu.memory_space<hbm>>
      tpu.wait_indirect_dma semaphore(%arg18 : memref<!tpu.dma_semaphore, #tpu.memory_space<semaphore_mem>>) src(%dma_wait3A_102 : memref<10240x128xf32, #tpu.memory_space<hbm>>) dst(%arg11 : memref<128x128xf32, #tpu.memory_space<vmem>>)
      %dma_start3A_103 = arith.constant 1 : i32
      %dma_start3A_104 = arith.constant 0 : i32
      %dma_start3A_105 = tpu.memref_slice %arg7[%dma_start3A_103, %dma_start3A_104] : memref<2x128xi32, #tpu.memory_space<vmem>> -> memref<1x128xi32, #tpu.memory_space<vmem>>
      %dma_start3A_106 = tpu.memref_squeeze %dma_start3A_105 : memref<1x128xi32, #tpu.memory_space<vmem>> -> memref<128xi32, #tpu.memory_space<vmem>>
      %dma_start3A_107 = arith.constant 0 : i32
      %dma_start3A_108 = arith.constant 0 : i32
      %dma_start3A_109 = tpu.memref_slice %arg12[%dma_start3A_107, %dma_start3A_108] : memref<10240x128xf32, #tpu.memory_space<vmem_shared>> -> memref<10240x128xf32, #tpu.memory_space<vmem_shared>>
      tpu.enqueue_indirect_dma source(%arg11 : memref<128x128xf32, #tpu.memory_space<vmem>>) target(%dma_start3A_109 : memref<10240x128xf32, #tpu.memory_space<vmem_shared>>) offsets(%dma_start3A_106 : memref<128xi32, #tpu.memory_space<vmem>>) semaphore(%arg20 : memref<!tpu.dma_semaphore, #tpu.memory_space<semaphore_mem>>) {add = true}
      %add3A_110 = arith.constant 2 : i32
      %add3A_111 = arith.addi %add3A_95, %add3A_110 : i32
      %lt3A_112 = arith.constant 80 : i32
      %lt3A_113 = arith.cmpi slt, %add3A_111, %lt3A_112 : i32
      %convert_element_type3A_114 = arith.extui %lt3A_113 : i1 to i32
      %cond3A_115 = arith.constant 0 : i32
      %cond3A_116 = arith.cmpi ne, %convert_element_type3A_114, %cond3A_115 : i32
      scf.if %cond3A_116 {
        %add3A_188 = arith.constant 2 : i32
        %add3A_189 = arith.addi %add3A_95, %add3A_188 : i32
        %dma_start3A_190 = arith.constant 0 : i32
        %dma_start3A_191 = arith.constant 0 : i32
        %dma_start3A_192 = tpu.memref_slice %arg3[%add3A, %add3A_189, %dma_start3A_190, %dma_start3A_191] : memref<32x80x2x128xi32, #tpu.memory_space<hbm>> -> memref<1x1x2x128xi32, #tpu.memory_space<hbm>>
        %dma_start3A_193 = tpu.memref_squeeze %dma_start3A_192 : memref<1x1x2x128xi32, #tpu.memory_space<hbm>> -> memref<2x128xi32, #tpu.memory_space<hbm>>
        %dma_start3A_194 = arith.constant 0 : i32
        %dma_start3A_195 = arith.constant 0 : i32
        %dma_start3A_196 = tpu.memref_slice %arg3[%add3A, %add3A_189, %dma_start3A_194, %dma_start3A_195] : memref<32x80x2x128xi32, #tpu.memory_space<hbm>> -> memref<1x1x2x128xi32, #tpu.memory_space<hbm>>
        %dma_start3A_197 = tpu.memref_squeeze %dma_start3A_196 : memref<1x1x2x128xi32, #tpu.memory_space<hbm>> -> memref<2x128xi32, #tpu.memory_space<hbm>>
        tpu.enqueue_dma source(%dma_start3A_197 : memref<2x128xi32, #tpu.memory_space<hbm>>) target(%arg9 : memref<2x128xi32, #tpu.memory_space<vmem>>) target_semaphore(%arg16 : memref<!tpu.dma_semaphore, #tpu.memory_space<semaphore_mem>>)
      } else {
      }
      %add3A_117 = arith.constant 1 : i32
      %add3A_118 = arith.addi %add3A_95, %add3A_117 : i32
      %lt3A_119 = arith.constant 80 : i32
      %lt3A_120 = arith.cmpi slt, %add3A_118, %lt3A_119 : i32
      %convert_element_type3A_121 = arith.extui %lt3A_120 : i1 to i32
      %cond3A_122 = arith.constant 0 : i32
      %cond3A_123 = arith.cmpi ne, %convert_element_type3A_121, %cond3A_122 : i32
      scf.if %cond3A_123 {
        %add3A_188 = arith.constant 1 : i32
        %add3A_189 = arith.addi %add3A_95, %add3A_188 : i32
        %dma_wait3A_190 = arith.constant 0 : i32
        %dma_wait3A_191 = arith.constant 0 : i32
        %dma_wait3A_192 = tpu.memref_slice %arg3[%add3A, %add3A_189, %dma_wait3A_190, %dma_wait3A_191] : memref<32x80x2x128xi32, #tpu.memory_space<hbm>> -> memref<1x1x2x128xi32, #tpu.memory_space<hbm>>
        %dma_wait3A_193 = tpu.memref_squeeze %dma_wait3A_192 : memref<1x1x2x128xi32, #tpu.memory_space<hbm>> -> memref<2x128xi32, #tpu.memory_space<hbm>>
        %dma_wait3A_194 = arith.constant 0 : i32
        %dma_wait3A_195 = arith.constant 0 : i32
        %dma_wait3A_196 = tpu.memref_slice %arg3[%add3A, %add3A_189, %dma_wait3A_194, %dma_wait3A_195] : memref<32x80x2x128xi32, #tpu.memory_space<hbm>> -> memref<1x1x2x128xi32, #tpu.memory_space<hbm>>
        %dma_wait3A_197 = tpu.memref_squeeze %dma_wait3A_196 : memref<1x1x2x128xi32, #tpu.memory_space<hbm>> -> memref<2x128xi32, #tpu.memory_space<hbm>>
        tpu.wait_dma2 semaphore(%arg15 : memref<!tpu.dma_semaphore, #tpu.memory_space<semaphore_mem>>) src(%dma_wait3A_197 : memref<2x128xi32, #tpu.memory_space<hbm>>) dst(%arg8 : memref<2x128xi32, #tpu.memory_space<vmem>>)
        %add3A_198 = arith.constant 1 : i32
        %add3A_199 = arith.addi %add3A_95, %add3A_198 : i32
        %ge3A = arith.constant 2 : i32
        %ge3A_200 = arith.cmpi sge, %add3A_199, %ge3A : i32
        %convert_element_type3A_201 = arith.extui %ge3A_200 : i1 to i32
        %cond3A_202 = arith.constant 0 : i32
        %cond3A_203 = arith.cmpi ne, %convert_element_type3A_201, %cond3A_202 : i32
        scf.if %cond3A_203 {
          %add3A_213 = arith.constant 1 : i32
          %add3A_214 = arith.addi %add3A_95, %add3A_213 : i32
          %sub3A = arith.constant 2 : i32
          %sub3A_215 = arith.subi %add3A_214, %sub3A : i32
          %dma_wait3A_216 = arith.constant 1 : i32
          %dma_wait3A_217 = arith.constant 0 : i32
          %dma_wait3A_218 = tpu.memref_slice %arg6[%dma_wait3A_216, %dma_wait3A_217] : memref<2x128xi32, #tpu.memory_space<vmem>> -> memref<1x128xi32, #tpu.memory_space<vmem>>
          %dma_wait3A_219 = tpu.memref_squeeze %dma_wait3A_218 : memref<1x128xi32, #tpu.memory_space<vmem>> -> memref<128xi32, #tpu.memory_space<vmem>>
          %dma_wait3A_220 = arith.constant 0 : i32
          %dma_wait3A_221 = arith.constant 0 : i32
          %dma_wait3A_222 = tpu.memref_slice %arg12[%dma_wait3A_220, %dma_wait3A_221] : memref<10240x128xf32, #tpu.memory_space<vmem_shared>> -> memref<10240x128xf32, #tpu.memory_space<vmem_shared>>
          tpu.wait_indirect_dma semaphore(%arg19 : memref<!tpu.dma_semaphore, #tpu.memory_space<semaphore_mem>>) src(%arg10 : memref<128x128xf32, #tpu.memory_space<vmem>>) dst(%dma_wait3A_222 : memref<10240x128xf32, #tpu.memory_space<vmem_shared>>)
        } else {
        }
        %add3A_204 = arith.constant 1 : i32
        %add3A_205 = arith.addi %add3A_95, %add3A_204 : i32
        %dma_start3A_206 = arith.constant 0 : i32
        %dma_start3A_207 = arith.constant 0 : i32
        %dma_start3A_208 = tpu.memref_slice %arg8[%dma_start3A_206, %dma_start3A_207] : memref<2x128xi32, #tpu.memory_space<vmem>> -> memref<1x128xi32, #tpu.memory_space<vmem>>
        %dma_start3A_209 = tpu.memref_squeeze %dma_start3A_208 : memref<1x128xi32, #tpu.memory_space<vmem>> -> memref<128xi32, #tpu.memory_space<vmem>>
        %dma_start3A_210 = arith.constant 0 : i32
        %dma_start3A_211 = arith.constant 0 : i32
        %dma_start3A_212 = tpu.memref_slice %arg2[%dma_start3A_210, %dma_start3A_211] : memref<10240x128xf32, #tpu.memory_space<hbm>> -> memref<10240x128xf32, #tpu.memory_space<hbm>>
        tpu.enqueue_indirect_dma source(%dma_start3A_212 : memref<10240x128xf32, #tpu.memory_space<hbm>>) target(%arg10 : memref<128x128xf32, #tpu.memory_space<vmem>>) offsets(%dma_start3A_209 : memref<128xi32, #tpu.memory_space<vmem>>) semaphore(%arg17 : memref<!tpu.dma_semaphore, #tpu.memory_space<semaphore_mem>>)
      } else {
      }
      %mul3A_124 = arith.constant 4 : i32
      %mul3A_125 = arith.muli %add3A_62, %mul3A_124 : i32
      %add3A_126 = arith.constant 2 : i32
      %add3A_127 = arith.addi %mul3A_125, %add3A_126 : i32
      %dma_wait3A_128 = arith.constant 0 : i32
      %dma_wait3A_129 = arith.constant 0 : i32
      %dma_wait3A_130 = tpu.memref_slice %arg8[%dma_wait3A_128, %dma_wait3A_129] : memref<2x128xi32, #tpu.memory_space<vmem>> -> memref<1x128xi32, #tpu.memory_space<vmem>>
      %dma_wait3A_131 = tpu.memref_squeeze %dma_wait3A_130 : memref<1x128xi32, #tpu.memory_space<vmem>> -> memref<128xi32, #tpu.memory_space<vmem>>
      %dma_wait3A_132 = arith.constant 0 : i32
      %dma_wait3A_133 = arith.constant 0 : i32
      %dma_wait3A_134 = tpu.memref_slice %arg2[%dma_wait3A_132, %dma_wait3A_133] : memref<10240x128xf32, #tpu.memory_space<hbm>> -> memref<10240x128xf32, #tpu.memory_space<hbm>>
      tpu.wait_indirect_dma semaphore(%arg17 : memref<!tpu.dma_semaphore, #tpu.memory_space<semaphore_mem>>) src(%dma_wait3A_134 : memref<10240x128xf32, #tpu.memory_space<hbm>>) dst(%arg10 : memref<128x128xf32, #tpu.memory_space<vmem>>)
      %dma_start3A_135 = arith.constant 1 : i32
      %dma_start3A_136 = arith.constant 0 : i32
      %dma_start3A_137 = tpu.memref_slice %arg8[%dma_start3A_135, %dma_start3A_136] : memref<2x128xi32, #tpu.memory_space<vmem>> -> memref<1x128xi32, #tpu.memory_space<vmem>>
      %dma_start3A_138 = tpu.memref_squeeze %dma_start3A_137 : memref<1x128xi32, #tpu.memory_space<vmem>> -> memref<128xi32, #tpu.memory_space<vmem>>
      %dma_start3A_139 = arith.constant 0 : i32
      %dma_start3A_140 = arith.constant 0 : i32
      %dma_start3A_141 = tpu.memref_slice %arg12[%dma_start3A_139, %dma_start3A_140] : memref<10240x128xf32, #tpu.memory_space<vmem_shared>> -> memref<10240x128xf32, #tpu.memory_space<vmem_shared>>
      tpu.enqueue_indirect_dma source(%arg10 : memref<128x128xf32, #tpu.memory_space<vmem>>) target(%dma_start3A_141 : memref<10240x128xf32, #tpu.memory_space<vmem_shared>>) offsets(%dma_start3A_138 : memref<128xi32, #tpu.memory_space<vmem>>) semaphore(%arg19 : memref<!tpu.dma_semaphore, #tpu.memory_space<semaphore_mem>>) {add = true}
      %add3A_142 = arith.constant 2 : i32
      %add3A_143 = arith.addi %add3A_127, %add3A_142 : i32
      %lt3A_144 = arith.constant 80 : i32
      %lt3A_145 = arith.cmpi slt, %add3A_143, %lt3A_144 : i32
      %convert_element_type3A_146 = arith.extui %lt3A_145 : i1 to i32
      %cond3A_147 = arith.constant 0 : i32
      %cond3A_148 = arith.cmpi ne, %convert_element_type3A_146, %cond3A_147 : i32
      scf.if %cond3A_148 {
        %add3A_188 = arith.constant 2 : i32
        %add3A_189 = arith.addi %add3A_127, %add3A_188 : i32
        %dma_start3A_190 = arith.constant 0 : i32
        %dma_start3A_191 = arith.constant 0 : i32
        %dma_start3A_192 = tpu.memref_slice %arg3[%add3A, %add3A_189, %dma_start3A_190, %dma_start3A_191] : memref<32x80x2x128xi32, #tpu.memory_space<hbm>> -> memref<1x1x2x128xi32, #tpu.memory_space<hbm>>
        %dma_start3A_193 = tpu.memref_squeeze %dma_start3A_192 : memref<1x1x2x128xi32, #tpu.memory_space<hbm>> -> memref<2x128xi32, #tpu.memory_space<hbm>>
        %dma_start3A_194 = arith.constant 0 : i32
        %dma_start3A_195 = arith.constant 0 : i32
        %dma_start3A_196 = tpu.memref_slice %arg3[%add3A, %add3A_189, %dma_start3A_194, %dma_start3A_195] : memref<32x80x2x128xi32, #tpu.memory_space<hbm>> -> memref<1x1x2x128xi32, #tpu.memory_space<hbm>>
        %dma_start3A_197 = tpu.memref_squeeze %dma_start3A_196 : memref<1x1x2x128xi32, #tpu.memory_space<hbm>> -> memref<2x128xi32, #tpu.memory_space<hbm>>
        tpu.enqueue_dma source(%dma_start3A_197 : memref<2x128xi32, #tpu.memory_space<hbm>>) target(%arg6 : memref<2x128xi32, #tpu.memory_space<vmem>>) target_semaphore(%arg13 : memref<!tpu.dma_semaphore, #tpu.memory_space<semaphore_mem>>)
      } else {
      }
      %add3A_149 = arith.constant 1 : i32
      %add3A_150 = arith.addi %add3A_127, %add3A_149 : i32
      %lt3A_151 = arith.constant 80 : i32
      %lt3A_152 = arith.cmpi slt, %add3A_150, %lt3A_151 : i32
      %convert_element_type3A_153 = arith.extui %lt3A_152 : i1 to i32
      %cond3A_154 = arith.constant 0 : i32
      %cond3A_155 = arith.cmpi ne, %convert_element_type3A_153, %cond3A_154 : i32
      scf.if %cond3A_155 {
        %add3A_188 = arith.constant 1 : i32
        %add3A_189 = arith.addi %add3A_127, %add3A_188 : i32
        %dma_wait3A_190 = arith.constant 0 : i32
        %dma_wait3A_191 = arith.constant 0 : i32
        %dma_wait3A_192 = tpu.memref_slice %arg3[%add3A, %add3A_189, %dma_wait3A_190, %dma_wait3A_191] : memref<32x80x2x128xi32, #tpu.memory_space<hbm>> -> memref<1x1x2x128xi32, #tpu.memory_space<hbm>>
        %dma_wait3A_193 = tpu.memref_squeeze %dma_wait3A_192 : memref<1x1x2x128xi32, #tpu.memory_space<hbm>> -> memref<2x128xi32, #tpu.memory_space<hbm>>
        %dma_wait3A_194 = arith.constant 0 : i32
        %dma_wait3A_195 = arith.constant 0 : i32
        %dma_wait3A_196 = tpu.memref_slice %arg3[%add3A, %add3A_189, %dma_wait3A_194, %dma_wait3A_195] : memref<32x80x2x128xi32, #tpu.memory_space<hbm>> -> memref<1x1x2x128xi32, #tpu.memory_space<hbm>>
        %dma_wait3A_197 = tpu.memref_squeeze %dma_wait3A_196 : memref<1x1x2x128xi32, #tpu.memory_space<hbm>> -> memref<2x128xi32, #tpu.memory_space<hbm>>
        tpu.wait_dma2 semaphore(%arg16 : memref<!tpu.dma_semaphore, #tpu.memory_space<semaphore_mem>>) src(%dma_wait3A_197 : memref<2x128xi32, #tpu.memory_space<hbm>>) dst(%arg9 : memref<2x128xi32, #tpu.memory_space<vmem>>)
        %add3A_198 = arith.constant 1 : i32
        %add3A_199 = arith.addi %add3A_127, %add3A_198 : i32
        %ge3A = arith.constant 2 : i32
        %ge3A_200 = arith.cmpi sge, %add3A_199, %ge3A : i32
        %convert_element_type3A_201 = arith.extui %ge3A_200 : i1 to i32
        %cond3A_202 = arith.constant 0 : i32
        %cond3A_203 = arith.cmpi ne, %convert_element_type3A_201, %cond3A_202 : i32
        scf.if %cond3A_203 {
          %add3A_213 = arith.constant 1 : i32
          %add3A_214 = arith.addi %add3A_127, %add3A_213 : i32
          %sub3A = arith.constant 2 : i32
          %sub3A_215 = arith.subi %add3A_214, %sub3A : i32
          %dma_wait3A_216 = arith.constant 1 : i32
          %dma_wait3A_217 = arith.constant 0 : i32
          %dma_wait3A_218 = tpu.memref_slice %arg7[%dma_wait3A_216, %dma_wait3A_217] : memref<2x128xi32, #tpu.memory_space<vmem>> -> memref<1x128xi32, #tpu.memory_space<vmem>>
          %dma_wait3A_219 = tpu.memref_squeeze %dma_wait3A_218 : memref<1x128xi32, #tpu.memory_space<vmem>> -> memref<128xi32, #tpu.memory_space<vmem>>
          %dma_wait3A_220 = arith.constant 0 : i32
          %dma_wait3A_221 = arith.constant 0 : i32
          %dma_wait3A_222 = tpu.memref_slice %arg12[%dma_wait3A_220, %dma_wait3A_221] : memref<10240x128xf32, #tpu.memory_space<vmem_shared>> -> memref<10240x128xf32, #tpu.memory_space<vmem_shared>>
          tpu.wait_indirect_dma semaphore(%arg20 : memref<!tpu.dma_semaphore, #tpu.memory_space<semaphore_mem>>) src(%arg11 : memref<128x128xf32, #tpu.memory_space<vmem>>) dst(%dma_wait3A_222 : memref<10240x128xf32, #tpu.memory_space<vmem_shared>>)
        } else {
        }
        %add3A_204 = arith.constant 1 : i32
        %add3A_205 = arith.addi %add3A_127, %add3A_204 : i32
        %dma_start3A_206 = arith.constant 0 : i32
        %dma_start3A_207 = arith.constant 0 : i32
        %dma_start3A_208 = tpu.memref_slice %arg9[%dma_start3A_206, %dma_start3A_207] : memref<2x128xi32, #tpu.memory_space<vmem>> -> memref<1x128xi32, #tpu.memory_space<vmem>>
        %dma_start3A_209 = tpu.memref_squeeze %dma_start3A_208 : memref<1x128xi32, #tpu.memory_space<vmem>> -> memref<128xi32, #tpu.memory_space<vmem>>
        %dma_start3A_210 = arith.constant 0 : i32
        %dma_start3A_211 = arith.constant 0 : i32
        %dma_start3A_212 = tpu.memref_slice %arg2[%dma_start3A_210, %dma_start3A_211] : memref<10240x128xf32, #tpu.memory_space<hbm>> -> memref<10240x128xf32, #tpu.memory_space<hbm>>
        tpu.enqueue_indirect_dma source(%dma_start3A_212 : memref<10240x128xf32, #tpu.memory_space<hbm>>) target(%arg11 : memref<128x128xf32, #tpu.memory_space<vmem>>) offsets(%dma_start3A_209 : memref<128xi32, #tpu.memory_space<vmem>>) semaphore(%arg18 : memref<!tpu.dma_semaphore, #tpu.memory_space<semaphore_mem>>)
      } else {
      }
      %mul3A_156 = arith.constant 4 : i32
      %mul3A_157 = arith.muli %add3A_62, %mul3A_156 : i32
      %add3A_158 = arith.constant 3 : i32
      %add3A_159 = arith.addi %mul3A_157, %add3A_158 : i32
      %dma_wait3A_160 = arith.constant 0 : i32
      %dma_wait3A_161 = arith.constant 0 : i32
      %dma_wait3A_162 = tpu.memref_slice %arg9[%dma_wait3A_160, %dma_wait3A_161] : memref<2x128xi32, #tpu.memory_space<vmem>> -> memref<1x128xi32, #tpu.memory_space<vmem>>
      %dma_wait3A_163 = tpu.memref_squeeze %dma_wait3A_162 : memref<1x128xi32, #tpu.memory_space<vmem>> -> memref<128xi32, #tpu.memory_space<vmem>>
      %dma_wait3A_164 = arith.constant 0 : i32
      %dma_wait3A_165 = arith.constant 0 : i32
      %dma_wait3A_166 = tpu.memref_slice %arg2[%dma_wait3A_164, %dma_wait3A_165] : memref<10240x128xf32, #tpu.memory_space<hbm>> -> memref<10240x128xf32, #tpu.memory_space<hbm>>
      tpu.wait_indirect_dma semaphore(%arg18 : memref<!tpu.dma_semaphore, #tpu.memory_space<semaphore_mem>>) src(%dma_wait3A_166 : memref<10240x128xf32, #tpu.memory_space<hbm>>) dst(%arg11 : memref<128x128xf32, #tpu.memory_space<vmem>>)
      %dma_start3A_167 = arith.constant 1 : i32
      %dma_start3A_168 = arith.constant 0 : i32
      %dma_start3A_169 = tpu.memref_slice %arg9[%dma_start3A_167, %dma_start3A_168] : memref<2x128xi32, #tpu.memory_space<vmem>> -> memref<1x128xi32, #tpu.memory_space<vmem>>
      %dma_start3A_170 = tpu.memref_squeeze %dma_start3A_169 : memref<1x128xi32, #tpu.memory_space<vmem>> -> memref<128xi32, #tpu.memory_space<vmem>>
      %dma_start3A_171 = arith.constant 0 : i32
      %dma_start3A_172 = arith.constant 0 : i32
      %dma_start3A_173 = tpu.memref_slice %arg12[%dma_start3A_171, %dma_start3A_172] : memref<10240x128xf32, #tpu.memory_space<vmem_shared>> -> memref<10240x128xf32, #tpu.memory_space<vmem_shared>>
      tpu.enqueue_indirect_dma source(%arg11 : memref<128x128xf32, #tpu.memory_space<vmem>>) target(%dma_start3A_173 : memref<10240x128xf32, #tpu.memory_space<vmem_shared>>) offsets(%dma_start3A_170 : memref<128xi32, #tpu.memory_space<vmem>>) semaphore(%arg20 : memref<!tpu.dma_semaphore, #tpu.memory_space<semaphore_mem>>) {add = true}
      %add3A_174 = arith.constant 2 : i32
      %add3A_175 = arith.addi %add3A_159, %add3A_174 : i32
      %lt3A_176 = arith.constant 80 : i32
      %lt3A_177 = arith.cmpi slt, %add3A_175, %lt3A_176 : i32
      %convert_element_type3A_178 = arith.extui %lt3A_177 : i1 to i32
      %cond3A_179 = arith.constant 0 : i32
      %cond3A_180 = arith.cmpi ne, %convert_element_type3A_178, %cond3A_179 : i32
      scf.if %cond3A_180 {
        %add3A_188 = arith.constant 2 : i32
        %add3A_189 = arith.addi %add3A_159, %add3A_188 : i32
        %dma_start3A_190 = arith.constant 0 : i32
        %dma_start3A_191 = arith.constant 0 : i32
        %dma_start3A_192 = tpu.memref_slice %arg3[%add3A, %add3A_189, %dma_start3A_190, %dma_start3A_191] : memref<32x80x2x128xi32, #tpu.memory_space<hbm>> -> memref<1x1x2x128xi32, #tpu.memory_space<hbm>>
        %dma_start3A_193 = tpu.memref_squeeze %dma_start3A_192 : memref<1x1x2x128xi32, #tpu.memory_space<hbm>> -> memref<2x128xi32, #tpu.memory_space<hbm>>
        %dma_start3A_194 = arith.constant 0 : i32
        %dma_start3A_195 = arith.constant 0 : i32
        %dma_start3A_196 = tpu.memref_slice %arg3[%add3A, %add3A_189, %dma_start3A_194, %dma_start3A_195] : memref<32x80x2x128xi32, #tpu.memory_space<hbm>> -> memref<1x1x2x128xi32, #tpu.memory_space<hbm>>
        %dma_start3A_197 = tpu.memref_squeeze %dma_start3A_196 : memref<1x1x2x128xi32, #tpu.memory_space<hbm>> -> memref<2x128xi32, #tpu.memory_space<hbm>>
        tpu.enqueue_dma source(%dma_start3A_197 : memref<2x128xi32, #tpu.memory_space<hbm>>) target(%arg7 : memref<2x128xi32, #tpu.memory_space<vmem>>) target_semaphore(%arg14 : memref<!tpu.dma_semaphore, #tpu.memory_space<semaphore_mem>>)
      } else {
      }
      %add3A_181 = arith.constant 1 : i32
      %add3A_182 = arith.addi %add3A_159, %add3A_181 : i32
      %lt3A_183 = arith.constant 80 : i32
      %lt3A_184 = arith.cmpi slt, %add3A_182, %lt3A_183 : i32
      %convert_element_type3A_185 = arith.extui %lt3A_184 : i1 to i32
      %cond3A_186 = arith.constant 0 : i32
      %cond3A_187 = arith.cmpi ne, %convert_element_type3A_185, %cond3A_186 : i32
      scf.if %cond3A_187 {
        %add3A_188 = arith.constant 1 : i32
        %add3A_189 = arith.addi %add3A_159, %add3A_188 : i32
        %dma_wait3A_190 = arith.constant 0 : i32
        %dma_wait3A_191 = arith.constant 0 : i32
        %dma_wait3A_192 = tpu.memref_slice %arg3[%add3A, %add3A_189, %dma_wait3A_190, %dma_wait3A_191] : memref<32x80x2x128xi32, #tpu.memory_space<hbm>> -> memref<1x1x2x128xi32, #tpu.memory_space<hbm>>
        %dma_wait3A_193 = tpu.memref_squeeze %dma_wait3A_192 : memref<1x1x2x128xi32, #tpu.memory_space<hbm>> -> memref<2x128xi32, #tpu.memory_space<hbm>>
        %dma_wait3A_194 = arith.constant 0 : i32
        %dma_wait3A_195 = arith.constant 0 : i32
        %dma_wait3A_196 = tpu.memref_slice %arg3[%add3A, %add3A_189, %dma_wait3A_194, %dma_wait3A_195] : memref<32x80x2x128xi32, #tpu.memory_space<hbm>> -> memref<1x1x2x128xi32, #tpu.memory_space<hbm>>
        %dma_wait3A_197 = tpu.memref_squeeze %dma_wait3A_196 : memref<1x1x2x128xi32, #tpu.memory_space<hbm>> -> memref<2x128xi32, #tpu.memory_space<hbm>>
        tpu.wait_dma2 semaphore(%arg13 : memref<!tpu.dma_semaphore, #tpu.memory_space<semaphore_mem>>) src(%dma_wait3A_197 : memref<2x128xi32, #tpu.memory_space<hbm>>) dst(%arg6 : memref<2x128xi32, #tpu.memory_space<vmem>>)
        %add3A_198 = arith.constant 1 : i32
        %add3A_199 = arith.addi %add3A_159, %add3A_198 : i32
        %ge3A = arith.constant 2 : i32
        %ge3A_200 = arith.cmpi sge, %add3A_199, %ge3A : i32
        %convert_element_type3A_201 = arith.extui %ge3A_200 : i1 to i32
        %cond3A_202 = arith.constant 0 : i32
        %cond3A_203 = arith.cmpi ne, %convert_element_type3A_201, %cond3A_202 : i32
        scf.if %cond3A_203 {
          %add3A_213 = arith.constant 1 : i32
          %add3A_214 = arith.addi %add3A_159, %add3A_213 : i32
          %sub3A = arith.constant 2 : i32
          %sub3A_215 = arith.subi %add3A_214, %sub3A : i32
          %dma_wait3A_216 = arith.constant 1 : i32
          %dma_wait3A_217 = arith.constant 0 : i32
          %dma_wait3A_218 = tpu.memref_slice %arg8[%dma_wait3A_216, %dma_wait3A_217] : memref<2x128xi32, #tpu.memory_space<vmem>> -> memref<1x128xi32, #tpu.memory_space<vmem>>
          %dma_wait3A_219 = tpu.memref_squeeze %dma_wait3A_218 : memref<1x128xi32, #tpu.memory_space<vmem>> -> memref<128xi32, #tpu.memory_space<vmem>>
          %dma_wait3A_220 = arith.constant 0 : i32
          %dma_wait3A_221 = arith.constant 0 : i32
          %dma_wait3A_222 = tpu.memref_slice %arg12[%dma_wait3A_220, %dma_wait3A_221] : memref<10240x128xf32, #tpu.memory_space<vmem_shared>> -> memref<10240x128xf32, #tpu.memory_space<vmem_shared>>
          tpu.wait_indirect_dma semaphore(%arg19 : memref<!tpu.dma_semaphore, #tpu.memory_space<semaphore_mem>>) src(%arg10 : memref<128x128xf32, #tpu.memory_space<vmem>>) dst(%dma_wait3A_222 : memref<10240x128xf32, #tpu.memory_space<vmem_shared>>)
        } else {
        }
        %add3A_204 = arith.constant 1 : i32
        %add3A_205 = arith.addi %add3A_159, %add3A_204 : i32
        %dma_start3A_206 = arith.constant 0 : i32
        %dma_start3A_207 = arith.constant 0 : i32
        %dma_start3A_208 = tpu.memref_slice %arg6[%dma_start3A_206, %dma_start3A_207] : memref<2x128xi32, #tpu.memory_space<vmem>> -> memref<1x128xi32, #tpu.memory_space<vmem>>
        %dma_start3A_209 = tpu.memref_squeeze %dma_start3A_208 : memref<1x128xi32, #tpu.memory_space<vmem>> -> memref<128xi32, #tpu.memory_space<vmem>>
        %dma_start3A_210 = arith.constant 0 : i32
        %dma_start3A_211 = arith.constant 0 : i32
        %dma_start3A_212 = tpu.memref_slice %arg2[%dma_start3A_210, %dma_start3A_211] : memref<10240x128xf32, #tpu.memory_space<hbm>> -> memref<10240x128xf32, #tpu.memory_space<hbm>>
        tpu.enqueue_indirect_dma source(%dma_start3A_212 : memref<10240x128xf32, #tpu.memory_space<hbm>>) target(%arg10 : memref<128x128xf32, #tpu.memory_space<vmem>>) offsets(%dma_start3A_209 : memref<128xi32, #tpu.memory_space<vmem>>) semaphore(%arg17 : memref<!tpu.dma_semaphore, #tpu.memory_space<semaphore_mem>>)
      } else {
      }
    }
    %scan3A_38 = arith.constant 20 : i32
    %dma_wait3A_39 = arith.constant 1 : i32
    %dma_wait3A_40 = arith.constant 0 : i32
    %dma_wait3A_41 = tpu.memref_slice %arg8[%dma_wait3A_39, %dma_wait3A_40] : memref<2x128xi32, #tpu.memory_space<vmem>> -> memref<1x128xi32, #tpu.memory_space<vmem>>
    %dma_wait3A_42 = tpu.memref_squeeze %dma_wait3A_41 : memref<1x128xi32, #tpu.memory_space<vmem>> -> memref<128xi32, #tpu.memory_space<vmem>>
    %dma_wait3A_43 = arith.constant 0 : i32
    %dma_wait3A_44 = arith.constant 0 : i32
    %dma_wait3A_45 = tpu.memref_slice %arg12[%dma_wait3A_43, %dma_wait3A_44] : memref<10240x128xf32, #tpu.memory_space<vmem_shared>> -> memref<10240x128xf32, #tpu.memory_space<vmem_shared>>
    tpu.wait_indirect_dma semaphore(%arg19 : memref<!tpu.dma_semaphore, #tpu.memory_space<semaphore_mem>>) src(%arg10 : memref<128x128xf32, #tpu.memory_space<vmem>>) dst(%dma_wait3A_45 : memref<10240x128xf32, #tpu.memory_space<vmem_shared>>)
    %dma_wait3A_46 = arith.constant 1 : i32
    %dma_wait3A_47 = arith.constant 0 : i32
    %dma_wait3A_48 = tpu.memref_slice %arg9[%dma_wait3A_46, %dma_wait3A_47] : memref<2x128xi32, #tpu.memory_space<vmem>> -> memref<1x128xi32, #tpu.memory_space<vmem>>
    %dma_wait3A_49 = tpu.memref_squeeze %dma_wait3A_48 : memref<1x128xi32, #tpu.memory_space<vmem>> -> memref<128xi32, #tpu.memory_space<vmem>>
    %dma_wait3A_50 = arith.constant 0 : i32
    %dma_wait3A_51 = arith.constant 0 : i32
    %dma_wait3A_52 = tpu.memref_slice %arg12[%dma_wait3A_50, %dma_wait3A_51] : memref<10240x128xf32, #tpu.memory_space<vmem_shared>> -> memref<10240x128xf32, #tpu.memory_space<vmem_shared>>
    tpu.wait_indirect_dma semaphore(%arg20 : memref<!tpu.dma_semaphore, #tpu.memory_space<semaphore_mem>>) src(%arg11 : memref<128x128xf32, #tpu.memory_space<vmem>>) dst(%dma_wait3A_52 : memref<10240x128xf32, #tpu.memory_space<vmem_shared>>)
    %barrier3A_53 = arith.constant 0 : index
    tpu.barrier barrier_id(%barrier3A_53)
    %mul3A_54 = arith.constant 640 : i32
    %mul3A_55 = arith.muli %arg1, %mul3A_54 : i32
    %mul3A_56 = arith.constant 640 : i32
    %mul3A_57 = arith.muli %arg1, %mul3A_56 : i32
    "tpu.region"() ({
      %run_scoped3A = tpu.sem_alloc : memref<!tpu.dma_semaphore, #tpu.memory_space<semaphore_mem>>
      %dma_start3A_58 = arith.constant 0 : i32
      %dma_start3A_59 = tpu.memref_slice %arg5[%arg0, %mul3A_57, %dma_start3A_58] : memref<2x10240x128xf32, #tpu.memory_space<hbm>> -> memref<1x640x128xf32, #tpu.memory_space<hbm>>
      %dma_start3A_60 = tpu.memref_squeeze %dma_start3A_59 : memref<1x640x128xf32, #tpu.memory_space<hbm>> -> memref<640x128xf32, #tpu.memory_space<hbm>>
      %dma_start3A_61 = arith.constant 0 : i32
      %dma_start3A_62 = tpu.memref_slice %arg12[%mul3A_55, %dma_start3A_61] : memref<10240x128xf32, #tpu.memory_space<vmem_shared>> -> memref<640x128xf32, #tpu.memory_space<vmem_shared>>
      tpu.enqueue_dma source(%dma_start3A_62 : memref<640x128xf32, #tpu.memory_space<vmem_shared>>) target(%dma_start3A_60 : memref<640x128xf32, #tpu.memory_space<hbm>>) target_semaphore(%run_scoped3A : memref<!tpu.dma_semaphore, #tpu.memory_space<semaphore_mem>>)
      %dma_wait3A_63 = arith.constant 0 : i32
      %dma_wait3A_64 = tpu.memref_slice %arg5[%arg0, %mul3A_57, %dma_wait3A_63] : memref<2x10240x128xf32, #tpu.memory_space<hbm>> -> memref<1x640x128xf32, #tpu.memory_space<hbm>>
      %dma_wait3A_65 = tpu.memref_squeeze %dma_wait3A_64 : memref<1x640x128xf32, #tpu.memory_space<hbm>> -> memref<640x128xf32, #tpu.memory_space<hbm>>
      %dma_wait3A_66 = arith.constant 0 : i32
      %dma_wait3A_67 = tpu.memref_slice %arg12[%mul3A_55, %dma_wait3A_66] : memref<10240x128xf32, #tpu.memory_space<vmem_shared>> -> memref<640x128xf32, #tpu.memory_space<vmem_shared>>
      tpu.wait_dma2 semaphore(%run_scoped3A : memref<!tpu.dma_semaphore, #tpu.memory_space<semaphore_mem>>) src(%dma_wait3A_67 : memref<640x128xf32, #tpu.memory_space<vmem_shared>>) dst(%dma_wait3A_65 : memref<640x128xf32, #tpu.memory_space<hbm>>)
      tpu.yield
    }) : () -> ()
    return
  }
}

#map = affine_map<(d0, d1) -> (0, 0)>
#map1 = affine_map<(d0, d1) -> (0, 0, 0, 0)>
#map2 = affine_map<(d0, d1) -> (0, 0, 0)>
module attributes {stable_mosaic.version = 14 : i64} {
  func.func @k(%arg0: i32, %arg1: i32, %arg2: memref<10240x128xf32, #tpu.memory_space<hbm>>, %arg3: memref<32x80x2x128xi32, #tpu.memory_space<hbm>>, %arg4: memref<640x128xf32, #tpu.memory_space<hbm>>, %arg5: memref<2x10240x128xf32, #tpu.memory_space<hbm>>, %arg6: memref<2x128xi32, #tpu.memory_space<vmem>>, %arg7: memref<2x128xi32, #tpu.memory_space<vmem>>, %arg8: memref<2x128xi32, #tpu.memory_space<vmem>>, %arg9: memref<2x128xi32, #tpu.memory_space<vmem>>, %arg10: memref<128x128xf32, #tpu.memory_space<vmem>>, %arg11: memref<128x128xf32, #tpu.memory_space<vmem>>, %arg12: memref<10240x128xf32, #tpu.memory_space<vmem_shared>>, %arg13: memref<!tpu.dma_semaphore, #tpu.memory_space<semaphore_mem>>, %arg14: memref<!tpu.dma_semaphore, #tpu.memory_space<semaphore_mem>>, %arg15: memref<!tpu.dma_semaphore, #tpu.memory_space<semaphore_mem>>, %arg16: memref<!tpu.dma_semaphore, #tpu.memory_space<semaphore_mem>>, %arg17: memref<!tpu.dma_semaphore, #tpu.memory_space<semaphore_mem>>, %arg18: memref<!tpu.dma_semaphore, #tpu.memory_space<semaphore_mem>>, %arg19: memref<!tpu.dma_semaphore, #tpu.memory_space<semaphore_mem>>, %arg20: memref<!tpu.dma_semaphore, #tpu.memory_space<semaphore_mem>>) attributes {dimension_semantics = [#tpu.dimension_semantics<core_parallel>, #tpu.dimension_semantics<subcore_parallel>], iteration_bounds = array<i64: 2, 16>, scalar_prefetch = 0 : i64, scratch_operands = 15 : i64, tpu.core_type = #tpu.core_type<sc_vector_subcore>, window_params = [{transform_indices = #map}, {transform_indices = #map1}, {transform_indices = #map}, {transform_indices = #map2}]} {
    %mul3A = arith.constant 16 : i32
    %mul3A_0 = arith.muli %arg0, %mul3A : i32
    %add3A = arith.addi %mul3A_0, %arg1 : i32
    %dma_start3A = arith.constant 0 : i32
    %dma_start3A_1 = arith.constant 0 : i32
    %dma_start3A_2 = arith.constant 0 : i32
    %dma_start3A_3 = tpu.memref_slice %arg3[%add3A, %dma_start3A, %dma_start3A_1, %dma_start3A_2] : memref<32x80x2x128xi32, #tpu.memory_space<hbm>> -> memref<1x1x2x128xi32, #tpu.memory_space<hbm>>
    %dma_start3A_4 = tpu.memref_squeeze %dma_start3A_3 : memref<1x1x2x128xi32, #tpu.memory_space<hbm>> -> memref<2x128xi32, #tpu.memory_space<hbm>>
    %dma_start3A_5 = arith.constant 0 : i32
    %dma_start3A_6 = arith.constant 0 : i32
    %dma_start3A_7 = tpu.memref_slice %arg3[%add3A, %dma_start3A, %dma_start3A_5, %dma_start3A_6] : memref<32x80x2x128xi32, #tpu.memory_space<hbm>> -> memref<1x1x2x128xi32, #tpu.memory_space<hbm>>
    %dma_start3A_8 = tpu.memref_squeeze %dma_start3A_7 : memref<1x1x2x128xi32, #tpu.memory_space<hbm>> -> memref<2x128xi32, #tpu.memory_space<hbm>>
    tpu.enqueue_dma source(%dma_start3A_8 : memref<2x128xi32, #tpu.memory_space<hbm>>) target(%arg6 : memref<2x128xi32, #tpu.memory_space<vmem>>) target_semaphore(%arg13 : memref<!tpu.dma_semaphore, #tpu.memory_space<semaphore_mem>>)
    %dma_start3A_9 = arith.constant 1 : i32
    %dma_start3A_10 = arith.constant 0 : i32
    %dma_start3A_11 = arith.constant 0 : i32
    %dma_start3A_12 = tpu.memref_slice %arg3[%add3A, %dma_start3A_9, %dma_start3A_10, %dma_start3A_11] : memref<32x80x2x128xi32, #tpu.memory_space<hbm>> -> memref<1x1x2x128xi32, #tpu.memory_space<hbm>>
    %dma_start3A_13 = tpu.memref_squeeze %dma_start3A_12 : memref<1x1x2x128xi32, #tpu.memory_space<hbm>> -> memref<2x128xi32, #tpu.memory_space<hbm>>
    %dma_start3A_14 = arith.constant 0 : i32
    %dma_start3A_15 = arith.constant 0 : i32
    %dma_start3A_16 = tpu.memref_slice %arg3[%add3A, %dma_start3A_9, %dma_start3A_14, %dma_start3A_15] : memref<32x80x2x128xi32, #tpu.memory_space<hbm>> -> memref<1x1x2x128xi32, #tpu.memory_space<hbm>>
    %dma_start3A_17 = tpu.memref_squeeze %dma_start3A_16 : memref<1x1x2x128xi32, #tpu.memory_space<hbm>> -> memref<2x128xi32, #tpu.memory_space<hbm>>
    tpu.enqueue_dma source(%dma_start3A_17 : memref<2x128xi32, #tpu.memory_space<hbm>>) target(%arg7 : memref<2x128xi32, #tpu.memory_space<vmem>>) target_semaphore(%arg14 : memref<!tpu.dma_semaphore, #tpu.memory_space<semaphore_mem>>)
    %dma_wait3A = arith.constant 0 : i32
    %dma_wait3A_18 = arith.constant 0 : i32
    %dma_wait3A_19 = arith.constant 0 : i32
    %dma_wait3A_20 = tpu.memref_slice %arg3[%add3A, %dma_wait3A, %dma_wait3A_18, %dma_wait3A_19] : memref<32x80x2x128xi32, #tpu.memory_space<hbm>> -> memref<1x1x2x128xi32, #tpu.memory_space<hbm>>
    %dma_wait3A_21 = tpu.memref_squeeze %dma_wait3A_20 : memref<1x1x2x128xi32, #tpu.memory_space<hbm>> -> memref<2x128xi32, #tpu.memory_space<hbm>>
    %dma_wait3A_22 = arith.constant 0 : i32
    %dma_wait3A_23 = arith.constant 0 : i32
    %dma_wait3A_24 = tpu.memref_slice %arg3[%add3A, %dma_wait3A, %dma_wait3A_22, %dma_wait3A_23] : memref<32x80x2x128xi32, #tpu.memory_space<hbm>> -> memref<1x1x2x128xi32, #tpu.memory_space<hbm>>
    %dma_wait3A_25 = tpu.memref_squeeze %dma_wait3A_24 : memref<1x1x2x128xi32, #tpu.memory_space<hbm>> -> memref<2x128xi32, #tpu.memory_space<hbm>>
    tpu.wait_dma2 semaphore(%arg13 : memref<!tpu.dma_semaphore, #tpu.memory_space<semaphore_mem>>) src(%dma_wait3A_25 : memref<2x128xi32, #tpu.memory_space<hbm>>) dst(%arg6 : memref<2x128xi32, #tpu.memory_space<vmem>>)
    %dma_start3A_26 = arith.constant 0 : i32
    %dma_start3A_27 = arith.constant 0 : i32
    %dma_start3A_28 = tpu.memref_slice %arg6[%dma_start3A_26, %dma_start3A_27] : memref<2x128xi32, #tpu.memory_space<vmem>> -> memref<1x128xi32, #tpu.memory_space<vmem>>
    %dma_start3A_29 = tpu.memref_squeeze %dma_start3A_28 : memref<1x128xi32, #tpu.memory_space<vmem>> -> memref<128xi32, #tpu.memory_space<vmem>>
    %dma_start3A_30 = arith.constant 0 : i32
    %dma_start3A_31 = arith.constant 0 : i32
    %dma_start3A_32 = tpu.memref_slice %arg2[%dma_start3A_30, %dma_start3A_31] : memref<10240x128xf32, #tpu.memory_space<hbm>> -> memref<10240x128xf32, #tpu.memory_space<hbm>>
    tpu.enqueue_indirect_dma source(%dma_start3A_32 : memref<10240x128xf32, #tpu.memory_space<hbm>>) target(%arg10 : memref<128x128xf32, #tpu.memory_space<vmem>>) offsets(%dma_start3A_29 : memref<128xi32, #tpu.memory_space<vmem>>) semaphore(%arg17 : memref<!tpu.dma_semaphore, #tpu.memory_space<semaphore_mem>>)
    %mul3A_33 = arith.constant 640 : i32
    %mul3A_34 = arith.muli %arg1, %mul3A_33 : i32
    "tpu.region"() ({
      %run_scoped3A = tpu.sem_alloc : memref<!tpu.dma_semaphore, #tpu.memory_space<semaphore_mem>>
      %dma_start3A_58 = arith.constant 0 : i32
      %dma_start3A_59 = tpu.memref_slice %arg12[%mul3A_34, %dma_start3A_58] : memref<10240x128xf32, #tpu.memory_space<vmem_shared>> -> memref<640x128xf32, #tpu.memory_space<vmem_shared>>
      tpu.enqueue_dma source(%arg4 : memref<640x128xf32, #tpu.memory_space<hbm>>) target(%dma_start3A_59 : memref<640x128xf32, #tpu.memory_space<vmem_shared>>) target_semaphore(%run_scoped3A : memref<!tpu.dma_semaphore, #tpu.memory_space<semaphore_mem>>)
      %dma_wait3A_60 = arith.constant 0 : i32
      %dma_wait3A_61 = tpu.memref_slice %arg12[%mul3A_34, %dma_wait3A_60] : memref<10240x128xf32, #tpu.memory_space<vmem_shared>> -> memref<640x128xf32, #tpu.memory_space<vmem_shared>>
      tpu.wait_dma2 semaphore(%run_scoped3A : memref<!tpu.dma_semaphore, #tpu.memory_space<semaphore_mem>>) src(%arg4 : memref<640x128xf32, #tpu.memory_space<hbm>>) dst(%dma_wait3A_61 : memref<640x128xf32, #tpu.memory_space<vmem_shared>>)
      tpu.yield
    }) : () -> ()
    %barrier3A = arith.constant 0 : index
    tpu.barrier barrier_id(%barrier3A)
    %scan3A = arith.constant 0 : i32
    %scan3A_35 = arith.constant 20 : i32
    %scan3A_36 = arith.addi %scan3A, %scan3A_35 : i32
    %scan3A_37 = arith.constant 1 : i32
    scf.for %scan3A_58 = %scan3A to %scan3A_36 step %scan3A_37  : i32 {
      %mul3A_59 = arith.constant 1 : i32
      %mul3A_60 = arith.muli %scan3A_58, %mul3A_59 : i32
      %add3A_61 = arith.constant 0 : i32
      %add3A_62 = arith.addi %add3A_61, %mul3A_60 : i32
      %mul3A_63 = arith.constant 4 : i32
      %mul3A_64 = arith.muli %add3A_62, %mul3A_63 : i32
      %add3A_65 = arith.constant 0 : i32
      %add3A_66 = arith.addi %mul3A_64, %add3A_65 : i32
      %dma_wait3A_67 = arith.constant 0 : i32
      %dma_wait3A_68 = arith.constant 0 : i32
      %dma_wait3A_69 = tpu.memref_slice %arg6[%dma_wait3A_67, %dma_wait3A_68] : memref<2x128xi32, #tpu.memory_space<vmem>> -> memref<1x128xi32, #tpu.memory_space<vmem>>
      %dma_wait3A_70 = tpu.memref_squeeze %dma_wait3A_69 : memref<1x128xi32, #tpu.memory_space<vmem>> -> memref<128xi32, #tpu.memory_space<vmem>>
      %dma_wait3A_71 = arith.constant 0 : i32
      %dma_wait3A_72 = arith.constant 0 : i32
      %dma_wait3A_73 = tpu.memref_slice %arg2[%dma_wait3A_71, %dma_wait3A_72] : memref<10240x128xf32, #tpu.memory_space<hbm>> -> memref<10240x128xf32, #tpu.memory_space<hbm>>
      tpu.wait_indirect_dma semaphore(%arg17 : memref<!tpu.dma_semaphore, #tpu.memory_space<semaphore_mem>>) src(%dma_wait3A_73 : memref<10240x128xf32, #tpu.memory_space<hbm>>) dst(%arg10 : memref<128x128xf32, #tpu.memory_space<vmem>>)
      %dma_start3A_74 = arith.constant 1 : i32
      %dma_start3A_75 = arith.constant 0 : i32
      %dma_start3A_76 = tpu.memref_slice %arg6[%dma_start3A_74, %dma_start3A_75] : memref<2x128xi32, #tpu.memory_space<vmem>> -> memref<1x128xi32, #tpu.memory_space<vmem>>
      %dma_start3A_77 = tpu.memref_squeeze %dma_start3A_76 : memref<1x128xi32, #tpu.memory_space<vmem>> -> memref<128xi32, #tpu.memory_space<vmem>>
      %dma_start3A_78 = arith.constant 0 : i32
      %dma_start3A_79 = arith.constant 0 : i32
      %dma_start3A_80 = tpu.memref_slice %arg12[%dma_start3A_78, %dma_start3A_79] : memref<10240x128xf32, #tpu.memory_space<vmem_shared>> -> memref<10240x128xf32, #tpu.memory_space<vmem_shared>>
      tpu.enqueue_indirect_dma source(%arg10 : memref<128x128xf32, #tpu.memory_space<vmem>>) target(%dma_start3A_80 : memref<10240x128xf32, #tpu.memory_space<vmem_shared>>) offsets(%dma_start3A_77 : memref<128xi32, #tpu.memory_space<vmem>>) semaphore(%arg19 : memref<!tpu.dma_semaphore, #tpu.memory_space<semaphore_mem>>) {add = true}
      %add3A_81 = arith.constant 2 : i32
      %add3A_82 = arith.addi %add3A_66, %add3A_81 : i32
      %lt3A = arith.constant 80 : i32
      %lt3A_83 = arith.cmpi slt, %add3A_82, %lt3A : i32
      %convert_element_type3A = arith.extui %lt3A_83 : i1 to i32
      %cond3A = arith.constant 0 : i32
      %cond3A_84 = arith.cmpi ne, %convert_element_type3A, %cond3A : i32
      scf.if %cond3A_84 {
        %add3A_188 = arith.constant 2 : i32
        %add3A_189 = arith.addi %add3A_66, %add3A_188 : i32
        %dma_start3A_190 = arith.constant 0 : i32
        %dma_start3A_191 = arith.constant 0 : i32
        %dma_start3A_192 = tpu.memref_slice %arg3[%add3A, %add3A_189, %dma_start3A_190, %dma_start3A_191] : memref<32x80x2x128xi32, #tpu.memory_space<hbm>> -> memref<1x1x2x128xi32, #tpu.memory_space<hbm>>
        %dma_start3A_193 = tpu.memref_squeeze %dma_start3A_192 : memref<1x1x2x128xi32, #tpu.memory_space<hbm>> -> memref<2x128xi32, #tpu.memory_space<hbm>>
        %dma_start3A_194 = arith.constant 0 : i32
        %dma_start3A_195 = arith.constant 0 : i32
        %dma_start3A_196 = tpu.memref_slice %arg3[%add3A, %add3A_189, %dma_start3A_194, %dma_start3A_195] : memref<32x80x2x128xi32, #tpu.memory_space<hbm>> -> memref<1x1x2x128xi32, #tpu.memory_space<hbm>>
        %dma_start3A_197 = tpu.memref_squeeze %dma_start3A_196 : memref<1x1x2x128xi32, #tpu.memory_space<hbm>> -> memref<2x128xi32, #tpu.memory_space<hbm>>
        tpu.enqueue_dma source(%dma_start3A_197 : memref<2x128xi32, #tpu.memory_space<hbm>>) target(%arg8 : memref<2x128xi32, #tpu.memory_space<vmem>>) target_semaphore(%arg15 : memref<!tpu.dma_semaphore, #tpu.memory_space<semaphore_mem>>)
      } else {
      }
      %add3A_85 = arith.constant 1 : i32
      %add3A_86 = arith.addi %add3A_66, %add3A_85 : i32
      %lt3A_87 = arith.constant 80 : i32
      %lt3A_88 = arith.cmpi slt, %add3A_86, %lt3A_87 : i32
      %convert_element_type3A_89 = arith.extui %lt3A_88 : i1 to i32
      %cond3A_90 = arith.constant 0 : i32
      %cond3A_91 = arith.cmpi ne, %convert_element_type3A_89, %cond3A_90 : i32
      scf.if %cond3A_91 {
        %add3A_188 = arith.constant 1 : i32
        %add3A_189 = arith.addi %add3A_66, %add3A_188 : i32
        %dma_wait3A_190 = arith.constant 0 : i32
        %dma_wait3A_191 = arith.constant 0 : i32
        %dma_wait3A_192 = tpu.memref_slice %arg3[%add3A, %add3A_189, %dma_wait3A_190, %dma_wait3A_191] : memref<32x80x2x128xi32, #tpu.memory_space<hbm>> -> memref<1x1x2x128xi32, #tpu.memory_space<hbm>>
        %dma_wait3A_193 = tpu.memref_squeeze %dma_wait3A_192 : memref<1x1x2x128xi32, #tpu.memory_space<hbm>> -> memref<2x128xi32, #tpu.memory_space<hbm>>
        %dma_wait3A_194 = arith.constant 0 : i32
        %dma_wait3A_195 = arith.constant 0 : i32
        %dma_wait3A_196 = tpu.memref_slice %arg3[%add3A, %add3A_189, %dma_wait3A_194, %dma_wait3A_195] : memref<32x80x2x128xi32, #tpu.memory_space<hbm>> -> memref<1x1x2x128xi32, #tpu.memory_space<hbm>>
        %dma_wait3A_197 = tpu.memref_squeeze %dma_wait3A_196 : memref<1x1x2x128xi32, #tpu.memory_space<hbm>> -> memref<2x128xi32, #tpu.memory_space<hbm>>
        tpu.wait_dma2 semaphore(%arg14 : memref<!tpu.dma_semaphore, #tpu.memory_space<semaphore_mem>>) src(%dma_wait3A_197 : memref<2x128xi32, #tpu.memory_space<hbm>>) dst(%arg7 : memref<2x128xi32, #tpu.memory_space<vmem>>)
        %add3A_198 = arith.constant 1 : i32
        %add3A_199 = arith.addi %add3A_66, %add3A_198 : i32
        %ge3A = arith.constant 2 : i32
        %ge3A_200 = arith.cmpi sge, %add3A_199, %ge3A : i32
        %convert_element_type3A_201 = arith.extui %ge3A_200 : i1 to i32
        %cond3A_202 = arith.constant 0 : i32
        %cond3A_203 = arith.cmpi ne, %convert_element_type3A_201, %cond3A_202 : i32
        scf.if %cond3A_203 {
          %add3A_213 = arith.constant 1 : i32
          %add3A_214 = arith.addi %add3A_66, %add3A_213 : i32
          %sub3A = arith.constant 2 : i32
          %sub3A_215 = arith.subi %add3A_214, %sub3A : i32
          %dma_wait3A_216 = arith.constant 1 : i32
          %dma_wait3A_217 = arith.constant 0 : i32
          %dma_wait3A_218 = tpu.memref_slice %arg9[%dma_wait3A_216, %dma_wait3A_217] : memref<2x128xi32, #tpu.memory_space<vmem>> -> memref<1x128xi32, #tpu.memory_space<vmem>>
          %dma_wait3A_219 = tpu.memref_squeeze %dma_wait3A_218 : memref<1x128xi32, #tpu.memory_space<vmem>> -> memref<128xi32, #tpu.memory_space<vmem>>
          %dma_wait3A_220 = arith.constant 0 : i32
          %dma_wait3A_221 = arith.constant 0 : i32
          %dma_wait3A_222 = tpu.memref_slice %arg12[%dma_wait3A_220, %dma_wait3A_221] : memref<10240x128xf32, #tpu.memory_space<vmem_shared>> -> memref<10240x128xf32, #tpu.memory_space<vmem_shared>>
          tpu.wait_indirect_dma semaphore(%arg20 : memref<!tpu.dma_semaphore, #tpu.memory_space<semaphore_mem>>) src(%arg11 : memref<128x128xf32, #tpu.memory_space<vmem>>) dst(%dma_wait3A_222 : memref<10240x128xf32, #tpu.memory_space<vmem_shared>>)
        } else {
        }
        %add3A_204 = arith.constant 1 : i32
        %add3A_205 = arith.addi %add3A_66, %add3A_204 : i32
        %dma_start3A_206 = arith.constant 0 : i32
        %dma_start3A_207 = arith.constant 0 : i32
        %dma_start3A_208 = tpu.memref_slice %arg7[%dma_start3A_206, %dma_start3A_207] : memref<2x128xi32, #tpu.memory_space<vmem>> -> memref<1x128xi32, #tpu.memory_space<vmem>>
        %dma_start3A_209 = tpu.memref_squeeze %dma_start3A_208 : memref<1x128xi32, #tpu.memory_space<vmem>> -> memref<128xi32, #tpu.memory_space<vmem>>
        %dma_start3A_210 = arith.constant 0 : i32
        %dma_start3A_211 = arith.constant 0 : i32
        %dma_start3A_212 = tpu.memref_slice %arg2[%dma_start3A_210, %dma_start3A_211] : memref<10240x128xf32, #tpu.memory_space<hbm>> -> memref<10240x128xf32, #tpu.memory_space<hbm>>
        tpu.enqueue_indirect_dma source(%dma_start3A_212 : memref<10240x128xf32, #tpu.memory_space<hbm>>) target(%arg11 : memref<128x128xf32, #tpu.memory_space<vmem>>) offsets(%dma_start3A_209 : memref<128xi32, #tpu.memory_space<vmem>>) semaphore(%arg18 : memref<!tpu.dma_semaphore, #tpu.memory_space<semaphore_mem>>)
      } else {
      }
      %mul3A_92 = arith.constant 4 : i32
      %mul3A_93 = arith.muli %add3A_62, %mul3A_92 : i32
      %add3A_94 = arith.constant 1 : i32
      %add3A_95 = arith.addi %mul3A_93, %add3A_94 : i32
      %dma_wait3A_96 = arith.constant 0 : i32
      %dma_wait3A_97 = arith.constant 0 : i32
      %dma_wait3A_98 = tpu.memref_slice %arg7[%dma_wait3A_96, %dma_wait3A_97] : memref<2x128xi32, #tpu.memory_space<vmem>> -> memref<1x128xi32, #tpu.memory_space<vmem>>
      %dma_wait3A_99 = tpu.memref_squeeze %dma_wait3A_98 : memref<1x128xi32, #tpu.memory_space<vmem>> -> memref<128xi32, #tpu.memory_space<vmem>>
      %dma_wait3A_100 = arith.constant 0 : i32
      %dma_wait3A_101 = arith.constant 0 : i32
      %dma_wait3A_102 = tpu.memref_slice %arg2[%dma_wait3A_100, %dma_wait3A_101] : memref<10240x128xf32, #tpu.memory_space<hbm>> -> memref<10240x128xf32, #tpu.memory_space<hbm>>
      tpu.wait_indirect_dma semaphore(%arg18 : memref<!tpu.dma_semaphore, #tpu.memory_space<semaphore_mem>>) src(%dma_wait3A_102 : memref<10240x128xf32, #tpu.memory_space<hbm>>) dst(%arg11 : memref<128x128xf32, #tpu.memory_space<vmem>>)
      %dma_start3A_103 = arith.constant 1 : i32
      %dma_start3A_104 = arith.constant 0 : i32
      %dma_start3A_105 = tpu.memref_slice %arg7[%dma_start3A_103, %dma_start3A_104] : memref<2x128xi32, #tpu.memory_space<vmem>> -> memref<1x128xi32, #tpu.memory_space<vmem>>
      %dma_start3A_106 = tpu.memref_squeeze %dma_start3A_105 : memref<1x128xi32, #tpu.memory_space<vmem>> -> memref<128xi32, #tpu.memory_space<vmem>>
      %dma_start3A_107 = arith.constant 0 : i32
      %dma_start3A_108 = arith.constant 0 : i32
      %dma_start3A_109 = tpu.memref_slice %arg12[%dma_start3A_107, %dma_start3A_108] : memref<10240x128xf32, #tpu.memory_space<vmem_shared>> -> memref<10240x128xf32, #tpu.memory_space<vmem_shared>>
      tpu.enqueue_indirect_dma source(%arg11 : memref<128x128xf32, #tpu.memory_space<vmem>>) target(%dma_start3A_109 : memref<10240x128xf32, #tpu.memory_space<vmem_shared>>) offsets(%dma_start3A_106 : memref<128xi32, #tpu.memory_space<vmem>>) semaphore(%arg20 : memref<!tpu.dma_semaphore, #tpu.memory_space<semaphore_mem>>) {add = true}
      %add3A_110 = arith.constant 2 : i32
      %add3A_111 = arith.addi %add3A_95, %add3A_110 : i32
      %lt3A_112 = arith.constant 80 : i32
      %lt3A_113 = arith.cmpi slt, %add3A_111, %lt3A_112 : i32
      %convert_element_type3A_114 = arith.extui %lt3A_113 : i1 to i32
      %cond3A_115 = arith.constant 0 : i32
      %cond3A_116 = arith.cmpi ne, %convert_element_type3A_114, %cond3A_115 : i32
      scf.if %cond3A_116 {
        %add3A_188 = arith.constant 2 : i32
        %add3A_189 = arith.addi %add3A_95, %add3A_188 : i32
        %dma_start3A_190 = arith.constant 0 : i32
        %dma_start3A_191 = arith.constant 0 : i32
        %dma_start3A_192 = tpu.memref_slice %arg3[%add3A, %add3A_189, %dma_start3A_190, %dma_start3A_191] : memref<32x80x2x128xi32, #tpu.memory_space<hbm>> -> memref<1x1x2x128xi32, #tpu.memory_space<hbm>>
        %dma_start3A_193 = tpu.memref_squeeze %dma_start3A_192 : memref<1x1x2x128xi32, #tpu.memory_space<hbm>> -> memref<2x128xi32, #tpu.memory_space<hbm>>
        %dma_start3A_194 = arith.constant 0 : i32
        %dma_start3A_195 = arith.constant 0 : i32
        %dma_start3A_196 = tpu.memref_slice %arg3[%add3A, %add3A_189, %dma_start3A_194, %dma_start3A_195] : memref<32x80x2x128xi32, #tpu.memory_space<hbm>> -> memref<1x1x2x128xi32, #tpu.memory_space<hbm>>
        %dma_start3A_197 = tpu.memref_squeeze %dma_start3A_196 : memref<1x1x2x128xi32, #tpu.memory_space<hbm>> -> memref<2x128xi32, #tpu.memory_space<hbm>>
        tpu.enqueue_dma source(%dma_start3A_197 : memref<2x128xi32, #tpu.memory_space<hbm>>) target(%arg9 : memref<2x128xi32, #tpu.memory_space<vmem>>) target_semaphore(%arg16 : memref<!tpu.dma_semaphore, #tpu.memory_space<semaphore_mem>>)
      } else {
      }
      %add3A_117 = arith.constant 1 : i32
      %add3A_118 = arith.addi %add3A_95, %add3A_117 : i32
      %lt3A_119 = arith.constant 80 : i32
      %lt3A_120 = arith.cmpi slt, %add3A_118, %lt3A_119 : i32
      %convert_element_type3A_121 = arith.extui %lt3A_120 : i1 to i32
      %cond3A_122 = arith.constant 0 : i32
      %cond3A_123 = arith.cmpi ne, %convert_element_type3A_121, %cond3A_122 : i32
      scf.if %cond3A_123 {
        %add3A_188 = arith.constant 1 : i32
        %add3A_189 = arith.addi %add3A_95, %add3A_188 : i32
        %dma_wait3A_190 = arith.constant 0 : i32
        %dma_wait3A_191 = arith.constant 0 : i32
        %dma_wait3A_192 = tpu.memref_slice %arg3[%add3A, %add3A_189, %dma_wait3A_190, %dma_wait3A_191] : memref<32x80x2x128xi32, #tpu.memory_space<hbm>> -> memref<1x1x2x128xi32, #tpu.memory_space<hbm>>
        %dma_wait3A_193 = tpu.memref_squeeze %dma_wait3A_192 : memref<1x1x2x128xi32, #tpu.memory_space<hbm>> -> memref<2x128xi32, #tpu.memory_space<hbm>>
        %dma_wait3A_194 = arith.constant 0 : i32
        %dma_wait3A_195 = arith.constant 0 : i32
        %dma_wait3A_196 = tpu.memref_slice %arg3[%add3A, %add3A_189, %dma_wait3A_194, %dma_wait3A_195] : memref<32x80x2x128xi32, #tpu.memory_space<hbm>> -> memref<1x1x2x128xi32, #tpu.memory_space<hbm>>
        %dma_wait3A_197 = tpu.memref_squeeze %dma_wait3A_196 : memref<1x1x2x128xi32, #tpu.memory_space<hbm>> -> memref<2x128xi32, #tpu.memory_space<hbm>>
        tpu.wait_dma2 semaphore(%arg15 : memref<!tpu.dma_semaphore, #tpu.memory_space<semaphore_mem>>) src(%dma_wait3A_197 : memref<2x128xi32, #tpu.memory_space<hbm>>) dst(%arg8 : memref<2x128xi32, #tpu.memory_space<vmem>>)
        %add3A_198 = arith.constant 1 : i32
        %add3A_199 = arith.addi %add3A_95, %add3A_198 : i32
        %ge3A = arith.constant 2 : i32
        %ge3A_200 = arith.cmpi sge, %add3A_199, %ge3A : i32
        %convert_element_type3A_201 = arith.extui %ge3A_200 : i1 to i32
        %cond3A_202 = arith.constant 0 : i32
        %cond3A_203 = arith.cmpi ne, %convert_element_type3A_201, %cond3A_202 : i32
        scf.if %cond3A_203 {
          %add3A_213 = arith.constant 1 : i32
          %add3A_214 = arith.addi %add3A_95, %add3A_213 : i32
          %sub3A = arith.constant 2 : i32
          %sub3A_215 = arith.subi %add3A_214, %sub3A : i32
          %dma_wait3A_216 = arith.constant 1 : i32
          %dma_wait3A_217 = arith.constant 0 : i32
          %dma_wait3A_218 = tpu.memref_slice %arg6[%dma_wait3A_216, %dma_wait3A_217] : memref<2x128xi32, #tpu.memory_space<vmem>> -> memref<1x128xi32, #tpu.memory_space<vmem>>
          %dma_wait3A_219 = tpu.memref_squeeze %dma_wait3A_218 : memref<1x128xi32, #tpu.memory_space<vmem>> -> memref<128xi32, #tpu.memory_space<vmem>>
          %dma_wait3A_220 = arith.constant 0 : i32
          %dma_wait3A_221 = arith.constant 0 : i32
          %dma_wait3A_222 = tpu.memref_slice %arg12[%dma_wait3A_220, %dma_wait3A_221] : memref<10240x128xf32, #tpu.memory_space<vmem_shared>> -> memref<10240x128xf32, #tpu.memory_space<vmem_shared>>
          tpu.wait_indirect_dma semaphore(%arg19 : memref<!tpu.dma_semaphore, #tpu.memory_space<semaphore_mem>>) src(%arg10 : memref<128x128xf32, #tpu.memory_space<vmem>>) dst(%dma_wait3A_222 : memref<10240x128xf32, #tpu.memory_space<vmem_shared>>)
        } else {
        }
        %add3A_204 = arith.constant 1 : i32
        %add3A_205 = arith.addi %add3A_95, %add3A_204 : i32
        %dma_start3A_206 = arith.constant 0 : i32
        %dma_start3A_207 = arith.constant 0 : i32
        %dma_start3A_208 = tpu.memref_slice %arg8[%dma_start3A_206, %dma_start3A_207] : memref<2x128xi32, #tpu.memory_space<vmem>> -> memref<1x128xi32, #tpu.memory_space<vmem>>
        %dma_start3A_209 = tpu.memref_squeeze %dma_start3A_208 : memref<1x128xi32, #tpu.memory_space<vmem>> -> memref<128xi32, #tpu.memory_space<vmem>>
        %dma_start3A_210 = arith.constant 0 : i32
        %dma_start3A_211 = arith.constant 0 : i32
        %dma_start3A_212 = tpu.memref_slice %arg2[%dma_start3A_210, %dma_start3A_211] : memref<10240x128xf32, #tpu.memory_space<hbm>> -> memref<10240x128xf32, #tpu.memory_space<hbm>>
        tpu.enqueue_indirect_dma source(%dma_start3A_212 : memref<10240x128xf32, #tpu.memory_space<hbm>>) target(%arg10 : memref<128x128xf32, #tpu.memory_space<vmem>>) offsets(%dma_start3A_209 : memref<128xi32, #tpu.memory_space<vmem>>) semaphore(%arg17 : memref<!tpu.dma_semaphore, #tpu.memory_space<semaphore_mem>>)
      } else {
      }
      %mul3A_124 = arith.constant 4 : i32
      %mul3A_125 = arith.muli %add3A_62, %mul3A_124 : i32
      %add3A_126 = arith.constant 2 : i32
      %add3A_127 = arith.addi %mul3A_125, %add3A_126 : i32
      %dma_wait3A_128 = arith.constant 0 : i32
      %dma_wait3A_129 = arith.constant 0 : i32
      %dma_wait3A_130 = tpu.memref_slice %arg8[%dma_wait3A_128, %dma_wait3A_129] : memref<2x128xi32, #tpu.memory_space<vmem>> -> memref<1x128xi32, #tpu.memory_space<vmem>>
      %dma_wait3A_131 = tpu.memref_squeeze %dma_wait3A_130 : memref<1x128xi32, #tpu.memory_space<vmem>> -> memref<128xi32, #tpu.memory_space<vmem>>
      %dma_wait3A_132 = arith.constant 0 : i32
      %dma_wait3A_133 = arith.constant 0 : i32
      %dma_wait3A_134 = tpu.memref_slice %arg2[%dma_wait3A_132, %dma_wait3A_133] : memref<10240x128xf32, #tpu.memory_space<hbm>> -> memref<10240x128xf32, #tpu.memory_space<hbm>>
      tpu.wait_indirect_dma semaphore(%arg17 : memref<!tpu.dma_semaphore, #tpu.memory_space<semaphore_mem>>) src(%dma_wait3A_134 : memref<10240x128xf32, #tpu.memory_space<hbm>>) dst(%arg10 : memref<128x128xf32, #tpu.memory_space<vmem>>)
      %dma_start3A_135 = arith.constant 1 : i32
      %dma_start3A_136 = arith.constant 0 : i32
      %dma_start3A_137 = tpu.memref_slice %arg8[%dma_start3A_135, %dma_start3A_136] : memref<2x128xi32, #tpu.memory_space<vmem>> -> memref<1x128xi32, #tpu.memory_space<vmem>>
      %dma_start3A_138 = tpu.memref_squeeze %dma_start3A_137 : memref<1x128xi32, #tpu.memory_space<vmem>> -> memref<128xi32, #tpu.memory_space<vmem>>
      %dma_start3A_139 = arith.constant 0 : i32
      %dma_start3A_140 = arith.constant 0 : i32
      %dma_start3A_141 = tpu.memref_slice %arg12[%dma_start3A_139, %dma_start3A_140] : memref<10240x128xf32, #tpu.memory_space<vmem_shared>> -> memref<10240x128xf32, #tpu.memory_space<vmem_shared>>
      tpu.enqueue_indirect_dma source(%arg10 : memref<128x128xf32, #tpu.memory_space<vmem>>) target(%dma_start3A_141 : memref<10240x128xf32, #tpu.memory_space<vmem_shared>>) offsets(%dma_start3A_138 : memref<128xi32, #tpu.memory_space<vmem>>) semaphore(%arg19 : memref<!tpu.dma_semaphore, #tpu.memory_space<semaphore_mem>>) {add = true}
      %add3A_142 = arith.constant 2 : i32
      %add3A_143 = arith.addi %add3A_127, %add3A_142 : i32
      %lt3A_144 = arith.constant 80 : i32
      %lt3A_145 = arith.cmpi slt, %add3A_143, %lt3A_144 : i32
      %convert_element_type3A_146 = arith.extui %lt3A_145 : i1 to i32
      %cond3A_147 = arith.constant 0 : i32
      %cond3A_148 = arith.cmpi ne, %convert_element_type3A_146, %cond3A_147 : i32
      scf.if %cond3A_148 {
        %add3A_188 = arith.constant 2 : i32
        %add3A_189 = arith.addi %add3A_127, %add3A_188 : i32
        %dma_start3A_190 = arith.constant 0 : i32
        %dma_start3A_191 = arith.constant 0 : i32
        %dma_start3A_192 = tpu.memref_slice %arg3[%add3A, %add3A_189, %dma_start3A_190, %dma_start3A_191] : memref<32x80x2x128xi32, #tpu.memory_space<hbm>> -> memref<1x1x2x128xi32, #tpu.memory_space<hbm>>
        %dma_start3A_193 = tpu.memref_squeeze %dma_start3A_192 : memref<1x1x2x128xi32, #tpu.memory_space<hbm>> -> memref<2x128xi32, #tpu.memory_space<hbm>>
        %dma_start3A_194 = arith.constant 0 : i32
        %dma_start3A_195 = arith.constant 0 : i32
        %dma_start3A_196 = tpu.memref_slice %arg3[%add3A, %add3A_189, %dma_start3A_194, %dma_start3A_195] : memref<32x80x2x128xi32, #tpu.memory_space<hbm>> -> memref<1x1x2x128xi32, #tpu.memory_space<hbm>>
        %dma_start3A_197 = tpu.memref_squeeze %dma_start3A_196 : memref<1x1x2x128xi32, #tpu.memory_space<hbm>> -> memref<2x128xi32, #tpu.memory_space<hbm>>
        tpu.enqueue_dma source(%dma_start3A_197 : memref<2x128xi32, #tpu.memory_space<hbm>>) target(%arg6 : memref<2x128xi32, #tpu.memory_space<vmem>>) target_semaphore(%arg13 : memref<!tpu.dma_semaphore, #tpu.memory_space<semaphore_mem>>)
      } else {
      }
      %add3A_149 = arith.constant 1 : i32
      %add3A_150 = arith.addi %add3A_127, %add3A_149 : i32
      %lt3A_151 = arith.constant 80 : i32
      %lt3A_152 = arith.cmpi slt, %add3A_150, %lt3A_151 : i32
      %convert_element_type3A_153 = arith.extui %lt3A_152 : i1 to i32
      %cond3A_154 = arith.constant 0 : i32
      %cond3A_155 = arith.cmpi ne, %convert_element_type3A_153, %cond3A_154 : i32
      scf.if %cond3A_155 {
        %add3A_188 = arith.constant 1 : i32
        %add3A_189 = arith.addi %add3A_127, %add3A_188 : i32
        %dma_wait3A_190 = arith.constant 0 : i32
        %dma_wait3A_191 = arith.constant 0 : i32
        %dma_wait3A_192 = tpu.memref_slice %arg3[%add3A, %add3A_189, %dma_wait3A_190, %dma_wait3A_191] : memref<32x80x2x128xi32, #tpu.memory_space<hbm>> -> memref<1x1x2x128xi32, #tpu.memory_space<hbm>>
        %dma_wait3A_193 = tpu.memref_squeeze %dma_wait3A_192 : memref<1x1x2x128xi32, #tpu.memory_space<hbm>> -> memref<2x128xi32, #tpu.memory_space<hbm>>
        %dma_wait3A_194 = arith.constant 0 : i32
        %dma_wait3A_195 = arith.constant 0 : i32
        %dma_wait3A_196 = tpu.memref_slice %arg3[%add3A, %add3A_189, %dma_wait3A_194, %dma_wait3A_195] : memref<32x80x2x128xi32, #tpu.memory_space<hbm>> -> memref<1x1x2x128xi32, #tpu.memory_space<hbm>>
        %dma_wait3A_197 = tpu.memref_squeeze %dma_wait3A_196 : memref<1x1x2x128xi32, #tpu.memory_space<hbm>> -> memref<2x128xi32, #tpu.memory_space<hbm>>
        tpu.wait_dma2 semaphore(%arg16 : memref<!tpu.dma_semaphore, #tpu.memory_space<semaphore_mem>>) src(%dma_wait3A_197 : memref<2x128xi32, #tpu.memory_space<hbm>>) dst(%arg9 : memref<2x128xi32, #tpu.memory_space<vmem>>)
        %add3A_198 = arith.constant 1 : i32
        %add3A_199 = arith.addi %add3A_127, %add3A_198 : i32
        %ge3A = arith.constant 2 : i32
        %ge3A_200 = arith.cmpi sge, %add3A_199, %ge3A : i32
        %convert_element_type3A_201 = arith.extui %ge3A_200 : i1 to i32
        %cond3A_202 = arith.constant 0 : i32
        %cond3A_203 = arith.cmpi ne, %convert_element_type3A_201, %cond3A_202 : i32
        scf.if %cond3A_203 {
          %add3A_213 = arith.constant 1 : i32
          %add3A_214 = arith.addi %add3A_127, %add3A_213 : i32
          %sub3A = arith.constant 2 : i32
          %sub3A_215 = arith.subi %add3A_214, %sub3A : i32
          %dma_wait3A_216 = arith.constant 1 : i32
          %dma_wait3A_217 = arith.constant 0 : i32
          %dma_wait3A_218 = tpu.memref_slice %arg7[%dma_wait3A_216, %dma_wait3A_217] : memref<2x128xi32, #tpu.memory_space<vmem>> -> memref<1x128xi32, #tpu.memory_space<vmem>>
          %dma_wait3A_219 = tpu.memref_squeeze %dma_wait3A_218 : memref<1x128xi32, #tpu.memory_space<vmem>> -> memref<128xi32, #tpu.memory_space<vmem>>
          %dma_wait3A_220 = arith.constant 0 : i32
          %dma_wait3A_221 = arith.constant 0 : i32
          %dma_wait3A_222 = tpu.memref_slice %arg12[%dma_wait3A_220, %dma_wait3A_221] : memref<10240x128xf32, #tpu.memory_space<vmem_shared>> -> memref<10240x128xf32, #tpu.memory_space<vmem_shared>>
          tpu.wait_indirect_dma semaphore(%arg20 : memref<!tpu.dma_semaphore, #tpu.memory_space<semaphore_mem>>) src(%arg11 : memref<128x128xf32, #tpu.memory_space<vmem>>) dst(%dma_wait3A_222 : memref<10240x128xf32, #tpu.memory_space<vmem_shared>>)
        } else {
        }
        %add3A_204 = arith.constant 1 : i32
        %add3A_205 = arith.addi %add3A_127, %add3A_204 : i32
        %dma_start3A_206 = arith.constant 0 : i32
        %dma_start3A_207 = arith.constant 0 : i32
        %dma_start3A_208 = tpu.memref_slice %arg9[%dma_start3A_206, %dma_start3A_207] : memref<2x128xi32, #tpu.memory_space<vmem>> -> memref<1x128xi32, #tpu.memory_space<vmem>>
        %dma_start3A_209 = tpu.memref_squeeze %dma_start3A_208 : memref<1x128xi32, #tpu.memory_space<vmem>> -> memref<128xi32, #tpu.memory_space<vmem>>
        %dma_start3A_210 = arith.constant 0 : i32
        %dma_start3A_211 = arith.constant 0 : i32
        %dma_start3A_212 = tpu.memref_slice %arg2[%dma_start3A_210, %dma_start3A_211] : memref<10240x128xf32, #tpu.memory_space<hbm>> -> memref<10240x128xf32, #tpu.memory_space<hbm>>
        tpu.enqueue_indirect_dma source(%dma_start3A_212 : memref<10240x128xf32, #tpu.memory_space<hbm>>) target(%arg11 : memref<128x128xf32, #tpu.memory_space<vmem>>) offsets(%dma_start3A_209 : memref<128xi32, #tpu.memory_space<vmem>>) semaphore(%arg18 : memref<!tpu.dma_semaphore, #tpu.memory_space<semaphore_mem>>)
      } else {
      }
      %mul3A_156 = arith.constant 4 : i32
      %mul3A_157 = arith.muli %add3A_62, %mul3A_156 : i32
      %add3A_158 = arith.constant 3 : i32
      %add3A_159 = arith.addi %mul3A_157, %add3A_158 : i32
      %dma_wait3A_160 = arith.constant 0 : i32
      %dma_wait3A_161 = arith.constant 0 : i32
      %dma_wait3A_162 = tpu.memref_slice %arg9[%dma_wait3A_160, %dma_wait3A_161] : memref<2x128xi32, #tpu.memory_space<vmem>> -> memref<1x128xi32, #tpu.memory_space<vmem>>
      %dma_wait3A_163 = tpu.memref_squeeze %dma_wait3A_162 : memref<1x128xi32, #tpu.memory_space<vmem>> -> memref<128xi32, #tpu.memory_space<vmem>>
      %dma_wait3A_164 = arith.constant 0 : i32
      %dma_wait3A_165 = arith.constant 0 : i32
      %dma_wait3A_166 = tpu.memref_slice %arg2[%dma_wait3A_164, %dma_wait3A_165] : memref<10240x128xf32, #tpu.memory_space<hbm>> -> memref<10240x128xf32, #tpu.memory_space<hbm>>
      tpu.wait_indirect_dma semaphore(%arg18 : memref<!tpu.dma_semaphore, #tpu.memory_space<semaphore_mem>>) src(%dma_wait3A_166 : memref<10240x128xf32, #tpu.memory_space<hbm>>) dst(%arg11 : memref<128x128xf32, #tpu.memory_space<vmem>>)
      %dma_start3A_167 = arith.constant 1 : i32
      %dma_start3A_168 = arith.constant 0 : i32
      %dma_start3A_169 = tpu.memref_slice %arg9[%dma_start3A_167, %dma_start3A_168] : memref<2x128xi32, #tpu.memory_space<vmem>> -> memref<1x128xi32, #tpu.memory_space<vmem>>
      %dma_start3A_170 = tpu.memref_squeeze %dma_start3A_169 : memref<1x128xi32, #tpu.memory_space<vmem>> -> memref<128xi32, #tpu.memory_space<vmem>>
      %dma_start3A_171 = arith.constant 0 : i32
      %dma_start3A_172 = arith.constant 0 : i32
      %dma_start3A_173 = tpu.memref_slice %arg12[%dma_start3A_171, %dma_start3A_172] : memref<10240x128xf32, #tpu.memory_space<vmem_shared>> -> memref<10240x128xf32, #tpu.memory_space<vmem_shared>>
      tpu.enqueue_indirect_dma source(%arg11 : memref<128x128xf32, #tpu.memory_space<vmem>>) target(%dma_start3A_173 : memref<10240x128xf32, #tpu.memory_space<vmem_shared>>) offsets(%dma_start3A_170 : memref<128xi32, #tpu.memory_space<vmem>>) semaphore(%arg20 : memref<!tpu.dma_semaphore, #tpu.memory_space<semaphore_mem>>) {add = true}
      %add3A_174 = arith.constant 2 : i32
      %add3A_175 = arith.addi %add3A_159, %add3A_174 : i32
      %lt3A_176 = arith.constant 80 : i32
      %lt3A_177 = arith.cmpi slt, %add3A_175, %lt3A_176 : i32
      %convert_element_type3A_178 = arith.extui %lt3A_177 : i1 to i32
      %cond3A_179 = arith.constant 0 : i32
      %cond3A_180 = arith.cmpi ne, %convert_element_type3A_178, %cond3A_179 : i32
      scf.if %cond3A_180 {
        %add3A_188 = arith.constant 2 : i32
        %add3A_189 = arith.addi %add3A_159, %add3A_188 : i32
        %dma_start3A_190 = arith.constant 0 : i32
        %dma_start3A_191 = arith.constant 0 : i32
        %dma_start3A_192 = tpu.memref_slice %arg3[%add3A, %add3A_189, %dma_start3A_190, %dma_start3A_191] : memref<32x80x2x128xi32, #tpu.memory_space<hbm>> -> memref<1x1x2x128xi32, #tpu.memory_space<hbm>>
        %dma_start3A_193 = tpu.memref_squeeze %dma_start3A_192 : memref<1x1x2x128xi32, #tpu.memory_space<hbm>> -> memref<2x128xi32, #tpu.memory_space<hbm>>
        %dma_start3A_194 = arith.constant 0 : i32
        %dma_start3A_195 = arith.constant 0 : i32
        %dma_start3A_196 = tpu.memref_slice %arg3[%add3A, %add3A_189, %dma_start3A_194, %dma_start3A_195] : memref<32x80x2x128xi32, #tpu.memory_space<hbm>> -> memref<1x1x2x128xi32, #tpu.memory_space<hbm>>
        %dma_start3A_197 = tpu.memref_squeeze %dma_start3A_196 : memref<1x1x2x128xi32, #tpu.memory_space<hbm>> -> memref<2x128xi32, #tpu.memory_space<hbm>>
        tpu.enqueue_dma source(%dma_start3A_197 : memref<2x128xi32, #tpu.memory_space<hbm>>) target(%arg7 : memref<2x128xi32, #tpu.memory_space<vmem>>) target_semaphore(%arg14 : memref<!tpu.dma_semaphore, #tpu.memory_space<semaphore_mem>>)
      } else {
      }
      %add3A_181 = arith.constant 1 : i32
      %add3A_182 = arith.addi %add3A_159, %add3A_181 : i32
      %lt3A_183 = arith.constant 80 : i32
      %lt3A_184 = arith.cmpi slt, %add3A_182, %lt3A_183 : i32
      %convert_element_type3A_185 = arith.extui %lt3A_184 : i1 to i32
      %cond3A_186 = arith.constant 0 : i32
      %cond3A_187 = arith.cmpi ne, %convert_element_type3A_185, %cond3A_186 : i32
      scf.if %cond3A_187 {
        %add3A_188 = arith.constant 1 : i32
        %add3A_189 = arith.addi %add3A_159, %add3A_188 : i32
        %dma_wait3A_190 = arith.constant 0 : i32
        %dma_wait3A_191 = arith.constant 0 : i32
        %dma_wait3A_192 = tpu.memref_slice %arg3[%add3A, %add3A_189, %dma_wait3A_190, %dma_wait3A_191] : memref<32x80x2x128xi32, #tpu.memory_space<hbm>> -> memref<1x1x2x128xi32, #tpu.memory_space<hbm>>
        %dma_wait3A_193 = tpu.memref_squeeze %dma_wait3A_192 : memref<1x1x2x128xi32, #tpu.memory_space<hbm>> -> memref<2x128xi32, #tpu.memory_space<hbm>>
        %dma_wait3A_194 = arith.constant 0 : i32
        %dma_wait3A_195 = arith.constant 0 : i32
        %dma_wait3A_196 = tpu.memref_slice %arg3[%add3A, %add3A_189, %dma_wait3A_194, %dma_wait3A_195] : memref<32x80x2x128xi32, #tpu.memory_space<hbm>> -> memref<1x1x2x128xi32, #tpu.memory_space<hbm>>
        %dma_wait3A_197 = tpu.memref_squeeze %dma_wait3A_196 : memref<1x1x2x128xi32, #tpu.memory_space<hbm>> -> memref<2x128xi32, #tpu.memory_space<hbm>>
        tpu.wait_dma2 semaphore(%arg13 : memref<!tpu.dma_semaphore, #tpu.memory_space<semaphore_mem>>) src(%dma_wait3A_197 : memref<2x128xi32, #tpu.memory_space<hbm>>) dst(%arg6 : memref<2x128xi32, #tpu.memory_space<vmem>>)
        %add3A_198 = arith.constant 1 : i32
        %add3A_199 = arith.addi %add3A_159, %add3A_198 : i32
        %ge3A = arith.constant 2 : i32
        %ge3A_200 = arith.cmpi sge, %add3A_199, %ge3A : i32
        %convert_element_type3A_201 = arith.extui %ge3A_200 : i1 to i32
        %cond3A_202 = arith.constant 0 : i32
        %cond3A_203 = arith.cmpi ne, %convert_element_type3A_201, %cond3A_202 : i32
        scf.if %cond3A_203 {
          %add3A_213 = arith.constant 1 : i32
          %add3A_214 = arith.addi %add3A_159, %add3A_213 : i32
          %sub3A = arith.constant 2 : i32
          %sub3A_215 = arith.subi %add3A_214, %sub3A : i32
          %dma_wait3A_216 = arith.constant 1 : i32
          %dma_wait3A_217 = arith.constant 0 : i32
          %dma_wait3A_218 = tpu.memref_slice %arg8[%dma_wait3A_216, %dma_wait3A_217] : memref<2x128xi32, #tpu.memory_space<vmem>> -> memref<1x128xi32, #tpu.memory_space<vmem>>
          %dma_wait3A_219 = tpu.memref_squeeze %dma_wait3A_218 : memref<1x128xi32, #tpu.memory_space<vmem>> -> memref<128xi32, #tpu.memory_space<vmem>>
          %dma_wait3A_220 = arith.constant 0 : i32
          %dma_wait3A_221 = arith.constant 0 : i32
          %dma_wait3A_222 = tpu.memref_slice %arg12[%dma_wait3A_220, %dma_wait3A_221] : memref<10240x128xf32, #tpu.memory_space<vmem_shared>> -> memref<10240x128xf32, #tpu.memory_space<vmem_shared>>
          tpu.wait_indirect_dma semaphore(%arg19 : memref<!tpu.dma_semaphore, #tpu.memory_space<semaphore_mem>>) src(%arg10 : memref<128x128xf32, #tpu.memory_space<vmem>>) dst(%dma_wait3A_222 : memref<10240x128xf32, #tpu.memory_space<vmem_shared>>)
        } else {
        }
        %add3A_204 = arith.constant 1 : i32
        %add3A_205 = arith.addi %add3A_159, %add3A_204 : i32
        %dma_start3A_206 = arith.constant 0 : i32
        %dma_start3A_207 = arith.constant 0 : i32
        %dma_start3A_208 = tpu.memref_slice %arg6[%dma_start3A_206, %dma_start3A_207] : memref<2x128xi32, #tpu.memory_space<vmem>> -> memref<1x128xi32, #tpu.memory_space<vmem>>
        %dma_start3A_209 = tpu.memref_squeeze %dma_start3A_208 : memref<1x128xi32, #tpu.memory_space<vmem>> -> memref<128xi32, #tpu.memory_space<vmem>>
        %dma_start3A_210 = arith.constant 0 : i32
        %dma_start3A_211 = arith.constant 0 : i32
        %dma_start3A_212 = tpu.memref_slice %arg2[%dma_start3A_210, %dma_start3A_211] : memref<10240x128xf32, #tpu.memory_space<hbm>> -> memref<10240x128xf32, #tpu.memory_space<hbm>>
        tpu.enqueue_indirect_dma source(%dma_start3A_212 : memref<10240x128xf32, #tpu.memory_space<hbm>>) target(%arg10 : memref<128x128xf32, #tpu.memory_space<vmem>>) offsets(%dma_start3A_209 : memref<128xi32, #tpu.memory_space<vmem>>) semaphore(%arg17 : memref<!tpu.dma_semaphore, #tpu.memory_space<semaphore_mem>>)
      } else {
      }
    }
    %scan3A_38 = arith.constant 20 : i32
    %dma_wait3A_39 = arith.constant 1 : i32
    %dma_wait3A_40 = arith.constant 0 : i32
    %dma_wait3A_41 = tpu.memref_slice %arg8[%dma_wait3A_39, %dma_wait3A_40] : memref<2x128xi32, #tpu.memory_space<vmem>> -> memref<1x128xi32, #tpu.memory_space<vmem>>
    %dma_wait3A_42 = tpu.memref_squeeze %dma_wait3A_41 : memref<1x128xi32, #tpu.memory_space<vmem>> -> memref<128xi32, #tpu.memory_space<vmem>>
    %dma_wait3A_43 = arith.constant 0 : i32
    %dma_wait3A_44 = arith.constant 0 : i32
    %dma_wait3A_45 = tpu.memref_slice %arg12[%dma_wait3A_43, %dma_wait3A_44] : memref<10240x128xf32, #tpu.memory_space<vmem_shared>> -> memref<10240x128xf32, #tpu.memory_space<vmem_shared>>
    tpu.wait_indirect_dma semaphore(%arg19 : memref<!tpu.dma_semaphore, #tpu.memory_space<semaphore_mem>>) src(%arg10 : memref<128x128xf32, #tpu.memory_space<vmem>>) dst(%dma_wait3A_45 : memref<10240x128xf32, #tpu.memory_space<vmem_shared>>)
    %dma_wait3A_46 = arith.constant 1 : i32
    %dma_wait3A_47 = arith.constant 0 : i32
    %dma_wait3A_48 = tpu.memref_slice %arg9[%dma_wait3A_46, %dma_wait3A_47] : memref<2x128xi32, #tpu.memory_space<vmem>> -> memref<1x128xi32, #tpu.memory_space<vmem>>
    %dma_wait3A_49 = tpu.memref_squeeze %dma_wait3A_48 : memref<1x128xi32, #tpu.memory_space<vmem>> -> memref<128xi32, #tpu.memory_space<vmem>>
    %dma_wait3A_50 = arith.constant 0 : i32
    %dma_wait3A_51 = arith.constant 0 : i32
    %dma_wait3A_52 = tpu.memref_slice %arg12[%dma_wait3A_50, %dma_wait3A_51] : memref<10240x128xf32, #tpu.memory_space<vmem_shared>> -> memref<10240x128xf32, #tpu.memory_space<vmem_shared>>
    tpu.wait_indirect_dma semaphore(%arg20 : memref<!tpu.dma_semaphore, #tpu.memory_space<semaphore_mem>>) src(%arg11 : memref<128x128xf32, #tpu.memory_space<vmem>>) dst(%dma_wait3A_52 : memref<10240x128xf32, #tpu.memory_space<vmem_shared>>)
    %barrier3A_53 = arith.constant 0 : index
    tpu.barrier barrier_id(%barrier3A_53)
    %mul3A_54 = arith.constant 640 : i32
    %mul3A_55 = arith.muli %arg1, %mul3A_54 : i32
    %mul3A_56 = arith.constant 640 : i32
    %mul3A_57 = arith.muli %arg1, %mul3A_56 : i32
    "tpu.region"() ({
      %run_scoped3A = tpu.sem_alloc : memref<!tpu.dma_semaphore, #tpu.memory_space<semaphore_mem>>
      %dma_start3A_58 = arith.constant 0 : i32
      %dma_start3A_59 = tpu.memref_slice %arg5[%arg0, %mul3A_57, %dma_start3A_58] : memref<2x10240x128xf32, #tpu.memory_space<hbm>> -> memref<1x640x128xf32, #tpu.memory_space<hbm>>
      %dma_start3A_60 = tpu.memref_squeeze %dma_start3A_59 : memref<1x640x128xf32, #tpu.memory_space<hbm>> -> memref<640x128xf32, #tpu.memory_space<hbm>>
      %dma_start3A_61 = arith.constant 0 : i32
      %dma_start3A_62 = tpu.memref_slice %arg12[%mul3A_55, %dma_start3A_61] : memref<10240x128xf32, #tpu.memory_space<vmem_shared>> -> memref<640x128xf32, #tpu.memory_space<vmem_shared>>
      tpu.enqueue_dma source(%dma_start3A_62 : memref<640x128xf32, #tpu.memory_space<vmem_shared>>) target(%dma_start3A_60 : memref<640x128xf32, #tpu.memory_space<hbm>>) target_semaphore(%run_scoped3A : memref<!tpu.dma_semaphore, #tpu.memory_space<semaphore_mem>>)
      %dma_wait3A_63 = arith.constant 0 : i32
      %dma_wait3A_64 = tpu.memref_slice %arg5[%arg0, %mul3A_57, %dma_wait3A_63] : memref<2x10240x128xf32, #tpu.memory_space<hbm>> -> memref<1x640x128xf32, #tpu.memory_space<hbm>>
      %dma_wait3A_65 = tpu.memref_squeeze %dma_wait3A_64 : memref<1x640x128xf32, #tpu.memory_space<hbm>> -> memref<640x128xf32, #tpu.memory_space<hbm>>
      %dma_wait3A_66 = arith.constant 0 : i32
      %dma_wait3A_67 = tpu.memref_slice %arg12[%mul3A_55, %dma_wait3A_66] : memref<10240x128xf32, #tpu.memory_space<vmem_shared>> -> memref<640x128xf32, #tpu.memory_space<vmem_shared>>
      tpu.wait_dma2 semaphore(%run_scoped3A : memref<!tpu.dma_semaphore, #tpu.memory_space<semaphore_mem>>) src(%dma_wait3A_67 : memref<640x128xf32, #tpu.memory_space<vmem_shared>>) dst(%dma_wait3A_65 : memref<640x128xf32, #tpu.memory_space<hbm>>)
      tpu.yield
    }) : () -> ()
    return
  }
}

module attributes {stable_mosaic.version = 14 : i64} {
  func.func @_enc_body(%arg0: i32, %arg1: memref<1280x16xi32, #tpu.memory_space<vmem>>, %arg2: memref<256x128xf32, #tpu.memory_space<vmem>>, %arg3: memref<1280x128xf32, #tpu.memory_space<vmem>>) attributes {dimension_semantics = [#tpu.dimension_semantics<arbitrary>], iteration_bounds = array<i64: 8>, scalar_prefetch = 0 : i64, scratch_operands = 0 : i64, tpu.core_type = #tpu.core_type<tc>, window_params = [{transform_indices = @transform_0, window_bounds = array<i64: 1280, 16>}, {pipeline_mode = #tpu.pipeline_mode<synchronous>, transform_indices = @transform_1, window_bounds = array<i64: 256, 128>}, {transform_indices = @transform_2, window_bounds = array<i64: 1280, 128>}]} {
    %get3A = arith.constant 0 : index
    %get3A_0 = arith.constant 0 : index
    %get3A_1 = vector.load %arg1[%get3A, %get3A_0] : memref<1280x16xi32, #tpu.memory_space<vmem>>, vector<1280x16xi32>
    %iota3A = tpu.iota {dimensions = array<i32: 1>} : vector<1280x256xi32>
    %broadcast_in_dim3A = arith.constant 0.000000e+00 : f32
    %broadcast_in_dim3A_2 = vector.broadcast %broadcast_in_dim3A : f32 to vector<1280x256xf32>
    %slice3A = vector.extract_strided_slice %get3A_1 {offsets = [0, 0], sizes = [1280, 1], strides = [1, 1]} : vector<1280x16xi32> to vector<1280x1xi32>
    %add3A = arith.constant 0 : i32
    %add3A_3 = vector.broadcast %add3A : i32 to vector<1280x1xi32>
    %add3A_4 = arith.addi %slice3A, %add3A_3 : vector<1280x1xi32>
    %eq3A = vector.broadcast %add3A_4 : vector<1280x1xi32> to vector<1280x256xi32>
    %eq3A_5 = arith.cmpi eq, %iota3A, %eq3A : vector<1280x256xi32>
    %convert_element_type3A = arith.extui %eq3A_5 : vector<1280x256xi1> to vector<1280x256xi32>
    %convert_element_type3A_6 = arith.sitofp %convert_element_type3A : vector<1280x256xi32> to vector<1280x256xf32>
    %add3A_7 = arith.addf %broadcast_in_dim3A_2, %convert_element_type3A_6 : vector<1280x256xf32>
    %slice3A_8 = vector.extract_strided_slice %get3A_1 {offsets = [0, 1], sizes = [1280, 1], strides = [1, 1]} : vector<1280x16xi32> to vector<1280x1xi32>
    %add3A_9 = arith.constant 119 : i32
    %add3A_10 = vector.broadcast %add3A_9 : i32 to vector<1280x1xi32>
    %add3A_11 = arith.addi %slice3A_8, %add3A_10 : vector<1280x1xi32>
    %eq3A_12 = vector.broadcast %add3A_11 : vector<1280x1xi32> to vector<1280x256xi32>
    %eq3A_13 = arith.cmpi eq, %iota3A, %eq3A_12 : vector<1280x256xi32>
    %convert_element_type3A_14 = arith.extui %eq3A_13 : vector<1280x256xi1> to vector<1280x256xi32>
    %convert_element_type3A_15 = arith.sitofp %convert_element_type3A_14 : vector<1280x256xi32> to vector<1280x256xf32>
    %add3A_16 = arith.addf %add3A_7, %convert_element_type3A_15 : vector<1280x256xf32>
    %slice3A_17 = vector.extract_strided_slice %get3A_1 {offsets = [0, 2], sizes = [1280, 1], strides = [1, 1]} : vector<1280x16xi32> to vector<1280x1xi32>
    %add3A_18 = arith.constant 128 : i32
    %add3A_19 = vector.broadcast %add3A_18 : i32 to vector<1280x1xi32>
    %add3A_20 = arith.addi %slice3A_17, %add3A_19 : vector<1280x1xi32>
    %eq3A_21 = vector.broadcast %add3A_20 : vector<1280x1xi32> to vector<1280x256xi32>
    %eq3A_22 = arith.cmpi eq, %iota3A, %eq3A_21 : vector<1280x256xi32>
    %convert_element_type3A_23 = arith.extui %eq3A_22 : vector<1280x256xi1> to vector<1280x256xi32>
    %convert_element_type3A_24 = arith.sitofp %convert_element_type3A_23 : vector<1280x256xi32> to vector<1280x256xf32>
    %add3A_25 = arith.addf %add3A_16, %convert_element_type3A_24 : vector<1280x256xf32>
    %slice3A_26 = vector.extract_strided_slice %get3A_1 {offsets = [0, 3], sizes = [1280, 1], strides = [1, 1]} : vector<1280x16xi32> to vector<1280x1xi32>
    %add3A_27 = arith.constant 139 : i32
    %add3A_28 = vector.broadcast %add3A_27 : i32 to vector<1280x1xi32>
    %add3A_29 = arith.addi %slice3A_26, %add3A_28 : vector<1280x1xi32>
    %eq3A_30 = vector.broadcast %add3A_29 : vector<1280x1xi32> to vector<1280x256xi32>
    %eq3A_31 = arith.cmpi eq, %iota3A, %eq3A_30 : vector<1280x256xi32>
    %convert_element_type3A_32 = arith.extui %eq3A_31 : vector<1280x256xi1> to vector<1280x256xi32>
    %convert_element_type3A_33 = arith.sitofp %convert_element_type3A_32 : vector<1280x256xi32> to vector<1280x256xf32>
    %add3A_34 = arith.addf %add3A_25, %convert_element_type3A_33 : vector<1280x256xf32>
    %slice3A_35 = vector.extract_strided_slice %get3A_1 {offsets = [0, 4], sizes = [1280, 1], strides = [1, 1]} : vector<1280x16xi32> to vector<1280x1xi32>
    %add3A_36 = arith.constant 151 : i32
    %add3A_37 = vector.broadcast %add3A_36 : i32 to vector<1280x1xi32>
    %add3A_38 = arith.addi %slice3A_35, %add3A_37 : vector<1280x1xi32>
    %eq3A_39 = vector.broadcast %add3A_38 : vector<1280x1xi32> to vector<1280x256xi32>
    %eq3A_40 = arith.cmpi eq, %iota3A, %eq3A_39 : vector<1280x256xi32>
    %convert_element_type3A_41 = arith.extui %eq3A_40 : vector<1280x256xi1> to vector<1280x256xi32>
    %convert_element_type3A_42 = arith.sitofp %convert_element_type3A_41 : vector<1280x256xi32> to vector<1280x256xf32>
    %add3A_43 = arith.addf %add3A_34, %convert_element_type3A_42 : vector<1280x256xf32>
    %slice3A_44 = vector.extract_strided_slice %get3A_1 {offsets = [0, 5], sizes = [1280, 1], strides = [1, 1]} : vector<1280x16xi32> to vector<1280x1xi32>
    %add3A_45 = arith.constant 160 : i32
    %add3A_46 = vector.broadcast %add3A_45 : i32 to vector<1280x1xi32>
    %add3A_47 = arith.addi %slice3A_44, %add3A_46 : vector<1280x1xi32>
    %eq3A_48 = vector.broadcast %add3A_47 : vector<1280x1xi32> to vector<1280x256xi32>
    %eq3A_49 = arith.cmpi eq, %iota3A, %eq3A_48 : vector<1280x256xi32>
    %convert_element_type3A_50 = arith.extui %eq3A_49 : vector<1280x256xi1> to vector<1280x256xi32>
    %convert_element_type3A_51 = arith.sitofp %convert_element_type3A_50 : vector<1280x256xi32> to vector<1280x256xf32>
    %add3A_52 = arith.addf %add3A_43, %convert_element_type3A_51 : vector<1280x256xf32>
    %slice3A_53 = vector.extract_strided_slice %get3A_1 {offsets = [0, 6], sizes = [1280, 1], strides = [1, 1]} : vector<1280x16xi32> to vector<1280x1xi32>
    %add3A_54 = arith.constant 165 : i32
    %add3A_55 = vector.broadcast %add3A_54 : i32 to vector<1280x1xi32>
    %add3A_56 = arith.addi %slice3A_53, %add3A_55 : vector<1280x1xi32>
    %eq3A_57 = vector.broadcast %add3A_56 : vector<1280x1xi32> to vector<1280x256xi32>
    %eq3A_58 = arith.cmpi eq, %iota3A, %eq3A_57 : vector<1280x256xi32>
    %convert_element_type3A_59 = arith.extui %eq3A_58 : vector<1280x256xi1> to vector<1280x256xi32>
    %convert_element_type3A_60 = arith.sitofp %convert_element_type3A_59 : vector<1280x256xi32> to vector<1280x256xf32>
    %add3A_61 = arith.addf %add3A_52, %convert_element_type3A_60 : vector<1280x256xf32>
    %slice3A_62 = vector.extract_strided_slice %get3A_1 {offsets = [0, 7], sizes = [1280, 1], strides = [1, 1]} : vector<1280x16xi32> to vector<1280x1xi32>
    %add3A_63 = arith.constant 173 : i32
    %add3A_64 = vector.broadcast %add3A_63 : i32 to vector<1280x1xi32>
    %add3A_65 = arith.addi %slice3A_62, %add3A_64 : vector<1280x1xi32>
    %eq3A_66 = vector.broadcast %add3A_65 : vector<1280x1xi32> to vector<1280x256xi32>
    %eq3A_67 = arith.cmpi eq, %iota3A, %eq3A_66 : vector<1280x256xi32>
    %convert_element_type3A_68 = arith.extui %eq3A_67 : vector<1280x256xi1> to vector<1280x256xi32>
    %convert_element_type3A_69 = arith.sitofp %convert_element_type3A_68 : vector<1280x256xi32> to vector<1280x256xf32>
    %add3A_70 = arith.addf %add3A_61, %convert_element_type3A_69 : vector<1280x256xf32>
    %slice3A_71 = vector.extract_strided_slice %get3A_1 {offsets = [0, 8], sizes = [1280, 1], strides = [1, 1]} : vector<1280x16xi32> to vector<1280x1xi32>
    %add3A_72 = arith.constant 175 : i32
    %add3A_73 = vector.broadcast %add3A_72 : i32 to vector<1280x1xi32>
    %add3A_74 = arith.addi %slice3A_71, %add3A_73 : vector<1280x1xi32>
    %eq3A_75 = vector.broadcast %add3A_74 : vector<1280x1xi32> to vector<1280x256xi32>
    %eq3A_76 = arith.cmpi eq, %iota3A, %eq3A_75 : vector<1280x256xi32>
    %convert_element_type3A_77 = arith.extui %eq3A_76 : vector<1280x256xi1> to vector<1280x256xi32>
    %convert_element_type3A_78 = arith.sitofp %convert_element_type3A_77 : vector<1280x256xi32> to vector<1280x256xf32>
    %add3A_79 = arith.addf %add3A_70, %convert_element_type3A_78 : vector<1280x256xf32>
    %get3A_80 = arith.constant 0 : index
    %get3A_81 = arith.constant 0 : index
    %get3A_82 = vector.load %arg2[%get3A_80, %get3A_81] : memref<256x128xf32, #tpu.memory_space<vmem>>, vector<256x128xf32>
    %dot_general3A = arith.constant dense<0.000000e+00> : vector<1280x128xf32>
    %dot_general3A_83 = tpu.matmul %add3A_79, %get3A_82, %dot_general3A {dimension_numbers = #tpu.dot_dimension_numbers<[1], [0], [0], [1], [0, 0, 1, 1], [], []>, transpose_lhs_hint = false} : vector<1280x256xf32>, vector<256x128xf32>, vector<1280x128xf32> -> vector<1280x128xf32>
    %swap3A = arith.constant 0 : index
    %swap3A_84 = arith.constant 0 : index
    %swap3A_85 = vector.load %arg3[%swap3A, %swap3A_84] : memref<1280x128xf32, #tpu.memory_space<vmem>>, vector<1280x128xf32>
    tpu.vector_store %arg3[%swap3A, %swap3A_84], %dot_general3A_83 {strides = array<i32>} : memref<1280x128xf32, #tpu.memory_space<vmem>>, vector<1280x128xf32>,
    return
  }
  func.func @transform_0(%arg0: i32) -> (i32, i32) {
    %c0_i32 = arith.constant 0 : i32
    %c0_i32_0 = arith.constant 0 : i32
    return %arg0, %c0_i32 : i32, i32
  }
  func.func @transform_1(%arg0: i32) -> (i32, i32) {
    %c0_i32 = arith.constant 0 : i32
    %c0_i32_0 = arith.constant 0 : i32
    %c0_i32_1 = arith.constant 0 : i32
    return %c0_i32, %c0_i32_0 : i32, i32
  }
  func.func @transform_2(%arg0: i32) -> (i32, i32) {
    %c0_i32 = arith.constant 0 : i32
    %c0_i32_0 = arith.constant 0 : i32
    return %arg0, %c0_i32 : i32, i32
  }
}

module attributes {stable_mosaic.version = 14 : i64} {
  func.func @_scale_body(%arg0: i32, %arg1: memref<1280x128xf32, #tpu.memory_space<vmem>>, %arg2: memref<2x1280x16xf32, #tpu.memory_space<vmem>>, %arg3: memref<1280x128xf32, #tpu.memory_space<vmem>>) attributes {dimension_semantics = [#tpu.dimension_semantics<arbitrary>], iteration_bounds = array<i64: 8>, scalar_prefetch = 0 : i64, scratch_operands = 0 : i64, tpu.core_type = #tpu.core_type<tc>, window_params = [{transform_indices = @transform_0, window_bounds = array<i64: 1280, 128>}, {transform_indices = @transform_1, window_bounds = array<i64: 2, 1280, 16>}, {transform_indices = @transform_2, window_bounds = array<i64: 1280, 128>}]} {
    %get3A = arith.constant 0 : index
    %get3A_0 = arith.constant 0 : index
    %get3A_1 = vector.load %arg1[%get3A, %get3A_0] : memref<1280x128xf32, #tpu.memory_space<vmem>>, vector<1280x128xf32>
    %get3A_2 = arith.constant 0 : index
    %get3A_3 = arith.constant 0 : index
    %get3A_4 = arith.constant 0 : index
    %get3A_5 = vector.load %arg2[%get3A_2, %get3A_3, %get3A_4] : memref<2x1280x16xf32, #tpu.memory_space<vmem>>, vector<2x1280x16xf32>
    %slice3A = vector.extract_strided_slice %get3A_5 {offsets = [0, 0, 0], sizes = [1, 1280, 1], strides = [1, 1, 1]} : vector<2x1280x16xf32> to vector<1x1280x1xf32>
    %squeeze3A = vector.shape_cast %slice3A : vector<1x1280x1xf32> to vector<1280x1xf32>
    %slice3A_6 = vector.extract_strided_slice %get3A_5 {offsets = [1, 0, 0], sizes = [1, 1280, 1], strides = [1, 1, 1]} : vector<2x1280x16xf32> to vector<1x1280x1xf32>
    %squeeze3A_7 = vector.shape_cast %slice3A_6 : vector<1x1280x1xf32> to vector<1280x1xf32>
    %add3A = arith.addf %squeeze3A, %squeeze3A_7 : vector<1280x1xf32>
    %add3A_8 = arith.constant 1.000000e+00 : f32
    %add3A_9 = vector.broadcast %add3A_8 : f32 to vector<1280x1xf32>
    %add3A_10 = arith.addf %add3A, %add3A_9 : vector<1280x1xf32>
    %rsqrt3A = math.rsqrt %add3A_10 : vector<1280x1xf32>
    %mul3A = vector.broadcast %rsqrt3A : vector<1280x1xf32> to vector<1280x128xf32>
    %mul3A_11 = arith.mulf %get3A_1, %mul3A : vector<1280x128xf32>
    %swap3A = arith.constant 0 : index
    %swap3A_12 = arith.constant 0 : index
    %swap3A_13 = vector.load %arg3[%swap3A, %swap3A_12] : memref<1280x128xf32, #tpu.memory_space<vmem>>, vector<1280x128xf32>
    tpu.vector_store %arg3[%swap3A, %swap3A_12], %mul3A_11 {strides = array<i32>} : memref<1280x128xf32, #tpu.memory_space<vmem>>, vector<1280x128xf32>,
    return
  }
  func.func @transform_0(%arg0: i32) -> (i32, i32) {
    %c0_i32 = arith.constant 0 : i32
    %c0_i32_0 = arith.constant 0 : i32
    return %arg0, %c0_i32 : i32, i32
  }
  func.func @transform_1(%arg0: i32) -> (i32, i32, i32) {
    %c0_i32 = arith.constant 0 : i32
    %c0_i32_0 = arith.constant 0 : i32
    %c0_i32_1 = arith.constant 0 : i32
    return %c0_i32, %arg0, %c0_i32_0 : i32, i32, i32
  }
  func.func @transform_2(%arg0: i32) -> (i32, i32) {
    %c0_i32 = arith.constant 0 : i32
    %c0_i32_0 = arith.constant 0 : i32
    return %arg0, %c0_i32 : i32, i32
  }
}

module attributes {stable_mosaic.version = 14 : i64} {
  func.func @_layer_body(%arg0: i32, %arg1: memref<2x1280x128xf32, #tpu.memory_space<vmem>>, %arg2: memref<1280x128xf32, #tpu.memory_space<vmem>>, %arg3: memref<2x1280x16xf32, #tpu.memory_space<vmem>>, %arg4: memref<128x128xf32, #tpu.memory_space<vmem>>, %arg5: memref<1x128xf32, #tpu.memory_space<vmem>>, %arg6: memref<1280x128xf32, #tpu.memory_space<vmem>>) attributes {dimension_semantics = [#tpu.dimension_semantics<arbitrary>], iteration_bounds = array<i64: 8>, scalar_prefetch = 0 : i64, scratch_operands = 0 : i64, tpu.core_type = #tpu.core_type<tc>, window_params = [{transform_indices = @transform_0, window_bounds = array<i64: 2, 1280, 128>}, {transform_indices = @transform_1, window_bounds = array<i64: 1280, 128>}, {transform_indices = @transform_2, window_bounds = array<i64: 2, 1280, 16>}, {pipeline_mode = #tpu.pipeline_mode<synchronous>, transform_indices = @transform_3, window_bounds = array<i64: 128, 128>}, {pipeline_mode = #tpu.pipeline_mode<synchronous>, transform_indices = @transform_4, window_bounds = array<i64: 1, 128>}, {transform_indices = @transform_5, window_bounds = array<i64: 1280, 128>}]} {
    %get3A = arith.constant 0 : index
    %get3A_0 = arith.constant 0 : index
    %get3A_1 = arith.constant 0 : index
    %get3A_2 = vector.load %arg1[%get3A, %get3A_0, %get3A_1] : memref<2x1280x128xf32, #tpu.memory_space<vmem>>, vector<2x1280x128xf32>
    %get3A_3 = arith.constant 0 : index
    %get3A_4 = arith.constant 0 : index
    %get3A_5 = vector.load %arg2[%get3A_3, %get3A_4] : memref<1280x128xf32, #tpu.memory_space<vmem>>, vector<1280x128xf32>
    %get3A_6 = arith.constant 0 : index
    %get3A_7 = arith.constant 0 : index
    %get3A_8 = arith.constant 0 : index
    %get3A_9 = vector.load %arg3[%get3A_6, %get3A_7, %get3A_8] : memref<2x1280x16xf32, #tpu.memory_space<vmem>>, vector<2x1280x16xf32>
    %slice3A = vector.extract_strided_slice %get3A_9 {offsets = [0, 0, 0], sizes = [1, 1280, 1], strides = [1, 1, 1]} : vector<2x1280x16xf32> to vector<1x1280x1xf32>
    %squeeze3A = vector.shape_cast %slice3A : vector<1x1280x1xf32> to vector<1280x1xf32>
    %slice3A_10 = vector.extract_strided_slice %get3A_9 {offsets = [1, 0, 0], sizes = [1, 1280, 1], strides = [1, 1, 1]} : vector<2x1280x16xf32> to vector<1x1280x1xf32>
    %squeeze3A_11 = vector.shape_cast %slice3A_10 : vector<1x1280x1xf32> to vector<1280x1xf32>
    %add3A = arith.addf %squeeze3A, %squeeze3A_11 : vector<1280x1xf32>
    %add3A_12 = arith.constant 1.000000e+00 : f32
    %add3A_13 = vector.broadcast %add3A_12 : f32 to vector<1280x1xf32>
    %add3A_14 = arith.addf %add3A, %add3A_13 : vector<1280x1xf32>
    %rsqrt3A = math.rsqrt %add3A_14 : vector<1280x1xf32>
    %slice3A_15 = vector.extract_strided_slice %get3A_2 {offsets = [0, 0, 0], sizes = [1, 1280, 128], strides = [1, 1, 1]} : vector<2x1280x128xf32> to vector<1x1280x128xf32>
    %squeeze3A_16 = vector.shape_cast %slice3A_15 : vector<1x1280x128xf32> to vector<1280x128xf32>
    %slice3A_17 = vector.extract_strided_slice %get3A_2 {offsets = [1, 0, 0], sizes = [1, 1280, 128], strides = [1, 1, 1]} : vector<2x1280x128xf32> to vector<1x1280x128xf32>
    %squeeze3A_18 = vector.shape_cast %slice3A_17 : vector<1x1280x128xf32> to vector<1280x128xf32>
    %add3A_19 = arith.addf %squeeze3A_16, %squeeze3A_18 : vector<1280x128xf32>
    %add3A_20 = arith.addf %add3A_19, %get3A_5 : vector<1280x128xf32>
    %mul3A = vector.broadcast %rsqrt3A : vector<1280x1xf32> to vector<1280x128xf32>
    %mul3A_21 = arith.mulf %add3A_20, %mul3A : vector<1280x128xf32>
    %get3A_22 = arith.constant 0 : index
    %get3A_23 = arith.constant 0 : index
    %get3A_24 = vector.load %arg4[%get3A_22, %get3A_23] : memref<128x128xf32, #tpu.memory_space<vmem>>, vector<128x128xf32>
    %dot_general3A = arith.constant dense<0.000000e+00> : vector<1280x128xf32>
    %dot_general3A_25 = tpu.matmul %mul3A_21, %get3A_24, %dot_general3A {dimension_numbers = #tpu.dot_dimension_numbers<[1], [0], [0], [1], [0, 0, 1, 1], [], []>, transpose_lhs_hint = false} : vector<1280x128xf32>, vector<128x128xf32>, vector<1280x128xf32> -> vector<1280x128xf32>
    %get3A_26 = arith.constant 0 : index
    %get3A_27 = arith.constant 0 : index
    %get3A_28 = vector.load %arg5[%get3A_26, %get3A_27] : memref<1x128xf32, #tpu.memory_space<vmem>>, vector<1x128xf32>
    %add3A_29 = vector.broadcast %get3A_28 : vector<1x128xf32> to vector<1280x128xf32>
    %add3A_30 = arith.addf %dot_general3A_25, %add3A_29 : vector<1280x128xf32>
    %max3A = arith.constant 0.000000e+00 : f32
    %max3A_31 = vector.broadcast %max3A : f32 to vector<1280x128xf32>
    %max3A_32 = arith.maximumf %add3A_30, %max3A_31 : vector<1280x128xf32>
    %mul3A_33 = vector.broadcast %rsqrt3A : vector<1280x1xf32> to vector<1280x128xf32>
    %mul3A_34 = arith.mulf %max3A_32, %mul3A_33 : vector<1280x128xf32>
    %swap3A = arith.constant 0 : index
    %swap3A_35 = arith.constant 0 : index
    %swap3A_36 = vector.load %arg6[%swap3A, %swap3A_35] : memref<1280x128xf32, #tpu.memory_space<vmem>>, vector<1280x128xf32>
    tpu.vector_store %arg6[%swap3A, %swap3A_35], %mul3A_34 {strides = array<i32>} : memref<1280x128xf32, #tpu.memory_space<vmem>>, vector<1280x128xf32>,
    return
  }
  func.func @transform_0(%arg0: i32) -> (i32, i32, i32) {
    %c0_i32 = arith.constant 0 : i32
    %c0_i32_0 = arith.constant 0 : i32
    %c0_i32_1 = arith.constant 0 : i32
    return %c0_i32, %arg0, %c0_i32_0 : i32, i32, i32
  }
  func.func @transform_1(%arg0: i32) -> (i32, i32) {
    %c0_i32 = arith.constant 0 : i32
    %c0_i32_0 = arith.constant 0 : i32
    return %arg0, %c0_i32 : i32, i32
  }
  func.func @transform_2(%arg0: i32) -> (i32, i32, i32) {
    %c0_i32 = arith.constant 0 : i32
    %c0_i32_0 = arith.constant 0 : i32
    %c0_i32_1 = arith.constant 0 : i32
    return %c0_i32, %arg0, %c0_i32_0 : i32, i32, i32
  }
  func.func @transform_3(%arg0: i32) -> (i32, i32) {
    %c0_i32 = arith.constant 0 : i32
    %c0_i32_0 = arith.constant 0 : i32
    %c0_i32_1 = arith.constant 0 : i32
    return %c0_i32, %c0_i32_0 : i32, i32
  }
  func.func @transform_4(%arg0: i32) -> (i32, i32) {
    %c0_i32 = arith.constant 0 : i32
    %c0_i32_0 = arith.constant 0 : i32
    %c0_i32_1 = arith.constant 0 : i32
    return %c0_i32, %c0_i32_0 : i32, i32
  }
  func.func @transform_5(%arg0: i32) -> (i32, i32) {
    %c0_i32 = arith.constant 0 : i32
    %c0_i32_0 = arith.constant 0 : i32
    return %arg0, %c0_i32 : i32, i32
  }
}

module attributes {stable_mosaic.version = 14 : i64} {
  func.func @_layer_body(%arg0: i32, %arg1: memref<2x1280x128xf32, #tpu.memory_space<vmem>>, %arg2: memref<1280x128xf32, #tpu.memory_space<vmem>>, %arg3: memref<2x1280x16xf32, #tpu.memory_space<vmem>>, %arg4: memref<128x128xf32, #tpu.memory_space<vmem>>, %arg5: memref<1x128xf32, #tpu.memory_space<vmem>>, %arg6: memref<1280x128xf32, #tpu.memory_space<vmem>>) attributes {dimension_semantics = [#tpu.dimension_semantics<arbitrary>], iteration_bounds = array<i64: 8>, scalar_prefetch = 0 : i64, scratch_operands = 0 : i64, tpu.core_type = #tpu.core_type<tc>, window_params = [{transform_indices = @transform_0, window_bounds = array<i64: 2, 1280, 128>}, {transform_indices = @transform_1, window_bounds = array<i64: 1280, 128>}, {transform_indices = @transform_2, window_bounds = array<i64: 2, 1280, 16>}, {pipeline_mode = #tpu.pipeline_mode<synchronous>, transform_indices = @transform_3, window_bounds = array<i64: 128, 128>}, {pipeline_mode = #tpu.pipeline_mode<synchronous>, transform_indices = @transform_4, window_bounds = array<i64: 1, 128>}, {transform_indices = @transform_5, window_bounds = array<i64: 1280, 128>}]} {
    %get3A = arith.constant 0 : index
    %get3A_0 = arith.constant 0 : index
    %get3A_1 = arith.constant 0 : index
    %get3A_2 = vector.load %arg1[%get3A, %get3A_0, %get3A_1] : memref<2x1280x128xf32, #tpu.memory_space<vmem>>, vector<2x1280x128xf32>
    %get3A_3 = arith.constant 0 : index
    %get3A_4 = arith.constant 0 : index
    %get3A_5 = vector.load %arg2[%get3A_3, %get3A_4] : memref<1280x128xf32, #tpu.memory_space<vmem>>, vector<1280x128xf32>
    %get3A_6 = arith.constant 0 : index
    %get3A_7 = arith.constant 0 : index
    %get3A_8 = arith.constant 0 : index
    %get3A_9 = vector.load %arg3[%get3A_6, %get3A_7, %get3A_8] : memref<2x1280x16xf32, #tpu.memory_space<vmem>>, vector<2x1280x16xf32>
    %slice3A = vector.extract_strided_slice %get3A_9 {offsets = [0, 0, 0], sizes = [1, 1280, 1], strides = [1, 1, 1]} : vector<2x1280x16xf32> to vector<1x1280x1xf32>
    %squeeze3A = vector.shape_cast %slice3A : vector<1x1280x1xf32> to vector<1280x1xf32>
    %slice3A_10 = vector.extract_strided_slice %get3A_9 {offsets = [1, 0, 0], sizes = [1, 1280, 1], strides = [1, 1, 1]} : vector<2x1280x16xf32> to vector<1x1280x1xf32>
    %squeeze3A_11 = vector.shape_cast %slice3A_10 : vector<1x1280x1xf32> to vector<1280x1xf32>
    %add3A = arith.addf %squeeze3A, %squeeze3A_11 : vector<1280x1xf32>
    %add3A_12 = arith.constant 1.000000e+00 : f32
    %add3A_13 = vector.broadcast %add3A_12 : f32 to vector<1280x1xf32>
    %add3A_14 = arith.addf %add3A, %add3A_13 : vector<1280x1xf32>
    %rsqrt3A = math.rsqrt %add3A_14 : vector<1280x1xf32>
    %slice3A_15 = vector.extract_strided_slice %get3A_2 {offsets = [0, 0, 0], sizes = [1, 1280, 128], strides = [1, 1, 1]} : vector<2x1280x128xf32> to vector<1x1280x128xf32>
    %squeeze3A_16 = vector.shape_cast %slice3A_15 : vector<1x1280x128xf32> to vector<1280x128xf32>
    %slice3A_17 = vector.extract_strided_slice %get3A_2 {offsets = [1, 0, 0], sizes = [1, 1280, 128], strides = [1, 1, 1]} : vector<2x1280x128xf32> to vector<1x1280x128xf32>
    %squeeze3A_18 = vector.shape_cast %slice3A_17 : vector<1x1280x128xf32> to vector<1280x128xf32>
    %add3A_19 = arith.addf %squeeze3A_16, %squeeze3A_18 : vector<1280x128xf32>
    %add3A_20 = arith.addf %add3A_19, %get3A_5 : vector<1280x128xf32>
    %mul3A = vector.broadcast %rsqrt3A : vector<1280x1xf32> to vector<1280x128xf32>
    %mul3A_21 = arith.mulf %add3A_20, %mul3A : vector<1280x128xf32>
    %get3A_22 = arith.constant 0 : index
    %get3A_23 = arith.constant 0 : index
    %get3A_24 = vector.load %arg4[%get3A_22, %get3A_23] : memref<128x128xf32, #tpu.memory_space<vmem>>, vector<128x128xf32>
    %dot_general3A = arith.constant dense<0.000000e+00> : vector<1280x128xf32>
    %dot_general3A_25 = tpu.matmul %mul3A_21, %get3A_24, %dot_general3A {dimension_numbers = #tpu.dot_dimension_numbers<[1], [0], [0], [1], [0, 0, 1, 1], [], []>, transpose_lhs_hint = false} : vector<1280x128xf32>, vector<128x128xf32>, vector<1280x128xf32> -> vector<1280x128xf32>
    %get3A_26 = arith.constant 0 : index
    %get3A_27 = arith.constant 0 : index
    %get3A_28 = vector.load %arg5[%get3A_26, %get3A_27] : memref<1x128xf32, #tpu.memory_space<vmem>>, vector<1x128xf32>
    %add3A_29 = vector.broadcast %get3A_28 : vector<1x128xf32> to vector<1280x128xf32>
    %add3A_30 = arith.addf %dot_general3A_25, %add3A_29 : vector<1280x128xf32>
    %swap3A = arith.constant 0 : index
    %swap3A_31 = arith.constant 0 : index
    %swap3A_32 = vector.load %arg6[%swap3A, %swap3A_31] : memref<1280x128xf32, #tpu.memory_space<vmem>>, vector<1280x128xf32>
    tpu.vector_store %arg6[%swap3A, %swap3A_31], %add3A_30 {strides = array<i32>} : memref<1280x128xf32, #tpu.memory_space<vmem>>, vector<1280x128xf32>,
    return
  }
  func.func @transform_0(%arg0: i32) -> (i32, i32, i32) {
    %c0_i32 = arith.constant 0 : i32
    %c0_i32_0 = arith.constant 0 : i32
    %c0_i32_1 = arith.constant 0 : i32
    return %c0_i32, %arg0, %c0_i32_0 : i32, i32, i32
  }
  func.func @transform_1(%arg0: i32) -> (i32, i32) {
    %c0_i32 = arith.constant 0 : i32
    %c0_i32_0 = arith.constant 0 : i32
    return %arg0, %c0_i32 : i32, i32
  }
  func.func @transform_2(%arg0: i32) -> (i32, i32, i32) {
    %c0_i32 = arith.constant 0 : i32
    %c0_i32_0 = arith.constant 0 : i32
    %c0_i32_1 = arith.constant 0 : i32
    return %c0_i32, %arg0, %c0_i32_0 : i32, i32, i32
  }
  func.func @transform_3(%arg0: i32) -> (i32, i32) {
    %c0_i32 = arith.constant 0 : i32
    %c0_i32_0 = arith.constant 0 : i32
    %c0_i32_1 = arith.constant 0 : i32
    return %c0_i32, %c0_i32_0 : i32, i32
  }
  func.func @transform_4(%arg0: i32) -> (i32, i32) {
    %c0_i32 = arith.constant 0 : i32
    %c0_i32_0 = arith.constant 0 : i32
    %c0_i32_1 = arith.constant 0 : i32
    return %c0_i32, %c0_i32_0 : i32, i32
  }
  func.func @transform_5(%arg0: i32) -> (i32, i32) {
    %c0_i32 = arith.constant 0 : i32
    %c0_i32_0 = arith.constant 0 : i32
    return %arg0, %c0_i32 : i32, i32
  }
}

module attributes {stable_mosaic.version = 14 : i64} {
  func.func @_final_body(%arg0: i32, %arg1: memref<10240x128xf32, #tpu.memory_space<vmem>>, %arg2: memref<1x10240xi32, #tpu.memory_space<vmem>>, %arg3: memref<128x128xf32, #tpu.memory_space<vmem>>, %arg4: memref<1x128xf32, #tpu.memory_space<vmem>>, %arg5: memref<1x128xf32, #tpu.memory_space<vmem>>, %arg6: memref<1x128xf32, #tpu.memory_space<vmem>>, %arg7: memref<256x128xf32, #tpu.memory_space<vmem>>) attributes {dimension_semantics = [#tpu.dimension_semantics<arbitrary>], iteration_bounds = array<i64: 1>, scalar_prefetch = 0 : i64, scratch_operands = 0 : i64, tpu.core_type = #tpu.core_type<tc>, window_params = [{pipeline_mode = #tpu.pipeline_mode<synchronous>, transform_indices = @transform_0, window_bounds = array<i64: 10240, 128>}, {pipeline_mode = #tpu.pipeline_mode<synchronous>, transform_indices = @transform_1, window_bounds = array<i64: 1, 10240>}, {pipeline_mode = #tpu.pipeline_mode<synchronous>, transform_indices = @transform_2, window_bounds = array<i64: 128, 128>}, {pipeline_mode = #tpu.pipeline_mode<synchronous>, transform_indices = @transform_3, window_bounds = array<i64: 1, 128>}, {pipeline_mode = #tpu.pipeline_mode<synchronous>, transform_indices = @transform_4, window_bounds = array<i64: 1, 128>}, {pipeline_mode = #tpu.pipeline_mode<synchronous>, transform_indices = @transform_5, window_bounds = array<i64: 1, 128>}, {pipeline_mode = #tpu.pipeline_mode<synchronous>, transform_indices = @transform_6, window_bounds = array<i64: 256, 128>}]} {
    %iota3A = tpu.iota {dimensions = array<i32: 0>} : vector<256x10240xi32>
    %get3A = arith.constant 0 : index
    %get3A_0 = arith.constant 0 : index
    %get3A_1 = vector.load %arg2[%get3A, %get3A_0] : memref<1x10240xi32, #tpu.memory_space<vmem>>, vector<1x10240xi32>
    %eq3A = vector.broadcast %get3A_1 : vector<1x10240xi32> to vector<256x10240xi32>
    %eq3A_2 = arith.cmpi eq, %iota3A, %eq3A : vector<256x10240xi32>
    %convert_element_type3A = arith.extui %eq3A_2 : vector<256x10240xi1> to vector<256x10240xi32>
    %convert_element_type3A_3 = arith.sitofp %convert_element_type3A : vector<256x10240xi32> to vector<256x10240xf32>
    %get3A_4 = arith.constant 0 : index
    %get3A_5 = arith.constant 0 : index
    %get3A_6 = vector.load %arg1[%get3A_4, %get3A_5] : memref<10240x128xf32, #tpu.memory_space<vmem>>, vector<10240x128xf32>
    %dot_general3A = arith.constant dense<0.000000e+00> : vector<256x128xf32>
    %dot_general3A_7 = tpu.matmul %convert_element_type3A_3, %get3A_6, %dot_general3A {dimension_numbers = #tpu.dot_dimension_numbers<[1], [0], [0], [1], [0, 0, 1, 1], [], []>, transpose_lhs_hint = false} : vector<256x10240xf32>, vector<10240x128xf32>, vector<256x128xf32> -> vector<256x128xf32>
    %reduce_sum3A = arith.constant dense<0.000000e+00> : vector<256xf32>
    %reduce_sum3A_8 = vector.multi_reduction <add>, %convert_element_type3A_3, %reduce_sum3A [1] : vector<256x10240xf32> to vector<256xf32>
    %broadcast_in_dim3A = vector.shape_cast %reduce_sum3A_8 : vector<256xf32> to vector<256x1xf32>
    %max3A = arith.constant 1.000000e+00 : f32
    %max3A_9 = vector.broadcast %max3A : f32 to vector<256x1xf32>
    %max3A_10 = arith.maximumf %broadcast_in_dim3A, %max3A_9 : vector<256x1xf32>
    %div3A = vector.broadcast %max3A_10 : vector<256x1xf32> to vector<256x128xf32>
    %div3A_11 = arith.divf %dot_general3A_7, %div3A : vector<256x128xf32>
    %get3A_12 = arith.constant 0 : index
    %get3A_13 = arith.constant 0 : index
    %get3A_14 = vector.load %arg3[%get3A_12, %get3A_13] : memref<128x128xf32, #tpu.memory_space<vmem>>, vector<128x128xf32>
    %dot_general3A_15 = arith.constant dense<0.000000e+00> : vector<256x128xf32>
    %dot_general3A_16 = tpu.matmul %div3A_11, %get3A_14, %dot_general3A_15 {dimension_numbers = #tpu.dot_dimension_numbers<[1], [0], [0], [1], [0, 0, 1, 1], [], []>, transpose_lhs_hint = false} : vector<256x128xf32>, vector<128x128xf32>, vector<256x128xf32> -> vector<256x128xf32>
    %get3A_17 = arith.constant 0 : index
    %get3A_18 = arith.constant 0 : index
    %get3A_19 = vector.load %arg4[%get3A_17, %get3A_18] : memref<1x128xf32, #tpu.memory_space<vmem>>, vector<1x128xf32>
    %add3A = vector.broadcast %get3A_19 : vector<1x128xf32> to vector<256x128xf32>
    %add3A_20 = arith.addf %dot_general3A_16, %add3A : vector<256x128xf32>
    %reduce_sum3A_21 = arith.constant dense<0.000000e+00> : vector<256xf32>
    %reduce_sum3A_22 = vector.multi_reduction <add>, %add3A_20, %reduce_sum3A_21 [1] : vector<256x128xf32> to vector<256xf32>
    %broadcast_in_dim3A_23 = vector.shape_cast %reduce_sum3A_22 : vector<256xf32> to vector<256x1xf32>
    %div3A_24 = arith.constant 1.280000e+02 : f32
    %div3A_25 = vector.broadcast %div3A_24 : f32 to vector<256x1xf32>
    %div3A_26 = arith.divf %broadcast_in_dim3A_23, %div3A_25 : vector<256x1xf32>
    %sub3A = vector.broadcast %div3A_26 : vector<256x1xf32> to vector<256x128xf32>
    %sub3A_27 = arith.subf %add3A_20, %sub3A : vector<256x128xf32>
    %integer_pow3A = arith.mulf %sub3A_27, %sub3A_27 : vector<256x128xf32>
    %reduce_sum3A_28 = arith.constant dense<0.000000e+00> : vector<256xf32>
    %reduce_sum3A_29 = vector.multi_reduction <add>, %integer_pow3A, %reduce_sum3A_28 [1] : vector<256x128xf32> to vector<256xf32>
    %broadcast_in_dim3A_30 = vector.shape_cast %reduce_sum3A_29 : vector<256xf32> to vector<256x1xf32>
    %div3A_31 = arith.constant 1.280000e+02 : f32
    %div3A_32 = vector.broadcast %div3A_31 : f32 to vector<256x1xf32>
    %div3A_33 = arith.divf %broadcast_in_dim3A_30, %div3A_32 : vector<256x1xf32>
    %sub3A_34 = vector.broadcast %div3A_26 : vector<256x1xf32> to vector<256x128xf32>
    %sub3A_35 = arith.subf %add3A_20, %sub3A_34 : vector<256x128xf32>
    %add3A_36 = arith.constant 9.99999974E-6 : f32
    %add3A_37 = vector.broadcast %add3A_36 : f32 to vector<256x1xf32>
    %add3A_38 = arith.addf %div3A_33, %add3A_37 : vector<256x1xf32>
    %rsqrt3A = math.rsqrt %add3A_38 : vector<256x1xf32>
    %mul3A = vector.broadcast %rsqrt3A : vector<256x1xf32> to vector<256x128xf32>
    %mul3A_39 = arith.mulf %sub3A_35, %mul3A : vector<256x128xf32>
    %get3A_40 = arith.constant 0 : index
    %get3A_41 = arith.constant 0 : index
    %get3A_42 = vector.load %arg5[%get3A_40, %get3A_41] : memref<1x128xf32, #tpu.memory_space<vmem>>, vector<1x128xf32>
    %mul3A_43 = vector.broadcast %get3A_42 : vector<1x128xf32> to vector<256x128xf32>
    %mul3A_44 = arith.mulf %mul3A_39, %mul3A_43 : vector<256x128xf32>
    %get3A_45 = arith.constant 0 : index
    %get3A_46 = arith.constant 0 : index
    %get3A_47 = vector.load %arg6[%get3A_45, %get3A_46] : memref<1x128xf32, #tpu.memory_space<vmem>>, vector<1x128xf32>
    %add3A_48 = vector.broadcast %get3A_47 : vector<1x128xf32> to vector<256x128xf32>
    %add3A_49 = arith.addf %mul3A_44, %add3A_48 : vector<256x128xf32>
    %swap3A = arith.constant 0 : index
    %swap3A_50 = arith.constant 0 : index
    %swap3A_51 = vector.load %arg7[%swap3A, %swap3A_50] : memref<256x128xf32, #tpu.memory_space<vmem>>, vector<256x128xf32>
    tpu.vector_store %arg7[%swap3A, %swap3A_50], %add3A_49 {strides = array<i32>} : memref<256x128xf32, #tpu.memory_space<vmem>>, vector<256x128xf32>,
    return
  }
  func.func @transform_0(%arg0: i32) -> (i32, i32) {
    %c0_i32 = arith.constant 0 : i32
    %c0_i32_0 = arith.constant 0 : i32
    %c0_i32_1 = arith.constant 0 : i32
    return %c0_i32, %c0_i32_0 : i32, i32
  }
  func.func @transform_1(%arg0: i32) -> (i32, i32) {
    %c0_i32 = arith.constant 0 : i32
    %c0_i32_0 = arith.constant 0 : i32
    %c0_i32_1 = arith.constant 0 : i32
    return %c0_i32, %c0_i32_0 : i32, i32
  }
  func.func @transform_2(%arg0: i32) -> (i32, i32) {
    %c0_i32 = arith.constant 0 : i32
    %c0_i32_0 = arith.constant 0 : i32
    %c0_i32_1 = arith.constant 0 : i32
    return %c0_i32, %c0_i32_0 : i32, i32
  }
  func.func @transform_3(%arg0: i32) -> (i32, i32) {
    %c0_i32 = arith.constant 0 : i32
    %c0_i32_0 = arith.constant 0 : i32
    %c0_i32_1 = arith.constant 0 : i32
    return %c0_i32, %c0_i32_0 : i32, i32
  }
  func.func @transform_4(%arg0: i32) -> (i32, i32) {
    %c0_i32 = arith.constant 0 : i32
    %c0_i32_0 = arith.constant 0 : i32
    %c0_i32_1 = arith.constant 0 : i32
    return %c0_i32, %c0_i32_0 : i32, i32
  }
  func.func @transform_5(%arg0: i32) -> (i32, i32) {
    %c0_i32 = arith.constant 0 : i32
    %c0_i32_0 = arith.constant 0 : i32
    %c0_i32_1 = arith.constant 0 : i32
    return %c0_i32, %c0_i32_0 : i32, i32
  }
  func.func @transform_6(%arg0: i32) -> (i32, i32) {
    %c0_i32 = arith.constant 0 : i32
    %c0_i32_0 = arith.constant 0 : i32
    %c0_i32_1 = arith.constant 0 : i32
    return %c0_i32, %c0_i32_0 : i32, i32
  }
}

</mosaic_0001>

<sc_bundles>
// kernel: kernel.14.cloned.1.call-start
scs
__scs_entry_jumppad:
0x0: {  	(pc) =	sbr.rel $0x88, $3  }
0x1: {  	(tag) =	ssettag $0x0;
	lr =	simm.s32 $0x1  }
0x2: {  	[smem:$0x3F89] =	sst lr;
	_ =	strace $0xD0000000  }
0x3: {  	_ = 	snop  }
0x4: {  	_ = 	snop  }
0x5: {  	_ = 	snop  }
0x6: {  	_ = 	snop  }
0x7: {  	_ = 	snop  }
__scs_overlays_trampoline_lowered:
0x8: {  	[smem:$0x3F98] =	sst s0  }
0x9: {  	[smem:$0x3F99] =	sst s1  }
0xa: {  	[smem:$0x3F9A] =	sst s2  }
0xb: {  	[smem:$0x3F9B] =	sst s3  }
0xc: {  	[smem:$0x3F9C] =	sst s4  }
0xd: {  	[smem:$0x3F9D] =	sst s5  }
0xe: {  	[smem:$0x3F9E] =	sst s6  }
0xf: {  	[smem:$0x3F9F] =	sst s7  }
0x10: {  	[smem:$0x3FA0] =	sst s8  }
0x11: {  	[smem:$0x3FA1] =	sst s9;
	s0 =	simm.s32 @!p0 $0x0  }
0x12: {  	s1 =	sld [smem:$0x3F87];
	s0 =	simm.s32 @p0 $0x1  }
0x13: {  	[smem:$0x3FA2] =	sst s0;
	s0 =	simm.s32 @!p1 $0x0  }
0x14: {  	s2 =	sld [smem:$0x3F86];
	s0 =	simm.s32 @p1 $0x1  }
0x15: {  	[smem:$0x3FA3] =	sst s0;
	s0 =	simm.s32 @!p2 $0x0  }
0x16: {  	s3 =	sld [smem:$0x3FDB];
	s0 =	simm.s32 @p2 $0x1  }
0x17: {  	s4 =	simm.s32 $0x1BF5;
	[smem:$0x3FA5] =	sst s0  }
0x18: {  	s0 =	sld [smem:$0x3F88];
	_ =	swait.ge [sflag:s4], $0x0  }
0x19: {  	s7 =	sld [smem:$0x3F89]  }
0x1a: {  	s8 =	sadd.s32 $0xFFFFE003, lr  }
0x1b: {  	s9 =	sadd.s32 $0xFFFFFEF7, lr;
	s5 =	simm.s32 $0xFFFFFFFF;
	p2 =	slt.u32 s8, $0xFFFFF086  }
0x1c: {  	p1 =	slt.u32 s9, $0xF7A;
	s5 =	simm.s32 @!p2 $0x0  }
0x1d: {  	s5 =	simm.s32 @p1 $0x1;
	p0 =	seq.s32 s7, s2  }
0x1e: {  	s7 =	smul.u32 @!p0 $0xF7A, s2;
	p2 =	seq.s32 @!p0 s5, $0x0  }
0x1f: {  	s9 =	smul.u32 $0xF7A, s1;
	s8 =	simm.s32 @!p0 $0x1BF5;
	p2 =	por !p2, p0  }
0x20: {  	[sflag:s8] =	ssyncset.s32 @!p0 $0xFFFFF086;
	s6 =	sadd.s32 @!p0 s3, s7;
	s7 =	simm.s32 @!p0 $0x108  }
0x21: {  	s3 =	sadd.s32 s3, s9;
	s6 =	sadd.s32 @!p0 $0x88, s6;
	s7 =	simm.s32 @p2 $0x1082  }
0x22: {  	[simem:s7], [sflag:s8] =	dma.local @!p0 [hbm:s6], $0xF7A  }
0x23: {  	s9 =	sor.u32 $0xD0000000, s2;
	s6 =	simm.s32 $0x108;
	_ =	swait.ge @!p0 [sflag:s8], $0x0  }
0x24: {  	s3 =	sadd.s32 $0x88, s3;
	s6 =	simm.s32 @!p1 $0x1082;
	[sflag:s4] =	ssyncset.s32 $0xFFFFF086  }
0x25: {  	[simem:s6], [sflag:s4] =	dma.local [hbm:s3], $0xF7A  }
0x26: {  	[smem:$0x3F89] =	sst s1;
	(tag) =	ssettag s2;
	_ =	strace s9  }
0x27: {  	s1 =	sld [smem:$0x3F99]  }
0x28: {  	s2 =	sld [smem:$0x3F9A]  }
0x29: {  	s4 =	sld [smem:$0x3F9C]  }
0x2a: {  	p0 =	seq.s32 s5, $0x0;
	s5 =	sld [smem:$0x3F9D]  }
0x2b: {  	s6 =	sld [smem:$0x3F9E]  }
0x2c: {  	s7 =	sld [smem:$0x3F9F]  }
0x2d: {  	s3 =	simm.s32 $0x108;
	s8 =	sld [smem:$0x3FA0]  }
0x2e: {  	s3 =	simm.s32 @!p0 $0x1082;
	s9 =	sld [smem:$0x3FA1]  }
0x2f: {  	lr =	sadd.s32 s0, s3;
	s0 =	sld [smem:$0x3F98]  }
0x30: {  	s3 =	sld [smem:$0x3F9B]  }
0x31: {  	[smem:$0x3FA4] =	sst s10  }
0x32: {  	s10 =	sld [smem:$0x3FA2];
	_ =	sdelay $0x3  }
0x33: {  	p0 =	seq.s32 s10, $0x1;
	s10 =	sld [smem:$0x3FA4];
	_ =	sdelay $0x3  }
0x34: {  	[smem:$0x3FA4] =	sst s10  }
0x35: {  	s10 =	sld [smem:$0x3FA3];
	_ =	sdelay $0x3  }
0x36: {  	p1 =	seq.s32 s10, $0x1;
	s10 =	sld [smem:$0x3FA4];
	_ =	sdelay $0x3  }
0x37: {  	[smem:$0x3FA4] =	sst s10  }
0x38: {  	s10 =	sld [smem:$0x3FA5]  }
0x39: {  	_ = 	snop;
	(pc) =	sbr.ind lr, $3  }
0x3a: {  	_ = 	snop  }
0x3b: {  	_ = 	snop  }
0x3c: {  	p2 =	seq.s32 s10, $0x1;
	s10 =	sld [smem:$0x3FA4]  }
0x3d: {  	_ =	shalt  }
0x3e: {  	_ =	shalt  }
0x3f: {  	_ =	shalt  }
0x40: {  	_ =	shalt  }
0x41: {  	_ =	shalt  }
0x42: {  	_ =	shalt  }
0x43: {  	_ =	shalt  }
0x44: {  	_ =	shalt  }
0x45: {  	_ =	shalt  }
0x46: {  	_ =	shalt  }
0x47: {  	_ =	shalt  }
0x48: {  	_ =	shalt  }
0x49: {  	_ =	shalt  }
0x4a: {  	_ =	shalt  }
0x4b: {  	_ =	shalt  }
0x4c: {  	_ =	shalt  }
0x4d: {  	_ =	shalt  }
0x4e: {  	_ =	shalt  }
0x4f: {  	_ =	shalt  }
0x50: {  	_ =	shalt  }
0x51: {  	_ =	shalt  }
0x52: {  	_ =	shalt  }
0x53: {  	_ =	shalt  }
0x54: {  	_ =	shalt  }
0x55: {  	_ =	shalt  }
0x56: {  	_ =	shalt  }
0x57: {  	_ =	shalt  }
0x58: {  	_ =	shalt  }
0x59: {  	_ =	shalt  }
0x5a: {  	_ =	shalt  }
0x5b: {  	_ =	shalt  }
0x5c: {  	_ =	shalt  }
0x5d: {  	_ =	shalt  }
0x5e: {  	_ =	shalt  }
0x5f: {  	_ =	shalt  }
0x60: {  	_ =	shalt  }
0x61: {  	_ =	shalt  }
0x62: {  	_ =	shalt  }
0x63: {  	_ =	shalt  }
0x64: {  	_ =	shalt  }
0x65: {  	_ =	shalt  }
0x66: {  	_ =	shalt  }
0x67: {  	_ =	shalt  }
0x68: {  	_ =	shalt  }
0x69: {  	_ =	shalt  }
0x6a: {  	_ =	shalt  }
0x6b: {  	_ =	shalt  }
0x6c: {  	_ =	shalt  }
0x6d: {  	_ =	shalt  }
0x6e: {  	_ =	shalt  }
0x6f: {  	_ =	shalt  }
0x70: {  	_ =	shalt  }
0x71: {  	_ =	shalt  }
0x72: {  	_ =	shalt  }
0x73: {  	_ =	shalt  }
0x74: {  	_ =	shalt  }
0x75: {  	_ =	shalt  }
0x76: {  	_ =	shalt  }
0x77: {  	_ =	shalt  }
0x78: {  	_ =	shalt  }
0x79: {  	_ =	shalt  }
0x7a: {  	_ =	shalt  }
0x7b: {  	_ =	shalt  }
0x7c: {  	_ =	shalt  }
0x7d: {  	_ =	shalt  }
0x7e: {  	_ =	shalt  }
0x7f: {  	_ =	shalt  }
0x80: {  	_ =	shalt  }
0x81: {  	_ =	shalt  }
0x82: {  	_ =	shalt  }
0x83: {  	_ =	shalt  }
0x84: {  	_ =	shalt  }
0x85: {  	_ =	shalt  }
0x86: {  	_ =	shalt  }
0x87: {  	_ =	shalt  }
.Lfunc_end0:
.L_simem_size_0:
called_computation_lowered:
.L_overlay_start_0:
0x88: {  	s2 =	sld [smem:$0x3FD9]  }
0x89: {  	s3 =	sld [smem:$0x3FFE];
	_ =	sdelay $0x1  }
0x8a: {  	s1 =	srdreg.scid  }
0x8b: {  	s0 =	sand.u32 $0x1, s1  }
0x8c: {  	s17 =	sshll.u32 s0, $0xA;
	s2 =	sadd.s32 s3, s2  }
0x8d: {  	s2 =	sadd.s32 s2, s17  }
0x8e: {  	[smem:$0x3FB0] =	sst s2  }
0x8f: {  	_ = 	snop  }
0x90: {  	s2 =	sld [smem:$0x3FD0];
	(tm) =	ssettm $0x1  }
0x91: {  	s18 =	sld [smem:$0x3FFB];
	_ =	sdelay $0x3  }
0x92: {  	_ =	strace s18  }
0x93: {  	s3 =	sld [smem:$0x3FFC];
	_ =	sdelay $0x3  }
0x94: {  	_ =	strace s3  }
0x95: {  	s3 =	sld [smem:$0x3FFD];
	_ =	sdelay $0x3  }
0x96: {  	_ =	strace s3  }
0x97: {  	_ =	strace $0x8FFFFFFF  }
0x98: {  	s19 =	sld [smem:$0x3FDB];
	_ =	sdelay $0x1  }
0x99: {  	s4 =	simm.s32 $_scs_section_size  }
0x9a: {  	s5 =	simm.s32 $_size__tile_overlayer_lowered;
	s6 =	simm.s32 $_tile_overlayer_lowered  }
0x9b: {  	s22 =	simm.s32 $0x1BFF;
	s21 =	sshll.u32 s6, $0x1;
	s3 =	sadd.s32 s4, s19  }
0x9c: {  	s7 =	simm.s32 $0x0;
	s20 =	sshll.u32 s5, $0x1;
	s5 =	sadd.s32 s21, s3  }
0x9d: {  	[timem:s7], [sflag:s22] =	dma.local [hbm:s5], s20  }
0x9e: {  	_ =	swait.ge [sflag:s22], s20  }
0x9f: {  	s4 =	ssub.s32 $0x0, s20;
	[sflag:s22] =	ssyncset.done $0x0  }
0xa0: {  	[sflag:s22] =	ssyncadd.s32 s4;
	_ =	sdelay $0x1  }
0xa1: {  	s23 =	simm.s32 $0x1B8B  }
0xa2: {  	_ =	swait.ge [sflag:s23], $0x1  }
0xa3: {  	[sflag:s23] =	ssyncset.done $0x0  }
0xa4: {  	s25 =	simm.s32 $0x1B8E;
	s24 =	sld [smem:$0x3FFE];
	[sflag:s23] =	ssyncadd.s32 $0xFFFFFFFF  }
0xa5: {  	s26 =	simm.s32 $execute0_lowered;
	[smem:$0x3FD2] =	sst s25  }
0xa6: {  	s5 =	sshll.u32 s26, $0x1;
	_ =	strace $0x80000046;
	[dreg:$0x1] =	wrdreg $0xFFFFFFFF  }
0xa7: {  	s28 =	simm.s32 $_size_execute0_lowered;
	s3 =	sadd.s32 s3, s5;
	[dreg:$0x0] =	wrdreg $0x0  }
0xa8: {  	s5 =	sshll.u32 s28, $0x1;
	[dreg:$0x2] =	wrdreg s3  }
0xa9: {  	[dreg:$0x3] =	wrdreg s5  }
0xaa: {  	[dreg:$0x4] =	wrdreg $0xC0  }
0xab: {  	_ =	task [dreg:s7], $0x5FFFF  }
0xac: {  	[dreg:$0x1] =	wrdreg $0xFFFFFFFF  }
0xad: {  	[dreg:$0x0] =	wrdreg $0x60  }
0xae: {  	[dreg:$0x2] =	wrdreg s24  }
0xaf: {  	[dreg:$0x3] =	wrdreg s2  }
0xb0: {  	[dreg:$0x4] =	wrdreg $0x68000  }
0xb1: {  	[dreg:$0x5] =	wrdreg $0x9  }
0xb2: {  	_ =	task.clear_ibuf [dreg:s7], $0x6FFFF;
	_ =	strace $0x90000046  }
0xb3: {  	s29 =	simm.s32 $0x9;
	_ =	strace $0x80000048  }
0xb4: {  	_ =	swait.ge [sflag:s29], $0x1  }
0xb5: {  	[sflag:s29] =	ssyncadd.s32 $0xFFFFFFFF  }
0xb6: {  	_ =	strace $0x90000048  }
0xb7: {  	_ =	sfence  }
0xb8: {  	s30 =	sld [smem:$0x0];
	_ =	sdelay $0x2  }
0xb9: {  	s31 =	sshll.u32 s1, $0xD;
	s1 =	sshrl.u32 s1, $0x2  }
0xba: {  	s3 =	sand.u32 $0x4000, s31;
	s1 =	sadd.s32 s1, s30  }
0xbb: {  	s0 =	sor.u32 s3, s0;
	s1 =	sshll.u32 s1, $0x11  }
0xbc: {  	s0 =	sor.u32 s1, s0  }
0xbd: {  	s0 =	sadd.s32 $0x8F2B, s0  }
0xbe: {  	[sflag:s0] =	ssyncadd.remote.s32 $0x1  }
0xbf: {  	_ =	sfence.sel $0xFFFF  }
0xc0: {  	[dreg:$0x0] =	wrdreg $0xFFFFFFFF;
	(pc) =	sbr.abs _section_cstart, $3  }
0xc1: {  	[dreg:$0x1] =	wrdreg $0xFFFFFFFF  }
0xc2: {  	_ =	task.clear_ibuf [dreg:s7], $0x2FFFF;
	_ =	strace $0x9FFFFFFF  }
0xc3: {  	(tm) =	ssettm $0x7FFFFFFF  }
tec
execute0_lowered:
.L_overlay_start_1:
0x0: {  	(tag) =	ssettag $0x1  }
0x1: {  	s6 =	rddreg [dreg:$0x0]  }
0x2: {  	s2 =	rddreg [dreg:$0x1]  }
0x3: {  	s0 =	srdreg.scid;
	s3 =	rddreg [dreg:$0x2]  }
0x4: {  	s4 =	simm.s32 $0x0;
	s13 =	simm.s32 $0x5;
	s14 =	simm.s32 $0x80  }
0x5: {  	s15 =	simm.s32 $0x100;
	s16 =	simm.s32 $0x180;
	s17 =	simm.s32 $0x1  }
0x6: {  	s18 =	simm.s32 $0x2;
	s19 =	simm.s32 $0x3;
	s5 =	sand.u32 $0x1, s0  }
0x7: {  	s20 =	simm.s32 $0x4;
	s0 =	stileid.u32;
	s8 =	smul.u32 $0x140000, s5  }
0x8: {  	s21 =	simm.s32 $0x0;
	[smem:$0x7FF] =	sst s4;
	s9 =	smul.u32 $0x14000, s0  }
0x9: {  	s1 =	sshll.u32 s5, $0x4;
	s30 =	ssub.s32 $0x2, s5;
	s10 =	smul.u32 $0x50000, s0  }
0xa: {  	s5 =	sadd.s32 $0xFC00, s6;
	s31 =	sshll.u32 s0, $0x6;
	s1 =	sor.u32 s0, s1  }
0xb: {  	s11 =	sshrl.u32 s30, $0x1;
	s7 =	smul.u32 $0x500, s1;
	s1 =	rddreg [dreg:$0x3]  }
0xc: {  	_ =	strace $0x80000047;
	s8 =	sadd.s32 s9, s8;
	s9 =	ssub.s32 s30, s11  }
0xd: {  	s10 =	sshrl.u32 s10, $0x2;
	s11 =	sor.u32 $0x1C06, s31;
	s8 =	sshrl.u32 s8, $0x3  }
0xe: {  	s12 =	sadd.s32 s10, s3;
	s10 =	simm.s32 $0x6;
	s7 =	sadd.s32 s7, s6  }
0xf: {  	s8 =	sadd.s32 s8, s6;
	s12 =	sshrl.u32 s12, $0x3;
	s6 =	sadd.s32 $0x5C00, s7  }
0x10: {  	s7 =	sadd.s32 $0x12400, s8;
	s8 =	smax.u32 s9, $0x1;
	s9 =	simm.s32 $0x2800  }
.LBB2_1:
0x11: {  	[tilespmem:s4], [sflag:$0x5] =	stream.linear.gather [hbm4b:s6+s4], $0x2800, $0x38;
	[tilespmem:$0x9000] =	vst v63  }
0x12: {  	_ = 	snop  }
0x13: {  	[tilespmem:s9], [sflag:$0x6] =	stream.linear.gather [hbm4b:s2+s4], $0x4000, $0x38;
	[tilespmem:$0x9000] =	vst v63  }
0x14: {  	_ =	swait.ge [sflag:s10], $0x4000  }
0x15: {  	[sflag:s10] =	ssyncset.done $0x0  }
0x16: {  	[sflag:s10] =	ssyncadd.s32 $0xFFFFC000  }
0x17: {  	[spmem:s12], [sflag:s11] =	dma.local [hbm:s5], $0x2800  }
0x18: {  	_ =	swait.ge [sflag:s10], $0x2800  }
0x19: {  	[sflag:s10] =	ssyncset.done $0x0  }
0x1a: {  	[sflag:s10] =	ssyncadd.s32 $0xFFFFD800  }
0x1b: {  	_ =	swait.ge [sflag:s13], $0x2800  }
0x1c: {  	[sflag:s13] =	ssyncset.done $0x0  }
0x1d: {  	[sflag:s13] =	ssyncadd.s32 $0xFFFFD800  }
0x1e: {  	[bflag:$0x0] =	sbarrier.arrive $0xFFFF  }
0x1f: {  	[spmem:s3] =	stream.indirect.scatter.add.f32 [tilespmem:s9], [sflag:$0x1], $0x10, s4, s14, $0xb8;
	[tilespmem:$0x9000] =	vst v63  }
0x20: {  	_ = 	snop  }
0x21: {  	[spmem:s3] =	stream.indirect.scatter.add.f32 [tilespmem:s9], [sflag:$0x2], $0x10, s14, s14, $0xb8;
	[tilespmem:$0x9000] =	vst v63  }
0x22: {  	_ = 	snop  }
0x23: {  	[spmem:s3] =	stream.indirect.scatter.add.f32 [tilespmem:s9], [sflag:$0x3], $0x10, s15, s14, $0xb8;
	[tilespmem:$0x9000] =	vst v63  }
0x24: {  	_ = 	snop  }
0x25: {  	[spmem:s3] =	stream.indirect.scatter.add.f32 [tilespmem:s9], [sflag:$0x4], $0x10, s16, s14, $0xb8;
	[tilespmem:$0x9000] =	vst v63  }
0x26: {  	_ =	swait.ge [sflag:s17], $0x800  }
0x27: {  	[sflag:s17] =	ssyncset.done $0x0  }
0x28: {  	s22 =	simm.s32 $0x200;
	[sflag:s17] =	ssyncadd.s32 $0xFFFFF800  }
0x29: {  	[spmem:s3] =	stream.indirect.scatter.add.f32 [tilespmem:s9], [sflag:$0x1], $0x10, s22, s14, $0xb8;
	[tilespmem:$0x9000] =	vst v63  }
0x2a: {  	_ =	swait.ge [sflag:s18], $0x800  }
0x2b: {  	[sflag:s18] =	ssyncset.done $0x0  }
0x2c: {  	s30 =	simm.s32 $0x280;
	[sflag:s18] =	ssyncadd.s32 $0xFFFFF800  }
0x2d: {  	[spmem:s3] =	stream.indirect.scatter.add.f32 [tilespmem:s9], [sflag:$0x2], $0x10, s30, s14, $0xb8;
	[tilespmem:$0x9000] =	vst v63  }
0x2e: {  	_ =	swait.ge [sflag:s19], $0x800  }
0x2f: {  	[sflag:s19] =	ssyncset.done $0x0  }
0x30: {  	s31 =	simm.s32 $0x300;
	[sflag:s19] =	ssyncadd.s32 $0xFFFFF800  }
0x31: {  	[spmem:s3] =	stream.indirect.scatter.add.f32 [tilespmem:s9], [sflag:$0x3], $0x10, s31, s14, $0xb8;
	[tilespmem:$0x9000] =	vst v63  }
0x32: {  	_ =	swait.ge [sflag:s20], $0x800  }
0x33: {  	[sflag:s20] =	ssyncset.done $0x0  }
0x34: {  	s23 =	simm.s32 $0x380;
	s22 =	simm.s32 $0xFFFF7000;
	[sflag:s20] =	ssyncadd.s32 $0xFFFFF800  }
.LBB2_2:
0x35: {  	[spmem:s3] =	stream.indirect.scatter.add.f32 [tilespmem:s9], [sflag:$0x4], $0x10, s23, s14, $0xb8;
	[tilespmem:$0x9000] =	vst v63  }
0x36: {  	s23 =	smov.u32 s22  }
0x37: {  	p0 =	sne.s32 s22, $0xFFFFF800;
	s22 =	sadd.s32 $0x800, s22;
	_ =	swait.ge [sflag:s17], $0x800  }
0x38: {  	s23 =	sshra.s32 s23, $0x2;
	[sflag:s17] =	ssyncset.done $0x0  }
0x39: {  	s24 =	sadd.s32 $0x2800, s23;
	[sflag:s17] =	ssyncadd.s32 $0xFFFFF800  }
0x3a: {  	[spmem:s3] =	stream.indirect.scatter.add.f32 [tilespmem:s9], [sflag:$0x1], $0x10, s24, s14, $0xb8;
	[tilespmem:$0x9000] =	vst v63  }
0x3b: {  	_ =	swait.ge [sflag:s18], $0x800  }
0x3c: {  	[sflag:s18] =	ssyncset.done $0x0  }
0x3d: {  	s24 =	sadd.s32 $0x2880, s23;
	[sflag:s18] =	ssyncadd.s32 $0xFFFFF800  }
0x3e: {  	[spmem:s3] =	stream.indirect.scatter.add.f32 [tilespmem:s9], [sflag:$0x2], $0x10, s24, s14, $0xb8;
	[tilespmem:$0x9000] =	vst v63  }
0x3f: {  	_ =	swait.ge [sflag:s19], $0x800  }
0x40: {  	[sflag:s19] =	ssyncset.done $0x0  }
.Ltmp0:
0x41: {  	s24 =	sadd.s32 $0x2900, s23;
	[sflag:s19] =	ssyncadd.s32 $0xFFFFF800;
	(pc) =	sbr.rel @p0 .LBB2_2-.Ltmp0, $4  }
0x42: {  	[spmem:s3] =	stream.indirect.scatter.add.f32 [tilespmem:s9], [sflag:$0x3], $0x10, s24, s14, $0xb8;
	[tilespmem:$0x9000] =	vst v63  }
0x43: {  	_ =	swait.ge [sflag:s20], $0x800  }
0x44: {  	[sflag:s20] =	ssyncset.done $0x0  }
0x45: {  	s23 =	sadd.s32 $0x2980, s23;
	[sflag:s20] =	ssyncadd.s32 $0xFFFFF800  }
0x46: {  	[spmem:s3] =	stream.indirect.scatter.add.f32 [tilespmem:s9], [sflag:$0x4], $0x10, s23, s14, $0xb8;
	[tilespmem:$0x9000] =	vst v63  }
0x47: {  	_ =	swait.ge [sflag:s17], $0x800  }
0x48: {  	[sflag:s17] =	ssyncset.done $0x0  }
0x49: {  	[sflag:s17] =	ssyncadd.s32 $0xFFFFF800  }
0x4a: {  	_ =	swait.ge [sflag:s18], $0x800  }
0x4b: {  	[sflag:s18] =	ssyncset.done $0x0  }
0x4c: {  	[sflag:s18] =	ssyncadd.s32 $0xFFFFF800  }
0x4d: {  	_ =	swait.ge [sflag:s19], $0x800  }
0x4e: {  	[sflag:s19] =	ssyncset.done $0x0  }
0x4f: {  	[sflag:s19] =	ssyncadd.s32 $0xFFFFF800  }
0x50: {  	_ =	swait.ge [sflag:s20], $0x800  }
0x51: {  	s21 =	sadd.s32 $0x1, s21;
	[sflag:s20] =	ssyncset.done $0x0  }
0x52: {  	p0 =	sne.s32 s21, s8;
	[sflag:s20] =	ssyncadd.s32 $0xFFFFF800  }
.Ltmp1:
0x53: {  	[bflag:$0x0] =	sbarrier.arrive $0xFFFF;
	(pc) =	sbr.rel @p0 .LBB2_1-.Ltmp1, $4  }
0x54: {  	[hbm:s7], [sflag:s11] =	dma.local [spmem:s12], $0x2800  }
0x55: {  	_ =	swait.ge [sflag:s10], $0x2800  }
0x56: {  	[sflag:s10] =	ssyncset.done $0x0  }
0x57: {  	[sflag:s10] =	ssyncadd.s32 $0xFFFFD800  }
0x58: {  	_ =	sfence.sel $0x180000  }
0x59: {  	[bflag:$0x0] =	sbarrier.arrive $0xFFFF  }
0x5a: {  	p0 =	sne.s32 s0, $0x0;
	_ =	strace $0x90000047  }
0x5b: {  	s0 =	sadd.s32 @!p0 $0x100000, s1;
	[bflag:$0x2] =	sbarrier.arrive $0xFFFF  }
0x5c: {  	[sflag:s0] =	ssyncadd.tile.s32 @!p0 $0x1;
	_ =	shalt  }
.Lfunc_end2:
_tile_overlayer_lowered:
.L_overlay_start_2:
0x5d: {  	(tag) =	ssettag $0x2  }
0x5e: {  	s0 =	rddreg [dreg:$0x0];
	s2 =	stileid.u32  }
0x5f: {  	s1 =	rddreg [dreg:$0x1];
	p0 =	sne.s32 s2, $0x0  }
0x60: {  	s3 =	rddreg [dreg:$0x2];
	[bflag:$0x3] =	sbarrier.arrive $0xFFFF;
	s2 =	simm.s32 @!p0 $0x1C06  }
0x61: {  	[timem:s3], [sflag:s2] =	dma.local @!p0 [hbm:s0], s1  }
0x62: {  	s0 =	simm.s32 @!p0 $0x6  }
0x63: {  	_ =	swait.ge @!p0 [sflag:s0], s1  }
0x64: {  	s1 =	ssub.s32 @!p0 $0x0, s1;
	[sflag:s0] =	ssyncset.done @!p0 $0x0  }
0x65: {  	[sflag:s0] =	ssyncadd.s32 @!p0 s1  }
0x66: {  	[bflag:$0x3] =	sbarrier.arrive $0xFFFF  }
0x67: {  	_ =	shalt  }

// kernel: kernel.17.cloned.1.call-start
scs
__scs_entry_jumppad:
0x0: {  	(pc) =	sbr.rel $0x88, $3  }
0x1: {  	(tag) =	ssettag $0x0;
	lr =	simm.s32 $0x1  }
0x2: {  	[smem:$0x3F89] =	sst lr;
	_ =	strace $0xD0000000  }
0x3: {  	_ = 	snop  }
0x4: {  	_ = 	snop  }
0x5: {  	_ = 	snop  }
0x6: {  	_ = 	snop  }
0x7: {  	_ = 	snop  }
__scs_overlays_trampoline_lowered:
0x8: {  	[smem:$0x3F98] =	sst s0  }
0x9: {  	[smem:$0x3F99] =	sst s1  }
0xa: {  	[smem:$0x3F9A] =	sst s2  }
0xb: {  	[smem:$0x3F9B] =	sst s3  }
0xc: {  	[smem:$0x3F9C] =	sst s4  }
0xd: {  	[smem:$0x3F9D] =	sst s5  }
0xe: {  	[smem:$0x3F9E] =	sst s6  }
0xf: {  	[smem:$0x3F9F] =	sst s7  }
0x10: {  	[smem:$0x3FA0] =	sst s8  }
0x11: {  	[smem:$0x3FA1] =	sst s9;
	s0 =	simm.s32 @!p0 $0x0  }
0x12: {  	s1 =	sld [smem:$0x3F87];
	s0 =	simm.s32 @p0 $0x1  }
0x13: {  	[smem:$0x3FA2] =	sst s0;
	s0 =	simm.s32 @!p1 $0x0  }
0x14: {  	s2 =	sld [smem:$0x3F86];
	s0 =	simm.s32 @p1 $0x1  }
0x15: {  	[smem:$0x3FA3] =	sst s0;
	s0 =	simm.s32 @!p2 $0x0  }
0x16: {  	s3 =	sld [smem:$0x3FDB];
	s0 =	simm.s32 @p2 $0x1  }
0x17: {  	s4 =	simm.s32 $0x1BF5;
	[smem:$0x3FA5] =	sst s0  }
0x18: {  	s0 =	sld [smem:$0x3F88];
	_ =	swait.ge [sflag:s4], $0x0  }
0x19: {  	s7 =	sld [smem:$0x3F89]  }
0x1a: {  	s8 =	sadd.s32 $0xFFFFE003, lr  }
0x1b: {  	s9 =	sadd.s32 $0xFFFFFEF7, lr;
	s5 =	simm.s32 $0xFFFFFFFF;
	p2 =	slt.u32 s8, $0xFFFFF086  }
0x1c: {  	p1 =	slt.u32 s9, $0xF7A;
	s5 =	simm.s32 @!p2 $0x0  }
0x1d: {  	s5 =	simm.s32 @p1 $0x1;
	p0 =	seq.s32 s7, s2  }
0x1e: {  	s7 =	smul.u32 @!p0 $0xF7A, s2;
	p2 =	seq.s32 @!p0 s5, $0x0  }
0x1f: {  	s9 =	smul.u32 $0xF7A, s1;
	s8 =	simm.s32 @!p0 $0x1BF5;
	p2 =	por !p2, p0  }
0x20: {  	[sflag:s8] =	ssyncset.s32 @!p0 $0xFFFFF086;
	s6 =	sadd.s32 @!p0 s3, s7;
	s7 =	simm.s32 @!p0 $0x108  }
0x21: {  	s3 =	sadd.s32 s3, s9;
	s6 =	sadd.s32 @!p0 $0x88, s6;
	s7 =	simm.s32 @p2 $0x1082  }
0x22: {  	[simem:s7], [sflag:s8] =	dma.local @!p0 [hbm:s6], $0xF7A  }
0x23: {  	s9 =	sor.u32 $0xD0000000, s2;
	s6 =	simm.s32 $0x108;
	_ =	swait.ge @!p0 [sflag:s8], $0x0  }
0x24: {  	s3 =	sadd.s32 $0x88, s3;
	s6 =	simm.s32 @!p1 $0x1082;
	[sflag:s4] =	ssyncset.s32 $0xFFFFF086  }
0x25: {  	[simem:s6], [sflag:s4] =	dma.local [hbm:s3], $0xF7A  }
0x26: {  	[smem:$0x3F89] =	sst s1;
	(tag) =	ssettag s2;
	_ =	strace s9  }
0x27: {  	s1 =	sld [smem:$0x3F99]  }
0x28: {  	s2 =	sld [smem:$0x3F9A]  }
0x29: {  	s4 =	sld [smem:$0x3F9C]  }
0x2a: {  	p0 =	seq.s32 s5, $0x0;
	s5 =	sld [smem:$0x3F9D]  }
0x2b: {  	s6 =	sld [smem:$0x3F9E]  }
0x2c: {  	s7 =	sld [smem:$0x3F9F]  }
0x2d: {  	s3 =	simm.s32 $0x108;
	s8 =	sld [smem:$0x3FA0]  }
0x2e: {  	s3 =	simm.s32 @!p0 $0x1082;
	s9 =	sld [smem:$0x3FA1]  }
0x2f: {  	lr =	sadd.s32 s0, s3;
	s0 =	sld [smem:$0x3F98]  }
0x30: {  	s3 =	sld [smem:$0x3F9B]  }
0x31: {  	[smem:$0x3FA4] =	sst s10  }
0x32: {  	s10 =	sld [smem:$0x3FA2];
	_ =	sdelay $0x3  }
0x33: {  	p0 =	seq.s32 s10, $0x1;
	s10 =	sld [smem:$0x3FA4];
	_ =	sdelay $0x3  }
0x34: {  	[smem:$0x3FA4] =	sst s10  }
0x35: {  	s10 =	sld [smem:$0x3FA3];
	_ =	sdelay $0x3  }
0x36: {  	p1 =	seq.s32 s10, $0x1;
	s10 =	sld [smem:$0x3FA4];
	_ =	sdelay $0x3  }
0x37: {  	[smem:$0x3FA4] =	sst s10  }
0x38: {  	s10 =	sld [smem:$0x3FA5]  }
0x39: {  	_ = 	snop;
	(pc) =	sbr.ind lr, $3  }
0x3a: {  	_ = 	snop  }
0x3b: {  	_ = 	snop  }
0x3c: {  	p2 =	seq.s32 s10, $0x1;
	s10 =	sld [smem:$0x3FA4]  }
0x3d: {  	_ =	shalt  }
0x3e: {  	_ =	shalt  }
0x3f: {  	_ =	shalt  }
0x40: {  	_ =	shalt  }
0x41: {  	_ =	shalt  }
0x42: {  	_ =	shalt  }
0x43: {  	_ =	shalt  }
0x44: {  	_ =	shalt  }
0x45: {  	_ =	shalt  }
0x46: {  	_ =	shalt  }
0x47: {  	_ =	shalt  }
0x48: {  	_ =	shalt  }
0x49: {  	_ =	shalt  }
0x4a: {  	_ =	shalt  }
0x4b: {  	_ =	shalt  }
0x4c: {  	_ =	shalt  }
0x4d: {  	_ =	shalt  }
0x4e: {  	_ =	shalt  }
0x4f: {  	_ =	shalt  }
0x50: {  	_ =	shalt  }
0x51: {  	_ =	shalt  }
0x52: {  	_ =	shalt  }
0x53: {  	_ =	shalt  }
0x54: {  	_ =	shalt  }
0x55: {  	_ =	shalt  }
0x56: {  	_ =	shalt  }
0x57: {  	_ =	shalt  }
0x58: {  	_ =	shalt  }
0x59: {  	_ =	shalt  }
0x5a: {  	_ =	shalt  }
0x5b: {  	_ =	shalt  }
0x5c: {  	_ =	shalt  }
0x5d: {  	_ =	shalt  }
0x5e: {  	_ =	shalt  }
0x5f: {  	_ =	shalt  }
0x60: {  	_ =	shalt  }
0x61: {  	_ =	shalt  }
0x62: {  	_ =	shalt  }
0x63: {  	_ =	shalt  }
0x64: {  	_ =	shalt  }
0x65: {  	_ =	shalt  }
0x66: {  	_ =	shalt  }
0x67: {  	_ =	shalt  }
0x68: {  	_ =	shalt  }
0x69: {  	_ =	shalt  }
0x6a: {  	_ =	shalt  }
0x6b: {  	_ =	shalt  }
0x6c: {  	_ =	shalt  }
0x6d: {  	_ =	shalt  }
0x6e: {  	_ =	shalt  }
0x6f: {  	_ =	shalt  }
0x70: {  	_ =	shalt  }
0x71: {  	_ =	shalt  }
0x72: {  	_ =	shalt  }
0x73: {  	_ =	shalt  }
0x74: {  	_ =	shalt  }
0x75: {  	_ =	shalt  }
0x76: {  	_ =	shalt  }
0x77: {  	_ =	shalt  }
0x78: {  	_ =	shalt  }
0x79: {  	_ =	shalt  }
0x7a: {  	_ =	shalt  }
0x7b: {  	_ =	shalt  }
0x7c: {  	_ =	shalt  }
0x7d: {  	_ =	shalt  }
0x7e: {  	_ =	shalt  }
0x7f: {  	_ =	shalt  }
0x80: {  	_ =	shalt  }
0x81: {  	_ =	shalt  }
0x82: {  	_ =	shalt  }
0x83: {  	_ =	shalt  }
0x84: {  	_ =	shalt  }
0x85: {  	_ =	shalt  }
0x86: {  	_ =	shalt  }
0x87: {  	_ =	shalt  }
.Lfunc_end0:
.L_simem_size_0:
called_computation.1_lowered:
.L_overlay_start_0:
0x88: {  	s2 =	sld [smem:$0x3FD9]  }
0x89: {  	s3 =	sld [smem:$0x3FFE];
	_ =	sdelay $0x1  }
0x8a: {  	s1 =	srdreg.scid  }
0x8b: {  	s0 =	sand.u32 $0x1, s1  }
0x8c: {  	s16 =	sshll.u32 s0, $0xA;
	s2 =	sadd.s32 s3, s2  }
0x8d: {  	s2 =	sadd.s32 s2, s16  }
0x8e: {  	[smem:$0x3FB0] =	sst s2  }
0x8f: {  	_ = 	snop  }
0x90: {  	(tm) =	ssettm $0x1  }
0x91: {  	s17 =	sld [smem:$0x3FFB];
	_ =	sdelay $0x3  }
0x92: {  	_ =	strace s17  }
0x93: {  	s2 =	sld [smem:$0x3FFC];
	_ =	sdelay $0x3  }
0x94: {  	_ =	strace s2  }
0x95: {  	s2 =	sld [smem:$0x3FFD];
	_ =	sdelay $0x3  }
0x96: {  	_ =	strace s2  }
0x97: {  	_ =	strace $0x8FFFFFFF  }
0x98: {  	s18 =	sld [smem:$0x3FDB];
	_ =	sdelay $0x1  }
0x99: {  	s19 =	simm.s32 $_scs_section_size  }
0x9a: {  	s4 =	simm.s32 $_size__tile_overlayer_lowered;
	s5 =	simm.s32 $_tile_overlayer_lowered  }
0x9b: {  	s22 =	simm.s32 $0x1BFF;
	s21 =	sshll.u32 s5, $0x1;
	s2 =	sadd.s32 s19, s18  }
0x9c: {  	s6 =	simm.s32 $0x0;
	s20 =	sshll.u32 s4, $0x1;
	s4 =	sadd.s32 s21, s2  }
0x9d: {  	[timem:s6], [sflag:s22] =	dma.local [hbm:s4], s20  }
0x9e: {  	_ =	swait.ge [sflag:s22], s20  }
0x9f: {  	s3 =	ssub.s32 $0x0, s20;
	[sflag:s22] =	ssyncset.done $0x0  }
0xa0: {  	[sflag:s22] =	ssyncadd.s32 s3;
	_ =	sdelay $0x1  }
0xa1: {  	s23 =	simm.s32 $0x1B8B  }
0xa2: {  	_ =	swait.ge [sflag:s23], $0x1  }
0xa3: {  	[sflag:s23] =	ssyncset.done $0x0  }
0xa4: {  	s25 =	simm.s32 $0x1B8E;
	s24 =	sld [smem:$0x3FFE];
	[sflag:s23] =	ssyncadd.s32 $0xFFFFFFFF  }
0xa5: {  	s26 =	simm.s32 $execute0_lowered;
	[smem:$0x3FD2] =	sst s25  }
0xa6: {  	s4 =	sshll.u32 s26, $0x1;
	_ =	strace $0x80000049;
	[dreg:$0x1] =	wrdreg $0xFFFFFFFF  }
0xa7: {  	s28 =	simm.s32 $_size_execute0_lowered;
	s2 =	sadd.s32 s2, s4;
	[dreg:$0x0] =	wrdreg $0x0  }
0xa8: {  	s4 =	sshll.u32 s28, $0x1;
	[dreg:$0x2] =	wrdreg s2  }
0xa9: {  	[dreg:$0x3] =	wrdreg s4  }
0xaa: {  	[dreg:$0x4] =	wrdreg $0xC0  }
0xab: {  	_ =	task [dreg:s6], $0x5FFFF  }
0xac: {  	[dreg:$0x1] =	wrdreg $0xFFFFFFFF  }
0xad: {  	[dreg:$0x0] =	wrdreg $0x60  }
0xae: {  	[dreg:$0x2] =	wrdreg s24  }
0xaf: {  	[dreg:$0x3] =	wrdreg $0x84000  }
0xb0: {  	[dreg:$0x4] =	wrdreg $0x9  }
0xb1: {  	_ =	task.clear_ibuf [dreg:s6], $0x5FFFF;
	_ =	strace $0x90000049  }
0xb2: {  	s29 =	simm.s32 $0x9;
	_ =	strace $0x8000004B  }
0xb3: {  	_ =	swait.ge [sflag:s29], $0x1  }
0xb4: {  	[sflag:s29] =	ssyncadd.s32 $0xFFFFFFFF  }
0xb5: {  	_ =	strace $0x9000004B  }
0xb6: {  	_ =	sfence  }
0xb7: {  	s30 =	sld [smem:$0x0];
	_ =	sdelay $0x2  }
0xb8: {  	s31 =	sshll.u32 s1, $0xD;
	s1 =	sshrl.u32 s1, $0x2  }
0xb9: {  	s3 =	sand.u32 $0x4000, s31;
	s1 =	sadd.s32 s1, s30  }
0xba: {  	s0 =	sor.u32 s3, s0;
	s1 =	sshll.u32 s1, $0x11  }
0xbb: {  	s0 =	sor.u32 s1, s0  }
0xbc: {  	s0 =	sadd.s32 $0x8F2B, s0  }
0xbd: {  	[sflag:s0] =	ssyncadd.remote.s32 $0x1  }
0xbe: {  	_ =	sfence.sel $0xFFFF  }
0xbf: {  	[dreg:$0x0] =	wrdreg $0xFFFFFFFF;
	(pc) =	sbr.abs _section_cstart, $3  }
0xc0: {  	[dreg:$0x1] =	wrdreg $0xFFFFFFFF  }
0xc1: {  	_ =	task.clear_ibuf [dreg:s6], $0x2FFFF;
	_ =	strace $0x9FFFFFFF  }
0xc2: {  	(tm) =	ssettm $0x7FFFFFFF  }
0xc3: {  	_ =	shalt  }
tec
execute0_lowered:
.L_overlay_start_1:
0x0: {  	(tag) =	ssettag $0x1  }
0x1: {  	s0 =	rddreg [dreg:$0x0]  }
0x2: {  	s1 =	rddreg [dreg:$0x1];
	s2 =	srdreg.scid;
	s3 =	simm.s32 $0x0  }
0x3: {  	s17 =	stileid.u32;
	s14 =	simm.s32 $0x100;
	s28 =	simm.s32 $0x300  }
0x4: {  	s29 =	simm.s32 $0x3;
	s30 =	simm.s32 $0x7;
	s31 =	simm.s32 $0x280  }
0x5: {  	s2 =	sand.u32 $0x1, s2;
	[smem:$0x7FF] =	sst s3;
	s6 =	smul.u32 $0x14000, s17  }
0x6: {  	s4 =	sadd.s32 $0x76400, s0;
	s13 =	sadd.s32 $0x62400, s0;
	s19 =	smul.u32 $0x5000, s17  }
0x7: {  	s16 =	sadd.s32 $0x5C00, s0;
	s9 =	smul.u32 $0x50000, s17;
	s26 =	sshll.u32 s17, $0x6  }
0x8: {  	s5 =	smul.u32 $0x140000, s2;
	s7 =	sshll.u32 s2, $0x4;
	_ =	strace $0x8000004A  }
0x9: {  	[dreg:$0x3] =	wrdreg s16;
	s18 =	smul.u32 $0x50000, s2;
	s2 =	ssub.s32 $0x2, s2  }
0xa: {  	s16 =	simm.s32 $0x80;
	s7 =	sor.u32 s17, s7;
	s8 =	sshrl.u32 s2, $0x1  }
0xb: {  	s20 =	sshrl.u32 s9, $0x2;
	s5 =	sadd.s32 s6, s5;
	s15 =	smul.u32 $0x5000, s7  }
0xc: {  	s17 =	simm.s32 $0x400;
	s2 =	ssub.s32 s2, s8;
	s5 =	sshrl.u32 s5, $0x3  }
0xd: {  	s2 =	smax.u32 s2, $0x1;
	s0 =	sadd.s32 s5, s0;
	s6 =	sshrl.u32 s15, $0x3  }
0xe: {  	s5 =	sadd.s32 s19, s18;
	[dreg:$0x7] =	wrdreg s2;
	s15 =	simm.s32 $0x1  }
0xf: {  	s18 =	sor.u32 $0x1C09, s26;
	s26 =	simm.s32 $0x180;
	s2 =	simm.s32 $0x8  }
0x10: {  	s6 =	sadd.s32 s13, s6;
	s7 =	sor.u32 $0x500, s5;
	s0 =	sadd.s32 $0x9E400, s0  }
0x11: {  	s22 =	sor.u32 $0x400, s5;
	s23 =	sor.u32 $0x300, s5;
	[dreg:$0x4] =	wrdreg s6  }
0x12: {  	s5 =	sor.u32 $0x200, s5;
	s6 =	sadd.s32 $0x20, s6;
	[dreg:$0x6] =	wrdreg s0  }
0x13: {  	s21 =	sshrl.u32 s7, $0x3;
	s0 =	sshrl.u32 s22, $0x3;
	s24 =	sshrl.u32 s23, $0x3  }
0x14: {  	s25 =	sshrl.u32 s5, $0x3;
	s22 =	simm.s32 $0x200;
	s23 =	simm.s32 $0x2  }
.Ltmp0:
0x15: {  	s5 =	simm.s32 $0x380;
	s7 =	simm.s32 $0x0;
	(pc) =	sbr.rel .LBB2_1-.Ltmp0, $4  }
0x16: {  	[dreg:$0x5] =	wrdreg s6;
	s6 =	sadd.s32 s20, s1;
	s10 =	sadd.s32 s21, s13  }
0x17: {  	s11 =	sadd.s32 s0, s13;
	s12 =	sadd.s32 s24, s13;
	s13 =	sadd.s32 s25, s13  }
0x18: {  	s20 =	simm.s32 $0x9;
	s21 =	simm.s32 $0x5;
	s24 =	simm.s32 $0x4400  }
0x19: {  	s25 =	simm.s32 $0x6;
	s0 =	simm.s32 $0x4;
	s19 =	sshrl.u32 s6, $0x3  }
.LBB2_4:
0x1a: {  	_ =	swait.ge [sflag:s30], $0x4000  }
0x1b: {  	[sflag:s30] =	ssyncset.done $0x0  }
0x1c: {  	[sflag:s30] =	ssyncadd.s32 $0xFFFFC000  }
0x1d: {  	_ =	swait.ge [sflag:s2], $0x4000  }
0x1e: {  	[sflag:s2] =	ssyncset.done $0x0  }
0x1f: {  	[sflag:s2] =	ssyncadd.s32 $0xFFFFC000  }
0x20: {  	[bflag:$0x0] =	sbarrier.arrive $0xFFFF  }
0x21: {  	s6 =	rddreg [dreg:$0x6]  }
0x22: {  	[hbm:s6], [sflag:s18] =	dma.local [spmem:s19], $0x2800  }
0x23: {  	_ =	swait.ge [sflag:s20], $0x2800  }
0x24: {  	s7 =	sadd.s32 $0x1, s7;
	s9 =	rddreg [dreg:$0x7]  }
0x25: {  	p0 =	sne.s32 s7, s9  }
.Ltmp1:
0x26: {  	_ = 	snop;
	(pc) =	sbr.rel @!p0 .LBB2_5-.Ltmp1, $3  }
0x27: {  	_ =	sdelay $0x1  }
0x28: {  	[sflag:s20] =	ssyncset.done $0x0  }
0x29: {  	[sflag:s20] =	ssyncadd.s32 $0xFFFFD800  }
.LBB2_1:
0x2a: {  	s6 =	rddreg [dreg:$0x4]  }
0x2b: {  	[tilespmem:s3], [sflag:$0x1] =	stream.linear.gather [hbm4b:s6+s3], $0x100, $0x38;
	[tilespmem:$0x1C400] =	vst v63  }
0x2c: {  	s8 =	rddreg [dreg:$0x5]  }
0x2d: {  	[tilespmem:s14], [sflag:$0x2] =	stream.linear.gather [hbm4b:s8+s3], $0x100, $0x38;
	[tilespmem:$0x1C400] =	vst v63  }
0x2e: {  	_ =	swait.ge [sflag:s15], $0x100  }
0x2f: {  	[sflag:s15] =	ssyncset.done $0x0  }
0x30: {  	s9 =	rddreg [dreg:$0x3];
	[sflag:s15] =	ssyncadd.s32 $0xFFFFFF00  }
0x31: {  	[tilespmem:s17], [sflag:$0x5] =	stream.indirect.gather [hbm4b:s4+s16], $0x80, s3, s16, $0xb8;
	[tilespmem:$0x1C400] =	vst v63  }
0x32: {  	[spmem:s19], [sflag:s18] =	dma.local [hbm:s9], $0x2800  }
0x33: {  	_ =	swait.ge [sflag:s20], $0x2800  }
0x34: {  	[sflag:s20] =	ssyncset.done $0x0  }
0x35: {  	[sflag:s20] =	ssyncadd.s32 $0xFFFFD800  }
0x36: {  	s6 =	simm.s32 $0x0;
	[bflag:$0x0] =	sbarrier.arrive $0xFFFF  }
.LBB2_2:
0x37: {  	_ =	swait.ge [sflag:s21], $0x4000  }
0x38: {  	[sflag:s21] =	ssyncset.done $0x0  }
0x39: {  	[sflag:s21] =	ssyncadd.s32 $0xFFFFC000  }
0x3a: {  	[spmem:s1] =	stream.indirect.scatter.add.f32 [tilespmem:s17], [sflag:$0x7], $0x80, s16, s16, $0xb8;
	[tilespmem:$0x1C400] =	vst v63  }
0x3b: {  	s8 =	sadd.s32 s6, s13  }
0x3c: {  	[tilespmem:s22], [sflag:$0x3] =	stream.linear.gather [hbm4b:s8+s3], $0x100, $0x38;
	[tilespmem:$0x1C400] =	vst v63  }
0x3d: {  	_ =	swait.ge [sflag:s23], $0x100  }
0x3e: {  	p0 =	seq.s32 s6, $0x0;
	[sflag:s23] =	ssyncset.done $0x0  }
0x3f: {  	s8 =	simm.s32 @!p0 $0x8;
	[sflag:s23] =	ssyncadd.s32 $0xFFFFFF00  }
0x40: {  	_ =	swait.ge @!p0 [sflag:s8], $0x4000  }
0x41: {  	[sflag:s8] =	ssyncset.done @!p0 $0x0  }
0x42: {  	[sflag:s8] =	ssyncadd.s32 @!p0 $0xFFFFC000  }
0x43: {  	[tilespmem:s24], [sflag:$0x6] =	stream.indirect.gather [hbm4b:s4+s16], $0x80, s14, s16, $0xb8;
	[tilespmem:$0x1C400] =	vst v63  }
0x44: {  	_ =	swait.ge [sflag:s25], $0x4000  }
0x45: {  	[sflag:s25] =	ssyncset.done $0x0  }
0x46: {  	[sflag:s25] =	ssyncadd.s32 $0xFFFFC000  }
0x47: {  	[spmem:s1] =	stream.indirect.scatter.add.f32 [tilespmem:s24], [sflag:$0x8], $0x80, s26, s16, $0xb8;
	[tilespmem:$0x1C400] =	vst v63  }
0x48: {  	s9 =	sadd.s32 s6, s12  }
0x49: {  	[tilespmem:s28], [sflag:$0x4] =	stream.linear.gather [hbm4b:s9+s3], $0x100, $0x38;
	[tilespmem:$0x1C400] =	vst v63  }
0x4a: {  	_ =	swait.ge [sflag:s29], $0x100  }
0x4b: {  	[sflag:s29] =	ssyncset.done $0x0  }
0x4c: {  	[sflag:s29] =	ssyncadd.s32 $0xFFFFFF00  }
0x4d: {  	_ =	swait.ge [sflag:s30], $0x4000  }
0x4e: {  	[sflag:s30] =	ssyncset.done $0x0  }
0x4f: {  	[sflag:s30] =	ssyncadd.s32 $0xFFFFC000  }
0x50: {  	[tilespmem:s17], [sflag:$0x5] =	stream.indirect.gather [hbm4b:s4+s16], $0x80, s22, s16, $0xb8;
	[tilespmem:$0x1C400] =	vst v63  }
0x51: {  	_ =	swait.ge [sflag:s21], $0x4000  }
0x52: {  	[sflag:s21] =	ssyncset.done $0x0  }
0x53: {  	p0 =	seq.s32 s6, $0x980;
	[sflag:s21] =	ssyncadd.s32 $0xFFFFC000  }
0x54: {  	[spmem:s1] =	stream.indirect.scatter.add.f32 [tilespmem:s17], [sflag:$0x7], $0x80, s31, s16, $0xb8;
	[tilespmem:$0x1C400] =	vst v63  }
0x55: {  	s8 =	sadd.s32 @!p0 s6, s11;
	s9 =	simm.s32 @!p0 $0x0  }
0x56: {  	[tilespmem:s9], [sflag:$0x1] =	stream.linear.gather @!p0 [hbm4b:s8+s9], $0x100, $0x38;
	[tilespmem:$0x1C400] =	vst v63  }
0x57: {  	_ =	swait.ge [sflag:s0], $0x100  }
0x58: {  	[sflag:s0] =	ssyncset.done $0x0  }
0x59: {  	[sflag:s0] =	ssyncadd.s32 $0xFFFFFF00  }
0x5a: {  	_ =	swait.ge [sflag:s2], $0x4000  }
0x5b: {  	[sflag:s2] =	ssyncset.done $0x0  }
0x5c: {  	[sflag:s2] =	ssyncadd.s32 $0xFFFFC000  }
0x5d: {  	[tilespmem:s24], [sflag:$0x6] =	stream.indirect.gather [hbm4b:s4+s16], $0x80, s28, s16, $0xb8;
	[tilespmem:$0x1C400] =	vst v63  }
.Ltmp2:
0x5e: {  	_ = 	snop;
	(pc) =	sbr.rel @p0 .LBB2_4-.Ltmp2, $4  }
0x5f: {  	_ =	swait.ge [sflag:s25], $0x4000  }
0x60: {  	[sflag:s25] =	ssyncset.done $0x0  }
0x61: {  	[sflag:s25] =	ssyncadd.s32 $0xFFFFC000  }
0x62: {  	[spmem:s1] =	stream.indirect.scatter.add.f32 [tilespmem:s24], [sflag:$0x8], $0x80, s5, s16, $0xb8;
	[tilespmem:$0x1C400] =	vst v63  }
0x63: {  	s8 =	sadd.s32 s6, s10  }
0x64: {  	[tilespmem:s14], [sflag:$0x2] =	stream.linear.gather [hbm4b:s8+s3], $0x100, $0x38;
	[tilespmem:$0x1C400] =	vst v63  }
0x65: {  	_ =	swait.ge [sflag:s15], $0x100  }
0x66: {  	[sflag:s15] =	ssyncset.done $0x0  }
.Ltmp3:
0x67: {  	[sflag:s15] =	ssyncadd.s32 $0xFFFFFF00;
	(pc) =	sbr.rel .LBB2_2-.Ltmp3, $4  }
0x68: {  	_ =	swait.ge [sflag:s30], $0x4000  }
0x69: {  	[sflag:s30] =	ssyncset.done $0x0  }
0x6a: {  	s6 =	sadd.s32 $0x80, s6;
	[sflag:s30] =	ssyncadd.s32 $0xFFFFC000  }
0x6b: {  	[tilespmem:s17], [sflag:$0x5] =	stream.indirect.gather [hbm4b:s4+s16], $0x80, s3, s16, $0xb8;
	[tilespmem:$0x1C400] =	vst v63  }
.LBB2_5:
0x6c: {  	_ =	sfence.sel $0x180000  }
0x6d: {  	[bflag:$0x0] =	sbarrier.arrive $0xFFFF  }
0x6e: {  	_ =	strace $0x9000004A  }
0x6f: {  	s0 =	stileid.u32;
	[bflag:$0x2] =	sbarrier.arrive $0xFFFF  }
0x70: {  	p0 =	sne.s32 s0, $0x0;
	s0 =	rddreg [dreg:$0x2]  }
0x71: {  	s0 =	sadd.s32 @!p0 $0x100000, s0  }
0x72: {  	[sflag:s0] =	ssyncadd.tile.s32 @!p0 $0x1;
	_ =	shalt  }
.Lfunc_end2:
_tile_overlayer_lowered:
.L_overlay_start_2:
0x73: {  	(tag) =	ssettag $0x2  }
0x74: {  	s0 =	rddreg [dreg:$0x0];
	s2 =	stileid.u32  }
0x75: {  	s1 =	rddreg [dreg:$0x1];
	p0 =	sne.s32 s2, $0x0  }
0x76: {  	s3 =	rddreg [dreg:$0x2];
	[bflag:$0x3] =	sbarrier.arrive $0xFFFF;
	s2 =	simm.s32 @!p0 $0x1C09  }
0x77: {  	[timem:s3], [sflag:s2] =	dma.local @!p0 [hbm:s0], s1  }
0x78: {  	s0 =	simm.s32 @!p0 $0x9  }
0x79: {  	_ =	swait.ge @!p0 [sflag:s0], s1  }
0x7a: {  	s1 =	ssub.s32 @!p0 $0x0, s1;
	[sflag:s0] =	ssyncset.done @!p0 $0x0  }
0x7b: {  	[sflag:s0] =	ssyncadd.s32 @!p0 s1  }
0x7c: {  	[bflag:$0x3] =	sbarrier.arrive $0xFFFF  }
0x7d: {  	_ =	shalt  }

// kernel: kernel.20.cloned.1.call-start
scs
__scs_entry_jumppad:
0x0: {  	(pc) =	sbr.rel $0x88, $3  }
0x1: {  	(tag) =	ssettag $0x0;
	lr =	simm.s32 $0x1  }
0x2: {  	[smem:$0x3F89] =	sst lr;
	_ =	strace $0xD0000000  }
0x3: {  	_ = 	snop  }
0x4: {  	_ = 	snop  }
0x5: {  	_ = 	snop  }
0x6: {  	_ = 	snop  }
0x7: {  	_ = 	snop  }
__scs_overlays_trampoline_lowered:
0x8: {  	[smem:$0x3F98] =	sst s0  }
0x9: {  	[smem:$0x3F99] =	sst s1  }
0xa: {  	[smem:$0x3F9A] =	sst s2  }
0xb: {  	[smem:$0x3F9B] =	sst s3  }
0xc: {  	[smem:$0x3F9C] =	sst s4  }
0xd: {  	[smem:$0x3F9D] =	sst s5  }
0xe: {  	[smem:$0x3F9E] =	sst s6  }
0xf: {  	[smem:$0x3F9F] =	sst s7  }
0x10: {  	[smem:$0x3FA0] =	sst s8  }
0x11: {  	[smem:$0x3FA1] =	sst s9;
	s0 =	simm.s32 @!p0 $0x0  }
0x12: {  	s1 =	sld [smem:$0x3F87];
	s0 =	simm.s32 @p0 $0x1  }
0x13: {  	[smem:$0x3FA2] =	sst s0;
	s0 =	simm.s32 @!p1 $0x0  }
0x14: {  	s2 =	sld [smem:$0x3F86];
	s0 =	simm.s32 @p1 $0x1  }
0x15: {  	[smem:$0x3FA3] =	sst s0;
	s0 =	simm.s32 @!p2 $0x0  }
0x16: {  	s3 =	sld [smem:$0x3FDB];
	s0 =	simm.s32 @p2 $0x1  }
0x17: {  	s4 =	simm.s32 $0x1BF5;
	[smem:$0x3FA5] =	sst s0  }
0x18: {  	s0 =	sld [smem:$0x3F88];
	_ =	swait.ge [sflag:s4], $0x0  }
0x19: {  	s7 =	sld [smem:$0x3F89]  }
0x1a: {  	s8 =	sadd.s32 $0xFFFFE003, lr  }
0x1b: {  	s9 =	sadd.s32 $0xFFFFFEF7, lr;
	s5 =	simm.s32 $0xFFFFFFFF;
	p2 =	slt.u32 s8, $0xFFFFF086  }
0x1c: {  	p1 =	slt.u32 s9, $0xF7A;
	s5 =	simm.s32 @!p2 $0x0  }
0x1d: {  	s5 =	simm.s32 @p1 $0x1;
	p0 =	seq.s32 s7, s2  }
0x1e: {  	s7 =	smul.u32 @!p0 $0xF7A, s2;
	p2 =	seq.s32 @!p0 s5, $0x0  }
0x1f: {  	s9 =	smul.u32 $0xF7A, s1;
	s8 =	simm.s32 @!p0 $0x1BF5;
	p2 =	por !p2, p0  }
0x20: {  	[sflag:s8] =	ssyncset.s32 @!p0 $0xFFFFF086;
	s6 =	sadd.s32 @!p0 s3, s7;
	s7 =	simm.s32 @!p0 $0x108  }
0x21: {  	s3 =	sadd.s32 s3, s9;
	s6 =	sadd.s32 @!p0 $0x88, s6;
	s7 =	simm.s32 @p2 $0x1082  }
0x22: {  	[simem:s7], [sflag:s8] =	dma.local @!p0 [hbm:s6], $0xF7A  }
0x23: {  	s9 =	sor.u32 $0xD0000000, s2;
	s6 =	simm.s32 $0x108;
	_ =	swait.ge @!p0 [sflag:s8], $0x0  }
0x24: {  	s3 =	sadd.s32 $0x88, s3;
	s6 =	simm.s32 @!p1 $0x1082;
	[sflag:s4] =	ssyncset.s32 $0xFFFFF086  }
0x25: {  	[simem:s6], [sflag:s4] =	dma.local [hbm:s3], $0xF7A  }
0x26: {  	[smem:$0x3F89] =	sst s1;
	(tag) =	ssettag s2;
	_ =	strace s9  }
0x27: {  	s1 =	sld [smem:$0x3F99]  }
0x28: {  	s2 =	sld [smem:$0x3F9A]  }
0x29: {  	s4 =	sld [smem:$0x3F9C]  }
0x2a: {  	p0 =	seq.s32 s5, $0x0;
	s5 =	sld [smem:$0x3F9D]  }
0x2b: {  	s6 =	sld [smem:$0x3F9E]  }
0x2c: {  	s7 =	sld [smem:$0x3F9F]  }
0x2d: {  	s3 =	simm.s32 $0x108;
	s8 =	sld [smem:$0x3FA0]  }
0x2e: {  	s3 =	simm.s32 @!p0 $0x1082;
	s9 =	sld [smem:$0x3FA1]  }
0x2f: {  	lr =	sadd.s32 s0, s3;
	s0 =	sld [smem:$0x3F98]  }
0x30: {  	s3 =	sld [smem:$0x3F9B]  }
0x31: {  	[smem:$0x3FA4] =	sst s10  }
0x32: {  	s10 =	sld [smem:$0x3FA2];
	_ =	sdelay $0x3  }
0x33: {  	p0 =	seq.s32 s10, $0x1;
	s10 =	sld [smem:$0x3FA4];
	_ =	sdelay $0x3  }
0x34: {  	[smem:$0x3FA4] =	sst s10  }
0x35: {  	s10 =	sld [smem:$0x3FA3];
	_ =	sdelay $0x3  }
0x36: {  	p1 =	seq.s32 s10, $0x1;
	s10 =	sld [smem:$0x3FA4];
	_ =	sdelay $0x3  }
0x37: {  	[smem:$0x3FA4] =	sst s10  }
0x38: {  	s10 =	sld [smem:$0x3FA5]  }
0x39: {  	_ = 	snop;
	(pc) =	sbr.ind lr, $3  }
0x3a: {  	_ = 	snop  }
0x3b: {  	_ = 	snop  }
0x3c: {  	p2 =	seq.s32 s10, $0x1;
	s10 =	sld [smem:$0x3FA4]  }
0x3d: {  	_ =	shalt  }
0x3e: {  	_ =	shalt  }
0x3f: {  	_ =	shalt  }
0x40: {  	_ =	shalt  }
0x41: {  	_ =	shalt  }
0x42: {  	_ =	shalt  }
0x43: {  	_ =	shalt  }
0x44: {  	_ =	shalt  }
0x45: {  	_ =	shalt  }
0x46: {  	_ =	shalt  }
0x47: {  	_ =	shalt  }
0x48: {  	_ =	shalt  }
0x49: {  	_ =	shalt  }
0x4a: {  	_ =	shalt  }
0x4b: {  	_ =	shalt  }
0x4c: {  	_ =	shalt  }
0x4d: {  	_ =	shalt  }
0x4e: {  	_ =	shalt  }
0x4f: {  	_ =	shalt  }
0x50: {  	_ =	shalt  }
0x51: {  	_ =	shalt  }
0x52: {  	_ =	shalt  }
0x53: {  	_ =	shalt  }
0x54: {  	_ =	shalt  }
0x55: {  	_ =	shalt  }
0x56: {  	_ =	shalt  }
0x57: {  	_ =	shalt  }
0x58: {  	_ =	shalt  }
0x59: {  	_ =	shalt  }
0x5a: {  	_ =	shalt  }
0x5b: {  	_ =	shalt  }
0x5c: {  	_ =	shalt  }
0x5d: {  	_ =	shalt  }
0x5e: {  	_ =	shalt  }
0x5f: {  	_ =	shalt  }
0x60: {  	_ =	shalt  }
0x61: {  	_ =	shalt  }
0x62: {  	_ =	shalt  }
0x63: {  	_ =	shalt  }
0x64: {  	_ =	shalt  }
0x65: {  	_ =	shalt  }
0x66: {  	_ =	shalt  }
0x67: {  	_ =	shalt  }
0x68: {  	_ =	shalt  }
0x69: {  	_ =	shalt  }
0x6a: {  	_ =	shalt  }
0x6b: {  	_ =	shalt  }
0x6c: {  	_ =	shalt  }
0x6d: {  	_ =	shalt  }
0x6e: {  	_ =	shalt  }
0x6f: {  	_ =	shalt  }
0x70: {  	_ =	shalt  }
0x71: {  	_ =	shalt  }
0x72: {  	_ =	shalt  }
0x73: {  	_ =	shalt  }
0x74: {  	_ =	shalt  }
0x75: {  	_ =	shalt  }
0x76: {  	_ =	shalt  }
0x77: {  	_ =	shalt  }
0x78: {  	_ =	shalt  }
0x79: {  	_ =	shalt  }
0x7a: {  	_ =	shalt  }
0x7b: {  	_ =	shalt  }
0x7c: {  	_ =	shalt  }
0x7d: {  	_ =	shalt  }
0x7e: {  	_ =	shalt  }
0x7f: {  	_ =	shalt  }
0x80: {  	_ =	shalt  }
0x81: {  	_ =	shalt  }
0x82: {  	_ =	shalt  }
0x83: {  	_ =	shalt  }
0x84: {  	_ =	shalt  }
0x85: {  	_ =	shalt  }
0x86: {  	_ =	shalt  }
0x87: {  	_ =	shalt  }
.Lfunc_end0:
.L_simem_size_0:
called_computation.2_lowered:
.L_overlay_start_0:
0x88: {  	s2 =	sld [smem:$0x3FD9]  }
0x89: {  	s3 =	sld [smem:$0x3FFE];
	_ =	sdelay $0x1  }
0x8a: {  	s1 =	srdreg.scid  }
0x8b: {  	s0 =	sand.u32 $0x1, s1  }
0x8c: {  	s16 =	sshll.u32 s0, $0xA;
	s2 =	sadd.s32 s3, s2  }
0x8d: {  	s2 =	sadd.s32 s2, s16  }
0x8e: {  	[smem:$0x3FB0] =	sst s2  }
0x8f: {  	_ = 	snop  }
0x90: {  	(tm) =	ssettm $0x1  }
0x91: {  	s17 =	sld [smem:$0x3FFB];
	_ =	sdelay $0x3  }
0x92: {  	_ =	strace s17  }
0x93: {  	s2 =	sld [smem:$0x3FFC];
	_ =	sdelay $0x3  }
0x94: {  	_ =	strace s2  }
0x95: {  	s2 =	sld [smem:$0x3FFD];
	_ =	sdelay $0x3  }
0x96: {  	_ =	strace s2  }
0x97: {  	_ =	strace $0x8FFFFFFF  }
0x98: {  	s18 =	sld [smem:$0x3FDB];
	_ =	sdelay $0x1  }
0x99: {  	s19 =	simm.s32 $_scs_section_size  }
0x9a: {  	s4 =	simm.s32 $_size__tile_overlayer_lowered;
	s5 =	simm.s32 $_tile_overlayer_lowered  }
0x9b: {  	s22 =	simm.s32 $0x1BFF;
	s21 =	sshll.u32 s5, $0x1;
	s2 =	sadd.s32 s19, s18  }
0x9c: {  	s6 =	simm.s32 $0x0;
	s20 =	sshll.u32 s4, $0x1;
	s4 =	sadd.s32 s21, s2  }
0x9d: {  	[timem:s6], [sflag:s22] =	dma.local [hbm:s4], s20  }
0x9e: {  	_ =	swait.ge [sflag:s22], s20  }
0x9f: {  	s3 =	ssub.s32 $0x0, s20;
	[sflag:s22] =	ssyncset.done $0x0  }
0xa0: {  	[sflag:s22] =	ssyncadd.s32 s3;
	_ =	sdelay $0x1  }
0xa1: {  	s23 =	simm.s32 $0x1B8B  }
0xa2: {  	_ =	swait.ge [sflag:s23], $0x1  }
0xa3: {  	[sflag:s23] =	ssyncset.done $0x0  }
0xa4: {  	s25 =	simm.s32 $0x1B8E;
	s24 =	sld [smem:$0x3FFE];
	[sflag:s23] =	ssyncadd.s32 $0xFFFFFFFF  }
0xa5: {  	s26 =	simm.s32 $execute0_lowered;
	[smem:$0x3FD2] =	sst s25  }
0xa6: {  	s4 =	sshll.u32 s26, $0x1;
	_ =	strace $0x8000004C;
	[dreg:$0x1] =	wrdreg $0xFFFFFFFF  }
0xa7: {  	s28 =	simm.s32 $_size_execute0_lowered;
	s2 =	sadd.s32 s2, s4;
	[dreg:$0x0] =	wrdreg $0x0  }
0xa8: {  	s4 =	sshll.u32 s28, $0x1;
	[dreg:$0x2] =	wrdreg s2  }
0xa9: {  	[dreg:$0x3] =	wrdreg s4  }
0xaa: {  	[dreg:$0x4] =	wrdreg $0xC0  }
0xab: {  	_ =	task [dreg:s6], $0x5FFFF  }
0xac: {  	[dreg:$0x1] =	wrdreg $0xFFFFFFFF  }
0xad: {  	[dreg:$0x0] =	wrdreg $0x60  }
0xae: {  	[dreg:$0x2] =	wrdreg s24  }
0xaf: {  	[dreg:$0x3] =	wrdreg $0x84000  }
0xb0: {  	[dreg:$0x4] =	wrdreg $0x9  }
0xb1: {  	_ =	task.clear_ibuf [dreg:s6], $0x5FFFF;
	_ =	strace $0x9000004C  }
0xb2: {  	s29 =	simm.s32 $0x9;
	_ =	strace $0x8000004E  }
0xb3: {  	_ =	swait.ge [sflag:s29], $0x1  }
0xb4: {  	[sflag:s29] =	ssyncadd.s32 $0xFFFFFFFF  }
0xb5: {  	_ =	strace $0x9000004E  }
0xb6: {  	_ =	sfence  }
0xb7: {  	s30 =	sld [smem:$0x0];
	_ =	sdelay $0x2  }
0xb8: {  	s31 =	sshll.u32 s1, $0xD;
	s1 =	sshrl.u32 s1, $0x2  }
0xb9: {  	s3 =	sand.u32 $0x4000, s31;
	s1 =	sadd.s32 s1, s30  }
0xba: {  	s0 =	sor.u32 s3, s0;
	s1 =	sshll.u32 s1, $0x11  }
0xbb: {  	s0 =	sor.u32 s1, s0  }
0xbc: {  	s0 =	sadd.s32 $0x8F2B, s0  }
0xbd: {  	[sflag:s0] =	ssyncadd.remote.s32 $0x1  }
0xbe: {  	_ =	sfence.sel $0xFFFF  }
0xbf: {  	[dreg:$0x0] =	wrdreg $0xFFFFFFFF;
	(pc) =	sbr.abs _section_cstart, $3  }
0xc0: {  	[dreg:$0x1] =	wrdreg $0xFFFFFFFF  }
0xc1: {  	_ =	task.clear_ibuf [dreg:s6], $0x2FFFF;
	_ =	strace $0x9FFFFFFF  }
0xc2: {  	(tm) =	ssettm $0x7FFFFFFF  }
0xc3: {  	_ =	shalt  }
tec
execute0_lowered:
.L_overlay_start_1:
0x0: {  	(tag) =	ssettag $0x1  }
0x1: {  	s0 =	rddreg [dreg:$0x0]  }
0x2: {  	s1 =	rddreg [dreg:$0x1];
	s2 =	srdreg.scid;
	s3 =	simm.s32 $0x0  }
0x3: {  	s17 =	stileid.u32;
	s14 =	simm.s32 $0x100;
	s28 =	simm.s32 $0x300  }
0x4: {  	s29 =	simm.s32 $0x3;
	s30 =	simm.s32 $0x7;
	s31 =	simm.s32 $0x280  }
0x5: {  	s2 =	sand.u32 $0x1, s2;
	[smem:$0x7FF] =	sst s3;
	s6 =	smul.u32 $0x14000, s17  }
0x6: {  	s4 =	sadd.s32 $0x76400, s0;
	s13 =	sadd.s32 $0x62400, s0;
	s19 =	smul.u32 $0x5000, s17  }
0x7: {  	s16 =	sadd.s32 $0x5C00, s0;
	s9 =	smul.u32 $0x50000, s17;
	s26 =	sshll.u32 s17, $0x6  }
0x8: {  	s5 =	smul.u32 $0x140000, s2;
	s7 =	sshll.u32 s2, $0x4;
	_ =	strace $0x8000004D  }
0x9: {  	[dreg:$0x3] =	wrdreg s16;
	s18 =	smul.u32 $0x50000, s2;
	s2 =	ssub.s32 $0x2, s2  }
0xa: {  	s16 =	simm.s32 $0x80;
	s7 =	sor.u32 s17, s7;
	s8 =	sshrl.u32 s2, $0x1  }
0xb: {  	s20 =	sshrl.u32 s9, $0x2;
	s5 =	sadd.s32 s6, s5;
	s15 =	smul.u32 $0x5000, s7  }
0xc: {  	s17 =	simm.s32 $0x400;
	s2 =	ssub.s32 s2, s8;
	s5 =	sshrl.u32 s5, $0x3  }
0xd: {  	s2 =	smax.u32 s2, $0x1;
	s0 =	sadd.s32 s5, s0;
	s6 =	sshrl.u32 s15, $0x3  }
0xe: {  	s5 =	sadd.s32 s19, s18;
	[dreg:$0x7] =	wrdreg s2;
	s15 =	simm.s32 $0x1  }
0xf: {  	s18 =	sor.u32 $0x1C09, s26;
	s26 =	simm.s32 $0x180;
	s2 =	simm.s32 $0x8  }
0x10: {  	s6 =	sadd.s32 s13, s6;
	s7 =	sor.u32 $0x500, s5;
	s0 =	sadd.s32 $0x9E400, s0  }
0x11: {  	s22 =	sor.u32 $0x400, s5;
	s23 =	sor.u32 $0x300, s5;
	[dreg:$0x4] =	wrdreg s6  }
0x12: {  	s5 =	sor.u32 $0x200, s5;
	s6 =	sadd.s32 $0x20, s6;
	[dreg:$0x6] =	wrdreg s0  }
0x13: {  	s21 =	sshrl.u32 s7, $0x3;
	s0 =	sshrl.u32 s22, $0x3;
	s24 =	sshrl.u32 s23, $0x3  }
0x14: {  	s25 =	sshrl.u32 s5, $0x3;
	s22 =	simm.s32 $0x200;
	s23 =	simm.s32 $0x2  }
.Ltmp0:
0x15: {  	s5 =	simm.s32 $0x380;
	s7 =	simm.s32 $0x0;
	(pc) =	sbr.rel .LBB2_1-.Ltmp0, $4  }
0x16: {  	[dreg:$0x5] =	wrdreg s6;
	s6 =	sadd.s32 s20, s1;
	s10 =	sadd.s32 s21, s13  }
0x17: {  	s11 =	sadd.s32 s0, s13;
	s12 =	sadd.s32 s24, s13;
	s13 =	sadd.s32 s25, s13  }
0x18: {  	s20 =	simm.s32 $0x9;
	s21 =	simm.s32 $0x5;
	s24 =	simm.s32 $0x4400  }
0x19: {  	s25 =	simm.s32 $0x6;
	s0 =	simm.s32 $0x4;
	s19 =	sshrl.u32 s6, $0x3  }
.LBB2_4:
0x1a: {  	_ =	swait.ge [sflag:s30], $0x4000  }
0x1b: {  	[sflag:s30] =	ssyncset.done $0x0  }
0x1c: {  	[sflag:s30] =	ssyncadd.s32 $0xFFFFC000  }
0x1d: {  	_ =	swait.ge [sflag:s2], $0x4000  }
0x1e: {  	[sflag:s2] =	ssyncset.done $0x0  }
0x1f: {  	[sflag:s2] =	ssyncadd.s32 $0xFFFFC000  }
0x20: {  	[bflag:$0x0] =	sbarrier.arrive $0xFFFF  }
0x21: {  	s6 =	rddreg [dreg:$0x6]  }
0x22: {  	[hbm:s6], [sflag:s18] =	dma.local [spmem:s19], $0x2800  }
0x23: {  	_ =	swait.ge [sflag:s20], $0x2800  }
0x24: {  	s7 =	sadd.s32 $0x1, s7;
	s9 =	rddreg [dreg:$0x7]  }
0x25: {  	p0 =	sne.s32 s7, s9  }
.Ltmp1:
0x26: {  	_ = 	snop;
	(pc) =	sbr.rel @!p0 .LBB2_5-.Ltmp1, $3  }
0x27: {  	_ =	sdelay $0x1  }
0x28: {  	[sflag:s20] =	ssyncset.done $0x0  }
0x29: {  	[sflag:s20] =	ssyncadd.s32 $0xFFFFD800  }
.LBB2_1:
0x2a: {  	s6 =	rddreg [dreg:$0x4]  }
0x2b: {  	[tilespmem:s3], [sflag:$0x1] =	stream.linear.gather [hbm4b:s6+s3], $0x100, $0x38;
	[tilespmem:$0x1C400] =	vst v63  }
0x2c: {  	s8 =	rddreg [dreg:$0x5]  }
0x2d: {  	[tilespmem:s14], [sflag:$0x2] =	stream.linear.gather [hbm4b:s8+s3], $0x100, $0x38;
	[tilespmem:$0x1C400] =	vst v63  }
0x2e: {  	_ =	swait.ge [sflag:s15], $0x100  }
0x2f: {  	[sflag:s15] =	ssyncset.done $0x0  }
0x30: {  	s9 =	rddreg [dreg:$0x3];
	[sflag:s15] =	ssyncadd.s32 $0xFFFFFF00  }
0x31: {  	[tilespmem:s17], [sflag:$0x5] =	stream.indirect.gather [hbm4b:s4+s16], $0x80, s3, s16, $0xb8;
	[tilespmem:$0x1C400] =	vst v63  }
0x32: {  	[spmem:s19], [sflag:s18] =	dma.local [hbm:s9], $0x2800  }
0x33: {  	_ =	swait.ge [sflag:s20], $0x2800  }
0x34: {  	[sflag:s20] =	ssyncset.done $0x0  }
0x35: {  	[sflag:s20] =	ssyncadd.s32 $0xFFFFD800  }
0x36: {  	s6 =	simm.s32 $0x0;
	[bflag:$0x0] =	sbarrier.arrive $0xFFFF  }
.LBB2_2:
0x37: {  	_ =	swait.ge [sflag:s21], $0x4000  }
0x38: {  	[sflag:s21] =	ssyncset.done $0x0  }
0x39: {  	[sflag:s21] =	ssyncadd.s32 $0xFFFFC000  }
0x3a: {  	[spmem:s1] =	stream.indirect.scatter.add.f32 [tilespmem:s17], [sflag:$0x7], $0x80, s16, s16, $0xb8;
	[tilespmem:$0x1C400] =	vst v63  }
0x3b: {  	s8 =	sadd.s32 s6, s13  }
0x3c: {  	[tilespmem:s22], [sflag:$0x3] =	stream.linear.gather [hbm4b:s8+s3], $0x100, $0x38;
	[tilespmem:$0x1C400] =	vst v63  }
0x3d: {  	_ =	swait.ge [sflag:s23], $0x100  }
0x3e: {  	p0 =	seq.s32 s6, $0x0;
	[sflag:s23] =	ssyncset.done $0x0  }
0x3f: {  	s8 =	simm.s32 @!p0 $0x8;
	[sflag:s23] =	ssyncadd.s32 $0xFFFFFF00  }
0x40: {  	_ =	swait.ge @!p0 [sflag:s8], $0x4000  }
0x41: {  	[sflag:s8] =	ssyncset.done @!p0 $0x0  }
0x42: {  	[sflag:s8] =	ssyncadd.s32 @!p0 $0xFFFFC000  }
0x43: {  	[tilespmem:s24], [sflag:$0x6] =	stream.indirect.gather [hbm4b:s4+s16], $0x80, s14, s16, $0xb8;
	[tilespmem:$0x1C400] =	vst v63  }
0x44: {  	_ =	swait.ge [sflag:s25], $0x4000  }
0x45: {  	[sflag:s25] =	ssyncset.done $0x0  }
0x46: {  	[sflag:s25] =	ssyncadd.s32 $0xFFFFC000  }
0x47: {  	[spmem:s1] =	stream.indirect.scatter.add.f32 [tilespmem:s24], [sflag:$0x8], $0x80, s26, s16, $0xb8;
	[tilespmem:$0x1C400] =	vst v63  }
0x48: {  	s9 =	sadd.s32 s6, s12  }
0x49: {  	[tilespmem:s28], [sflag:$0x4] =	stream.linear.gather [hbm4b:s9+s3], $0x100, $0x38;
	[tilespmem:$0x1C400] =	vst v63  }
0x4a: {  	_ =	swait.ge [sflag:s29], $0x100  }
0x4b: {  	[sflag:s29] =	ssyncset.done $0x0  }
0x4c: {  	[sflag:s29] =	ssyncadd.s32 $0xFFFFFF00  }
0x4d: {  	_ =	swait.ge [sflag:s30], $0x4000  }
0x4e: {  	[sflag:s30] =	ssyncset.done $0x0  }
0x4f: {  	[sflag:s30] =	ssyncadd.s32 $0xFFFFC000  }
0x50: {  	[tilespmem:s17], [sflag:$0x5] =	stream.indirect.gather [hbm4b:s4+s16], $0x80, s22, s16, $0xb8;
	[tilespmem:$0x1C400] =	vst v63  }
0x51: {  	_ =	swait.ge [sflag:s21], $0x4000  }
0x52: {  	[sflag:s21] =	ssyncset.done $0x0  }
0x53: {  	p0 =	seq.s32 s6, $0x980;
	[sflag:s21] =	ssyncadd.s32 $0xFFFFC000  }
0x54: {  	[spmem:s1] =	stream.indirect.scatter.add.f32 [tilespmem:s17], [sflag:$0x7], $0x80, s31, s16, $0xb8;
	[tilespmem:$0x1C400] =	vst v63  }
0x55: {  	s8 =	sadd.s32 @!p0 s6, s11;
	s9 =	simm.s32 @!p0 $0x0  }
0x56: {  	[tilespmem:s9], [sflag:$0x1] =	stream.linear.gather @!p0 [hbm4b:s8+s9], $0x100, $0x38;
	[tilespmem:$0x1C400] =	vst v63  }
0x57: {  	_ =	swait.ge [sflag:s0], $0x100  }
0x58: {  	[sflag:s0] =	ssyncset.done $0x0  }
0x59: {  	[sflag:s0] =	ssyncadd.s32 $0xFFFFFF00  }
0x5a: {  	_ =	swait.ge [sflag:s2], $0x4000  }
0x5b: {  	[sflag:s2] =	ssyncset.done $0x0  }
0x5c: {  	[sflag:s2] =	ssyncadd.s32 $0xFFFFC000  }
0x5d: {  	[tilespmem:s24], [sflag:$0x6] =	stream.indirect.gather [hbm4b:s4+s16], $0x80, s28, s16, $0xb8;
	[tilespmem:$0x1C400] =	vst v63  }
.Ltmp2:
0x5e: {  	_ = 	snop;
	(pc) =	sbr.rel @p0 .LBB2_4-.Ltmp2, $4  }
0x5f: {  	_ =	swait.ge [sflag:s25], $0x4000  }
0x60: {  	[sflag:s25] =	ssyncset.done $0x0  }
0x61: {  	[sflag:s25] =	ssyncadd.s32 $0xFFFFC000  }
0x62: {  	[spmem:s1] =	stream.indirect.scatter.add.f32 [tilespmem:s24], [sflag:$0x8], $0x80, s5, s16, $0xb8;
	[tilespmem:$0x1C400] =	vst v63  }
0x63: {  	s8 =	sadd.s32 s6, s10  }
0x64: {  	[tilespmem:s14], [sflag:$0x2] =	stream.linear.gather [hbm4b:s8+s3], $0x100, $0x38;
	[tilespmem:$0x1C400] =	vst v63  }
0x65: {  	_ =	swait.ge [sflag:s15], $0x100  }
0x66: {  	[sflag:s15] =	ssyncset.done $0x0  }
.Ltmp3:
0x67: {  	[sflag:s15] =	ssyncadd.s32 $0xFFFFFF00;
	(pc) =	sbr.rel .LBB2_2-.Ltmp3, $4  }
0x68: {  	_ =	swait.ge [sflag:s30], $0x4000  }
0x69: {  	[sflag:s30] =	ssyncset.done $0x0  }
0x6a: {  	s6 =	sadd.s32 $0x80, s6;
	[sflag:s30] =	ssyncadd.s32 $0xFFFFC000  }
0x6b: {  	[tilespmem:s17], [sflag:$0x5] =	stream.indirect.gather [hbm4b:s4+s16], $0x80, s3, s16, $0xb8;
	[tilespmem:$0x1C400] =	vst v63  }
.LBB2_5:
0x6c: {  	_ =	sfence.sel $0x180000  }
0x6d: {  	[bflag:$0x0] =	sbarrier.arrive $0xFFFF  }
0x6e: {  	_ =	strace $0x9000004D  }
0x6f: {  	s0 =	stileid.u32;
	[bflag:$0x2] =	sbarrier.arrive $0xFFFF  }
0x70: {  	p0 =	sne.s32 s0, $0x0;
	s0 =	rddreg [dreg:$0x2]  }
0x71: {  	s0 =	sadd.s32 @!p0 $0x100000, s0  }
0x72: {  	[sflag:s0] =	ssyncadd.tile.s32 @!p0 $0x1;
	_ =	shalt  }
.Lfunc_end2:
_tile_overlayer_lowered:
.L_overlay_start_2:
0x73: {  	(tag) =	ssettag $0x2  }
0x74: {  	s0 =	rddreg [dreg:$0x0];
	s2 =	stileid.u32  }
0x75: {  	s1 =	rddreg [dreg:$0x1];
	p0 =	sne.s32 s2, $0x0  }
0x76: {  	s3 =	rddreg [dreg:$0x2];
	[bflag:$0x3] =	sbarrier.arrive $0xFFFF;
	s2 =	simm.s32 @!p0 $0x1C09  }
0x77: {  	[timem:s3], [sflag:s2] =	dma.local @!p0 [hbm:s0], s1  }
0x78: {  	s0 =	simm.s32 @!p0 $0x9  }
0x79: {  	_ =	swait.ge @!p0 [sflag:s0], s1  }
0x7a: {  	s1 =	ssub.s32 @!p0 $0x0, s1;
	[sflag:s0] =	ssyncset.done @!p0 $0x0  }
0x7b: {  	[sflag:s0] =	ssyncadd.s32 @!p0 s1  }
0x7c: {  	[bflag:$0x3] =	sbarrier.arrive $0xFFFF  }
0x7d: {  	_ =	shalt  }

// kernel: kernel.23.cloned.1.call-start
scs
__scs_entry_jumppad:
0x0: {  	(pc) =	sbr.rel $0x88, $3  }
0x1: {  	(tag) =	ssettag $0x0;
	lr =	simm.s32 $0x1  }
0x2: {  	[smem:$0x3F89] =	sst lr;
	_ =	strace $0xD0000000  }
0x3: {  	_ = 	snop  }
0x4: {  	_ = 	snop  }
0x5: {  	_ = 	snop  }
0x6: {  	_ = 	snop  }
0x7: {  	_ = 	snop  }
__scs_overlays_trampoline_lowered:
0x8: {  	[smem:$0x3F98] =	sst s0  }
0x9: {  	[smem:$0x3F99] =	sst s1  }
0xa: {  	[smem:$0x3F9A] =	sst s2  }
0xb: {  	[smem:$0x3F9B] =	sst s3  }
0xc: {  	[smem:$0x3F9C] =	sst s4  }
0xd: {  	[smem:$0x3F9D] =	sst s5  }
0xe: {  	[smem:$0x3F9E] =	sst s6  }
0xf: {  	[smem:$0x3F9F] =	sst s7  }
0x10: {  	[smem:$0x3FA0] =	sst s8  }
0x11: {  	[smem:$0x3FA1] =	sst s9;
	s0 =	simm.s32 @!p0 $0x0  }
0x12: {  	s1 =	sld [smem:$0x3F87];
	s0 =	simm.s32 @p0 $0x1  }
0x13: {  	[smem:$0x3FA2] =	sst s0;
	s0 =	simm.s32 @!p1 $0x0  }
0x14: {  	s2 =	sld [smem:$0x3F86];
	s0 =	simm.s32 @p1 $0x1  }
0x15: {  	[smem:$0x3FA3] =	sst s0;
	s0 =	simm.s32 @!p2 $0x0  }
0x16: {  	s3 =	sld [smem:$0x3FDB];
	s0 =	simm.s32 @p2 $0x1  }
0x17: {  	s4 =	simm.s32 $0x1BF5;
	[smem:$0x3FA5] =	sst s0  }
0x18: {  	s0 =	sld [smem:$0x3F88];
	_ =	swait.ge [sflag:s4], $0x0  }
0x19: {  	s7 =	sld [smem:$0x3F89]  }
0x1a: {  	s8 =	sadd.s32 $0xFFFFE003, lr  }
0x1b: {  	s9 =	sadd.s32 $0xFFFFFEF7, lr;
	s5 =	simm.s32 $0xFFFFFFFF;
	p2 =	slt.u32 s8, $0xFFFFF086  }
0x1c: {  	p1 =	slt.u32 s9, $0xF7A;
	s5 =	simm.s32 @!p2 $0x0  }
0x1d: {  	s5 =	simm.s32 @p1 $0x1;
	p0 =	seq.s32 s7, s2  }
0x1e: {  	s7 =	smul.u32 @!p0 $0xF7A, s2;
	p2 =	seq.s32 @!p0 s5, $0x0  }
0x1f: {  	s9 =	smul.u32 $0xF7A, s1;
	s8 =	simm.s32 @!p0 $0x1BF5;
	p2 =	por !p2, p0  }
0x20: {  	[sflag:s8] =	ssyncset.s32 @!p0 $0xFFFFF086;
	s6 =	sadd.s32 @!p0 s3, s7;
	s7 =	simm.s32 @!p0 $0x108  }
0x21: {  	s3 =	sadd.s32 s3, s9;
	s6 =	sadd.s32 @!p0 $0x88, s6;
	s7 =	simm.s32 @p2 $0x1082  }
0x22: {  	[simem:s7], [sflag:s8] =	dma.local @!p0 [hbm:s6], $0xF7A  }
0x23: {  	s9 =	sor.u32 $0xD0000000, s2;
	s6 =	simm.s32 $0x108;
	_ =	swait.ge @!p0 [sflag:s8], $0x0  }
0x24: {  	s3 =	sadd.s32 $0x88, s3;
	s6 =	simm.s32 @!p1 $0x1082;
	[sflag:s4] =	ssyncset.s32 $0xFFFFF086  }
0x25: {  	[simem:s6], [sflag:s4] =	dma.local [hbm:s3], $0xF7A  }
0x26: {  	[smem:$0x3F89] =	sst s1;
	(tag) =	ssettag s2;
	_ =	strace s9  }
0x27: {  	s1 =	sld [smem:$0x3F99]  }
0x28: {  	s2 =	sld [smem:$0x3F9A]  }
0x29: {  	s4 =	sld [smem:$0x3F9C]  }
0x2a: {  	p0 =	seq.s32 s5, $0x0;
	s5 =	sld [smem:$0x3F9D]  }
0x2b: {  	s6 =	sld [smem:$0x3F9E]  }
0x2c: {  	s7 =	sld [smem:$0x3F9F]  }
0x2d: {  	s3 =	simm.s32 $0x108;
	s8 =	sld [smem:$0x3FA0]  }
0x2e: {  	s3 =	simm.s32 @!p0 $0x1082;
	s9 =	sld [smem:$0x3FA1]  }
0x2f: {  	lr =	sadd.s32 s0, s3;
	s0 =	sld [smem:$0x3F98]  }
0x30: {  	s3 =	sld [smem:$0x3F9B]  }
0x31: {  	[smem:$0x3FA4] =	sst s10  }
0x32: {  	s10 =	sld [smem:$0x3FA2];
	_ =	sdelay $0x3  }
0x33: {  	p0 =	seq.s32 s10, $0x1;
	s10 =	sld [smem:$0x3FA4];
	_ =	sdelay $0x3  }
0x34: {  	[smem:$0x3FA4] =	sst s10  }
0x35: {  	s10 =	sld [smem:$0x3FA3];
	_ =	sdelay $0x3  }
0x36: {  	p1 =	seq.s32 s10, $0x1;
	s10 =	sld [smem:$0x3FA4];
	_ =	sdelay $0x3  }
0x37: {  	[smem:$0x3FA4] =	sst s10  }
0x38: {  	s10 =	sld [smem:$0x3FA5]  }
0x39: {  	_ = 	snop;
	(pc) =	sbr.ind lr, $3  }
0x3a: {  	_ = 	snop  }
0x3b: {  	_ = 	snop  }
0x3c: {  	p2 =	seq.s32 s10, $0x1;
	s10 =	sld [smem:$0x3FA4]  }
0x3d: {  	_ =	shalt  }
0x3e: {  	_ =	shalt  }
0x3f: {  	_ =	shalt  }
0x40: {  	_ =	shalt  }
0x41: {  	_ =	shalt  }
0x42: {  	_ =	shalt  }
0x43: {  	_ =	shalt  }
0x44: {  	_ =	shalt  }
0x45: {  	_ =	shalt  }
0x46: {  	_ =	shalt  }
0x47: {  	_ =	shalt  }
0x48: {  	_ =	shalt  }
0x49: {  	_ =	shalt  }
0x4a: {  	_ =	shalt  }
0x4b: {  	_ =	shalt  }
0x4c: {  	_ =	shalt  }
0x4d: {  	_ =	shalt  }
0x4e: {  	_ =	shalt  }
0x4f: {  	_ =	shalt  }
0x50: {  	_ =	shalt  }
0x51: {  	_ =	shalt  }
0x52: {  	_ =	shalt  }
0x53: {  	_ =	shalt  }
0x54: {  	_ =	shalt  }
0x55: {  	_ =	shalt  }
0x56: {  	_ =	shalt  }
0x57: {  	_ =	shalt  }
0x58: {  	_ =	shalt  }
0x59: {  	_ =	shalt  }
0x5a: {  	_ =	shalt  }
0x5b: {  	_ =	shalt  }
0x5c: {  	_ =	shalt  }
0x5d: {  	_ =	shalt  }
0x5e: {  	_ =	shalt  }
0x5f: {  	_ =	shalt  }
0x60: {  	_ =	shalt  }
0x61: {  	_ =	shalt  }
0x62: {  	_ =	shalt  }
0x63: {  	_ =	shalt  }
0x64: {  	_ =	shalt  }
0x65: {  	_ =	shalt  }
0x66: {  	_ =	shalt  }
0x67: {  	_ =	shalt  }
0x68: {  	_ =	shalt  }
0x69: {  	_ =	shalt  }
0x6a: {  	_ =	shalt  }
0x6b: {  	_ =	shalt  }
0x6c: {  	_ =	shalt  }
0x6d: {  	_ =	shalt  }
0x6e: {  	_ =	shalt  }
0x6f: {  	_ =	shalt  }
0x70: {  	_ =	shalt  }
0x71: {  	_ =	shalt  }
0x72: {  	_ =	shalt  }
0x73: {  	_ =	shalt  }
0x74: {  	_ =	shalt  }
0x75: {  	_ =	shalt  }
0x76: {  	_ =	shalt  }
0x77: {  	_ =	shalt  }
0x78: {  	_ =	shalt  }
0x79: {  	_ =	shalt  }
0x7a: {  	_ =	shalt  }
0x7b: {  	_ =	shalt  }
0x7c: {  	_ =	shalt  }
0x7d: {  	_ =	shalt  }
0x7e: {  	_ =	shalt  }
0x7f: {  	_ =	shalt  }
0x80: {  	_ =	shalt  }
0x81: {  	_ =	shalt  }
0x82: {  	_ =	shalt  }
0x83: {  	_ =	shalt  }
0x84: {  	_ =	shalt  }
0x85: {  	_ =	shalt  }
0x86: {  	_ =	shalt  }
0x87: {  	_ =	shalt  }
.Lfunc_end0:
.L_simem_size_0:
called_computation.3_lowered:
.L_overlay_start_0:
0x88: {  	s2 =	sld [smem:$0x3FD9]  }
0x89: {  	s3 =	sld [smem:$0x3FFE];
	_ =	sdelay $0x1  }
0x8a: {  	s1 =	srdreg.scid  }
0x8b: {  	s0 =	sand.u32 $0x1, s1  }
0x8c: {  	s16 =	sshll.u32 s0, $0xA;
	s2 =	sadd.s32 s3, s2  }
0x8d: {  	s2 =	sadd.s32 s2, s16  }
0x8e: {  	[smem:$0x3FB0] =	sst s2  }
0x8f: {  	_ = 	snop  }
0x90: {  	(tm) =	ssettm $0x1  }
0x91: {  	s17 =	sld [smem:$0x3FFB];
	_ =	sdelay $0x3  }
0x92: {  	_ =	strace s17  }
0x93: {  	s2 =	sld [smem:$0x3FFC];
	_ =	sdelay $0x3  }
0x94: {  	_ =	strace s2  }
0x95: {  	s2 =	sld [smem:$0x3FFD];
	_ =	sdelay $0x3  }
0x96: {  	_ =	strace s2  }
0x97: {  	_ =	strace $0x8FFFFFFF  }
0x98: {  	s18 =	sld [smem:$0x3FDB];
	_ =	sdelay $0x1  }
0x99: {  	s19 =	simm.s32 $_scs_section_size  }
0x9a: {  	s4 =	simm.s32 $_size__tile_overlayer_lowered;
	s5 =	simm.s32 $_tile_overlayer_lowered  }
0x9b: {  	s22 =	simm.s32 $0x1BFF;
	s21 =	sshll.u32 s5, $0x1;
	s2 =	sadd.s32 s19, s18  }
0x9c: {  	s6 =	simm.s32 $0x0;
	s20 =	sshll.u32 s4, $0x1;
	s4 =	sadd.s32 s21, s2  }
0x9d: {  	[timem:s6], [sflag:s22] =	dma.local [hbm:s4], s20  }
0x9e: {  	_ =	swait.ge [sflag:s22], s20  }
0x9f: {  	s3 =	ssub.s32 $0x0, s20;
	[sflag:s22] =	ssyncset.done $0x0  }
0xa0: {  	[sflag:s22] =	ssyncadd.s32 s3;
	_ =	sdelay $0x1  }
0xa1: {  	s23 =	simm.s32 $0x1B8B  }
0xa2: {  	_ =	swait.ge [sflag:s23], $0x1  }
0xa3: {  	[sflag:s23] =	ssyncset.done $0x0  }
0xa4: {  	s25 =	simm.s32 $0x1B8E;
	s24 =	sld [smem:$0x3FFE];
	[sflag:s23] =	ssyncadd.s32 $0xFFFFFFFF  }
0xa5: {  	s26 =	simm.s32 $execute0_lowered;
	[smem:$0x3FD2] =	sst s25  }
0xa6: {  	s4 =	sshll.u32 s26, $0x1;
	_ =	strace $0x8000004F;
	[dreg:$0x1] =	wrdreg $0xFFFFFFFF  }
0xa7: {  	s28 =	simm.s32 $_size_execute0_lowered;
	s2 =	sadd.s32 s2, s4;
	[dreg:$0x0] =	wrdreg $0x0  }
0xa8: {  	s4 =	sshll.u32 s28, $0x1;
	[dreg:$0x2] =	wrdreg s2  }
0xa9: {  	[dreg:$0x3] =	wrdreg s4  }
0xaa: {  	[dreg:$0x4] =	wrdreg $0xC0  }
0xab: {  	_ =	task [dreg:s6], $0x5FFFF  }
0xac: {  	[dreg:$0x1] =	wrdreg $0xFFFFFFFF  }
0xad: {  	[dreg:$0x0] =	wrdreg $0x60  }
0xae: {  	[dreg:$0x2] =	wrdreg s24  }
0xaf: {  	[dreg:$0x3] =	wrdreg $0x84000  }
0xb0: {  	[dreg:$0x4] =	wrdreg $0x9  }
0xb1: {  	_ =	task.clear_ibuf [dreg:s6], $0x5FFFF;
	_ =	strace $0x9000004F  }
0xb2: {  	s29 =	simm.s32 $0x9;
	_ =	strace $0x80000051  }
0xb3: {  	_ =	swait.ge [sflag:s29], $0x1  }
0xb4: {  	[sflag:s29] =	ssyncadd.s32 $0xFFFFFFFF  }
0xb5: {  	_ =	strace $0x90000051  }
0xb6: {  	_ =	sfence  }
0xb7: {  	s30 =	sld [smem:$0x0];
	_ =	sdelay $0x2  }
0xb8: {  	s31 =	sshll.u32 s1, $0xD;
	s1 =	sshrl.u32 s1, $0x2  }
0xb9: {  	s3 =	sand.u32 $0x4000, s31;
	s1 =	sadd.s32 s1, s30  }
0xba: {  	s0 =	sor.u32 s3, s0;
	s1 =	sshll.u32 s1, $0x11  }
0xbb: {  	s0 =	sor.u32 s1, s0  }
0xbc: {  	s0 =	sadd.s32 $0x8F2B, s0  }
0xbd: {  	[sflag:s0] =	ssyncadd.remote.s32 $0x1  }
0xbe: {  	_ =	sfence.sel $0xFFFF  }
0xbf: {  	[dreg:$0x0] =	wrdreg $0xFFFFFFFF;
	(pc) =	sbr.abs _section_cstart, $3  }
0xc0: {  	[dreg:$0x1] =	wrdreg $0xFFFFFFFF  }
0xc1: {  	_ =	task.clear_ibuf [dreg:s6], $0x2FFFF;
	_ =	strace $0x9FFFFFFF  }
0xc2: {  	(tm) =	ssettm $0x7FFFFFFF  }
0xc3: {  	_ =	shalt  }
tec
execute0_lowered:
.L_overlay_start_1:
0x0: {  	(tag) =	ssettag $0x1  }
0x1: {  	s0 =	rddreg [dreg:$0x0]  }
0x2: {  	s1 =	rddreg [dreg:$0x1];
	s2 =	srdreg.scid;
	s3 =	simm.s32 $0x0  }
0x3: {  	s17 =	stileid.u32;
	s14 =	simm.s32 $0x100;
	s28 =	simm.s32 $0x300  }
0x4: {  	s29 =	simm.s32 $0x3;
	s30 =	simm.s32 $0x7;
	s31 =	simm.s32 $0x280  }
0x5: {  	s2 =	sand.u32 $0x1, s2;
	[smem:$0x7FF] =	sst s3;
	s6 =	smul.u32 $0x14000, s17  }
0x6: {  	s4 =	sadd.s32 $0x76400, s0;
	s13 =	sadd.s32 $0x62400, s0;
	s19 =	smul.u32 $0x5000, s17  }
0x7: {  	s16 =	sadd.s32 $0x5C00, s0;
	s9 =	smul.u32 $0x50000, s17;
	s26 =	sshll.u32 s17, $0x6  }
0x8: {  	s5 =	smul.u32 $0x140000, s2;
	s7 =	sshll.u32 s2, $0x4;
	_ =	strace $0x80000050  }
0x9: {  	[dreg:$0x3] =	wrdreg s16;
	s18 =	smul.u32 $0x50000, s2;
	s2 =	ssub.s32 $0x2, s2  }
0xa: {  	s16 =	simm.s32 $0x80;
	s7 =	sor.u32 s17, s7;
	s8 =	sshrl.u32 s2, $0x1  }
0xb: {  	s20 =	sshrl.u32 s9, $0x2;
	s5 =	sadd.s32 s6, s5;
	s15 =	smul.u32 $0x5000, s7  }
0xc: {  	s17 =	simm.s32 $0x400;
	s2 =	ssub.s32 s2, s8;
	s5 =	sshrl.u32 s5, $0x3  }
0xd: {  	s2 =	smax.u32 s2, $0x1;
	s0 =	sadd.s32 s5, s0;
	s6 =	sshrl.u32 s15, $0x3  }
0xe: {  	s5 =	sadd.s32 s19, s18;
	[dreg:$0x7] =	wrdreg s2;
	s15 =	simm.s32 $0x1  }
0xf: {  	s18 =	sor.u32 $0x1C09, s26;
	s26 =	simm.s32 $0x180;
	s2 =	simm.s32 $0x8  }
0x10: {  	s6 =	sadd.s32 s13, s6;
	s7 =	sor.u32 $0x500, s5;
	s0 =	sadd.s32 $0x9E400, s0  }
0x11: {  	s22 =	sor.u32 $0x400, s5;
	s23 =	sor.u32 $0x300, s5;
	[dreg:$0x4] =	wrdreg s6  }
0x12: {  	s5 =	sor.u32 $0x200, s5;
	s6 =	sadd.s32 $0x20, s6;
	[dreg:$0x6] =	wrdreg s0  }
0x13: {  	s21 =	sshrl.u32 s7, $0x3;
	s0 =	sshrl.u32 s22, $0x3;
	s24 =	sshrl.u32 s23, $0x3  }
0x14: {  	s25 =	sshrl.u32 s5, $0x3;
	s22 =	simm.s32 $0x200;
	s23 =	simm.s32 $0x2  }
.Ltmp0:
0x15: {  	s5 =	simm.s32 $0x380;
	s7 =	simm.s32 $0x0;
	(pc) =	sbr.rel .LBB2_1-.Ltmp0, $4  }
0x16: {  	[dreg:$0x5] =	wrdreg s6;
	s6 =	sadd.s32 s20, s1;
	s10 =	sadd.s32 s21, s13  }
0x17: {  	s11 =	sadd.s32 s0, s13;
	s12 =	sadd.s32 s24, s13;
	s13 =	sadd.s32 s25, s13  }
0x18: {  	s20 =	simm.s32 $0x9;
	s21 =	simm.s32 $0x5;
	s24 =	simm.s32 $0x4400  }
0x19: {  	s25 =	simm.s32 $0x6;
	s0 =	simm.s32 $0x4;
	s19 =	sshrl.u32 s6, $0x3  }
.LBB2_4:
0x1a: {  	_ =	swait.ge [sflag:s30], $0x4000  }
0x1b: {  	[sflag:s30] =	ssyncset.done $0x0  }
0x1c: {  	[sflag:s30] =	ssyncadd.s32 $0xFFFFC000  }
0x1d: {  	_ =	swait.ge [sflag:s2], $0x4000  }
0x1e: {  	[sflag:s2] =	ssyncset.done $0x0  }
0x1f: {  	[sflag:s2] =	ssyncadd.s32 $0xFFFFC000  }
0x20: {  	[bflag:$0x0] =	sbarrier.arrive $0xFFFF  }
0x21: {  	s6 =	rddreg [dreg:$0x6]  }
0x22: {  	[hbm:s6], [sflag:s18] =	dma.local [spmem:s19], $0x2800  }
0x23: {  	_ =	swait.ge [sflag:s20], $0x2800  }
0x24: {  	s7 =	sadd.s32 $0x1, s7;
	s9 =	rddreg [dreg:$0x7]  }
0x25: {  	p0 =	sne.s32 s7, s9  }
.Ltmp1:
0x26: {  	_ = 	snop;
	(pc) =	sbr.rel @!p0 .LBB2_5-.Ltmp1, $3  }
0x27: {  	_ =	sdelay $0x1  }
0x28: {  	[sflag:s20] =	ssyncset.done $0x0  }
0x29: {  	[sflag:s20] =	ssyncadd.s32 $0xFFFFD800  }
.LBB2_1:
0x2a: {  	s6 =	rddreg [dreg:$0x4]  }
0x2b: {  	[tilespmem:s3], [sflag:$0x1] =	stream.linear.gather [hbm4b:s6+s3], $0x100, $0x38;
	[tilespmem:$0x1C400] =	vst v63  }
0x2c: {  	s8 =	rddreg [dreg:$0x5]  }
0x2d: {  	[tilespmem:s14], [sflag:$0x2] =	stream.linear.gather [hbm4b:s8+s3], $0x100, $0x38;
	[tilespmem:$0x1C400] =	vst v63  }
0x2e: {  	_ =	swait.ge [sflag:s15], $0x100  }
0x2f: {  	[sflag:s15] =	ssyncset.done $0x0  }
0x30: {  	s9 =	rddreg [dreg:$0x3];
	[sflag:s15] =	ssyncadd.s32 $0xFFFFFF00  }
0x31: {  	[tilespmem:s17], [sflag:$0x5] =	stream.indirect.gather [hbm4b:s4+s16], $0x80, s3, s16, $0xb8;
	[tilespmem:$0x1C400] =	vst v63  }
0x32: {  	[spmem:s19], [sflag:s18] =	dma.local [hbm:s9], $0x2800  }
0x33: {  	_ =	swait.ge [sflag:s20], $0x2800  }
0x34: {  	[sflag:s20] =	ssyncset.done $0x0  }
0x35: {  	[sflag:s20] =	ssyncadd.s32 $0xFFFFD800  }
0x36: {  	s6 =	simm.s32 $0x0;
	[bflag:$0x0] =	sbarrier.arrive $0xFFFF  }
.LBB2_2:
0x37: {  	_ =	swait.ge [sflag:s21], $0x4000  }
0x38: {  	[sflag:s21] =	ssyncset.done $0x0  }
0x39: {  	[sflag:s21] =	ssyncadd.s32 $0xFFFFC000  }
0x3a: {  	[spmem:s1] =	stream.indirect.scatter.add.f32 [tilespmem:s17], [sflag:$0x7], $0x80, s16, s16, $0xb8;
	[tilespmem:$0x1C400] =	vst v63  }
0x3b: {  	s8 =	sadd.s32 s6, s13  }
0x3c: {  	[tilespmem:s22], [sflag:$0x3] =	stream.linear.gather [hbm4b:s8+s3], $0x100, $0x38;
	[tilespmem:$0x1C400] =	vst v63  }
0x3d: {  	_ =	swait.ge [sflag:s23], $0x100  }
0x3e: {  	p0 =	seq.s32 s6, $0x0;
	[sflag:s23] =	ssyncset.done $0x0  }
0x3f: {  	s8 =	simm.s32 @!p0 $0x8;
	[sflag:s23] =	ssyncadd.s32 $0xFFFFFF00  }
0x40: {  	_ =	swait.ge @!p0 [sflag:s8], $0x4000  }
0x41: {  	[sflag:s8] =	ssyncset.done @!p0 $0x0  }
0x42: {  	[sflag:s8] =	ssyncadd.s32 @!p0 $0xFFFFC000  }
0x43: {  	[tilespmem:s24], [sflag:$0x6] =	stream.indirect.gather [hbm4b:s4+s16], $0x80, s14, s16, $0xb8;
	[tilespmem:$0x1C400] =	vst v63  }
0x44: {  	_ =	swait.ge [sflag:s25], $0x4000  }
0x45: {  	[sflag:s25] =	ssyncset.done $0x0  }
0x46: {  	[sflag:s25] =	ssyncadd.s32 $0xFFFFC000  }
0x47: {  	[spmem:s1] =	stream.indirect.scatter.add.f32 [tilespmem:s24], [sflag:$0x8], $0x80, s26, s16, $0xb8;
	[tilespmem:$0x1C400] =	vst v63  }
0x48: {  	s9 =	sadd.s32 s6, s12  }
0x49: {  	[tilespmem:s28], [sflag:$0x4] =	stream.linear.gather [hbm4b:s9+s3], $0x100, $0x38;
	[tilespmem:$0x1C400] =	vst v63  }
0x4a: {  	_ =	swait.ge [sflag:s29], $0x100  }
0x4b: {  	[sflag:s29] =	ssyncset.done $0x0  }
0x4c: {  	[sflag:s29] =	ssyncadd.s32 $0xFFFFFF00  }
0x4d: {  	_ =	swait.ge [sflag:s30], $0x4000  }
0x4e: {  	[sflag:s30] =	ssyncset.done $0x0  }
0x4f: {  	[sflag:s30] =	ssyncadd.s32 $0xFFFFC000  }
0x50: {  	[tilespmem:s17], [sflag:$0x5] =	stream.indirect.gather [hbm4b:s4+s16], $0x80, s22, s16, $0xb8;
	[tilespmem:$0x1C400] =	vst v63  }
0x51: {  	_ =	swait.ge [sflag:s21], $0x4000  }
0x52: {  	[sflag:s21] =	ssyncset.done $0x0  }
0x53: {  	p0 =	seq.s32 s6, $0x980;
	[sflag:s21] =	ssyncadd.s32 $0xFFFFC000  }
0x54: {  	[spmem:s1] =	stream.indirect.scatter.add.f32 [tilespmem:s17], [sflag:$0x7], $0x80, s31, s16, $0xb8;
	[tilespmem:$0x1C400] =	vst v63  }
0x55: {  	s8 =	sadd.s32 @!p0 s6, s11;
	s9 =	simm.s32 @!p0 $0x0  }
0x56: {  	[tilespmem:s9], [sflag:$0x1] =	stream.linear.gather @!p0 [hbm4b:s8+s9], $0x100, $0x38;
	[tilespmem:$0x1C400] =	vst v63  }
0x57: {  	_ =	swait.ge [sflag:s0], $0x100  }
0x58: {  	[sflag:s0] =	ssyncset.done $0x0  }
0x59: {  	[sflag:s0] =	ssyncadd.s32 $0xFFFFFF00  }
0x5a: {  	_ =	swait.ge [sflag:s2], $0x4000  }
0x5b: {  	[sflag:s2] =	ssyncset.done $0x0  }
0x5c: {  	[sflag:s2] =	ssyncadd.s32 $0xFFFFC000  }
0x5d: {  	[tilespmem:s24], [sflag:$0x6] =	stream.indirect.gather [hbm4b:s4+s16], $0x80, s28, s16, $0xb8;
	[tilespmem:$0x1C400] =	vst v63  }
.Ltmp2:
0x5e: {  	_ = 	snop;
	(pc) =	sbr.rel @p0 .LBB2_4-.Ltmp2, $4  }
0x5f: {  	_ =	swait.ge [sflag:s25], $0x4000  }
0x60: {  	[sflag:s25] =	ssyncset.done $0x0  }
0x61: {  	[sflag:s25] =	ssyncadd.s32 $0xFFFFC000  }
0x62: {  	[spmem:s1] =	stream.indirect.scatter.add.f32 [tilespmem:s24], [sflag:$0x8], $0x80, s5, s16, $0xb8;
	[tilespmem:$0x1C400] =	vst v63  }
0x63: {  	s8 =	sadd.s32 s6, s10  }
0x64: {  	[tilespmem:s14], [sflag:$0x2] =	stream.linear.gather [hbm4b:s8+s3], $0x100, $0x38;
	[tilespmem:$0x1C400] =	vst v63  }
0x65: {  	_ =	swait.ge [sflag:s15], $0x100  }
0x66: {  	[sflag:s15] =	ssyncset.done $0x0  }
.Ltmp3:
0x67: {  	[sflag:s15] =	ssyncadd.s32 $0xFFFFFF00;
	(pc) =	sbr.rel .LBB2_2-.Ltmp3, $4  }
0x68: {  	_ =	swait.ge [sflag:s30], $0x4000  }
0x69: {  	[sflag:s30] =	ssyncset.done $0x0  }
0x6a: {  	s6 =	sadd.s32 $0x80, s6;
	[sflag:s30] =	ssyncadd.s32 $0xFFFFC000  }
0x6b: {  	[tilespmem:s17], [sflag:$0x5] =	stream.indirect.gather [hbm4b:s4+s16], $0x80, s3, s16, $0xb8;
	[tilespmem:$0x1C400] =	vst v63  }
.LBB2_5:
0x6c: {  	_ =	sfence.sel $0x180000  }
0x6d: {  	[bflag:$0x0] =	sbarrier.arrive $0xFFFF  }
0x6e: {  	_ =	strace $0x90000050  }
0x6f: {  	s0 =	stileid.u32;
	[bflag:$0x2] =	sbarrier.arrive $0xFFFF  }
0x70: {  	p0 =	sne.s32 s0, $0x0;
	s0 =	rddreg [dreg:$0x2]  }
0x71: {  	s0 =	sadd.s32 @!p0 $0x100000, s0  }
0x72: {  	[sflag:s0] =	ssyncadd.tile.s32 @!p0 $0x1;
	_ =	shalt  }
.Lfunc_end2:
_tile_overlayer_lowered:
.L_overlay_start_2:
0x73: {  	(tag) =	ssettag $0x2  }
0x74: {  	s0 =	rddreg [dreg:$0x0];
	s2 =	stileid.u32  }
0x75: {  	s1 =	rddreg [dreg:$0x1];
	p0 =	sne.s32 s2, $0x0  }
0x76: {  	s3 =	rddreg [dreg:$0x2];
	[bflag:$0x3] =	sbarrier.arrive $0xFFFF;
	s2 =	simm.s32 @!p0 $0x1C09  }
0x77: {  	[timem:s3], [sflag:s2] =	dma.local @!p0 [hbm:s0], s1  }
0x78: {  	s0 =	simm.s32 @!p0 $0x9  }
0x79: {  	_ =	swait.ge @!p0 [sflag:s0], s1  }
0x7a: {  	s1 =	ssub.s32 @!p0 $0x0, s1;
	[sflag:s0] =	ssyncset.done @!p0 $0x0  }
0x7b: {  	[sflag:s0] =	ssyncadd.s32 @!p0 s1  }
0x7c: {  	[bflag:$0x3] =	sbarrier.arrive $0xFFFF  }
0x7d: {  	_ =	shalt  }

// kernel: kernel.26.cloned.1.call-start
scs
__scs_entry_jumppad:
0x0: {  	(pc) =	sbr.rel $0x88, $3  }
0x1: {  	(tag) =	ssettag $0x0;
	lr =	simm.s32 $0x1  }
0x2: {  	[smem:$0x3F89] =	sst lr;
	_ =	strace $0xD0000000  }
0x3: {  	_ = 	snop  }
0x4: {  	_ = 	snop  }
0x5: {  	_ = 	snop  }
0x6: {  	_ = 	snop  }
0x7: {  	_ = 	snop  }
__scs_overlays_trampoline_lowered:
0x8: {  	[smem:$0x3F98] =	sst s0  }
0x9: {  	[smem:$0x3F99] =	sst s1  }
0xa: {  	[smem:$0x3F9A] =	sst s2  }
0xb: {  	[smem:$0x3F9B] =	sst s3  }
0xc: {  	[smem:$0x3F9C] =	sst s4  }
0xd: {  	[smem:$0x3F9D] =	sst s5  }
0xe: {  	[smem:$0x3F9E] =	sst s6  }
0xf: {  	[smem:$0x3F9F] =	sst s7  }
0x10: {  	[smem:$0x3FA0] =	sst s8  }
0x11: {  	[smem:$0x3FA1] =	sst s9;
	s0 =	simm.s32 @!p0 $0x0  }
0x12: {  	s1 =	sld [smem:$0x3F87];
	s0 =	simm.s32 @p0 $0x1  }
0x13: {  	[smem:$0x3FA2] =	sst s0;
	s0 =	simm.s32 @!p1 $0x0  }
0x14: {  	s2 =	sld [smem:$0x3F86];
	s0 =	simm.s32 @p1 $0x1  }
0x15: {  	[smem:$0x3FA3] =	sst s0;
	s0 =	simm.s32 @!p2 $0x0  }
0x16: {  	s3 =	sld [smem:$0x3FDB];
	s0 =	simm.s32 @p2 $0x1  }
0x17: {  	s4 =	simm.s32 $0x1BF5;
	[smem:$0x3FA5] =	sst s0  }
0x18: {  	s0 =	sld [smem:$0x3F88];
	_ =	swait.ge [sflag:s4], $0x0  }
0x19: {  	s7 =	sld [smem:$0x3F89]  }
0x1a: {  	s8 =	sadd.s32 $0xFFFFE003, lr  }
0x1b: {  	s9 =	sadd.s32 $0xFFFFFEF7, lr;
	s5 =	simm.s32 $0xFFFFFFFF;
	p2 =	slt.u32 s8, $0xFFFFF086  }
0x1c: {  	p1 =	slt.u32 s9, $0xF7A;
	s5 =	simm.s32 @!p2 $0x0  }
0x1d: {  	s5 =	simm.s32 @p1 $0x1;
	p0 =	seq.s32 s7, s2  }
0x1e: {  	s7 =	smul.u32 @!p0 $0xF7A, s2;
	p2 =	seq.s32 @!p0 s5, $0x0  }
0x1f: {  	s9 =	smul.u32 $0xF7A, s1;
	s8 =	simm.s32 @!p0 $0x1BF5;
	p2 =	por !p2, p0  }
0x20: {  	[sflag:s8] =	ssyncset.s32 @!p0 $0xFFFFF086;
	s6 =	sadd.s32 @!p0 s3, s7;
	s7 =	simm.s32 @!p0 $0x108  }
0x21: {  	s3 =	sadd.s32 s3, s9;
	s6 =	sadd.s32 @!p0 $0x88, s6;
	s7 =	simm.s32 @p2 $0x1082  }
0x22: {  	[simem:s7], [sflag:s8] =	dma.local @!p0 [hbm:s6], $0xF7A  }
0x23: {  	s9 =	sor.u32 $0xD0000000, s2;
	s6 =	simm.s32 $0x108;
	_ =	swait.ge @!p0 [sflag:s8], $0x0  }
0x24: {  	s3 =	sadd.s32 $0x88, s3;
	s6 =	simm.s32 @!p1 $0x1082;
	[sflag:s4] =	ssyncset.s32 $0xFFFFF086  }
0x25: {  	[simem:s6], [sflag:s4] =	dma.local [hbm:s3], $0xF7A  }
0x26: {  	[smem:$0x3F89] =	sst s1;
	(tag) =	ssettag s2;
	_ =	strace s9  }
0x27: {  	s1 =	sld [smem:$0x3F99]  }
0x28: {  	s2 =	sld [smem:$0x3F9A]  }
0x29: {  	s4 =	sld [smem:$0x3F9C]  }
0x2a: {  	p0 =	seq.s32 s5, $0x0;
	s5 =	sld [smem:$0x3F9D]  }
0x2b: {  	s6 =	sld [smem:$0x3F9E]  }
0x2c: {  	s7 =	sld [smem:$0x3F9F]  }
0x2d: {  	s3 =	simm.s32 $0x108;
	s8 =	sld [smem:$0x3FA0]  }
0x2e: {  	s3 =	simm.s32 @!p0 $0x1082;
	s9 =	sld [smem:$0x3FA1]  }
0x2f: {  	lr =	sadd.s32 s0, s3;
	s0 =	sld [smem:$0x3F98]  }
0x30: {  	s3 =	sld [smem:$0x3F9B]  }
0x31: {  	[smem:$0x3FA4] =	sst s10  }
0x32: {  	s10 =	sld [smem:$0x3FA2];
	_ =	sdelay $0x3  }
0x33: {  	p0 =	seq.s32 s10, $0x1;
	s10 =	sld [smem:$0x3FA4];
	_ =	sdelay $0x3  }
0x34: {  	[smem:$0x3FA4] =	sst s10  }
0x35: {  	s10 =	sld [smem:$0x3FA3];
	_ =	sdelay $0x3  }
0x36: {  	p1 =	seq.s32 s10, $0x1;
	s10 =	sld [smem:$0x3FA4];
	_ =	sdelay $0x3  }
0x37: {  	[smem:$0x3FA4] =	sst s10  }
0x38: {  	s10 =	sld [smem:$0x3FA5]  }
0x39: {  	_ = 	snop;
	(pc) =	sbr.ind lr, $3  }
0x3a: {  	_ = 	snop  }
0x3b: {  	_ = 	snop  }
0x3c: {  	p2 =	seq.s32 s10, $0x1;
	s10 =	sld [smem:$0x3FA4]  }
0x3d: {  	_ =	shalt  }
0x3e: {  	_ =	shalt  }
0x3f: {  	_ =	shalt  }
0x40: {  	_ =	shalt  }
0x41: {  	_ =	shalt  }
0x42: {  	_ =	shalt  }
0x43: {  	_ =	shalt  }
0x44: {  	_ =	shalt  }
0x45: {  	_ =	shalt  }
0x46: {  	_ =	shalt  }
0x47: {  	_ =	shalt  }
0x48: {  	_ =	shalt  }
0x49: {  	_ =	shalt  }
0x4a: {  	_ =	shalt  }
0x4b: {  	_ =	shalt  }
0x4c: {  	_ =	shalt  }
0x4d: {  	_ =	shalt  }
0x4e: {  	_ =	shalt  }
0x4f: {  	_ =	shalt  }
0x50: {  	_ =	shalt  }
0x51: {  	_ =	shalt  }
0x52: {  	_ =	shalt  }
0x53: {  	_ =	shalt  }
0x54: {  	_ =	shalt  }
0x55: {  	_ =	shalt  }
0x56: {  	_ =	shalt  }
0x57: {  	_ =	shalt  }
0x58: {  	_ =	shalt  }
0x59: {  	_ =	shalt  }
0x5a: {  	_ =	shalt  }
0x5b: {  	_ =	shalt  }
0x5c: {  	_ =	shalt  }
0x5d: {  	_ =	shalt  }
0x5e: {  	_ =	shalt  }
0x5f: {  	_ =	shalt  }
0x60: {  	_ =	shalt  }
0x61: {  	_ =	shalt  }
0x62: {  	_ =	shalt  }
0x63: {  	_ =	shalt  }
0x64: {  	_ =	shalt  }
0x65: {  	_ =	shalt  }
0x66: {  	_ =	shalt  }
0x67: {  	_ =	shalt  }
0x68: {  	_ =	shalt  }
0x69: {  	_ =	shalt  }
0x6a: {  	_ =	shalt  }
0x6b: {  	_ =	shalt  }
0x6c: {  	_ =	shalt  }
0x6d: {  	_ =	shalt  }
0x6e: {  	_ =	shalt  }
0x6f: {  	_ =	shalt  }
0x70: {  	_ =	shalt  }
0x71: {  	_ =	shalt  }
0x72: {  	_ =	shalt  }
0x73: {  	_ =	shalt  }
0x74: {  	_ =	shalt  }
0x75: {  	_ =	shalt  }
0x76: {  	_ =	shalt  }
0x77: {  	_ =	shalt  }
0x78: {  	_ =	shalt  }
0x79: {  	_ =	shalt  }
0x7a: {  	_ =	shalt  }
0x7b: {  	_ =	shalt  }
0x7c: {  	_ =	shalt  }
0x7d: {  	_ =	shalt  }
0x7e: {  	_ =	shalt  }
0x7f: {  	_ =	shalt  }
0x80: {  	_ =	shalt  }
0x81: {  	_ =	shalt  }
0x82: {  	_ =	shalt  }
0x83: {  	_ =	shalt  }
0x84: {  	_ =	shalt  }
0x85: {  	_ =	shalt  }
0x86: {  	_ =	shalt  }
0x87: {  	_ =	shalt  }
.Lfunc_end0:
.L_simem_size_0:
called_computation.4_lowered:
.L_overlay_start_0:
0x88: {  	s2 =	sld [smem:$0x3FD9]  }
0x89: {  	s3 =	sld [smem:$0x3FFE];
	_ =	sdelay $0x1  }
0x8a: {  	s1 =	srdreg.scid  }
0x8b: {  	s0 =	sand.u32 $0x1, s1  }
0x8c: {  	s16 =	sshll.u32 s0, $0xA;
	s2 =	sadd.s32 s3, s2  }
0x8d: {  	s2 =	sadd.s32 s2, s16  }
0x8e: {  	[smem:$0x3FB0] =	sst s2  }
0x8f: {  	_ = 	snop  }
0x90: {  	(tm) =	ssettm $0x1  }
0x91: {  	s17 =	sld [smem:$0x3FFB];
	_ =	sdelay $0x3  }
0x92: {  	_ =	strace s17  }
0x93: {  	s2 =	sld [smem:$0x3FFC];
	_ =	sdelay $0x3  }
0x94: {  	_ =	strace s2  }
0x95: {  	s2 =	sld [smem:$0x3FFD];
	_ =	sdelay $0x3  }
0x96: {  	_ =	strace s2  }
0x97: {  	_ =	strace $0x8FFFFFFF  }
0x98: {  	s18 =	sld [smem:$0x3FDB];
	_ =	sdelay $0x1  }
0x99: {  	s19 =	simm.s32 $_scs_section_size  }
0x9a: {  	s4 =	simm.s32 $_size__tile_overlayer_lowered;
	s5 =	simm.s32 $_tile_overlayer_lowered  }
0x9b: {  	s22 =	simm.s32 $0x1BFF;
	s21 =	sshll.u32 s5, $0x1;
	s2 =	sadd.s32 s19, s18  }
0x9c: {  	s6 =	simm.s32 $0x0;
	s20 =	sshll.u32 s4, $0x1;
	s4 =	sadd.s32 s21, s2  }
0x9d: {  	[timem:s6], [sflag:s22] =	dma.local [hbm:s4], s20  }
0x9e: {  	_ =	swait.ge [sflag:s22], s20  }
0x9f: {  	s3 =	ssub.s32 $0x0, s20;
	[sflag:s22] =	ssyncset.done $0x0  }
0xa0: {  	[sflag:s22] =	ssyncadd.s32 s3;
	_ =	sdelay $0x1  }
0xa1: {  	s23 =	simm.s32 $0x1B8B  }
0xa2: {  	_ =	swait.ge [sflag:s23], $0x1  }
0xa3: {  	[sflag:s23] =	ssyncset.done $0x0  }
0xa4: {  	s25 =	simm.s32 $0x1B8E;
	s24 =	sld [smem:$0x3FFE];
	[sflag:s23] =	ssyncadd.s32 $0xFFFFFFFF  }
0xa5: {  	s26 =	simm.s32 $execute0_lowered;
	[smem:$0x3FD2] =	sst s25  }
0xa6: {  	s4 =	sshll.u32 s26, $0x1;
	_ =	strace $0x80000052;
	[dreg:$0x1] =	wrdreg $0xFFFFFFFF  }
0xa7: {  	s28 =	simm.s32 $_size_execute0_lowered;
	s2 =	sadd.s32 s2, s4;
	[dreg:$0x0] =	wrdreg $0x0  }
0xa8: {  	s4 =	sshll.u32 s28, $0x1;
	[dreg:$0x2] =	wrdreg s2  }
0xa9: {  	[dreg:$0x3] =	wrdreg s4  }
0xaa: {  	[dreg:$0x4] =	wrdreg $0xC0  }
0xab: {  	_ =	task [dreg:s6], $0x5FFFF  }
0xac: {  	[dreg:$0x1] =	wrdreg $0xFFFFFFFF  }
0xad: {  	[dreg:$0x0] =	wrdreg $0x60  }
0xae: {  	[dreg:$0x2] =	wrdreg s24  }
0xaf: {  	[dreg:$0x3] =	wrdreg $0x84000  }
0xb0: {  	[dreg:$0x4] =	wrdreg $0x9  }
0xb1: {  	_ =	task.clear_ibuf [dreg:s6], $0x5FFFF;
	_ =	strace $0x90000052  }
0xb2: {  	s29 =	simm.s32 $0x9;
	_ =	strace $0x80000054  }
0xb3: {  	_ =	swait.ge [sflag:s29], $0x1  }
0xb4: {  	[sflag:s29] =	ssyncadd.s32 $0xFFFFFFFF  }
0xb5: {  	_ =	strace $0x90000054  }
0xb6: {  	_ =	sfence  }
0xb7: {  	s30 =	sld [smem:$0x0];
	_ =	sdelay $0x2  }
0xb8: {  	s31 =	sshll.u32 s1, $0xD;
	s1 =	sshrl.u32 s1, $0x2  }
0xb9: {  	s3 =	sand.u32 $0x4000, s31;
	s1 =	sadd.s32 s1, s30  }
0xba: {  	s0 =	sor.u32 s3, s0;
	s1 =	sshll.u32 s1, $0x11  }
0xbb: {  	s0 =	sor.u32 s1, s0  }
0xbc: {  	s0 =	sadd.s32 $0x8F2B, s0  }
0xbd: {  	[sflag:s0] =	ssyncadd.remote.s32 $0x1  }
0xbe: {  	_ =	sfence.sel $0xFFFF  }
0xbf: {  	[dreg:$0x0] =	wrdreg $0xFFFFFFFF;
	(pc) =	sbr.abs _section_cstart, $3  }
0xc0: {  	[dreg:$0x1] =	wrdreg $0xFFFFFFFF  }
0xc1: {  	_ =	task.clear_ibuf [dreg:s6], $0x2FFFF;
	_ =	strace $0x9FFFFFFF  }
0xc2: {  	(tm) =	ssettm $0x7FFFFFFF  }
0xc3: {  	_ =	shalt  }
tec
execute0_lowered:
.L_overlay_start_1:
0x0: {  	(tag) =	ssettag $0x1  }
0x1: {  	s0 =	rddreg [dreg:$0x0]  }
0x2: {  	s1 =	rddreg [dreg:$0x1];
	s2 =	srdreg.scid;
	s3 =	simm.s32 $0x0  }
0x3: {  	s17 =	stileid.u32;
	s14 =	simm.s32 $0x100;
	s28 =	simm.s32 $0x300  }
0x4: {  	s29 =	simm.s32 $0x3;
	s30 =	simm.s32 $0x7;
	s31 =	simm.s32 $0x280  }
0x5: {  	s2 =	sand.u32 $0x1, s2;
	[smem:$0x7FF] =	sst s3;
	s6 =	smul.u32 $0x14000, s17  }
0x6: {  	s4 =	sadd.s32 $0x76400, s0;
	s13 =	sadd.s32 $0x62400, s0;
	s19 =	smul.u32 $0x5000, s17  }
0x7: {  	s16 =	sadd.s32 $0x5C00, s0;
	s9 =	smul.u32 $0x50000, s17;
	s26 =	sshll.u32 s17, $0x6  }
0x8: {  	s5 =	smul.u32 $0x140000, s2;
	s7 =	sshll.u32 s2, $0x4;
	_ =	strace $0x80000053  }
0x9: {  	[dreg:$0x3] =	wrdreg s16;
	s18 =	smul.u32 $0x50000, s2;
	s2 =	ssub.s32 $0x2, s2  }
0xa: {  	s16 =	simm.s32 $0x80;
	s7 =	sor.u32 s17, s7;
	s8 =	sshrl.u32 s2, $0x1  }
0xb: {  	s20 =	sshrl.u32 s9, $0x2;
	s5 =	sadd.s32 s6, s5;
	s15 =	smul.u32 $0x5000, s7  }
0xc: {  	s17 =	simm.s32 $0x400;
	s2 =	ssub.s32 s2, s8;
	s5 =	sshrl.u32 s5, $0x3  }
0xd: {  	s2 =	smax.u32 s2, $0x1;
	s0 =	sadd.s32 s5, s0;
	s6 =	sshrl.u32 s15, $0x3  }
0xe: {  	s5 =	sadd.s32 s19, s18;
	[dreg:$0x7] =	wrdreg s2;
	s15 =	simm.s32 $0x1  }
0xf: {  	s18 =	sor.u32 $0x1C09, s26;
	s26 =	simm.s32 $0x180;
	s2 =	simm.s32 $0x8  }
0x10: {  	s6 =	sadd.s32 s13, s6;
	s7 =	sor.u32 $0x500, s5;
	s0 =	sadd.s32 $0x9E400, s0  }
0x11: {  	s22 =	sor.u32 $0x400, s5;
	s23 =	sor.u32 $0x300, s5;
	[dreg:$0x4] =	wrdreg s6  }
0x12: {  	s5 =	sor.u32 $0x200, s5;
	s6 =	sadd.s32 $0x20, s6;
	[dreg:$0x6] =	wrdreg s0  }
0x13: {  	s21 =	sshrl.u32 s7, $0x3;
	s0 =	sshrl.u32 s22, $0x3;
	s24 =	sshrl.u32 s23, $0x3  }
0x14: {  	s25 =	sshrl.u32 s5, $0x3;
	s22 =	simm.s32 $0x200;
	s23 =	simm.s32 $0x2  }
.Ltmp0:
0x15: {  	s5 =	simm.s32 $0x380;
	s7 =	simm.s32 $0x0;
	(pc) =	sbr.rel .LBB2_1-.Ltmp0, $4  }
0x16: {  	[dreg:$0x5] =	wrdreg s6;
	s6 =	sadd.s32 s20, s1;
	s10 =	sadd.s32 s21, s13  }
0x17: {  	s11 =	sadd.s32 s0, s13;
	s12 =	sadd.s32 s24, s13;
	s13 =	sadd.s32 s25, s13  }
0x18: {  	s20 =	simm.s32 $0x9;
	s21 =	simm.s32 $0x5;
	s24 =	simm.s32 $0x4400  }
0x19: {  	s25 =	simm.s32 $0x6;
	s0 =	simm.s32 $0x4;
	s19 =	sshrl.u32 s6, $0x3  }
.LBB2_4:
0x1a: {  	_ =	swait.ge [sflag:s30], $0x4000  }
0x1b: {  	[sflag:s30] =	ssyncset.done $0x0  }
0x1c: {  	[sflag:s30] =	ssyncadd.s32 $0xFFFFC000  }
0x1d: {  	_ =	swait.ge [sflag:s2], $0x4000  }
0x1e: {  	[sflag:s2] =	ssyncset.done $0x0  }
0x1f: {  	[sflag:s2] =	ssyncadd.s32 $0xFFFFC000  }
0x20: {  	[bflag:$0x0] =	sbarrier.arrive $0xFFFF  }
0x21: {  	s6 =	rddreg [dreg:$0x6]  }
0x22: {  	[hbm:s6], [sflag:s18] =	dma.local [spmem:s19], $0x2800  }
0x23: {  	_ =	swait.ge [sflag:s20], $0x2800  }
0x24: {  	s7 =	sadd.s32 $0x1, s7;
	s9 =	rddreg [dreg:$0x7]  }
0x25: {  	p0 =	sne.s32 s7, s9  }
.Ltmp1:
0x26: {  	_ = 	snop;
	(pc) =	sbr.rel @!p0 .LBB2_5-.Ltmp1, $3  }
0x27: {  	_ =	sdelay $0x1  }
0x28: {  	[sflag:s20] =	ssyncset.done $0x0  }
0x29: {  	[sflag:s20] =	ssyncadd.s32 $0xFFFFD800  }
.LBB2_1:
0x2a: {  	s6 =	rddreg [dreg:$0x4]  }
0x2b: {  	[tilespmem:s3], [sflag:$0x1] =	stream.linear.gather [hbm4b:s6+s3], $0x100, $0x38;
	[tilespmem:$0x1C400] =	vst v63  }
0x2c: {  	s8 =	rddreg [dreg:$0x5]  }
0x2d: {  	[tilespmem:s14], [sflag:$0x2] =	stream.linear.gather [hbm4b:s8+s3], $0x100, $0x38;
	[tilespmem:$0x1C400] =	vst v63  }
0x2e: {  	_ =	swait.ge [sflag:s15], $0x100  }
0x2f: {  	[sflag:s15] =	ssyncset.done $0x0  }
0x30: {  	s9 =	rddreg [dreg:$0x3];
	[sflag:s15] =	ssyncadd.s32 $0xFFFFFF00  }
0x31: {  	[tilespmem:s17], [sflag:$0x5] =	stream.indirect.gather [hbm4b:s4+s16], $0x80, s3, s16, $0xb8;
	[tilespmem:$0x1C400] =	vst v63  }
0x32: {  	[spmem:s19], [sflag:s18] =	dma.local [hbm:s9], $0x2800  }
0x33: {  	_ =	swait.ge [sflag:s20], $0x2800  }
0x34: {  	[sflag:s20] =	ssyncset.done $0x0  }
0x35: {  	[sflag:s20] =	ssyncadd.s32 $0xFFFFD800  }
0x36: {  	s6 =	simm.s32 $0x0;
	[bflag:$0x0] =	sbarrier.arrive $0xFFFF  }
.LBB2_2:
0x37: {  	_ =	swait.ge [sflag:s21], $0x4000  }
0x38: {  	[sflag:s21] =	ssyncset.done $0x0  }
0x39: {  	[sflag:s21] =	ssyncadd.s32 $0xFFFFC000  }
0x3a: {  	[spmem:s1] =	stream.indirect.scatter.add.f32 [tilespmem:s17], [sflag:$0x7], $0x80, s16, s16, $0xb8;
	[tilespmem:$0x1C400] =	vst v63  }
0x3b: {  	s8 =	sadd.s32 s6, s13  }
0x3c: {  	[tilespmem:s22], [sflag:$0x3] =	stream.linear.gather [hbm4b:s8+s3], $0x100, $0x38;
	[tilespmem:$0x1C400] =	vst v63  }
0x3d: {  	_ =	swait.ge [sflag:s23], $0x100  }
0x3e: {  	p0 =	seq.s32 s6, $0x0;
	[sflag:s23] =	ssyncset.done $0x0  }
0x3f: {  	s8 =	simm.s32 @!p0 $0x8;
	[sflag:s23] =	ssyncadd.s32 $0xFFFFFF00  }
0x40: {  	_ =	swait.ge @!p0 [sflag:s8], $0x4000  }
0x41: {  	[sflag:s8] =	ssyncset.done @!p0 $0x0  }
0x42: {  	[sflag:s8] =	ssyncadd.s32 @!p0 $0xFFFFC000  }
0x43: {  	[tilespmem:s24], [sflag:$0x6] =	stream.indirect.gather [hbm4b:s4+s16], $0x80, s14, s16, $0xb8;
	[tilespmem:$0x1C400] =	vst v63  }
0x44: {  	_ =	swait.ge [sflag:s25], $0x4000  }
0x45: {  	[sflag:s25] =	ssyncset.done $0x0  }
0x46: {  	[sflag:s25] =	ssyncadd.s32 $0xFFFFC000  }
0x47: {  	[spmem:s1] =	stream.indirect.scatter.add.f32 [tilespmem:s24], [sflag:$0x8], $0x80, s26, s16, $0xb8;
	[tilespmem:$0x1C400] =	vst v63  }
0x48: {  	s9 =	sadd.s32 s6, s12  }
0x49: {  	[tilespmem:s28], [sflag:$0x4] =	stream.linear.gather [hbm4b:s9+s3], $0x100, $0x38;
	[tilespmem:$0x1C400] =	vst v63  }
0x4a: {  	_ =	swait.ge [sflag:s29], $0x100  }
0x4b: {  	[sflag:s29] =	ssyncset.done $0x0  }
0x4c: {  	[sflag:s29] =	ssyncadd.s32 $0xFFFFFF00  }
0x4d: {  	_ =	swait.ge [sflag:s30], $0x4000  }
0x4e: {  	[sflag:s30] =	ssyncset.done $0x0  }
0x4f: {  	[sflag:s30] =	ssyncadd.s32 $0xFFFFC000  }
0x50: {  	[tilespmem:s17], [sflag:$0x5] =	stream.indirect.gather [hbm4b:s4+s16], $0x80, s22, s16, $0xb8;
	[tilespmem:$0x1C400] =	vst v63  }
0x51: {  	_ =	swait.ge [sflag:s21], $0x4000  }
0x52: {  	[sflag:s21] =	ssyncset.done $0x0  }
0x53: {  	p0 =	seq.s32 s6, $0x980;
	[sflag:s21] =	ssyncadd.s32 $0xFFFFC000  }
0x54: {  	[spmem:s1] =	stream.indirect.scatter.add.f32 [tilespmem:s17], [sflag:$0x7], $0x80, s31, s16, $0xb8;
	[tilespmem:$0x1C400] =	vst v63  }
0x55: {  	s8 =	sadd.s32 @!p0 s6, s11;
	s9 =	simm.s32 @!p0 $0x0  }
0x56: {  	[tilespmem:s9], [sflag:$0x1] =	stream.linear.gather @!p0 [hbm4b:s8+s9], $0x100, $0x38;
	[tilespmem:$0x1C400] =	vst v63  }
0x57: {  	_ =	swait.ge [sflag:s0], $0x100  }
0x58: {  	[sflag:s0] =	ssyncset.done $0x0  }
0x59: {  	[sflag:s0] =	ssyncadd.s32 $0xFFFFFF00  }
0x5a: {  	_ =	swait.ge [sflag:s2], $0x4000  }
0x5b: {  	[sflag:s2] =	ssyncset.done $0x0  }
0x5c: {  	[sflag:s2] =	ssyncadd.s32 $0xFFFFC000  }
0x5d: {  	[tilespmem:s24], [sflag:$0x6] =	stream.indirect.gather [hbm4b:s4+s16], $0x80, s28, s16, $0xb8;
	[tilespmem:$0x1C400] =	vst v63  }
.Ltmp2:
0x5e: {  	_ = 	snop;
	(pc) =	sbr.rel @p0 .LBB2_4-.Ltmp2, $4  }
0x5f: {  	_ =	swait.ge [sflag:s25], $0x4000  }
0x60: {  	[sflag:s25] =	ssyncset.done $0x0  }
0x61: {  	[sflag:s25] =	ssyncadd.s32 $0xFFFFC000  }
0x62: {  	[spmem:s1] =	stream.indirect.scatter.add.f32 [tilespmem:s24], [sflag:$0x8], $0x80, s5, s16, $0xb8;
	[tilespmem:$0x1C400] =	vst v63  }
0x63: {  	s8 =	sadd.s32 s6, s10  }
0x64: {  	[tilespmem:s14], [sflag:$0x2] =	stream.linear.gather [hbm4b:s8+s3], $0x100, $0x38;
	[tilespmem:$0x1C400] =	vst v63  }
0x65: {  	_ =	swait.ge [sflag:s15], $0x100  }
0x66: {  	[sflag:s15] =	ssyncset.done $0x0  }
.Ltmp3:
0x67: {  	[sflag:s15] =	ssyncadd.s32 $0xFFFFFF00;
	(pc) =	sbr.rel .LBB2_2-.Ltmp3, $4  }
0x68: {  	_ =	swait.ge [sflag:s30], $0x4000  }
0x69: {  	[sflag:s30] =	ssyncset.done $0x0  }
0x6a: {  	s6 =	sadd.s32 $0x80, s6;
	[sflag:s30] =	ssyncadd.s32 $0xFFFFC000  }
0x6b: {  	[tilespmem:s17], [sflag:$0x5] =	stream.indirect.gather [hbm4b:s4+s16], $0x80, s3, s16, $0xb8;
	[tilespmem:$0x1C400] =	vst v63  }
.LBB2_5:
0x6c: {  	_ =	sfence.sel $0x180000  }
0x6d: {  	[bflag:$0x0] =	sbarrier.arrive $0xFFFF  }
0x6e: {  	_ =	strace $0x90000053  }
0x6f: {  	s0 =	stileid.u32;
	[bflag:$0x2] =	sbarrier.arrive $0xFFFF  }
0x70: {  	p0 =	sne.s32 s0, $0x0;
	s0 =	rddreg [dreg:$0x2]  }
0x71: {  	s0 =	sadd.s32 @!p0 $0x100000, s0  }
0x72: {  	[sflag:s0] =	ssyncadd.tile.s32 @!p0 $0x1;
	_ =	shalt  }
.Lfunc_end2:
_tile_overlayer_lowered:
.L_overlay_start_2:
0x73: {  	(tag) =	ssettag $0x2  }
0x74: {  	s0 =	rddreg [dreg:$0x0];
	s2 =	stileid.u32  }
0x75: {  	s1 =	rddreg [dreg:$0x1];
	p0 =	sne.s32 s2, $0x0  }
0x76: {  	s3 =	rddreg [dreg:$0x2];
	[bflag:$0x3] =	sbarrier.arrive $0xFFFF;
	s2 =	simm.s32 @!p0 $0x1C09  }
0x77: {  	[timem:s3], [sflag:s2] =	dma.local @!p0 [hbm:s0], s1  }
0x78: {  	s0 =	simm.s32 @!p0 $0x9  }
0x79: {  	_ =	swait.ge @!p0 [sflag:s0], s1  }
0x7a: {  	s1 =	ssub.s32 @!p0 $0x0, s1;
	[sflag:s0] =	ssyncset.done @!p0 $0x0  }
0x7b: {  	[sflag:s0] =	ssyncadd.s32 @!p0 s1  }
0x7c: {  	[bflag:$0x3] =	sbarrier.arrive $0xFFFF  }
0x7d: {  	_ =	shalt  }

</sc_bundles>
